<compile_context>
chip_gen: v7x
topology: tpu7x:2x2x1
jax: 0.10.2.dev20260603
libtpu: 0.0.44.dev20260713+nightly
codegen_flags: <defaults>
</compile_context>

<pallas_src>
import jax
import jax.numpy as jnp
from jax import lax
from jax.experimental import pallas as pl
from jax.experimental.pallas import tpu as pltpu
from jax.experimental.pallas import tpu_sc as plsc

VOCAB = 1000000
EMB = 32
BATCH = 16384
BAG = 50

NC, NS = 2, 16
NW = NC * NS
BAGS_PER_W = BATCH // NW
CHUNK = 32
ROWS = CHUNK * BAG
GRP = 100
NGRP = ROWS // GRP
NCHUNK = BAGS_PER_W // CHUNK
HALF = EMB // 2


def _body(idx_hbm, table_hbm, out_hbm, idx_v, rows_v, out_v, sem0, sem1):
    wid = lax.axis_index("s") * NC + lax.axis_index("c")
    sems = (sem0, sem1)

    def stage(c, par):
        pltpu.sync_copy(idx_hbm.at[wid * NCHUNK + c], idx_v.at[par])
        for g in range(NGRP):
            pltpu.async_copy(
                table_hbm.at[idx_v.at[par].at[g]],
                rows_v.at[par].at[pl.ds(g * GRP, GRP)],
                sems[par],
            )

    def drain(par):
        pltpu.make_async_copy(
            table_hbm.at[pl.ds(0, ROWS)], rows_v.at[par], sems[par]
        ).wait()

    def accum_and_emit(c, par):
        def bag_body(b, _):
            base = b * BAG

            def j_body(j, accs):
                a0, a1 = accs
                r = base + j
                a0 = a0 + rows_v[par, r, pl.ds(0, HALF)]
                a1 = a1 + rows_v[par, r, pl.ds(HALF, HALF)]
                return a0, a1

            zero = jnp.zeros((HALF,), jnp.float32)
            a0, a1 = lax.fori_loop(0, BAG, j_body, (zero, zero), unroll=BAG)
            out_v[par, b, pl.ds(0, HALF)] = a0
            out_v[par, b, pl.ds(HALF, HALF)] = a1
            return _

        lax.fori_loop(0, CHUNK, bag_body, 0)
        pltpu.sync_copy(
            out_v.at[par],
            out_hbm.at[pl.ds(wid * BAGS_PER_W + c * CHUNK, CHUNK)],
        )

    stage(0, 0)

    def pair_body(i, carry):
        c0 = 2 * i
        c1 = c0 + 1
        stage(c1, 1)
        drain(0)
        accum_and_emit(c0, 0)

        @pl.when(c1 + 1 < NCHUNK)
        def _():
            stage(c1 + 1, 0)

        drain(1)
        accum_and_emit(c1, 1)
        return carry

    lax.fori_loop(0, NCHUNK // 2, pair_body, 0)


@jax.jit
def _run(idx_grouped, table):
    mesh = plsc.VectorSubcoreMesh(core_axis_name="c", subcore_axis_name="s")
    f = pl.kernel(
        _body,
        out_type=jax.ShapeDtypeStruct((BATCH, EMB), jnp.float32),
        mesh=mesh,
        scratch_types=[
            pltpu.VMEM((2, NGRP, GRP), jnp.int32),
            pltpu.VMEM((2, ROWS, EMB), jnp.float32),
            pltpu.VMEM((2, CHUNK, EMB), jnp.float32),
            pltpu.SemaphoreType.DMA,
            pltpu.SemaphoreType.DMA,
        ],
        compiler_params=pltpu.CompilerParams(use_tc_tiling_on_sc=False),
    )
    return f(idx_grouped, table)


def kernel(indices, table):
    idx_grouped = indices.reshape(NW * NCHUNK, NGRP, GRP)
    return _run(idx_grouped, table)

# --- scband reference (transcript-rebuilt; emitter-appended) ---
"""Pipeline reference for scband-embedding-29368986370320 (READ-ONLY COPY).

The authoritative reference and input builder live on the scoring server;
editing this copy changes nothing except your own understanding.
"""

import jax, jax.numpy as jnp
import numpy as np

VOCAB = 1000000
EMB = 32
BATCH = 16384
BAG = 50

def setup_inputs(seed: int = 0) -> dict:
    key = jax.random.key(seed)
    k1, k2 = jax.random.split(key)
    # indices: each row is one 'word' = a bag of encoded features (EmbeddingBag mode='sum')
    indices = jax.random.randint(k1, (BATCH, BAG), 0, VOCAB, dtype=jnp.int32)
    # learned embedding table (nn.EmbeddingBag weight), sized per init_kwargs
    table = jax.random.normal(k2, (VOCAB, EMB), dtype=jnp.float32) * 0.02
    return {"indices": indices, "table": table}

def reference(indices, table):
    # nn.EmbeddingBag(..., mode='sum'): gather rows then sum over the bag dim.
    # Original module processes one word at a time: emb(word_tensor)[0].
    # Here batched over BATCH words, each with BAG encoded features.
    gathered = jnp.take(table, indices, axis=0)  # [B, BAG, EMB]
    return gathered.sum(axis=1)  # [B, EMB]

if __name__ == "__main__":
    import jax
    _d = setup_inputs()
    print(jax.jit(kernel)(*tuple(_d.values())))

</pallas_src>

<mosaic_0001>
#map = affine_map<(d0, d1) -> (0, 0, 0)>
#map1 = affine_map<(d0, d1) -> (0, 0)>
module attributes {stable_mosaic.version = 14 : i64} {
  func.func @_body(%arg0: i32, %arg1: i32, %arg2: memref<512x16x100xi32, #tpu.memory_space<hbm>>, %arg3: memref<1000000x32xf32, #tpu.memory_space<hbm>>, %arg4: memref<16384x32xf32, #tpu.memory_space<hbm>>, %arg5: memref<2x16x100xi32, #tpu.memory_space<vmem>>, %arg6: memref<2x1600x32xf32, #tpu.memory_space<vmem>>, %arg7: memref<2x32x32xf32, #tpu.memory_space<vmem>>, %arg8: memref<!tpu.dma_semaphore, #tpu.memory_space<semaphore_mem>>, %arg9: memref<!tpu.dma_semaphore, #tpu.memory_space<semaphore_mem>>) attributes {dimension_semantics = [#tpu.dimension_semantics<core_parallel>, #tpu.dimension_semantics<subcore_parallel>], iteration_bounds = array<i64: 2, 16>, scalar_prefetch = 0 : i64, scratch_operands = 5 : i64, tpu.core_type = #tpu.core_type<sc_vector_subcore>, window_params = [{transform_indices = #map}, {transform_indices = #map1}, {transform_indices = #map1}]} {
    %mul3A = arith.constant 2 : i32
    %mul3A_0 = arith.muli %arg1, %mul3A : i32
    %add3A = arith.addi %mul3A_0, %arg0 : i32
    %mul3A_1 = arith.constant 16 : i32
    %mul3A_2 = arith.muli %add3A, %mul3A_1 : i32
    %add3A_3 = arith.constant 0 : i32
    %add3A_4 = arith.addi %mul3A_2, %add3A_3 : i32
    %run_scoped3A = arith.constant 0 : i32
    "tpu.region"() ({
      %run_scoped3A_329 = tpu.sem_alloc : memref<!tpu.dma_semaphore, #tpu.memory_space<semaphore_mem>>
      %dma_start3A_330 = arith.constant 0 : i32
      %dma_start3A_331 = arith.constant 0 : i32
      %dma_start3A_332 = tpu.memref_slice %arg5[%run_scoped3A, %dma_start3A_330, %dma_start3A_331] : memref<2x16x100xi32, #tpu.memory_space<vmem>> -> memref<1x16x100xi32, #tpu.memory_space<vmem>>
      %dma_start3A_333 = tpu.memref_squeeze %dma_start3A_332 : memref<1x16x100xi32, #tpu.memory_space<vmem>> -> memref<16x100xi32, #tpu.memory_space<vmem>>
      %dma_start3A_334 = arith.constant 0 : i32
      %dma_start3A_335 = arith.constant 0 : i32
      %dma_start3A_336 = tpu.memref_slice %arg2[%add3A_4, %dma_start3A_334, %dma_start3A_335] : memref<512x16x100xi32, #tpu.memory_space<hbm>> -> memref<1x16x100xi32, #tpu.memory_space<hbm>>
      %dma_start3A_337 = tpu.memref_squeeze %dma_start3A_336 : memref<1x16x100xi32, #tpu.memory_space<hbm>> -> memref<16x100xi32, #tpu.memory_space<hbm>>
      %dma_start3A_338 = arith.constant 0 : i32
      %dma_start3A_339 = arith.constant 0 : i32
      %dma_start3A_340 = tpu.memref_slice %arg5[%run_scoped3A, %dma_start3A_338, %dma_start3A_339] : memref<2x16x100xi32, #tpu.memory_space<vmem>> -> memref<1x16x100xi32, #tpu.memory_space<vmem>>
      %dma_start3A_341 = tpu.memref_squeeze %dma_start3A_340 : memref<1x16x100xi32, #tpu.memory_space<vmem>> -> memref<16x100xi32, #tpu.memory_space<vmem>>
      %dma_start3A_342 = arith.constant 0 : i32
      %dma_start3A_343 = arith.constant 0 : i32
      %dma_start3A_344 = tpu.memref_slice %arg2[%add3A_4, %dma_start3A_342, %dma_start3A_343] : memref<512x16x100xi32, #tpu.memory_space<hbm>> -> memref<1x16x100xi32, #tpu.memory_space<hbm>>
      %dma_start3A_345 = tpu.memref_squeeze %dma_start3A_344 : memref<1x16x100xi32, #tpu.memory_space<hbm>> -> memref<16x100xi32, #tpu.memory_space<hbm>>
      tpu.enqueue_dma source(%dma_start3A_345 : memref<16x100xi32, #tpu.memory_space<hbm>>) target(%dma_start3A_341 : memref<16x100xi32, #tpu.memory_space<vmem>>) target_semaphore(%run_scoped3A_329 : memref<!tpu.dma_semaphore, #tpu.memory_space<semaphore_mem>>)
      %dma_wait3A = arith.constant 0 : i32
      %dma_wait3A_346 = arith.constant 0 : i32
      %dma_wait3A_347 = tpu.memref_slice %arg5[%run_scoped3A, %dma_wait3A, %dma_wait3A_346] : memref<2x16x100xi32, #tpu.memory_space<vmem>> -> memref<1x16x100xi32, #tpu.memory_space<vmem>>
      %dma_wait3A_348 = tpu.memref_squeeze %dma_wait3A_347 : memref<1x16x100xi32, #tpu.memory_space<vmem>> -> memref<16x100xi32, #tpu.memory_space<vmem>>
      %dma_wait3A_349 = arith.constant 0 : i32
      %dma_wait3A_350 = arith.constant 0 : i32
      %dma_wait3A_351 = tpu.memref_slice %arg2[%add3A_4, %dma_wait3A_349, %dma_wait3A_350] : memref<512x16x100xi32, #tpu.memory_space<hbm>> -> memref<1x16x100xi32, #tpu.memory_space<hbm>>
      %dma_wait3A_352 = tpu.memref_squeeze %dma_wait3A_351 : memref<1x16x100xi32, #tpu.memory_space<hbm>> -> memref<16x100xi32, #tpu.memory_space<hbm>>
      %dma_wait3A_353 = arith.constant 0 : i32
      %dma_wait3A_354 = arith.constant 0 : i32
      %dma_wait3A_355 = tpu.memref_slice %arg5[%run_scoped3A, %dma_wait3A_353, %dma_wait3A_354] : memref<2x16x100xi32, #tpu.memory_space<vmem>> -> memref<1x16x100xi32, #tpu.memory_space<vmem>>
      %dma_wait3A_356 = tpu.memref_squeeze %dma_wait3A_355 : memref<1x16x100xi32, #tpu.memory_space<vmem>> -> memref<16x100xi32, #tpu.memory_space<vmem>>
      %dma_wait3A_357 = arith.constant 0 : i32
      %dma_wait3A_358 = arith.constant 0 : i32
      %dma_wait3A_359 = tpu.memref_slice %arg2[%add3A_4, %dma_wait3A_357, %dma_wait3A_358] : memref<512x16x100xi32, #tpu.memory_space<hbm>> -> memref<1x16x100xi32, #tpu.memory_space<hbm>>
      %dma_wait3A_360 = tpu.memref_squeeze %dma_wait3A_359 : memref<1x16x100xi32, #tpu.memory_space<hbm>> -> memref<16x100xi32, #tpu.memory_space<hbm>>
      tpu.wait_dma2 semaphore(%run_scoped3A_329 : memref<!tpu.dma_semaphore, #tpu.memory_space<semaphore_mem>>) src(%dma_wait3A_360 : memref<16x100xi32, #tpu.memory_space<hbm>>) dst(%dma_wait3A_356 : memref<16x100xi32, #tpu.memory_space<vmem>>)
      tpu.yield
    }) : () -> ()
    %dma_start3A = arith.constant 0 : i32
    %dma_start3A_5 = arith.constant 0 : i32
    %dma_start3A_6 = arith.constant 0 : i32
    %dma_start3A_7 = arith.constant 0 : i32
    %dma_start3A_8 = arith.constant 0 : i32
    %dma_start3A_9 = tpu.memref_slice %arg6[%dma_start3A_6, %dma_start3A_7, %dma_start3A_8] : memref<2x1600x32xf32, #tpu.memory_space<vmem>> -> memref<1x1600x32xf32, #tpu.memory_space<vmem>>
    %dma_start3A_10 = tpu.memref_squeeze %dma_start3A_9 : memref<1x1600x32xf32, #tpu.memory_space<vmem>> -> memref<1600x32xf32, #tpu.memory_space<vmem>>
    %dma_start3A_11 = arith.constant 0 : i32
    %dma_start3A_12 = arith.constant 0 : i32
    %dma_start3A_13 = tpu.memref_slice %dma_start3A_10[%dma_start3A_11, %dma_start3A_12] : memref<1600x32xf32, #tpu.memory_space<vmem>> -> memref<100x32xf32, #tpu.memory_space<vmem>>
    %dma_start3A_14 = arith.constant 0 : i32
    %dma_start3A_15 = arith.constant 0 : i32
    %dma_start3A_16 = tpu.memref_slice %arg5[%dma_start3A, %dma_start3A_14, %dma_start3A_15] : memref<2x16x100xi32, #tpu.memory_space<vmem>> -> memref<1x16x100xi32, #tpu.memory_space<vmem>>
    %dma_start3A_17 = tpu.memref_squeeze %dma_start3A_16 : memref<1x16x100xi32, #tpu.memory_space<vmem>> -> memref<16x100xi32, #tpu.memory_space<vmem>>
    %dma_start3A_18 = arith.constant 0 : i32
    %dma_start3A_19 = tpu.memref_slice %dma_start3A_17[%dma_start3A_5, %dma_start3A_18] : memref<16x100xi32, #tpu.memory_space<vmem>> -> memref<1x100xi32, #tpu.memory_space<vmem>>
    %dma_start3A_20 = tpu.memref_squeeze %dma_start3A_19 : memref<1x100xi32, #tpu.memory_space<vmem>> -> memref<100xi32, #tpu.memory_space<vmem>>
    %dma_start3A_21 = arith.constant 0 : i32
    %dma_start3A_22 = arith.constant 0 : i32
    %dma_start3A_23 = tpu.memref_slice %arg3[%dma_start3A_21, %dma_start3A_22] : memref<1000000x32xf32, #tpu.memory_space<hbm>> -> memref<1000000x32xf32, #tpu.memory_space<hbm>>
    tpu.enqueue_indirect_dma source(%dma_start3A_23 : memref<1000000x32xf32, #tpu.memory_space<hbm>>) target(%dma_start3A_13 : memref<100x32xf32, #tpu.memory_space<vmem>>) offsets(%dma_start3A_20 : memref<100xi32, #tpu.memory_space<vmem>>) semaphore(%arg8 : memref<!tpu.dma_semaphore, #tpu.memory_space<semaphore_mem>>)
    %dma_start3A_24 = arith.constant 0 : i32
    %dma_start3A_25 = arith.constant 1 : i32
    %dma_start3A_26 = arith.constant 0 : i32
    %dma_start3A_27 = arith.constant 0 : i32
    %dma_start3A_28 = arith.constant 0 : i32
    %dma_start3A_29 = tpu.memref_slice %arg6[%dma_start3A_26, %dma_start3A_27, %dma_start3A_28] : memref<2x1600x32xf32, #tpu.memory_space<vmem>> -> memref<1x1600x32xf32, #tpu.memory_space<vmem>>
    %dma_start3A_30 = tpu.memref_squeeze %dma_start3A_29 : memref<1x1600x32xf32, #tpu.memory_space<vmem>> -> memref<1600x32xf32, #tpu.memory_space<vmem>>
    %dma_start3A_31 = arith.constant 100 : i32
    %dma_start3A_32 = arith.constant 0 : i32
    %dma_start3A_33 = tpu.memref_slice %dma_start3A_30[%dma_start3A_31, %dma_start3A_32] : memref<1600x32xf32, #tpu.memory_space<vmem>> -> memref<100x32xf32, #tpu.memory_space<vmem>>
    %dma_start3A_34 = arith.constant 0 : i32
    %dma_start3A_35 = arith.constant 0 : i32
    %dma_start3A_36 = tpu.memref_slice %arg5[%dma_start3A_24, %dma_start3A_34, %dma_start3A_35] : memref<2x16x100xi32, #tpu.memory_space<vmem>> -> memref<1x16x100xi32, #tpu.memory_space<vmem>>
    %dma_start3A_37 = tpu.memref_squeeze %dma_start3A_36 : memref<1x16x100xi32, #tpu.memory_space<vmem>> -> memref<16x100xi32, #tpu.memory_space<vmem>>
    %dma_start3A_38 = arith.constant 0 : i32
    %dma_start3A_39 = tpu.memref_slice %dma_start3A_37[%dma_start3A_25, %dma_start3A_38] : memref<16x100xi32, #tpu.memory_space<vmem>> -> memref<1x100xi32, #tpu.memory_space<vmem>>
    %dma_start3A_40 = tpu.memref_squeeze %dma_start3A_39 : memref<1x100xi32, #tpu.memory_space<vmem>> -> memref<100xi32, #tpu.memory_space<vmem>>
    %dma_start3A_41 = arith.constant 0 : i32
    %dma_start3A_42 = arith.constant 0 : i32
    %dma_start3A_43 = tpu.memref_slice %arg3[%dma_start3A_41, %dma_start3A_42] : memref<1000000x32xf32, #tpu.memory_space<hbm>> -> memref<1000000x32xf32, #tpu.memory_space<hbm>>
    tpu.enqueue_indirect_dma source(%dma_start3A_43 : memref<1000000x32xf32, #tpu.memory_space<hbm>>) target(%dma_start3A_33 : memref<100x32xf32, #tpu.memory_space<vmem>>) offsets(%dma_start3A_40 : memref<100xi32, #tpu.memory_space<vmem>>) semaphore(%arg8 : memref<!tpu.dma_semaphore, #tpu.memory_space<semaphore_mem>>)
    %dma_start3A_44 = arith.constant 0 : i32
    %dma_start3A_45 = arith.constant 2 : i32
    %dma_start3A_46 = arith.constant 0 : i32
    %dma_start3A_47 = arith.constant 0 : i32
    %dma_start3A_48 = arith.constant 0 : i32
    %dma_start3A_49 = tpu.memref_slice %arg6[%dma_start3A_46, %dma_start3A_47, %dma_start3A_48] : memref<2x1600x32xf32, #tpu.memory_space<vmem>> -> memref<1x1600x32xf32, #tpu.memory_space<vmem>>
    %dma_start3A_50 = tpu.memref_squeeze %dma_start3A_49 : memref<1x1600x32xf32, #tpu.memory_space<vmem>> -> memref<1600x32xf32, #tpu.memory_space<vmem>>
    %dma_start3A_51 = arith.constant 200 : i32
    %dma_start3A_52 = arith.constant 0 : i32
    %dma_start3A_53 = tpu.memref_slice %dma_start3A_50[%dma_start3A_51, %dma_start3A_52] : memref<1600x32xf32, #tpu.memory_space<vmem>> -> memref<100x32xf32, #tpu.memory_space<vmem>>
    %dma_start3A_54 = arith.constant 0 : i32
    %dma_start3A_55 = arith.constant 0 : i32
    %dma_start3A_56 = tpu.memref_slice %arg5[%dma_start3A_44, %dma_start3A_54, %dma_start3A_55] : memref<2x16x100xi32, #tpu.memory_space<vmem>> -> memref<1x16x100xi32, #tpu.memory_space<vmem>>
    %dma_start3A_57 = tpu.memref_squeeze %dma_start3A_56 : memref<1x16x100xi32, #tpu.memory_space<vmem>> -> memref<16x100xi32, #tpu.memory_space<vmem>>
    %dma_start3A_58 = arith.constant 0 : i32
    %dma_start3A_59 = tpu.memref_slice %dma_start3A_57[%dma_start3A_45, %dma_start3A_58] : memref<16x100xi32, #tpu.memory_space<vmem>> -> memref<1x100xi32, #tpu.memory_space<vmem>>
    %dma_start3A_60 = tpu.memref_squeeze %dma_start3A_59 : memref<1x100xi32, #tpu.memory_space<vmem>> -> memref<100xi32, #tpu.memory_space<vmem>>
    %dma_start3A_61 = arith.constant 0 : i32
    %dma_start3A_62 = arith.constant 0 : i32
    %dma_start3A_63 = tpu.memref_slice %arg3[%dma_start3A_61, %dma_start3A_62] : memref<1000000x32xf32, #tpu.memory_space<hbm>> -> memref<1000000x32xf32, #tpu.memory_space<hbm>>
    tpu.enqueue_indirect_dma source(%dma_start3A_63 : memref<1000000x32xf32, #tpu.memory_space<hbm>>) target(%dma_start3A_53 : memref<100x32xf32, #tpu.memory_space<vmem>>) offsets(%dma_start3A_60 : memref<100xi32, #tpu.memory_space<vmem>>) semaphore(%arg8 : memref<!tpu.dma_semaphore, #tpu.memory_space<semaphore_mem>>)
    %dma_start3A_64 = arith.constant 0 : i32
    %dma_start3A_65 = arith.constant 3 : i32
    %dma_start3A_66 = arith.constant 0 : i32
    %dma_start3A_67 = arith.constant 0 : i32
    %dma_start3A_68 = arith.constant 0 : i32
    %dma_start3A_69 = tpu.memref_slice %arg6[%dma_start3A_66, %dma_start3A_67, %dma_start3A_68] : memref<2x1600x32xf32, #tpu.memory_space<vmem>> -> memref<1x1600x32xf32, #tpu.memory_space<vmem>>
    %dma_start3A_70 = tpu.memref_squeeze %dma_start3A_69 : memref<1x1600x32xf32, #tpu.memory_space<vmem>> -> memref<1600x32xf32, #tpu.memory_space<vmem>>
    %dma_start3A_71 = arith.constant 300 : i32
    %dma_start3A_72 = arith.constant 0 : i32
    %dma_start3A_73 = tpu.memref_slice %dma_start3A_70[%dma_start3A_71, %dma_start3A_72] : memref<1600x32xf32, #tpu.memory_space<vmem>> -> memref<100x32xf32, #tpu.memory_space<vmem>>
    %dma_start3A_74 = arith.constant 0 : i32
    %dma_start3A_75 = arith.constant 0 : i32
    %dma_start3A_76 = tpu.memref_slice %arg5[%dma_start3A_64, %dma_start3A_74, %dma_start3A_75] : memref<2x16x100xi32, #tpu.memory_space<vmem>> -> memref<1x16x100xi32, #tpu.memory_space<vmem>>
    %dma_start3A_77 = tpu.memref_squeeze %dma_start3A_76 : memref<1x16x100xi32, #tpu.memory_space<vmem>> -> memref<16x100xi32, #tpu.memory_space<vmem>>
    %dma_start3A_78 = arith.constant 0 : i32
    %dma_start3A_79 = tpu.memref_slice %dma_start3A_77[%dma_start3A_65, %dma_start3A_78] : memref<16x100xi32, #tpu.memory_space<vmem>> -> memref<1x100xi32, #tpu.memory_space<vmem>>
    %dma_start3A_80 = tpu.memref_squeeze %dma_start3A_79 : memref<1x100xi32, #tpu.memory_space<vmem>> -> memref<100xi32, #tpu.memory_space<vmem>>
    %dma_start3A_81 = arith.constant 0 : i32
    %dma_start3A_82 = arith.constant 0 : i32
    %dma_start3A_83 = tpu.memref_slice %arg3[%dma_start3A_81, %dma_start3A_82] : memref<1000000x32xf32, #tpu.memory_space<hbm>> -> memref<1000000x32xf32, #tpu.memory_space<hbm>>
    tpu.enqueue_indirect_dma source(%dma_start3A_83 : memref<1000000x32xf32, #tpu.memory_space<hbm>>) target(%dma_start3A_73 : memref<100x32xf32, #tpu.memory_space<vmem>>) offsets(%dma_start3A_80 : memref<100xi32, #tpu.memory_space<vmem>>) semaphore(%arg8 : memref<!tpu.dma_semaphore, #tpu.memory_space<semaphore_mem>>)
    %dma_start3A_84 = arith.constant 0 : i32
    %dma_start3A_85 = arith.constant 4 : i32
    %dma_start3A_86 = arith.constant 0 : i32
    %dma_start3A_87 = arith.constant 0 : i32
    %dma_start3A_88 = arith.constant 0 : i32
    %dma_start3A_89 = tpu.memref_slice %arg6[%dma_start3A_86, %dma_start3A_87, %dma_start3A_88] : memref<2x1600x32xf32, #tpu.memory_space<vmem>> -> memref<1x1600x32xf32, #tpu.memory_space<vmem>>
    %dma_start3A_90 = tpu.memref_squeeze %dma_start3A_89 : memref<1x1600x32xf32, #tpu.memory_space<vmem>> -> memref<1600x32xf32, #tpu.memory_space<vmem>>
    %dma_start3A_91 = arith.constant 400 : i32
    %dma_start3A_92 = arith.constant 0 : i32
    %dma_start3A_93 = tpu.memref_slice %dma_start3A_90[%dma_start3A_91, %dma_start3A_92] : memref<1600x32xf32, #tpu.memory_space<vmem>> -> memref<100x32xf32, #tpu.memory_space<vmem>>
    %dma_start3A_94 = arith.constant 0 : i32
    %dma_start3A_95 = arith.constant 0 : i32
    %dma_start3A_96 = tpu.memref_slice %arg5[%dma_start3A_84, %dma_start3A_94, %dma_start3A_95] : memref<2x16x100xi32, #tpu.memory_space<vmem>> -> memref<1x16x100xi32, #tpu.memory_space<vmem>>
    %dma_start3A_97 = tpu.memref_squeeze %dma_start3A_96 : memref<1x16x100xi32, #tpu.memory_space<vmem>> -> memref<16x100xi32, #tpu.memory_space<vmem>>
    %dma_start3A_98 = arith.constant 0 : i32
    %dma_start3A_99 = tpu.memref_slice %dma_start3A_97[%dma_start3A_85, %dma_start3A_98] : memref<16x100xi32, #tpu.memory_space<vmem>> -> memref<1x100xi32, #tpu.memory_space<vmem>>
    %dma_start3A_100 = tpu.memref_squeeze %dma_start3A_99 : memref<1x100xi32, #tpu.memory_space<vmem>> -> memref<100xi32, #tpu.memory_space<vmem>>
    %dma_start3A_101 = arith.constant 0 : i32
    %dma_start3A_102 = arith.constant 0 : i32
    %dma_start3A_103 = tpu.memref_slice %arg3[%dma_start3A_101, %dma_start3A_102] : memref<1000000x32xf32, #tpu.memory_space<hbm>> -> memref<1000000x32xf32, #tpu.memory_space<hbm>>
    tpu.enqueue_indirect_dma source(%dma_start3A_103 : memref<1000000x32xf32, #tpu.memory_space<hbm>>) target(%dma_start3A_93 : memref<100x32xf32, #tpu.memory_space<vmem>>) offsets(%dma_start3A_100 : memref<100xi32, #tpu.memory_space<vmem>>) semaphore(%arg8 : memref<!tpu.dma_semaphore, #tpu.memory_space<semaphore_mem>>)
    %dma_start3A_104 = arith.constant 0 : i32
    %dma_start3A_105 = arith.constant 5 : i32
    %dma_start3A_106 = arith.constant 0 : i32
    %dma_start3A_107 = arith.constant 0 : i32
    %dma_start3A_108 = arith.constant 0 : i32
    %dma_start3A_109 = tpu.memref_slice %arg6[%dma_start3A_106, %dma_start3A_107, %dma_start3A_108] : memref<2x1600x32xf32, #tpu.memory_space<vmem>> -> memref<1x1600x32xf32, #tpu.memory_space<vmem>>
    %dma_start3A_110 = tpu.memref_squeeze %dma_start3A_109 : memref<1x1600x32xf32, #tpu.memory_space<vmem>> -> memref<1600x32xf32, #tpu.memory_space<vmem>>
    %dma_start3A_111 = arith.constant 500 : i32
    %dma_start3A_112 = arith.constant 0 : i32
    %dma_start3A_113 = tpu.memref_slice %dma_start3A_110[%dma_start3A_111, %dma_start3A_112] : memref<1600x32xf32, #tpu.memory_space<vmem>> -> memref<100x32xf32, #tpu.memory_space<vmem>>
    %dma_start3A_114 = arith.constant 0 : i32
    %dma_start3A_115 = arith.constant 0 : i32
    %dma_start3A_116 = tpu.memref_slice %arg5[%dma_start3A_104, %dma_start3A_114, %dma_start3A_115] : memref<2x16x100xi32, #tpu.memory_space<vmem>> -> memref<1x16x100xi32, #tpu.memory_space<vmem>>
    %dma_start3A_117 = tpu.memref_squeeze %dma_start3A_116 : memref<1x16x100xi32, #tpu.memory_space<vmem>> -> memref<16x100xi32, #tpu.memory_space<vmem>>
    %dma_start3A_118 = arith.constant 0 : i32
    %dma_start3A_119 = tpu.memref_slice %dma_start3A_117[%dma_start3A_105, %dma_start3A_118] : memref<16x100xi32, #tpu.memory_space<vmem>> -> memref<1x100xi32, #tpu.memory_space<vmem>>
    %dma_start3A_120 = tpu.memref_squeeze %dma_start3A_119 : memref<1x100xi32, #tpu.memory_space<vmem>> -> memref<100xi32, #tpu.memory_space<vmem>>
    %dma_start3A_121 = arith.constant 0 : i32
    %dma_start3A_122 = arith.constant 0 : i32
    %dma_start3A_123 = tpu.memref_slice %arg3[%dma_start3A_121, %dma_start3A_122] : memref<1000000x32xf32, #tpu.memory_space<hbm>> -> memref<1000000x32xf32, #tpu.memory_space<hbm>>
    tpu.enqueue_indirect_dma source(%dma_start3A_123 : memref<1000000x32xf32, #tpu.memory_space<hbm>>) target(%dma_start3A_113 : memref<100x32xf32, #tpu.memory_space<vmem>>) offsets(%dma_start3A_120 : memref<100xi32, #tpu.memory_space<vmem>>) semaphore(%arg8 : memref<!tpu.dma_semaphore, #tpu.memory_space<semaphore_mem>>)
    %dma_start3A_124 = arith.constant 0 : i32
    %dma_start3A_125 = arith.constant 6 : i32
    %dma_start3A_126 = arith.constant 0 : i32
    %dma_start3A_127 = arith.constant 0 : i32
    %dma_start3A_128 = arith.constant 0 : i32
    %dma_start3A_129 = tpu.memref_slice %arg6[%dma_start3A_126, %dma_start3A_127, %dma_start3A_128] : memref<2x1600x32xf32, #tpu.memory_space<vmem>> -> memref<1x1600x32xf32, #tpu.memory_space<vmem>>
    %dma_start3A_130 = tpu.memref_squeeze %dma_start3A_129 : memref<1x1600x32xf32, #tpu.memory_space<vmem>> -> memref<1600x32xf32, #tpu.memory_space<vmem>>
    %dma_start3A_131 = arith.constant 600 : i32
    %dma_start3A_132 = arith.constant 0 : i32
    %dma_start3A_133 = tpu.memref_slice %dma_start3A_130[%dma_start3A_131, %dma_start3A_132] : memref<1600x32xf32, #tpu.memory_space<vmem>> -> memref<100x32xf32, #tpu.memory_space<vmem>>
    %dma_start3A_134 = arith.constant 0 : i32
    %dma_start3A_135 = arith.constant 0 : i32
    %dma_start3A_136 = tpu.memref_slice %arg5[%dma_start3A_124, %dma_start3A_134, %dma_start3A_135] : memref<2x16x100xi32, #tpu.memory_space<vmem>> -> memref<1x16x100xi32, #tpu.memory_space<vmem>>
    %dma_start3A_137 = tpu.memref_squeeze %dma_start3A_136 : memref<1x16x100xi32, #tpu.memory_space<vmem>> -> memref<16x100xi32, #tpu.memory_space<vmem>>
    %dma_start3A_138 = arith.constant 0 : i32
    %dma_start3A_139 = tpu.memref_slice %dma_start3A_137[%dma_start3A_125, %dma_start3A_138] : memref<16x100xi32, #tpu.memory_space<vmem>> -> memref<1x100xi32, #tpu.memory_space<vmem>>
    %dma_start3A_140 = tpu.memref_squeeze %dma_start3A_139 : memref<1x100xi32, #tpu.memory_space<vmem>> -> memref<100xi32, #tpu.memory_space<vmem>>
    %dma_start3A_141 = arith.constant 0 : i32
    %dma_start3A_142 = arith.constant 0 : i32
    %dma_start3A_143 = tpu.memref_slice %arg3[%dma_start3A_141, %dma_start3A_142] : memref<1000000x32xf32, #tpu.memory_space<hbm>> -> memref<1000000x32xf32, #tpu.memory_space<hbm>>
    tpu.enqueue_indirect_dma source(%dma_start3A_143 : memref<1000000x32xf32, #tpu.memory_space<hbm>>) target(%dma_start3A_133 : memref<100x32xf32, #tpu.memory_space<vmem>>) offsets(%dma_start3A_140 : memref<100xi32, #tpu.memory_space<vmem>>) semaphore(%arg8 : memref<!tpu.dma_semaphore, #tpu.memory_space<semaphore_mem>>)
    %dma_start3A_144 = arith.constant 0 : i32
    %dma_start3A_145 = arith.constant 7 : i32
    %dma_start3A_146 = arith.constant 0 : i32
    %dma_start3A_147 = arith.constant 0 : i32
    %dma_start3A_148 = arith.constant 0 : i32
    %dma_start3A_149 = tpu.memref_slice %arg6[%dma_start3A_146, %dma_start3A_147, %dma_start3A_148] : memref<2x1600x32xf32, #tpu.memory_space<vmem>> -> memref<1x1600x32xf32, #tpu.memory_space<vmem>>
    %dma_start3A_150 = tpu.memref_squeeze %dma_start3A_149 : memref<1x1600x32xf32, #tpu.memory_space<vmem>> -> memref<1600x32xf32, #tpu.memory_space<vmem>>
    %dma_start3A_151 = arith.constant 700 : i32
    %dma_start3A_152 = arith.constant 0 : i32
    %dma_start3A_153 = tpu.memref_slice %dma_start3A_150[%dma_start3A_151, %dma_start3A_152] : memref<1600x32xf32, #tpu.memory_space<vmem>> -> memref<100x32xf32, #tpu.memory_space<vmem>>
    %dma_start3A_154 = arith.constant 0 : i32
    %dma_start3A_155 = arith.constant 0 : i32
    %dma_start3A_156 = tpu.memref_slice %arg5[%dma_start3A_144, %dma_start3A_154, %dma_start3A_155] : memref<2x16x100xi32, #tpu.memory_space<vmem>> -> memref<1x16x100xi32, #tpu.memory_space<vmem>>
    %dma_start3A_157 = tpu.memref_squeeze %dma_start3A_156 : memref<1x16x100xi32, #tpu.memory_space<vmem>> -> memref<16x100xi32, #tpu.memory_space<vmem>>
    %dma_start3A_158 = arith.constant 0 : i32
    %dma_start3A_159 = tpu.memref_slice %dma_start3A_157[%dma_start3A_145, %dma_start3A_158] : memref<16x100xi32, #tpu.memory_space<vmem>> -> memref<1x100xi32, #tpu.memory_space<vmem>>
    %dma_start3A_160 = tpu.memref_squeeze %dma_start3A_159 : memref<1x100xi32, #tpu.memory_space<vmem>> -> memref<100xi32, #tpu.memory_space<vmem>>
    %dma_start3A_161 = arith.constant 0 : i32
    %dma_start3A_162 = arith.constant 0 : i32
    %dma_start3A_163 = tpu.memref_slice %arg3[%dma_start3A_161, %dma_start3A_162] : memref<1000000x32xf32, #tpu.memory_space<hbm>> -> memref<1000000x32xf32, #tpu.memory_space<hbm>>
    tpu.enqueue_indirect_dma source(%dma_start3A_163 : memref<1000000x32xf32, #tpu.memory_space<hbm>>) target(%dma_start3A_153 : memref<100x32xf32, #tpu.memory_space<vmem>>) offsets(%dma_start3A_160 : memref<100xi32, #tpu.memory_space<vmem>>) semaphore(%arg8 : memref<!tpu.dma_semaphore, #tpu.memory_space<semaphore_mem>>)
    %dma_start3A_164 = arith.constant 0 : i32
    %dma_start3A_165 = arith.constant 8 : i32
    %dma_start3A_166 = arith.constant 0 : i32
    %dma_start3A_167 = arith.constant 0 : i32
    %dma_start3A_168 = arith.constant 0 : i32
    %dma_start3A_169 = tpu.memref_slice %arg6[%dma_start3A_166, %dma_start3A_167, %dma_start3A_168] : memref<2x1600x32xf32, #tpu.memory_space<vmem>> -> memref<1x1600x32xf32, #tpu.memory_space<vmem>>
    %dma_start3A_170 = tpu.memref_squeeze %dma_start3A_169 : memref<1x1600x32xf32, #tpu.memory_space<vmem>> -> memref<1600x32xf32, #tpu.memory_space<vmem>>
    %dma_start3A_171 = arith.constant 800 : i32
    %dma_start3A_172 = arith.constant 0 : i32
    %dma_start3A_173 = tpu.memref_slice %dma_start3A_170[%dma_start3A_171, %dma_start3A_172] : memref<1600x32xf32, #tpu.memory_space<vmem>> -> memref<100x32xf32, #tpu.memory_space<vmem>>
    %dma_start3A_174 = arith.constant 0 : i32
    %dma_start3A_175 = arith.constant 0 : i32
    %dma_start3A_176 = tpu.memref_slice %arg5[%dma_start3A_164, %dma_start3A_174, %dma_start3A_175] : memref<2x16x100xi32, #tpu.memory_space<vmem>> -> memref<1x16x100xi32, #tpu.memory_space<vmem>>
    %dma_start3A_177 = tpu.memref_squeeze %dma_start3A_176 : memref<1x16x100xi32, #tpu.memory_space<vmem>> -> memref<16x100xi32, #tpu.memory_space<vmem>>
    %dma_start3A_178 = arith.constant 0 : i32
    %dma_start3A_179 = tpu.memref_slice %dma_start3A_177[%dma_start3A_165, %dma_start3A_178] : memref<16x100xi32, #tpu.memory_space<vmem>> -> memref<1x100xi32, #tpu.memory_space<vmem>>
    %dma_start3A_180 = tpu.memref_squeeze %dma_start3A_179 : memref<1x100xi32, #tpu.memory_space<vmem>> -> memref<100xi32, #tpu.memory_space<vmem>>
    %dma_start3A_181 = arith.constant 0 : i32
    %dma_start3A_182 = arith.constant 0 : i32
    %dma_start3A_183 = tpu.memref_slice %arg3[%dma_start3A_181, %dma_start3A_182] : memref<1000000x32xf32, #tpu.memory_space<hbm>> -> memref<1000000x32xf32, #tpu.memory_space<hbm>>
    tpu.enqueue_indirect_dma source(%dma_start3A_183 : memref<1000000x32xf32, #tpu.memory_space<hbm>>) target(%dma_start3A_173 : memref<100x32xf32, #tpu.memory_space<vmem>>) offsets(%dma_start3A_180 : memref<100xi32, #tpu.memory_space<vmem>>) semaphore(%arg8 : memref<!tpu.dma_semaphore, #tpu.memory_space<semaphore_mem>>)
    %dma_start3A_184 = arith.constant 0 : i32
    %dma_start3A_185 = arith.constant 9 : i32
    %dma_start3A_186 = arith.constant 0 : i32
    %dma_start3A_187 = arith.constant 0 : i32
    %dma_start3A_188 = arith.constant 0 : i32
    %dma_start3A_189 = tpu.memref_slice %arg6[%dma_start3A_186, %dma_start3A_187, %dma_start3A_188] : memref<2x1600x32xf32, #tpu.memory_space<vmem>> -> memref<1x1600x32xf32, #tpu.memory_space<vmem>>
    %dma_start3A_190 = tpu.memref_squeeze %dma_start3A_189 : memref<1x1600x32xf32, #tpu.memory_space<vmem>> -> memref<1600x32xf32, #tpu.memory_space<vmem>>
    %dma_start3A_191 = arith.constant 900 : i32
    %dma_start3A_192 = arith.constant 0 : i32
    %dma_start3A_193 = tpu.memref_slice %dma_start3A_190[%dma_start3A_191, %dma_start3A_192] : memref<1600x32xf32, #tpu.memory_space<vmem>> -> memref<100x32xf32, #tpu.memory_space<vmem>>
    %dma_start3A_194 = arith.constant 0 : i32
    %dma_start3A_195 = arith.constant 0 : i32
    %dma_start3A_196 = tpu.memref_slice %arg5[%dma_start3A_184, %dma_start3A_194, %dma_start3A_195] : memref<2x16x100xi32, #tpu.memory_space<vmem>> -> memref<1x16x100xi32, #tpu.memory_space<vmem>>
    %dma_start3A_197 = tpu.memref_squeeze %dma_start3A_196 : memref<1x16x100xi32, #tpu.memory_space<vmem>> -> memref<16x100xi32, #tpu.memory_space<vmem>>
    %dma_start3A_198 = arith.constant 0 : i32
    %dma_start3A_199 = tpu.memref_slice %dma_start3A_197[%dma_start3A_185, %dma_start3A_198] : memref<16x100xi32, #tpu.memory_space<vmem>> -> memref<1x100xi32, #tpu.memory_space<vmem>>
    %dma_start3A_200 = tpu.memref_squeeze %dma_start3A_199 : memref<1x100xi32, #tpu.memory_space<vmem>> -> memref<100xi32, #tpu.memory_space<vmem>>
    %dma_start3A_201 = arith.constant 0 : i32
    %dma_start3A_202 = arith.constant 0 : i32
    %dma_start3A_203 = tpu.memref_slice %arg3[%dma_start3A_201, %dma_start3A_202] : memref<1000000x32xf32, #tpu.memory_space<hbm>> -> memref<1000000x32xf32, #tpu.memory_space<hbm>>
    tpu.enqueue_indirect_dma source(%dma_start3A_203 : memref<1000000x32xf32, #tpu.memory_space<hbm>>) target(%dma_start3A_193 : memref<100x32xf32, #tpu.memory_space<vmem>>) offsets(%dma_start3A_200 : memref<100xi32, #tpu.memory_space<vmem>>) semaphore(%arg8 : memref<!tpu.dma_semaphore, #tpu.memory_space<semaphore_mem>>)
    %dma_start3A_204 = arith.constant 0 : i32
    %dma_start3A_205 = arith.constant 10 : i32
    %dma_start3A_206 = arith.constant 0 : i32
    %dma_start3A_207 = arith.constant 0 : i32
    %dma_start3A_208 = arith.constant 0 : i32
    %dma_start3A_209 = tpu.memref_slice %arg6[%dma_start3A_206, %dma_start3A_207, %dma_start3A_208] : memref<2x1600x32xf32, #tpu.memory_space<vmem>> -> memref<1x1600x32xf32, #tpu.memory_space<vmem>>
    %dma_start3A_210 = tpu.memref_squeeze %dma_start3A_209 : memref<1x1600x32xf32, #tpu.memory_space<vmem>> -> memref<1600x32xf32, #tpu.memory_space<vmem>>
    %dma_start3A_211 = arith.constant 1000 : i32
    %dma_start3A_212 = arith.constant 0 : i32
    %dma_start3A_213 = tpu.memref_slice %dma_start3A_210[%dma_start3A_211, %dma_start3A_212] : memref<1600x32xf32, #tpu.memory_space<vmem>> -> memref<100x32xf32, #tpu.memory_space<vmem>>
    %dma_start3A_214 = arith.constant 0 : i32
    %dma_start3A_215 = arith.constant 0 : i32
    %dma_start3A_216 = tpu.memref_slice %arg5[%dma_start3A_204, %dma_start3A_214, %dma_start3A_215] : memref<2x16x100xi32, #tpu.memory_space<vmem>> -> memref<1x16x100xi32, #tpu.memory_space<vmem>>
    %dma_start3A_217 = tpu.memref_squeeze %dma_start3A_216 : memref<1x16x100xi32, #tpu.memory_space<vmem>> -> memref<16x100xi32, #tpu.memory_space<vmem>>
    %dma_start3A_218 = arith.constant 0 : i32
    %dma_start3A_219 = tpu.memref_slice %dma_start3A_217[%dma_start3A_205, %dma_start3A_218] : memref<16x100xi32, #tpu.memory_space<vmem>> -> memref<1x100xi32, #tpu.memory_space<vmem>>
    %dma_start3A_220 = tpu.memref_squeeze %dma_start3A_219 : memref<1x100xi32, #tpu.memory_space<vmem>> -> memref<100xi32, #tpu.memory_space<vmem>>
    %dma_start3A_221 = arith.constant 0 : i32
    %dma_start3A_222 = arith.constant 0 : i32
    %dma_start3A_223 = tpu.memref_slice %arg3[%dma_start3A_221, %dma_start3A_222] : memref<1000000x32xf32, #tpu.memory_space<hbm>> -> memref<1000000x32xf32, #tpu.memory_space<hbm>>
    tpu.enqueue_indirect_dma source(%dma_start3A_223 : memref<1000000x32xf32, #tpu.memory_space<hbm>>) target(%dma_start3A_213 : memref<100x32xf32, #tpu.memory_space<vmem>>) offsets(%dma_start3A_220 : memref<100xi32, #tpu.memory_space<vmem>>) semaphore(%arg8 : memref<!tpu.dma_semaphore, #tpu.memory_space<semaphore_mem>>)
    %dma_start3A_224 = arith.constant 0 : i32
    %dma_start3A_225 = arith.constant 11 : i32
    %dma_start3A_226 = arith.constant 0 : i32
    %dma_start3A_227 = arith.constant 0 : i32
    %dma_start3A_228 = arith.constant 0 : i32
    %dma_start3A_229 = tpu.memref_slice %arg6[%dma_start3A_226, %dma_start3A_227, %dma_start3A_228] : memref<2x1600x32xf32, #tpu.memory_space<vmem>> -> memref<1x1600x32xf32, #tpu.memory_space<vmem>>
    %dma_start3A_230 = tpu.memref_squeeze %dma_start3A_229 : memref<1x1600x32xf32, #tpu.memory_space<vmem>> -> memref<1600x32xf32, #tpu.memory_space<vmem>>
    %dma_start3A_231 = arith.constant 1100 : i32
    %dma_start3A_232 = arith.constant 0 : i32
    %dma_start3A_233 = tpu.memref_slice %dma_start3A_230[%dma_start3A_231, %dma_start3A_232] : memref<1600x32xf32, #tpu.memory_space<vmem>> -> memref<100x32xf32, #tpu.memory_space<vmem>>
    %dma_start3A_234 = arith.constant 0 : i32
    %dma_start3A_235 = arith.constant 0 : i32
    %dma_start3A_236 = tpu.memref_slice %arg5[%dma_start3A_224, %dma_start3A_234, %dma_start3A_235] : memref<2x16x100xi32, #tpu.memory_space<vmem>> -> memref<1x16x100xi32, #tpu.memory_space<vmem>>
    %dma_start3A_237 = tpu.memref_squeeze %dma_start3A_236 : memref<1x16x100xi32, #tpu.memory_space<vmem>> -> memref<16x100xi32, #tpu.memory_space<vmem>>
    %dma_start3A_238 = arith.constant 0 : i32
    %dma_start3A_239 = tpu.memref_slice %dma_start3A_237[%dma_start3A_225, %dma_start3A_238] : memref<16x100xi32, #tpu.memory_space<vmem>> -> memref<1x100xi32, #tpu.memory_space<vmem>>
    %dma_start3A_240 = tpu.memref_squeeze %dma_start3A_239 : memref<1x100xi32, #tpu.memory_space<vmem>> -> memref<100xi32, #tpu.memory_space<vmem>>
    %dma_start3A_241 = arith.constant 0 : i32
    %dma_start3A_242 = arith.constant 0 : i32
    %dma_start3A_243 = tpu.memref_slice %arg3[%dma_start3A_241, %dma_start3A_242] : memref<1000000x32xf32, #tpu.memory_space<hbm>> -> memref<1000000x32xf32, #tpu.memory_space<hbm>>
    tpu.enqueue_indirect_dma source(%dma_start3A_243 : memref<1000000x32xf32, #tpu.memory_space<hbm>>) target(%dma_start3A_233 : memref<100x32xf32, #tpu.memory_space<vmem>>) offsets(%dma_start3A_240 : memref<100xi32, #tpu.memory_space<vmem>>) semaphore(%arg8 : memref<!tpu.dma_semaphore, #tpu.memory_space<semaphore_mem>>)
    %dma_start3A_244 = arith.constant 0 : i32
    %dma_start3A_245 = arith.constant 12 : i32
    %dma_start3A_246 = arith.constant 0 : i32
    %dma_start3A_247 = arith.constant 0 : i32
    %dma_start3A_248 = arith.constant 0 : i32
    %dma_start3A_249 = tpu.memref_slice %arg6[%dma_start3A_246, %dma_start3A_247, %dma_start3A_248] : memref<2x1600x32xf32, #tpu.memory_space<vmem>> -> memref<1x1600x32xf32, #tpu.memory_space<vmem>>
    %dma_start3A_250 = tpu.memref_squeeze %dma_start3A_249 : memref<1x1600x32xf32, #tpu.memory_space<vmem>> -> memref<1600x32xf32, #tpu.memory_space<vmem>>
    %dma_start3A_251 = arith.constant 1200 : i32
    %dma_start3A_252 = arith.constant 0 : i32
    %dma_start3A_253 = tpu.memref_slice %dma_start3A_250[%dma_start3A_251, %dma_start3A_252] : memref<1600x32xf32, #tpu.memory_space<vmem>> -> memref<100x32xf32, #tpu.memory_space<vmem>>
    %dma_start3A_254 = arith.constant 0 : i32
    %dma_start3A_255 = arith.constant 0 : i32
    %dma_start3A_256 = tpu.memref_slice %arg5[%dma_start3A_244, %dma_start3A_254, %dma_start3A_255] : memref<2x16x100xi32, #tpu.memory_space<vmem>> -> memref<1x16x100xi32, #tpu.memory_space<vmem>>
    %dma_start3A_257 = tpu.memref_squeeze %dma_start3A_256 : memref<1x16x100xi32, #tpu.memory_space<vmem>> -> memref<16x100xi32, #tpu.memory_space<vmem>>
    %dma_start3A_258 = arith.constant 0 : i32
    %dma_start3A_259 = tpu.memref_slice %dma_start3A_257[%dma_start3A_245, %dma_start3A_258] : memref<16x100xi32, #tpu.memory_space<vmem>> -> memref<1x100xi32, #tpu.memory_space<vmem>>
    %dma_start3A_260 = tpu.memref_squeeze %dma_start3A_259 : memref<1x100xi32, #tpu.memory_space<vmem>> -> memref<100xi32, #tpu.memory_space<vmem>>
    %dma_start3A_261 = arith.constant 0 : i32
    %dma_start3A_262 = arith.constant 0 : i32
    %dma_start3A_263 = tpu.memref_slice %arg3[%dma_start3A_261, %dma_start3A_262] : memref<1000000x32xf32, #tpu.memory_space<hbm>> -> memref<1000000x32xf32, #tpu.memory_space<hbm>>
    tpu.enqueue_indirect_dma source(%dma_start3A_263 : memref<1000000x32xf32, #tpu.memory_space<hbm>>) target(%dma_start3A_253 : memref<100x32xf32, #tpu.memory_space<vmem>>) offsets(%dma_start3A_260 : memref<100xi32, #tpu.memory_space<vmem>>) semaphore(%arg8 : memref<!tpu.dma_semaphore, #tpu.memory_space<semaphore_mem>>)
    %dma_start3A_264 = arith.constant 0 : i32
    %dma_start3A_265 = arith.constant 13 : i32
    %dma_start3A_266 = arith.constant 0 : i32
    %dma_start3A_267 = arith.constant 0 : i32
    %dma_start3A_268 = arith.constant 0 : i32
    %dma_start3A_269 = tpu.memref_slice %arg6[%dma_start3A_266, %dma_start3A_267, %dma_start3A_268] : memref<2x1600x32xf32, #tpu.memory_space<vmem>> -> memref<1x1600x32xf32, #tpu.memory_space<vmem>>
    %dma_start3A_270 = tpu.memref_squeeze %dma_start3A_269 : memref<1x1600x32xf32, #tpu.memory_space<vmem>> -> memref<1600x32xf32, #tpu.memory_space<vmem>>
    %dma_start3A_271 = arith.constant 1300 : i32
    %dma_start3A_272 = arith.constant 0 : i32
    %dma_start3A_273 = tpu.memref_slice %dma_start3A_270[%dma_start3A_271, %dma_start3A_272] : memref<1600x32xf32, #tpu.memory_space<vmem>> -> memref<100x32xf32, #tpu.memory_space<vmem>>
    %dma_start3A_274 = arith.constant 0 : i32
    %dma_start3A_275 = arith.constant 0 : i32
    %dma_start3A_276 = tpu.memref_slice %arg5[%dma_start3A_264, %dma_start3A_274, %dma_start3A_275] : memref<2x16x100xi32, #tpu.memory_space<vmem>> -> memref<1x16x100xi32, #tpu.memory_space<vmem>>
    %dma_start3A_277 = tpu.memref_squeeze %dma_start3A_276 : memref<1x16x100xi32, #tpu.memory_space<vmem>> -> memref<16x100xi32, #tpu.memory_space<vmem>>
    %dma_start3A_278 = arith.constant 0 : i32
    %dma_start3A_279 = tpu.memref_slice %dma_start3A_277[%dma_start3A_265, %dma_start3A_278] : memref<16x100xi32, #tpu.memory_space<vmem>> -> memref<1x100xi32, #tpu.memory_space<vmem>>
    %dma_start3A_280 = tpu.memref_squeeze %dma_start3A_279 : memref<1x100xi32, #tpu.memory_space<vmem>> -> memref<100xi32, #tpu.memory_space<vmem>>
    %dma_start3A_281 = arith.constant 0 : i32
    %dma_start3A_282 = arith.constant 0 : i32
    %dma_start3A_283 = tpu.memref_slice %arg3[%dma_start3A_281, %dma_start3A_282] : memref<1000000x32xf32, #tpu.memory_space<hbm>> -> memref<1000000x32xf32, #tpu.memory_space<hbm>>
    tpu.enqueue_indirect_dma source(%dma_start3A_283 : memref<1000000x32xf32, #tpu.memory_space<hbm>>) target(%dma_start3A_273 : memref<100x32xf32, #tpu.memory_space<vmem>>) offsets(%dma_start3A_280 : memref<100xi32, #tpu.memory_space<vmem>>) semaphore(%arg8 : memref<!tpu.dma_semaphore, #tpu.memory_space<semaphore_mem>>)
    %dma_start3A_284 = arith.constant 0 : i32
    %dma_start3A_285 = arith.constant 14 : i32
    %dma_start3A_286 = arith.constant 0 : i32
    %dma_start3A_287 = arith.constant 0 : i32
    %dma_start3A_288 = arith.constant 0 : i32
    %dma_start3A_289 = tpu.memref_slice %arg6[%dma_start3A_286, %dma_start3A_287, %dma_start3A_288] : memref<2x1600x32xf32, #tpu.memory_space<vmem>> -> memref<1x1600x32xf32, #tpu.memory_space<vmem>>
    %dma_start3A_290 = tpu.memref_squeeze %dma_start3A_289 : memref<1x1600x32xf32, #tpu.memory_space<vmem>> -> memref<1600x32xf32, #tpu.memory_space<vmem>>
    %dma_start3A_291 = arith.constant 1400 : i32
    %dma_start3A_292 = arith.constant 0 : i32
    %dma_start3A_293 = tpu.memref_slice %dma_start3A_290[%dma_start3A_291, %dma_start3A_292] : memref<1600x32xf32, #tpu.memory_space<vmem>> -> memref<100x32xf32, #tpu.memory_space<vmem>>
    %dma_start3A_294 = arith.constant 0 : i32
    %dma_start3A_295 = arith.constant 0 : i32
    %dma_start3A_296 = tpu.memref_slice %arg5[%dma_start3A_284, %dma_start3A_294, %dma_start3A_295] : memref<2x16x100xi32, #tpu.memory_space<vmem>> -> memref<1x16x100xi32, #tpu.memory_space<vmem>>
    %dma_start3A_297 = tpu.memref_squeeze %dma_start3A_296 : memref<1x16x100xi32, #tpu.memory_space<vmem>> -> memref<16x100xi32, #tpu.memory_space<vmem>>
    %dma_start3A_298 = arith.constant 0 : i32
    %dma_start3A_299 = tpu.memref_slice %dma_start3A_297[%dma_start3A_285, %dma_start3A_298] : memref<16x100xi32, #tpu.memory_space<vmem>> -> memref<1x100xi32, #tpu.memory_space<vmem>>
    %dma_start3A_300 = tpu.memref_squeeze %dma_start3A_299 : memref<1x100xi32, #tpu.memory_space<vmem>> -> memref<100xi32, #tpu.memory_space<vmem>>
    %dma_start3A_301 = arith.constant 0 : i32
    %dma_start3A_302 = arith.constant 0 : i32
    %dma_start3A_303 = tpu.memref_slice %arg3[%dma_start3A_301, %dma_start3A_302] : memref<1000000x32xf32, #tpu.memory_space<hbm>> -> memref<1000000x32xf32, #tpu.memory_space<hbm>>
    tpu.enqueue_indirect_dma source(%dma_start3A_303 : memref<1000000x32xf32, #tpu.memory_space<hbm>>) target(%dma_start3A_293 : memref<100x32xf32, #tpu.memory_space<vmem>>) offsets(%dma_start3A_300 : memref<100xi32, #tpu.memory_space<vmem>>) semaphore(%arg8 : memref<!tpu.dma_semaphore, #tpu.memory_space<semaphore_mem>>)
    %dma_start3A_304 = arith.constant 0 : i32
    %dma_start3A_305 = arith.constant 15 : i32
    %dma_start3A_306 = arith.constant 0 : i32
    %dma_start3A_307 = arith.constant 0 : i32
    %dma_start3A_308 = arith.constant 0 : i32
    %dma_start3A_309 = tpu.memref_slice %arg6[%dma_start3A_306, %dma_start3A_307, %dma_start3A_308] : memref<2x1600x32xf32, #tpu.memory_space<vmem>> -> memref<1x1600x32xf32, #tpu.memory_space<vmem>>
    %dma_start3A_310 = tpu.memref_squeeze %dma_start3A_309 : memref<1x1600x32xf32, #tpu.memory_space<vmem>> -> memref<1600x32xf32, #tpu.memory_space<vmem>>
    %dma_start3A_311 = arith.constant 1500 : i32
    %dma_start3A_312 = arith.constant 0 : i32
    %dma_start3A_313 = tpu.memref_slice %dma_start3A_310[%dma_start3A_311, %dma_start3A_312] : memref<1600x32xf32, #tpu.memory_space<vmem>> -> memref<100x32xf32, #tpu.memory_space<vmem>>
    %dma_start3A_314 = arith.constant 0 : i32
    %dma_start3A_315 = arith.constant 0 : i32
    %dma_start3A_316 = tpu.memref_slice %arg5[%dma_start3A_304, %dma_start3A_314, %dma_start3A_315] : memref<2x16x100xi32, #tpu.memory_space<vmem>> -> memref<1x16x100xi32, #tpu.memory_space<vmem>>
    %dma_start3A_317 = tpu.memref_squeeze %dma_start3A_316 : memref<1x16x100xi32, #tpu.memory_space<vmem>> -> memref<16x100xi32, #tpu.memory_space<vmem>>
    %dma_start3A_318 = arith.constant 0 : i32
    %dma_start3A_319 = tpu.memref_slice %dma_start3A_317[%dma_start3A_305, %dma_start3A_318] : memref<16x100xi32, #tpu.memory_space<vmem>> -> memref<1x100xi32, #tpu.memory_space<vmem>>
    %dma_start3A_320 = tpu.memref_squeeze %dma_start3A_319 : memref<1x100xi32, #tpu.memory_space<vmem>> -> memref<100xi32, #tpu.memory_space<vmem>>
    %dma_start3A_321 = arith.constant 0 : i32
    %dma_start3A_322 = arith.constant 0 : i32
    %dma_start3A_323 = tpu.memref_slice %arg3[%dma_start3A_321, %dma_start3A_322] : memref<1000000x32xf32, #tpu.memory_space<hbm>> -> memref<1000000x32xf32, #tpu.memory_space<hbm>>
    tpu.enqueue_indirect_dma source(%dma_start3A_323 : memref<1000000x32xf32, #tpu.memory_space<hbm>>) target(%dma_start3A_313 : memref<100x32xf32, #tpu.memory_space<vmem>>) offsets(%dma_start3A_320 : memref<100xi32, #tpu.memory_space<vmem>>) semaphore(%arg8 : memref<!tpu.dma_semaphore, #tpu.memory_space<semaphore_mem>>)
    %scan3A = arith.constant 0 : i32
    %scan3A_324 = arith.constant 0 : i32
    %scan3A_325 = arith.constant 8 : i32
    %scan3A_326 = arith.addi %scan3A_324, %scan3A_325 : i32
    %scan3A_327 = arith.constant 1 : i32
    scf.for %scan3A_329 = %scan3A_324 to %scan3A_326 step %scan3A_327  : i32 {
      %mul3A_330 = arith.constant 2 : i32
      %mul3A_331 = arith.muli %mul3A_330, %scan3A_329 : i32
      %add3A_332 = arith.constant 1 : i32
      %add3A_333 = arith.addi %mul3A_331, %add3A_332 : i32
      %mul3A_334 = arith.constant 16 : i32
      %mul3A_335 = arith.muli %add3A, %mul3A_334 : i32
      %add3A_336 = arith.addi %mul3A_335, %add3A_333 : i32
      %run_scoped3A_337 = arith.constant 1 : i32
      "tpu.region"() ({
        %run_scoped3A_715 = tpu.sem_alloc : memref<!tpu.dma_semaphore, #tpu.memory_space<semaphore_mem>>
        %dma_start3A_716 = arith.constant 0 : i32
        %dma_start3A_717 = arith.constant 0 : i32
        %dma_start3A_718 = tpu.memref_slice %arg5[%run_scoped3A_337, %dma_start3A_716, %dma_start3A_717] : memref<2x16x100xi32, #tpu.memory_space<vmem>> -> memref<1x16x100xi32, #tpu.memory_space<vmem>>
        %dma_start3A_719 = tpu.memref_squeeze %dma_start3A_718 : memref<1x16x100xi32, #tpu.memory_space<vmem>> -> memref<16x100xi32, #tpu.memory_space<vmem>>
        %dma_start3A_720 = arith.constant 0 : i32
        %dma_start3A_721 = arith.constant 0 : i32
        %dma_start3A_722 = tpu.memref_slice %arg2[%add3A_336, %dma_start3A_720, %dma_start3A_721] : memref<512x16x100xi32, #tpu.memory_space<hbm>> -> memref<1x16x100xi32, #tpu.memory_space<hbm>>
        %dma_start3A_723 = tpu.memref_squeeze %dma_start3A_722 : memref<1x16x100xi32, #tpu.memory_space<hbm>> -> memref<16x100xi32, #tpu.memory_space<hbm>>
        %dma_start3A_724 = arith.constant 0 : i32
        %dma_start3A_725 = arith.constant 0 : i32
        %dma_start3A_726 = tpu.memref_slice %arg5[%run_scoped3A_337, %dma_start3A_724, %dma_start3A_725] : memref<2x16x100xi32, #tpu.memory_space<vmem>> -> memref<1x16x100xi32, #tpu.memory_space<vmem>>
        %dma_start3A_727 = tpu.memref_squeeze %dma_start3A_726 : memref<1x16x100xi32, #tpu.memory_space<vmem>> -> memref<16x100xi32, #tpu.memory_space<vmem>>
        %dma_start3A_728 = arith.constant 0 : i32
        %dma_start3A_729 = arith.constant 0 : i32
        %dma_start3A_730 = tpu.memref_slice %arg2[%add3A_336, %dma_start3A_728, %dma_start3A_729] : memref<512x16x100xi32, #tpu.memory_space<hbm>> -> memref<1x16x100xi32, #tpu.memory_space<hbm>>
        %dma_start3A_731 = tpu.memref_squeeze %dma_start3A_730 : memref<1x16x100xi32, #tpu.memory_space<hbm>> -> memref<16x100xi32, #tpu.memory_space<hbm>>
        tpu.enqueue_dma source(%dma_start3A_731 : memref<16x100xi32, #tpu.memory_space<hbm>>) target(%dma_start3A_727 : memref<16x100xi32, #tpu.memory_space<vmem>>) target_semaphore(%run_scoped3A_715 : memref<!tpu.dma_semaphore, #tpu.memory_space<semaphore_mem>>)
        %dma_wait3A_732 = arith.constant 0 : i32
        %dma_wait3A_733 = arith.constant 0 : i32
        %dma_wait3A_734 = tpu.memref_slice %arg5[%run_scoped3A_337, %dma_wait3A_732, %dma_wait3A_733] : memref<2x16x100xi32, #tpu.memory_space<vmem>> -> memref<1x16x100xi32, #tpu.memory_space<vmem>>
        %dma_wait3A_735 = tpu.memref_squeeze %dma_wait3A_734 : memref<1x16x100xi32, #tpu.memory_space<vmem>> -> memref<16x100xi32, #tpu.memory_space<vmem>>
        %dma_wait3A_736 = arith.constant 0 : i32
        %dma_wait3A_737 = arith.constant 0 : i32
        %dma_wait3A_738 = tpu.memref_slice %arg2[%add3A_336, %dma_wait3A_736, %dma_wait3A_737] : memref<512x16x100xi32, #tpu.memory_space<hbm>> -> memref<1x16x100xi32, #tpu.memory_space<hbm>>
        %dma_wait3A_739 = tpu.memref_squeeze %dma_wait3A_738 : memref<1x16x100xi32, #tpu.memory_space<hbm>> -> memref<16x100xi32, #tpu.memory_space<hbm>>
        %dma_wait3A_740 = arith.constant 0 : i32
        %dma_wait3A_741 = arith.constant 0 : i32
        %dma_wait3A_742 = tpu.memref_slice %arg5[%run_scoped3A_337, %dma_wait3A_740, %dma_wait3A_741] : memref<2x16x100xi32, #tpu.memory_space<vmem>> -> memref<1x16x100xi32, #tpu.memory_space<vmem>>
        %dma_wait3A_743 = tpu.memref_squeeze %dma_wait3A_742 : memref<1x16x100xi32, #tpu.memory_space<vmem>> -> memref<16x100xi32, #tpu.memory_space<vmem>>
        %dma_wait3A_744 = arith.constant 0 : i32
        %dma_wait3A_745 = arith.constant 0 : i32
        %dma_wait3A_746 = tpu.memref_slice %arg2[%add3A_336, %dma_wait3A_744, %dma_wait3A_745] : memref<512x16x100xi32, #tpu.memory_space<hbm>> -> memref<1x16x100xi32, #tpu.memory_space<hbm>>
        %dma_wait3A_747 = tpu.memref_squeeze %dma_wait3A_746 : memref<1x16x100xi32, #tpu.memory_space<hbm>> -> memref<16x100xi32, #tpu.memory_space<hbm>>
        tpu.wait_dma2 semaphore(%run_scoped3A_715 : memref<!tpu.dma_semaphore, #tpu.memory_space<semaphore_mem>>) src(%dma_wait3A_747 : memref<16x100xi32, #tpu.memory_space<hbm>>) dst(%dma_wait3A_743 : memref<16x100xi32, #tpu.memory_space<vmem>>)
        tpu.yield
      }) : () -> ()
      %dma_start3A_338 = arith.constant 1 : i32
      %dma_start3A_339 = arith.constant 0 : i32
      %dma_start3A_340 = arith.constant 1 : i32
      %dma_start3A_341 = arith.constant 0 : i32
      %dma_start3A_342 = arith.constant 0 : i32
      %dma_start3A_343 = tpu.memref_slice %arg6[%dma_start3A_340, %dma_start3A_341, %dma_start3A_342] : memref<2x1600x32xf32, #tpu.memory_space<vmem>> -> memref<1x1600x32xf32, #tpu.memory_space<vmem>>
      %dma_start3A_344 = tpu.memref_squeeze %dma_start3A_343 : memref<1x1600x32xf32, #tpu.memory_space<vmem>> -> memref<1600x32xf32, #tpu.memory_space<vmem>>
      %dma_start3A_345 = arith.constant 0 : i32
      %dma_start3A_346 = arith.constant 0 : i32
      %dma_start3A_347 = tpu.memref_slice %dma_start3A_344[%dma_start3A_345, %dma_start3A_346] : memref<1600x32xf32, #tpu.memory_space<vmem>> -> memref<100x32xf32, #tpu.memory_space<vmem>>
      %dma_start3A_348 = arith.constant 0 : i32
      %dma_start3A_349 = arith.constant 0 : i32
      %dma_start3A_350 = tpu.memref_slice %arg5[%dma_start3A_338, %dma_start3A_348, %dma_start3A_349] : memref<2x16x100xi32, #tpu.memory_space<vmem>> -> memref<1x16x100xi32, #tpu.memory_space<vmem>>
      %dma_start3A_351 = tpu.memref_squeeze %dma_start3A_350 : memref<1x16x100xi32, #tpu.memory_space<vmem>> -> memref<16x100xi32, #tpu.memory_space<vmem>>
      %dma_start3A_352 = arith.constant 0 : i32
      %dma_start3A_353 = tpu.memref_slice %dma_start3A_351[%dma_start3A_339, %dma_start3A_352] : memref<16x100xi32, #tpu.memory_space<vmem>> -> memref<1x100xi32, #tpu.memory_space<vmem>>
      %dma_start3A_354 = tpu.memref_squeeze %dma_start3A_353 : memref<1x100xi32, #tpu.memory_space<vmem>> -> memref<100xi32, #tpu.memory_space<vmem>>
      %dma_start3A_355 = arith.constant 0 : i32
      %dma_start3A_356 = arith.constant 0 : i32
      %dma_start3A_357 = tpu.memref_slice %arg3[%dma_start3A_355, %dma_start3A_356] : memref<1000000x32xf32, #tpu.memory_space<hbm>> -> memref<1000000x32xf32, #tpu.memory_space<hbm>>
      tpu.enqueue_indirect_dma source(%dma_start3A_357 : memref<1000000x32xf32, #tpu.memory_space<hbm>>) target(%dma_start3A_347 : memref<100x32xf32, #tpu.memory_space<vmem>>) offsets(%dma_start3A_354 : memref<100xi32, #tpu.memory_space<vmem>>) semaphore(%arg9 : memref<!tpu.dma_semaphore, #tpu.memory_space<semaphore_mem>>)
      %dma_start3A_358 = arith.constant 1 : i32
      %dma_start3A_359 = arith.constant 1 : i32
      %dma_start3A_360 = arith.constant 1 : i32
      %dma_start3A_361 = arith.constant 0 : i32
      %dma_start3A_362 = arith.constant 0 : i32
      %dma_start3A_363 = tpu.memref_slice %arg6[%dma_start3A_360, %dma_start3A_361, %dma_start3A_362] : memref<2x1600x32xf32, #tpu.memory_space<vmem>> -> memref<1x1600x32xf32, #tpu.memory_space<vmem>>
      %dma_start3A_364 = tpu.memref_squeeze %dma_start3A_363 : memref<1x1600x32xf32, #tpu.memory_space<vmem>> -> memref<1600x32xf32, #tpu.memory_space<vmem>>
      %dma_start3A_365 = arith.constant 100 : i32
      %dma_start3A_366 = arith.constant 0 : i32
      %dma_start3A_367 = tpu.memref_slice %dma_start3A_364[%dma_start3A_365, %dma_start3A_366] : memref<1600x32xf32, #tpu.memory_space<vmem>> -> memref<100x32xf32, #tpu.memory_space<vmem>>
      %dma_start3A_368 = arith.constant 0 : i32
      %dma_start3A_369 = arith.constant 0 : i32
      %dma_start3A_370 = tpu.memref_slice %arg5[%dma_start3A_358, %dma_start3A_368, %dma_start3A_369] : memref<2x16x100xi32, #tpu.memory_space<vmem>> -> memref<1x16x100xi32, #tpu.memory_space<vmem>>
      %dma_start3A_371 = tpu.memref_squeeze %dma_start3A_370 : memref<1x16x100xi32, #tpu.memory_space<vmem>> -> memref<16x100xi32, #tpu.memory_space<vmem>>
      %dma_start3A_372 = arith.constant 0 : i32
      %dma_start3A_373 = tpu.memref_slice %dma_start3A_371[%dma_start3A_359, %dma_start3A_372] : memref<16x100xi32, #tpu.memory_space<vmem>> -> memref<1x100xi32, #tpu.memory_space<vmem>>
      %dma_start3A_374 = tpu.memref_squeeze %dma_start3A_373 : memref<1x100xi32, #tpu.memory_space<vmem>> -> memref<100xi32, #tpu.memory_space<vmem>>
      %dma_start3A_375 = arith.constant 0 : i32
      %dma_start3A_376 = arith.constant 0 : i32
      %dma_start3A_377 = tpu.memref_slice %arg3[%dma_start3A_375, %dma_start3A_376] : memref<1000000x32xf32, #tpu.memory_space<hbm>> -> memref<1000000x32xf32, #tpu.memory_space<hbm>>
      tpu.enqueue_indirect_dma source(%dma_start3A_377 : memref<1000000x32xf32, #tpu.memory_space<hbm>>) target(%dma_start3A_367 : memref<100x32xf32, #tpu.memory_space<vmem>>) offsets(%dma_start3A_374 : memref<100xi32, #tpu.memory_space<vmem>>) semaphore(%arg9 : memref<!tpu.dma_semaphore, #tpu.memory_space<semaphore_mem>>)
      %dma_start3A_378 = arith.constant 1 : i32
      %dma_start3A_379 = arith.constant 2 : i32
      %dma_start3A_380 = arith.constant 1 : i32
      %dma_start3A_381 = arith.constant 0 : i32
      %dma_start3A_382 = arith.constant 0 : i32
      %dma_start3A_383 = tpu.memref_slice %arg6[%dma_start3A_380, %dma_start3A_381, %dma_start3A_382] : memref<2x1600x32xf32, #tpu.memory_space<vmem>> -> memref<1x1600x32xf32, #tpu.memory_space<vmem>>
      %dma_start3A_384 = tpu.memref_squeeze %dma_start3A_383 : memref<1x1600x32xf32, #tpu.memory_space<vmem>> -> memref<1600x32xf32, #tpu.memory_space<vmem>>
      %dma_start3A_385 = arith.constant 200 : i32
      %dma_start3A_386 = arith.constant 0 : i32
      %dma_start3A_387 = tpu.memref_slice %dma_start3A_384[%dma_start3A_385, %dma_start3A_386] : memref<1600x32xf32, #tpu.memory_space<vmem>> -> memref<100x32xf32, #tpu.memory_space<vmem>>
      %dma_start3A_388 = arith.constant 0 : i32
      %dma_start3A_389 = arith.constant 0 : i32
      %dma_start3A_390 = tpu.memref_slice %arg5[%dma_start3A_378, %dma_start3A_388, %dma_start3A_389] : memref<2x16x100xi32, #tpu.memory_space<vmem>> -> memref<1x16x100xi32, #tpu.memory_space<vmem>>
      %dma_start3A_391 = tpu.memref_squeeze %dma_start3A_390 : memref<1x16x100xi32, #tpu.memory_space<vmem>> -> memref<16x100xi32, #tpu.memory_space<vmem>>
      %dma_start3A_392 = arith.constant 0 : i32
      %dma_start3A_393 = tpu.memref_slice %dma_start3A_391[%dma_start3A_379, %dma_start3A_392] : memref<16x100xi32, #tpu.memory_space<vmem>> -> memref<1x100xi32, #tpu.memory_space<vmem>>
      %dma_start3A_394 = tpu.memref_squeeze %dma_start3A_393 : memref<1x100xi32, #tpu.memory_space<vmem>> -> memref<100xi32, #tpu.memory_space<vmem>>
      %dma_start3A_395 = arith.constant 0 : i32
      %dma_start3A_396 = arith.constant 0 : i32
      %dma_start3A_397 = tpu.memref_slice %arg3[%dma_start3A_395, %dma_start3A_396] : memref<1000000x32xf32, #tpu.memory_space<hbm>> -> memref<1000000x32xf32, #tpu.memory_space<hbm>>
      tpu.enqueue_indirect_dma source(%dma_start3A_397 : memref<1000000x32xf32, #tpu.memory_space<hbm>>) target(%dma_start3A_387 : memref<100x32xf32, #tpu.memory_space<vmem>>) offsets(%dma_start3A_394 : memref<100xi32, #tpu.memory_space<vmem>>) semaphore(%arg9 : memref<!tpu.dma_semaphore, #tpu.memory_space<semaphore_mem>>)
      %dma_start3A_398 = arith.constant 1 : i32
      %dma_start3A_399 = arith.constant 3 : i32
      %dma_start3A_400 = arith.constant 1 : i32
      %dma_start3A_401 = arith.constant 0 : i32
      %dma_start3A_402 = arith.constant 0 : i32
      %dma_start3A_403 = tpu.memref_slice %arg6[%dma_start3A_400, %dma_start3A_401, %dma_start3A_402] : memref<2x1600x32xf32, #tpu.memory_space<vmem>> -> memref<1x1600x32xf32, #tpu.memory_space<vmem>>
      %dma_start3A_404 = tpu.memref_squeeze %dma_start3A_403 : memref<1x1600x32xf32, #tpu.memory_space<vmem>> -> memref<1600x32xf32, #tpu.memory_space<vmem>>
      %dma_start3A_405 = arith.constant 300 : i32
      %dma_start3A_406 = arith.constant 0 : i32
      %dma_start3A_407 = tpu.memref_slice %dma_start3A_404[%dma_start3A_405, %dma_start3A_406] : memref<1600x32xf32, #tpu.memory_space<vmem>> -> memref<100x32xf32, #tpu.memory_space<vmem>>
      %dma_start3A_408 = arith.constant 0 : i32
      %dma_start3A_409 = arith.constant 0 : i32
      %dma_start3A_410 = tpu.memref_slice %arg5[%dma_start3A_398, %dma_start3A_408, %dma_start3A_409] : memref<2x16x100xi32, #tpu.memory_space<vmem>> -> memref<1x16x100xi32, #tpu.memory_space<vmem>>
      %dma_start3A_411 = tpu.memref_squeeze %dma_start3A_410 : memref<1x16x100xi32, #tpu.memory_space<vmem>> -> memref<16x100xi32, #tpu.memory_space<vmem>>
      %dma_start3A_412 = arith.constant 0 : i32
      %dma_start3A_413 = tpu.memref_slice %dma_start3A_411[%dma_start3A_399, %dma_start3A_412] : memref<16x100xi32, #tpu.memory_space<vmem>> -> memref<1x100xi32, #tpu.memory_space<vmem>>
      %dma_start3A_414 = tpu.memref_squeeze %dma_start3A_413 : memref<1x100xi32, #tpu.memory_space<vmem>> -> memref<100xi32, #tpu.memory_space<vmem>>
      %dma_start3A_415 = arith.constant 0 : i32
      %dma_start3A_416 = arith.constant 0 : i32
      %dma_start3A_417 = tpu.memref_slice %arg3[%dma_start3A_415, %dma_start3A_416] : memref<1000000x32xf32, #tpu.memory_space<hbm>> -> memref<1000000x32xf32, #tpu.memory_space<hbm>>
      tpu.enqueue_indirect_dma source(%dma_start3A_417 : memref<1000000x32xf32, #tpu.memory_space<hbm>>) target(%dma_start3A_407 : memref<100x32xf32, #tpu.memory_space<vmem>>) offsets(%dma_start3A_414 : memref<100xi32, #tpu.memory_space<vmem>>) semaphore(%arg9 : memref<!tpu.dma_semaphore, #tpu.memory_space<semaphore_mem>>)
      %dma_start3A_418 = arith.constant 1 : i32
      %dma_start3A_419 = arith.constant 4 : i32
      %dma_start3A_420 = arith.constant 1 : i32
      %dma_start3A_421 = arith.constant 0 : i32
      %dma_start3A_422 = arith.constant 0 : i32
      %dma_start3A_423 = tpu.memref_slice %arg6[%dma_start3A_420, %dma_start3A_421, %dma_start3A_422] : memref<2x1600x32xf32, #tpu.memory_space<vmem>> -> memref<1x1600x32xf32, #tpu.memory_space<vmem>>
      %dma_start3A_424 = tpu.memref_squeeze %dma_start3A_423 : memref<1x1600x32xf32, #tpu.memory_space<vmem>> -> memref<1600x32xf32, #tpu.memory_space<vmem>>
      %dma_start3A_425 = arith.constant 400 : i32
      %dma_start3A_426 = arith.constant 0 : i32
      %dma_start3A_427 = tpu.memref_slice %dma_start3A_424[%dma_start3A_425, %dma_start3A_426] : memref<1600x32xf32, #tpu.memory_space<vmem>> -> memref<100x32xf32, #tpu.memory_space<vmem>>
      %dma_start3A_428 = arith.constant 0 : i32
      %dma_start3A_429 = arith.constant 0 : i32
      %dma_start3A_430 = tpu.memref_slice %arg5[%dma_start3A_418, %dma_start3A_428, %dma_start3A_429] : memref<2x16x100xi32, #tpu.memory_space<vmem>> -> memref<1x16x100xi32, #tpu.memory_space<vmem>>
      %dma_start3A_431 = tpu.memref_squeeze %dma_start3A_430 : memref<1x16x100xi32, #tpu.memory_space<vmem>> -> memref<16x100xi32, #tpu.memory_space<vmem>>
      %dma_start3A_432 = arith.constant 0 : i32
      %dma_start3A_433 = tpu.memref_slice %dma_start3A_431[%dma_start3A_419, %dma_start3A_432] : memref<16x100xi32, #tpu.memory_space<vmem>> -> memref<1x100xi32, #tpu.memory_space<vmem>>
      %dma_start3A_434 = tpu.memref_squeeze %dma_start3A_433 : memref<1x100xi32, #tpu.memory_space<vmem>> -> memref<100xi32, #tpu.memory_space<vmem>>
      %dma_start3A_435 = arith.constant 0 : i32
      %dma_start3A_436 = arith.constant 0 : i32
      %dma_start3A_437 = tpu.memref_slice %arg3[%dma_start3A_435, %dma_start3A_436] : memref<1000000x32xf32, #tpu.memory_space<hbm>> -> memref<1000000x32xf32, #tpu.memory_space<hbm>>
      tpu.enqueue_indirect_dma source(%dma_start3A_437 : memref<1000000x32xf32, #tpu.memory_space<hbm>>) target(%dma_start3A_427 : memref<100x32xf32, #tpu.memory_space<vmem>>) offsets(%dma_start3A_434 : memref<100xi32, #tpu.memory_space<vmem>>) semaphore(%arg9 : memref<!tpu.dma_semaphore, #tpu.memory_space<semaphore_mem>>)
      %dma_start3A_438 = arith.constant 1 : i32
      %dma_start3A_439 = arith.constant 5 : i32
      %dma_start3A_440 = arith.constant 1 : i32
      %dma_start3A_441 = arith.constant 0 : i32
      %dma_start3A_442 = arith.constant 0 : i32
      %dma_start3A_443 = tpu.memref_slice %arg6[%dma_start3A_440, %dma_start3A_441, %dma_start3A_442] : memref<2x1600x32xf32, #tpu.memory_space<vmem>> -> memref<1x1600x32xf32, #tpu.memory_space<vmem>>
      %dma_start3A_444 = tpu.memref_squeeze %dma_start3A_443 : memref<1x1600x32xf32, #tpu.memory_space<vmem>> -> memref<1600x32xf32, #tpu.memory_space<vmem>>
      %dma_start3A_445 = arith.constant 500 : i32
      %dma_start3A_446 = arith.constant 0 : i32
      %dma_start3A_447 = tpu.memref_slice %dma_start3A_444[%dma_start3A_445, %dma_start3A_446] : memref<1600x32xf32, #tpu.memory_space<vmem>> -> memref<100x32xf32, #tpu.memory_space<vmem>>
      %dma_start3A_448 = arith.constant 0 : i32
      %dma_start3A_449 = arith.constant 0 : i32
      %dma_start3A_450 = tpu.memref_slice %arg5[%dma_start3A_438, %dma_start3A_448, %dma_start3A_449] : memref<2x16x100xi32, #tpu.memory_space<vmem>> -> memref<1x16x100xi32, #tpu.memory_space<vmem>>
      %dma_start3A_451 = tpu.memref_squeeze %dma_start3A_450 : memref<1x16x100xi32, #tpu.memory_space<vmem>> -> memref<16x100xi32, #tpu.memory_space<vmem>>
      %dma_start3A_452 = arith.constant 0 : i32
      %dma_start3A_453 = tpu.memref_slice %dma_start3A_451[%dma_start3A_439, %dma_start3A_452] : memref<16x100xi32, #tpu.memory_space<vmem>> -> memref<1x100xi32, #tpu.memory_space<vmem>>
      %dma_start3A_454 = tpu.memref_squeeze %dma_start3A_453 : memref<1x100xi32, #tpu.memory_space<vmem>> -> memref<100xi32, #tpu.memory_space<vmem>>
      %dma_start3A_455 = arith.constant 0 : i32
      %dma_start3A_456 = arith.constant 0 : i32
      %dma_start3A_457 = tpu.memref_slice %arg3[%dma_start3A_455, %dma_start3A_456] : memref<1000000x32xf32, #tpu.memory_space<hbm>> -> memref<1000000x32xf32, #tpu.memory_space<hbm>>
      tpu.enqueue_indirect_dma source(%dma_start3A_457 : memref<1000000x32xf32, #tpu.memory_space<hbm>>) target(%dma_start3A_447 : memref<100x32xf32, #tpu.memory_space<vmem>>) offsets(%dma_start3A_454 : memref<100xi32, #tpu.memory_space<vmem>>) semaphore(%arg9 : memref<!tpu.dma_semaphore, #tpu.memory_space<semaphore_mem>>)
      %dma_start3A_458 = arith.constant 1 : i32
      %dma_start3A_459 = arith.constant 6 : i32
      %dma_start3A_460 = arith.constant 1 : i32
      %dma_start3A_461 = arith.constant 0 : i32
      %dma_start3A_462 = arith.constant 0 : i32
      %dma_start3A_463 = tpu.memref_slice %arg6[%dma_start3A_460, %dma_start3A_461, %dma_start3A_462] : memref<2x1600x32xf32, #tpu.memory_space<vmem>> -> memref<1x1600x32xf32, #tpu.memory_space<vmem>>
      %dma_start3A_464 = tpu.memref_squeeze %dma_start3A_463 : memref<1x1600x32xf32, #tpu.memory_space<vmem>> -> memref<1600x32xf32, #tpu.memory_space<vmem>>
      %dma_start3A_465 = arith.constant 600 : i32
      %dma_start3A_466 = arith.constant 0 : i32
      %dma_start3A_467 = tpu.memref_slice %dma_start3A_464[%dma_start3A_465, %dma_start3A_466] : memref<1600x32xf32, #tpu.memory_space<vmem>> -> memref<100x32xf32, #tpu.memory_space<vmem>>
      %dma_start3A_468 = arith.constant 0 : i32
      %dma_start3A_469 = arith.constant 0 : i32
      %dma_start3A_470 = tpu.memref_slice %arg5[%dma_start3A_458, %dma_start3A_468, %dma_start3A_469] : memref<2x16x100xi32, #tpu.memory_space<vmem>> -> memref<1x16x100xi32, #tpu.memory_space<vmem>>
      %dma_start3A_471 = tpu.memref_squeeze %dma_start3A_470 : memref<1x16x100xi32, #tpu.memory_space<vmem>> -> memref<16x100xi32, #tpu.memory_space<vmem>>
      %dma_start3A_472 = arith.constant 0 : i32
      %dma_start3A_473 = tpu.memref_slice %dma_start3A_471[%dma_start3A_459, %dma_start3A_472] : memref<16x100xi32, #tpu.memory_space<vmem>> -> memref<1x100xi32, #tpu.memory_space<vmem>>
      %dma_start3A_474 = tpu.memref_squeeze %dma_start3A_473 : memref<1x100xi32, #tpu.memory_space<vmem>> -> memref<100xi32, #tpu.memory_space<vmem>>
      %dma_start3A_475 = arith.constant 0 : i32
      %dma_start3A_476 = arith.constant 0 : i32
      %dma_start3A_477 = tpu.memref_slice %arg3[%dma_start3A_475, %dma_start3A_476] : memref<1000000x32xf32, #tpu.memory_space<hbm>> -> memref<1000000x32xf32, #tpu.memory_space<hbm>>
      tpu.enqueue_indirect_dma source(%dma_start3A_477 : memref<1000000x32xf32, #tpu.memory_space<hbm>>) target(%dma_start3A_467 : memref<100x32xf32, #tpu.memory_space<vmem>>) offsets(%dma_start3A_474 : memref<100xi32, #tpu.memory_space<vmem>>) semaphore(%arg9 : memref<!tpu.dma_semaphore, #tpu.memory_space<semaphore_mem>>)
      %dma_start3A_478 = arith.constant 1 : i32
      %dma_start3A_479 = arith.constant 7 : i32
      %dma_start3A_480 = arith.constant 1 : i32
      %dma_start3A_481 = arith.constant 0 : i32
      %dma_start3A_482 = arith.constant 0 : i32
      %dma_start3A_483 = tpu.memref_slice %arg6[%dma_start3A_480, %dma_start3A_481, %dma_start3A_482] : memref<2x1600x32xf32, #tpu.memory_space<vmem>> -> memref<1x1600x32xf32, #tpu.memory_space<vmem>>
      %dma_start3A_484 = tpu.memref_squeeze %dma_start3A_483 : memref<1x1600x32xf32, #tpu.memory_space<vmem>> -> memref<1600x32xf32, #tpu.memory_space<vmem>>
      %dma_start3A_485 = arith.constant 700 : i32
      %dma_start3A_486 = arith.constant 0 : i32
      %dma_start3A_487 = tpu.memref_slice %dma_start3A_484[%dma_start3A_485, %dma_start3A_486] : memref<1600x32xf32, #tpu.memory_space<vmem>> -> memref<100x32xf32, #tpu.memory_space<vmem>>
      %dma_start3A_488 = arith.constant 0 : i32
      %dma_start3A_489 = arith.constant 0 : i32
      %dma_start3A_490 = tpu.memref_slice %arg5[%dma_start3A_478, %dma_start3A_488, %dma_start3A_489] : memref<2x16x100xi32, #tpu.memory_space<vmem>> -> memref<1x16x100xi32, #tpu.memory_space<vmem>>
      %dma_start3A_491 = tpu.memref_squeeze %dma_start3A_490 : memref<1x16x100xi32, #tpu.memory_space<vmem>> -> memref<16x100xi32, #tpu.memory_space<vmem>>
      %dma_start3A_492 = arith.constant 0 : i32
      %dma_start3A_493 = tpu.memref_slice %dma_start3A_491[%dma_start3A_479, %dma_start3A_492] : memref<16x100xi32, #tpu.memory_space<vmem>> -> memref<1x100xi32, #tpu.memory_space<vmem>>
      %dma_start3A_494 = tpu.memref_squeeze %dma_start3A_493 : memref<1x100xi32, #tpu.memory_space<vmem>> -> memref<100xi32, #tpu.memory_space<vmem>>
      %dma_start3A_495 = arith.constant 0 : i32
      %dma_start3A_496 = arith.constant 0 : i32
      %dma_start3A_497 = tpu.memref_slice %arg3[%dma_start3A_495, %dma_start3A_496] : memref<1000000x32xf32, #tpu.memory_space<hbm>> -> memref<1000000x32xf32, #tpu.memory_space<hbm>>
      tpu.enqueue_indirect_dma source(%dma_start3A_497 : memref<1000000x32xf32, #tpu.memory_space<hbm>>) target(%dma_start3A_487 : memref<100x32xf32, #tpu.memory_space<vmem>>) offsets(%dma_start3A_494 : memref<100xi32, #tpu.memory_space<vmem>>) semaphore(%arg9 : memref<!tpu.dma_semaphore, #tpu.memory_space<semaphore_mem>>)
      %dma_start3A_498 = arith.constant 1 : i32
      %dma_start3A_499 = arith.constant 8 : i32
      %dma_start3A_500 = arith.constant 1 : i32
      %dma_start3A_501 = arith.constant 0 : i32
      %dma_start3A_502 = arith.constant 0 : i32
      %dma_start3A_503 = tpu.memref_slice %arg6[%dma_start3A_500, %dma_start3A_501, %dma_start3A_502] : memref<2x1600x32xf32, #tpu.memory_space<vmem>> -> memref<1x1600x32xf32, #tpu.memory_space<vmem>>
      %dma_start3A_504 = tpu.memref_squeeze %dma_start3A_503 : memref<1x1600x32xf32, #tpu.memory_space<vmem>> -> memref<1600x32xf32, #tpu.memory_space<vmem>>
      %dma_start3A_505 = arith.constant 800 : i32
      %dma_start3A_506 = arith.constant 0 : i32
      %dma_start3A_507 = tpu.memref_slice %dma_start3A_504[%dma_start3A_505, %dma_start3A_506] : memref<1600x32xf32, #tpu.memory_space<vmem>> -> memref<100x32xf32, #tpu.memory_space<vmem>>
      %dma_start3A_508 = arith.constant 0 : i32
      %dma_start3A_509 = arith.constant 0 : i32
      %dma_start3A_510 = tpu.memref_slice %arg5[%dma_start3A_498, %dma_start3A_508, %dma_start3A_509] : memref<2x16x100xi32, #tpu.memory_space<vmem>> -> memref<1x16x100xi32, #tpu.memory_space<vmem>>
      %dma_start3A_511 = tpu.memref_squeeze %dma_start3A_510 : memref<1x16x100xi32, #tpu.memory_space<vmem>> -> memref<16x100xi32, #tpu.memory_space<vmem>>
      %dma_start3A_512 = arith.constant 0 : i32
      %dma_start3A_513 = tpu.memref_slice %dma_start3A_511[%dma_start3A_499, %dma_start3A_512] : memref<16x100xi32, #tpu.memory_space<vmem>> -> memref<1x100xi32, #tpu.memory_space<vmem>>
      %dma_start3A_514 = tpu.memref_squeeze %dma_start3A_513 : memref<1x100xi32, #tpu.memory_space<vmem>> -> memref<100xi32, #tpu.memory_space<vmem>>
      %dma_start3A_515 = arith.constant 0 : i32
      %dma_start3A_516 = arith.constant 0 : i32
      %dma_start3A_517 = tpu.memref_slice %arg3[%dma_start3A_515, %dma_start3A_516] : memref<1000000x32xf32, #tpu.memory_space<hbm>> -> memref<1000000x32xf32, #tpu.memory_space<hbm>>
      tpu.enqueue_indirect_dma source(%dma_start3A_517 : memref<1000000x32xf32, #tpu.memory_space<hbm>>) target(%dma_start3A_507 : memref<100x32xf32, #tpu.memory_space<vmem>>) offsets(%dma_start3A_514 : memref<100xi32, #tpu.memory_space<vmem>>) semaphore(%arg9 : memref<!tpu.dma_semaphore, #tpu.memory_space<semaphore_mem>>)
      %dma_start3A_518 = arith.constant 1 : i32
      %dma_start3A_519 = arith.constant 9 : i32
      %dma_start3A_520 = arith.constant 1 : i32
      %dma_start3A_521 = arith.constant 0 : i32
      %dma_start3A_522 = arith.constant 0 : i32
      %dma_start3A_523 = tpu.memref_slice %arg6[%dma_start3A_520, %dma_start3A_521, %dma_start3A_522] : memref<2x1600x32xf32, #tpu.memory_space<vmem>> -> memref<1x1600x32xf32, #tpu.memory_space<vmem>>
      %dma_start3A_524 = tpu.memref_squeeze %dma_start3A_523 : memref<1x1600x32xf32, #tpu.memory_space<vmem>> -> memref<1600x32xf32, #tpu.memory_space<vmem>>
      %dma_start3A_525 = arith.constant 900 : i32
      %dma_start3A_526 = arith.constant 0 : i32
      %dma_start3A_527 = tpu.memref_slice %dma_start3A_524[%dma_start3A_525, %dma_start3A_526] : memref<1600x32xf32, #tpu.memory_space<vmem>> -> memref<100x32xf32, #tpu.memory_space<vmem>>
      %dma_start3A_528 = arith.constant 0 : i32
      %dma_start3A_529 = arith.constant 0 : i32
      %dma_start3A_530 = tpu.memref_slice %arg5[%dma_start3A_518, %dma_start3A_528, %dma_start3A_529] : memref<2x16x100xi32, #tpu.memory_space<vmem>> -> memref<1x16x100xi32, #tpu.memory_space<vmem>>
      %dma_start3A_531 = tpu.memref_squeeze %dma_start3A_530 : memref<1x16x100xi32, #tpu.memory_space<vmem>> -> memref<16x100xi32, #tpu.memory_space<vmem>>
      %dma_start3A_532 = arith.constant 0 : i32
      %dma_start3A_533 = tpu.memref_slice %dma_start3A_531[%dma_start3A_519, %dma_start3A_532] : memref<16x100xi32, #tpu.memory_space<vmem>> -> memref<1x100xi32, #tpu.memory_space<vmem>>
      %dma_start3A_534 = tpu.memref_squeeze %dma_start3A_533 : memref<1x100xi32, #tpu.memory_space<vmem>> -> memref<100xi32, #tpu.memory_space<vmem>>
      %dma_start3A_535 = arith.constant 0 : i32
      %dma_start3A_536 = arith.constant 0 : i32
      %dma_start3A_537 = tpu.memref_slice %arg3[%dma_start3A_535, %dma_start3A_536] : memref<1000000x32xf32, #tpu.memory_space<hbm>> -> memref<1000000x32xf32, #tpu.memory_space<hbm>>
      tpu.enqueue_indirect_dma source(%dma_start3A_537 : memref<1000000x32xf32, #tpu.memory_space<hbm>>) target(%dma_start3A_527 : memref<100x32xf32, #tpu.memory_space<vmem>>) offsets(%dma_start3A_534 : memref<100xi32, #tpu.memory_space<vmem>>) semaphore(%arg9 : memref<!tpu.dma_semaphore, #tpu.memory_space<semaphore_mem>>)
      %dma_start3A_538 = arith.constant 1 : i32
      %dma_start3A_539 = arith.constant 10 : i32
      %dma_start3A_540 = arith.constant 1 : i32
      %dma_start3A_541 = arith.constant 0 : i32
      %dma_start3A_542 = arith.constant 0 : i32
      %dma_start3A_543 = tpu.memref_slice %arg6[%dma_start3A_540, %dma_start3A_541, %dma_start3A_542] : memref<2x1600x32xf32, #tpu.memory_space<vmem>> -> memref<1x1600x32xf32, #tpu.memory_space<vmem>>
      %dma_start3A_544 = tpu.memref_squeeze %dma_start3A_543 : memref<1x1600x32xf32, #tpu.memory_space<vmem>> -> memref<1600x32xf32, #tpu.memory_space<vmem>>
      %dma_start3A_545 = arith.constant 1000 : i32
      %dma_start3A_546 = arith.constant 0 : i32
      %dma_start3A_547 = tpu.memref_slice %dma_start3A_544[%dma_start3A_545, %dma_start3A_546] : memref<1600x32xf32, #tpu.memory_space<vmem>> -> memref<100x32xf32, #tpu.memory_space<vmem>>
      %dma_start3A_548 = arith.constant 0 : i32
      %dma_start3A_549 = arith.constant 0 : i32
      %dma_start3A_550 = tpu.memref_slice %arg5[%dma_start3A_538, %dma_start3A_548, %dma_start3A_549] : memref<2x16x100xi32, #tpu.memory_space<vmem>> -> memref<1x16x100xi32, #tpu.memory_space<vmem>>
      %dma_start3A_551 = tpu.memref_squeeze %dma_start3A_550 : memref<1x16x100xi32, #tpu.memory_space<vmem>> -> memref<16x100xi32, #tpu.memory_space<vmem>>
      %dma_start3A_552 = arith.constant 0 : i32
      %dma_start3A_553 = tpu.memref_slice %dma_start3A_551[%dma_start3A_539, %dma_start3A_552] : memref<16x100xi32, #tpu.memory_space<vmem>> -> memref<1x100xi32, #tpu.memory_space<vmem>>
      %dma_start3A_554 = tpu.memref_squeeze %dma_start3A_553 : memref<1x100xi32, #tpu.memory_space<vmem>> -> memref<100xi32, #tpu.memory_space<vmem>>
      %dma_start3A_555 = arith.constant 0 : i32
      %dma_start3A_556 = arith.constant 0 : i32
      %dma_start3A_557 = tpu.memref_slice %arg3[%dma_start3A_555, %dma_start3A_556] : memref<1000000x32xf32, #tpu.memory_space<hbm>> -> memref<1000000x32xf32, #tpu.memory_space<hbm>>
      tpu.enqueue_indirect_dma source(%dma_start3A_557 : memref<1000000x32xf32, #tpu.memory_space<hbm>>) target(%dma_start3A_547 : memref<100x32xf32, #tpu.memory_space<vmem>>) offsets(%dma_start3A_554 : memref<100xi32, #tpu.memory_space<vmem>>) semaphore(%arg9 : memref<!tpu.dma_semaphore, #tpu.memory_space<semaphore_mem>>)
      %dma_start3A_558 = arith.constant 1 : i32
      %dma_start3A_559 = arith.constant 11 : i32
      %dma_start3A_560 = arith.constant 1 : i32
      %dma_start3A_561 = arith.constant 0 : i32
      %dma_start3A_562 = arith.constant 0 : i32
      %dma_start3A_563 = tpu.memref_slice %arg6[%dma_start3A_560, %dma_start3A_561, %dma_start3A_562] : memref<2x1600x32xf32, #tpu.memory_space<vmem>> -> memref<1x1600x32xf32, #tpu.memory_space<vmem>>
      %dma_start3A_564 = tpu.memref_squeeze %dma_start3A_563 : memref<1x1600x32xf32, #tpu.memory_space<vmem>> -> memref<1600x32xf32, #tpu.memory_space<vmem>>
      %dma_start3A_565 = arith.constant 1100 : i32
      %dma_start3A_566 = arith.constant 0 : i32
      %dma_start3A_567 = tpu.memref_slice %dma_start3A_564[%dma_start3A_565, %dma_start3A_566] : memref<1600x32xf32, #tpu.memory_space<vmem>> -> memref<100x32xf32, #tpu.memory_space<vmem>>
      %dma_start3A_568 = arith.constant 0 : i32
      %dma_start3A_569 = arith.constant 0 : i32
      %dma_start3A_570 = tpu.memref_slice %arg5[%dma_start3A_558, %dma_start3A_568, %dma_start3A_569] : memref<2x16x100xi32, #tpu.memory_space<vmem>> -> memref<1x16x100xi32, #tpu.memory_space<vmem>>
      %dma_start3A_571 = tpu.memref_squeeze %dma_start3A_570 : memref<1x16x100xi32, #tpu.memory_space<vmem>> -> memref<16x100xi32, #tpu.memory_space<vmem>>
      %dma_start3A_572 = arith.constant 0 : i32
      %dma_start3A_573 = tpu.memref_slice %dma_start3A_571[%dma_start3A_559, %dma_start3A_572] : memref<16x100xi32, #tpu.memory_space<vmem>> -> memref<1x100xi32, #tpu.memory_space<vmem>>
      %dma_start3A_574 = tpu.memref_squeeze %dma_start3A_573 : memref<1x100xi32, #tpu.memory_space<vmem>> -> memref<100xi32, #tpu.memory_space<vmem>>
      %dma_start3A_575 = arith.constant 0 : i32
      %dma_start3A_576 = arith.constant 0 : i32
      %dma_start3A_577 = tpu.memref_slice %arg3[%dma_start3A_575, %dma_start3A_576] : memref<1000000x32xf32, #tpu.memory_space<hbm>> -> memref<1000000x32xf32, #tpu.memory_space<hbm>>
      tpu.enqueue_indirect_dma source(%dma_start3A_577 : memref<1000000x32xf32, #tpu.memory_space<hbm>>) target(%dma_start3A_567 : memref<100x32xf32, #tpu.memory_space<vmem>>) offsets(%dma_start3A_574 : memref<100xi32, #tpu.memory_space<vmem>>) semaphore(%arg9 : memref<!tpu.dma_semaphore, #tpu.memory_space<semaphore_mem>>)
      %dma_start3A_578 = arith.constant 1 : i32
      %dma_start3A_579 = arith.constant 12 : i32
      %dma_start3A_580 = arith.constant 1 : i32
      %dma_start3A_581 = arith.constant 0 : i32
      %dma_start3A_582 = arith.constant 0 : i32
      %dma_start3A_583 = tpu.memref_slice %arg6[%dma_start3A_580, %dma_start3A_581, %dma_start3A_582] : memref<2x1600x32xf32, #tpu.memory_space<vmem>> -> memref<1x1600x32xf32, #tpu.memory_space<vmem>>
      %dma_start3A_584 = tpu.memref_squeeze %dma_start3A_583 : memref<1x1600x32xf32, #tpu.memory_space<vmem>> -> memref<1600x32xf32, #tpu.memory_space<vmem>>
      %dma_start3A_585 = arith.constant 1200 : i32
      %dma_start3A_586 = arith.constant 0 : i32
      %dma_start3A_587 = tpu.memref_slice %dma_start3A_584[%dma_start3A_585, %dma_start3A_586] : memref<1600x32xf32, #tpu.memory_space<vmem>> -> memref<100x32xf32, #tpu.memory_space<vmem>>
      %dma_start3A_588 = arith.constant 0 : i32
      %dma_start3A_589 = arith.constant 0 : i32
      %dma_start3A_590 = tpu.memref_slice %arg5[%dma_start3A_578, %dma_start3A_588, %dma_start3A_589] : memref<2x16x100xi32, #tpu.memory_space<vmem>> -> memref<1x16x100xi32, #tpu.memory_space<vmem>>
      %dma_start3A_591 = tpu.memref_squeeze %dma_start3A_590 : memref<1x16x100xi32, #tpu.memory_space<vmem>> -> memref<16x100xi32, #tpu.memory_space<vmem>>
      %dma_start3A_592 = arith.constant 0 : i32
      %dma_start3A_593 = tpu.memref_slice %dma_start3A_591[%dma_start3A_579, %dma_start3A_592] : memref<16x100xi32, #tpu.memory_space<vmem>> -> memref<1x100xi32, #tpu.memory_space<vmem>>
      %dma_start3A_594 = tpu.memref_squeeze %dma_start3A_593 : memref<1x100xi32, #tpu.memory_space<vmem>> -> memref<100xi32, #tpu.memory_space<vmem>>
      %dma_start3A_595 = arith.constant 0 : i32
      %dma_start3A_596 = arith.constant 0 : i32
      %dma_start3A_597 = tpu.memref_slice %arg3[%dma_start3A_595, %dma_start3A_596] : memref<1000000x32xf32, #tpu.memory_space<hbm>> -> memref<1000000x32xf32, #tpu.memory_space<hbm>>
      tpu.enqueue_indirect_dma source(%dma_start3A_597 : memref<1000000x32xf32, #tpu.memory_space<hbm>>) target(%dma_start3A_587 : memref<100x32xf32, #tpu.memory_space<vmem>>) offsets(%dma_start3A_594 : memref<100xi32, #tpu.memory_space<vmem>>) semaphore(%arg9 : memref<!tpu.dma_semaphore, #tpu.memory_space<semaphore_mem>>)
      %dma_start3A_598 = arith.constant 1 : i32
      %dma_start3A_599 = arith.constant 13 : i32
      %dma_start3A_600 = arith.constant 1 : i32
      %dma_start3A_601 = arith.constant 0 : i32
      %dma_start3A_602 = arith.constant 0 : i32
      %dma_start3A_603 = tpu.memref_slice %arg6[%dma_start3A_600, %dma_start3A_601, %dma_start3A_602] : memref<2x1600x32xf32, #tpu.memory_space<vmem>> -> memref<1x1600x32xf32, #tpu.memory_space<vmem>>
      %dma_start3A_604 = tpu.memref_squeeze %dma_start3A_603 : memref<1x1600x32xf32, #tpu.memory_space<vmem>> -> memref<1600x32xf32, #tpu.memory_space<vmem>>
      %dma_start3A_605 = arith.constant 1300 : i32
      %dma_start3A_606 = arith.constant 0 : i32
      %dma_start3A_607 = tpu.memref_slice %dma_start3A_604[%dma_start3A_605, %dma_start3A_606] : memref<1600x32xf32, #tpu.memory_space<vmem>> -> memref<100x32xf32, #tpu.memory_space<vmem>>
      %dma_start3A_608 = arith.constant 0 : i32
      %dma_start3A_609 = arith.constant 0 : i32
      %dma_start3A_610 = tpu.memref_slice %arg5[%dma_start3A_598, %dma_start3A_608, %dma_start3A_609] : memref<2x16x100xi32, #tpu.memory_space<vmem>> -> memref<1x16x100xi32, #tpu.memory_space<vmem>>
      %dma_start3A_611 = tpu.memref_squeeze %dma_start3A_610 : memref<1x16x100xi32, #tpu.memory_space<vmem>> -> memref<16x100xi32, #tpu.memory_space<vmem>>
      %dma_start3A_612 = arith.constant 0 : i32
      %dma_start3A_613 = tpu.memref_slice %dma_start3A_611[%dma_start3A_599, %dma_start3A_612] : memref<16x100xi32, #tpu.memory_space<vmem>> -> memref<1x100xi32, #tpu.memory_space<vmem>>
      %dma_start3A_614 = tpu.memref_squeeze %dma_start3A_613 : memref<1x100xi32, #tpu.memory_space<vmem>> -> memref<100xi32, #tpu.memory_space<vmem>>
      %dma_start3A_615 = arith.constant 0 : i32
      %dma_start3A_616 = arith.constant 0 : i32
      %dma_start3A_617 = tpu.memref_slice %arg3[%dma_start3A_615, %dma_start3A_616] : memref<1000000x32xf32, #tpu.memory_space<hbm>> -> memref<1000000x32xf32, #tpu.memory_space<hbm>>
      tpu.enqueue_indirect_dma source(%dma_start3A_617 : memref<1000000x32xf32, #tpu.memory_space<hbm>>) target(%dma_start3A_607 : memref<100x32xf32, #tpu.memory_space<vmem>>) offsets(%dma_start3A_614 : memref<100xi32, #tpu.memory_space<vmem>>) semaphore(%arg9 : memref<!tpu.dma_semaphore, #tpu.memory_space<semaphore_mem>>)
      %dma_start3A_618 = arith.constant 1 : i32
      %dma_start3A_619 = arith.constant 14 : i32
      %dma_start3A_620 = arith.constant 1 : i32
      %dma_start3A_621 = arith.constant 0 : i32
      %dma_start3A_622 = arith.constant 0 : i32
      %dma_start3A_623 = tpu.memref_slice %arg6[%dma_start3A_620, %dma_start3A_621, %dma_start3A_622] : memref<2x1600x32xf32, #tpu.memory_space<vmem>> -> memref<1x1600x32xf32, #tpu.memory_space<vmem>>
      %dma_start3A_624 = tpu.memref_squeeze %dma_start3A_623 : memref<1x1600x32xf32, #tpu.memory_space<vmem>> -> memref<1600x32xf32, #tpu.memory_space<vmem>>
      %dma_start3A_625 = arith.constant 1400 : i32
      %dma_start3A_626 = arith.constant 0 : i32
      %dma_start3A_627 = tpu.memref_slice %dma_start3A_624[%dma_start3A_625, %dma_start3A_626] : memref<1600x32xf32, #tpu.memory_space<vmem>> -> memref<100x32xf32, #tpu.memory_space<vmem>>
      %dma_start3A_628 = arith.constant 0 : i32
      %dma_start3A_629 = arith.constant 0 : i32
      %dma_start3A_630 = tpu.memref_slice %arg5[%dma_start3A_618, %dma_start3A_628, %dma_start3A_629] : memref<2x16x100xi32, #tpu.memory_space<vmem>> -> memref<1x16x100xi32, #tpu.memory_space<vmem>>
      %dma_start3A_631 = tpu.memref_squeeze %dma_start3A_630 : memref<1x16x100xi32, #tpu.memory_space<vmem>> -> memref<16x100xi32, #tpu.memory_space<vmem>>
      %dma_start3A_632 = arith.constant 0 : i32
      %dma_start3A_633 = tpu.memref_slice %dma_start3A_631[%dma_start3A_619, %dma_start3A_632] : memref<16x100xi32, #tpu.memory_space<vmem>> -> memref<1x100xi32, #tpu.memory_space<vmem>>
      %dma_start3A_634 = tpu.memref_squeeze %dma_start3A_633 : memref<1x100xi32, #tpu.memory_space<vmem>> -> memref<100xi32, #tpu.memory_space<vmem>>
      %dma_start3A_635 = arith.constant 0 : i32
      %dma_start3A_636 = arith.constant 0 : i32
      %dma_start3A_637 = tpu.memref_slice %arg3[%dma_start3A_635, %dma_start3A_636] : memref<1000000x32xf32, #tpu.memory_space<hbm>> -> memref<1000000x32xf32, #tpu.memory_space<hbm>>
      tpu.enqueue_indirect_dma source(%dma_start3A_637 : memref<1000000x32xf32, #tpu.memory_space<hbm>>) target(%dma_start3A_627 : memref<100x32xf32, #tpu.memory_space<vmem>>) offsets(%dma_start3A_634 : memref<100xi32, #tpu.memory_space<vmem>>) semaphore(%arg9 : memref<!tpu.dma_semaphore, #tpu.memory_space<semaphore_mem>>)
      %dma_start3A_638 = arith.constant 1 : i32
      %dma_start3A_639 = arith.constant 15 : i32
      %dma_start3A_640 = arith.constant 1 : i32
      %dma_start3A_641 = arith.constant 0 : i32
      %dma_start3A_642 = arith.constant 0 : i32
      %dma_start3A_643 = tpu.memref_slice %arg6[%dma_start3A_640, %dma_start3A_641, %dma_start3A_642] : memref<2x1600x32xf32, #tpu.memory_space<vmem>> -> memref<1x1600x32xf32, #tpu.memory_space<vmem>>
      %dma_start3A_644 = tpu.memref_squeeze %dma_start3A_643 : memref<1x1600x32xf32, #tpu.memory_space<vmem>> -> memref<1600x32xf32, #tpu.memory_space<vmem>>
      %dma_start3A_645 = arith.constant 1500 : i32
      %dma_start3A_646 = arith.constant 0 : i32
      %dma_start3A_647 = tpu.memref_slice %dma_start3A_644[%dma_start3A_645, %dma_start3A_646] : memref<1600x32xf32, #tpu.memory_space<vmem>> -> memref<100x32xf32, #tpu.memory_space<vmem>>
      %dma_start3A_648 = arith.constant 0 : i32
      %dma_start3A_649 = arith.constant 0 : i32
      %dma_start3A_650 = tpu.memref_slice %arg5[%dma_start3A_638, %dma_start3A_648, %dma_start3A_649] : memref<2x16x100xi32, #tpu.memory_space<vmem>> -> memref<1x16x100xi32, #tpu.memory_space<vmem>>
      %dma_start3A_651 = tpu.memref_squeeze %dma_start3A_650 : memref<1x16x100xi32, #tpu.memory_space<vmem>> -> memref<16x100xi32, #tpu.memory_space<vmem>>
      %dma_start3A_652 = arith.constant 0 : i32
      %dma_start3A_653 = tpu.memref_slice %dma_start3A_651[%dma_start3A_639, %dma_start3A_652] : memref<16x100xi32, #tpu.memory_space<vmem>> -> memref<1x100xi32, #tpu.memory_space<vmem>>
      %dma_start3A_654 = tpu.memref_squeeze %dma_start3A_653 : memref<1x100xi32, #tpu.memory_space<vmem>> -> memref<100xi32, #tpu.memory_space<vmem>>
      %dma_start3A_655 = arith.constant 0 : i32
      %dma_start3A_656 = arith.constant 0 : i32
      %dma_start3A_657 = tpu.memref_slice %arg3[%dma_start3A_655, %dma_start3A_656] : memref<1000000x32xf32, #tpu.memory_space<hbm>> -> memref<1000000x32xf32, #tpu.memory_space<hbm>>
      tpu.enqueue_indirect_dma source(%dma_start3A_657 : memref<1000000x32xf32, #tpu.memory_space<hbm>>) target(%dma_start3A_647 : memref<100x32xf32, #tpu.memory_space<vmem>>) offsets(%dma_start3A_654 : memref<100xi32, #tpu.memory_space<vmem>>) semaphore(%arg9 : memref<!tpu.dma_semaphore, #tpu.memory_space<semaphore_mem>>)
      %dma_wait3A = arith.constant 0 : i32
      %dma_wait3A_658 = arith.constant 0 : i32
      %dma_wait3A_659 = arith.constant 0 : i32
      %dma_wait3A_660 = tpu.memref_slice %arg6[%dma_wait3A, %dma_wait3A_658, %dma_wait3A_659] : memref<2x1600x32xf32, #tpu.memory_space<vmem>> -> memref<1x1600x32xf32, #tpu.memory_space<vmem>>
      %dma_wait3A_661 = tpu.memref_squeeze %dma_wait3A_660 : memref<1x1600x32xf32, #tpu.memory_space<vmem>> -> memref<1600x32xf32, #tpu.memory_space<vmem>>
      %dma_wait3A_662 = arith.constant 0 : i32
      %dma_wait3A_663 = arith.constant 0 : i32
      %dma_wait3A_664 = tpu.memref_slice %arg3[%dma_wait3A_662, %dma_wait3A_663] : memref<1000000x32xf32, #tpu.memory_space<hbm>> -> memref<1600x32xf32, #tpu.memory_space<hbm>>
      %dma_wait3A_665 = arith.constant 0 : i32
      %dma_wait3A_666 = arith.constant 0 : i32
      %dma_wait3A_667 = tpu.memref_slice %arg6[%dma_wait3A, %dma_wait3A_665, %dma_wait3A_666] : memref<2x1600x32xf32, #tpu.memory_space<vmem>> -> memref<1x1600x32xf32, #tpu.memory_space<vmem>>
      %dma_wait3A_668 = tpu.memref_squeeze %dma_wait3A_667 : memref<1x1600x32xf32, #tpu.memory_space<vmem>> -> memref<1600x32xf32, #tpu.memory_space<vmem>>
      %dma_wait3A_669 = arith.constant 0 : i32
      %dma_wait3A_670 = arith.constant 0 : i32
      %dma_wait3A_671 = tpu.memref_slice %arg3[%dma_wait3A_669, %dma_wait3A_670] : memref<1000000x32xf32, #tpu.memory_space<hbm>> -> memref<1600x32xf32, #tpu.memory_space<hbm>>
      tpu.wait_dma2 semaphore(%arg8 : memref<!tpu.dma_semaphore, #tpu.memory_space<semaphore_mem>>) src(%dma_wait3A_671 : memref<1600x32xf32, #tpu.memory_space<hbm>>) dst(%dma_wait3A_668 : memref<1600x32xf32, #tpu.memory_space<vmem>>)
      %scan3A_672 = arith.constant 0 : i32
      %scan3A_673 = arith.constant 0 : i32
      %scan3A_674 = arith.constant 32 : i32
      %scan3A_675 = arith.addi %scan3A_673, %scan3A_674 : i32
      %scan3A_676 = arith.constant 1 : i32
      scf.for %scan3A_715 = %scan3A_673 to %scan3A_675 step %scan3A_676  : i32 {
        %mul3A_716 = arith.constant 50 : i32
        %mul3A_717 = arith.muli %scan3A_715, %mul3A_716 : i32
        %broadcast_in_dim3A = arith.constant 0.000000e+00 : f32
        %broadcast_in_dim3A_718 = vector.broadcast %broadcast_in_dim3A : f32 to vector<16xf32>
        %scan3A_719 = arith.constant 0 : i32
        %add3A_720 = arith.addi %mul3A_717, %scan3A_719 : i32
        %get3A = arith.constant 0 : i32
        %get3A_721 = arith.index_cast %get3A : i32 to index
        %get3A_722 = arith.index_cast %add3A_720 : i32 to index
        %get3A_723 = arith.constant 0 : index
        %get3A_724 = tpu.vector_load %arg6[%get3A_721, %get3A_722, %get3A_723] {strides = array<i32>} : memref<2x1600x32xf32, #tpu.memory_space<vmem>>, vector<1x1x16xf32>,
        %get3A_725 = vector.shape_cast %get3A_724 : vector<1x1x16xf32> to vector<16xf32>
        %add3A_726 = arith.addf %broadcast_in_dim3A_718, %get3A_725 : vector<16xf32>
        %get3A_727 = arith.constant 0 : i32
        %get3A_728 = arith.index_cast %get3A_727 : i32 to index
        %get3A_729 = arith.index_cast %add3A_720 : i32 to index
        %get3A_730 = arith.constant 16 : index
        %get3A_731 = tpu.vector_load %arg6[%get3A_728, %get3A_729, %get3A_730] {strides = array<i32>} : memref<2x1600x32xf32, #tpu.memory_space<vmem>>, vector<1x1x16xf32>,
        %get3A_732 = vector.shape_cast %get3A_731 : vector<1x1x16xf32> to vector<16xf32>
        %add3A_733 = arith.addf %broadcast_in_dim3A_718, %get3A_732 : vector<16xf32>
        %scan3A_734 = arith.constant 1 : i32
        %add3A_735 = arith.addi %mul3A_717, %scan3A_734 : i32
        %get3A_736 = arith.constant 0 : i32
        %get3A_737 = arith.index_cast %get3A_736 : i32 to index
        %get3A_738 = arith.index_cast %add3A_735 : i32 to index
        %get3A_739 = arith.constant 0 : index
        %get3A_740 = tpu.vector_load %arg6[%get3A_737, %get3A_738, %get3A_739] {strides = array<i32>} : memref<2x1600x32xf32, #tpu.memory_space<vmem>>, vector<1x1x16xf32>,
        %get3A_741 = vector.shape_cast %get3A_740 : vector<1x1x16xf32> to vector<16xf32>
        %add3A_742 = arith.addf %add3A_726, %get3A_741 : vector<16xf32>
        %get3A_743 = arith.constant 0 : i32
        %get3A_744 = arith.index_cast %get3A_743 : i32 to index
        %get3A_745 = arith.index_cast %add3A_735 : i32 to index
        %get3A_746 = arith.constant 16 : index
        %get3A_747 = tpu.vector_load %arg6[%get3A_744, %get3A_745, %get3A_746] {strides = array<i32>} : memref<2x1600x32xf32, #tpu.memory_space<vmem>>, vector<1x1x16xf32>,
        %get3A_748 = vector.shape_cast %get3A_747 : vector<1x1x16xf32> to vector<16xf32>
        %add3A_749 = arith.addf %add3A_733, %get3A_748 : vector<16xf32>
        %scan3A_750 = arith.constant 2 : i32
        %add3A_751 = arith.addi %mul3A_717, %scan3A_750 : i32
        %get3A_752 = arith.constant 0 : i32
        %get3A_753 = arith.index_cast %get3A_752 : i32 to index
        %get3A_754 = arith.index_cast %add3A_751 : i32 to index
        %get3A_755 = arith.constant 0 : index
        %get3A_756 = tpu.vector_load %arg6[%get3A_753, %get3A_754, %get3A_755] {strides = array<i32>} : memref<2x1600x32xf32, #tpu.memory_space<vmem>>, vector<1x1x16xf32>,
        %get3A_757 = vector.shape_cast %get3A_756 : vector<1x1x16xf32> to vector<16xf32>
        %add3A_758 = arith.addf %add3A_742, %get3A_757 : vector<16xf32>
        %get3A_759 = arith.constant 0 : i32
        %get3A_760 = arith.index_cast %get3A_759 : i32 to index
        %get3A_761 = arith.index_cast %add3A_751 : i32 to index
        %get3A_762 = arith.constant 16 : index
        %get3A_763 = tpu.vector_load %arg6[%get3A_760, %get3A_761, %get3A_762] {strides = array<i32>} : memref<2x1600x32xf32, #tpu.memory_space<vmem>>, vector<1x1x16xf32>,
        %get3A_764 = vector.shape_cast %get3A_763 : vector<1x1x16xf32> to vector<16xf32>
        %add3A_765 = arith.addf %add3A_749, %get3A_764 : vector<16xf32>
        %scan3A_766 = arith.constant 3 : i32
        %add3A_767 = arith.addi %mul3A_717, %scan3A_766 : i32
        %get3A_768 = arith.constant 0 : i32
        %get3A_769 = arith.index_cast %get3A_768 : i32 to index
        %get3A_770 = arith.index_cast %add3A_767 : i32 to index
        %get3A_771 = arith.constant 0 : index
        %get3A_772 = tpu.vector_load %arg6[%get3A_769, %get3A_770, %get3A_771] {strides = array<i32>} : memref<2x1600x32xf32, #tpu.memory_space<vmem>>, vector<1x1x16xf32>,
        %get3A_773 = vector.shape_cast %get3A_772 : vector<1x1x16xf32> to vector<16xf32>
        %add3A_774 = arith.addf %add3A_758, %get3A_773 : vector<16xf32>
        %get3A_775 = arith.constant 0 : i32
        %get3A_776 = arith.index_cast %get3A_775 : i32 to index
        %get3A_777 = arith.index_cast %add3A_767 : i32 to index
        %get3A_778 = arith.constant 16 : index
        %get3A_779 = tpu.vector_load %arg6[%get3A_776, %get3A_777, %get3A_778] {strides = array<i32>} : memref<2x1600x32xf32, #tpu.memory_space<vmem>>, vector<1x1x16xf32>,
        %get3A_780 = vector.shape_cast %get3A_779 : vector<1x1x16xf32> to vector<16xf32>
        %add3A_781 = arith.addf %add3A_765, %get3A_780 : vector<16xf32>
        %scan3A_782 = arith.constant 4 : i32
        %add3A_783 = arith.addi %mul3A_717, %scan3A_782 : i32
        %get3A_784 = arith.constant 0 : i32
        %get3A_785 = arith.index_cast %get3A_784 : i32 to index
        %get3A_786 = arith.index_cast %add3A_783 : i32 to index
        %get3A_787 = arith.constant 0 : index
        %get3A_788 = tpu.vector_load %arg6[%get3A_785, %get3A_786, %get3A_787] {strides = array<i32>} : memref<2x1600x32xf32, #tpu.memory_space<vmem>>, vector<1x1x16xf32>,
        %get3A_789 = vector.shape_cast %get3A_788 : vector<1x1x16xf32> to vector<16xf32>
        %add3A_790 = arith.addf %add3A_774, %get3A_789 : vector<16xf32>
        %get3A_791 = arith.constant 0 : i32
        %get3A_792 = arith.index_cast %get3A_791 : i32 to index
        %get3A_793 = arith.index_cast %add3A_783 : i32 to index
        %get3A_794 = arith.constant 16 : index
        %get3A_795 = tpu.vector_load %arg6[%get3A_792, %get3A_793, %get3A_794] {strides = array<i32>} : memref<2x1600x32xf32, #tpu.memory_space<vmem>>, vector<1x1x16xf32>,
        %get3A_796 = vector.shape_cast %get3A_795 : vector<1x1x16xf32> to vector<16xf32>
        %add3A_797 = arith.addf %add3A_781, %get3A_796 : vector<16xf32>
        %scan3A_798 = arith.constant 5 : i32
        %add3A_799 = arith.addi %mul3A_717, %scan3A_798 : i32
        %get3A_800 = arith.constant 0 : i32
        %get3A_801 = arith.index_cast %get3A_800 : i32 to index
        %get3A_802 = arith.index_cast %add3A_799 : i32 to index
        %get3A_803 = arith.constant 0 : index
        %get3A_804 = tpu.vector_load %arg6[%get3A_801, %get3A_802, %get3A_803] {strides = array<i32>} : memref<2x1600x32xf32, #tpu.memory_space<vmem>>, vector<1x1x16xf32>,
        %get3A_805 = vector.shape_cast %get3A_804 : vector<1x1x16xf32> to vector<16xf32>
        %add3A_806 = arith.addf %add3A_790, %get3A_805 : vector<16xf32>
        %get3A_807 = arith.constant 0 : i32
        %get3A_808 = arith.index_cast %get3A_807 : i32 to index
        %get3A_809 = arith.index_cast %add3A_799 : i32 to index
        %get3A_810 = arith.constant 16 : index
        %get3A_811 = tpu.vector_load %arg6[%get3A_808, %get3A_809, %get3A_810] {strides = array<i32>} : memref<2x1600x32xf32, #tpu.memory_space<vmem>>, vector<1x1x16xf32>,
        %get3A_812 = vector.shape_cast %get3A_811 : vector<1x1x16xf32> to vector<16xf32>
        %add3A_813 = arith.addf %add3A_797, %get3A_812 : vector<16xf32>
        %scan3A_814 = arith.constant 6 : i32
        %add3A_815 = arith.addi %mul3A_717, %scan3A_814 : i32
        %get3A_816 = arith.constant 0 : i32
        %get3A_817 = arith.index_cast %get3A_816 : i32 to index
        %get3A_818 = arith.index_cast %add3A_815 : i32 to index
        %get3A_819 = arith.constant 0 : index
        %get3A_820 = tpu.vector_load %arg6[%get3A_817, %get3A_818, %get3A_819] {strides = array<i32>} : memref<2x1600x32xf32, #tpu.memory_space<vmem>>, vector<1x1x16xf32>,
        %get3A_821 = vector.shape_cast %get3A_820 : vector<1x1x16xf32> to vector<16xf32>
        %add3A_822 = arith.addf %add3A_806, %get3A_821 : vector<16xf32>
        %get3A_823 = arith.constant 0 : i32
        %get3A_824 = arith.index_cast %get3A_823 : i32 to index
        %get3A_825 = arith.index_cast %add3A_815 : i32 to index
        %get3A_826 = arith.constant 16 : index
        %get3A_827 = tpu.vector_load %arg6[%get3A_824, %get3A_825, %get3A_826] {strides = array<i32>} : memref<2x1600x32xf32, #tpu.memory_space<vmem>>, vector<1x1x16xf32>,
        %get3A_828 = vector.shape_cast %get3A_827 : vector<1x1x16xf32> to vector<16xf32>
        %add3A_829 = arith.addf %add3A_813, %get3A_828 : vector<16xf32>
        %scan3A_830 = arith.constant 7 : i32
        %add3A_831 = arith.addi %mul3A_717, %scan3A_830 : i32
        %get3A_832 = arith.constant 0 : i32
        %get3A_833 = arith.index_cast %get3A_832 : i32 to index
        %get3A_834 = arith.index_cast %add3A_831 : i32 to index
        %get3A_835 = arith.constant 0 : index
        %get3A_836 = tpu.vector_load %arg6[%get3A_833, %get3A_834, %get3A_835] {strides = array<i32>} : memref<2x1600x32xf32, #tpu.memory_space<vmem>>, vector<1x1x16xf32>,
        %get3A_837 = vector.shape_cast %get3A_836 : vector<1x1x16xf32> to vector<16xf32>
        %add3A_838 = arith.addf %add3A_822, %get3A_837 : vector<16xf32>
        %get3A_839 = arith.constant 0 : i32
        %get3A_840 = arith.index_cast %get3A_839 : i32 to index
        %get3A_841 = arith.index_cast %add3A_831 : i32 to index
        %get3A_842 = arith.constant 16 : index
        %get3A_843 = tpu.vector_load %arg6[%get3A_840, %get3A_841, %get3A_842] {strides = array<i32>} : memref<2x1600x32xf32, #tpu.memory_space<vmem>>, vector<1x1x16xf32>,
        %get3A_844 = vector.shape_cast %get3A_843 : vector<1x1x16xf32> to vector<16xf32>
        %add3A_845 = arith.addf %add3A_829, %get3A_844 : vector<16xf32>
        %scan3A_846 = arith.constant 8 : i32
        %add3A_847 = arith.addi %mul3A_717, %scan3A_846 : i32
        %get3A_848 = arith.constant 0 : i32
        %get3A_849 = arith.index_cast %get3A_848 : i32 to index
        %get3A_850 = arith.index_cast %add3A_847 : i32 to index
        %get3A_851 = arith.constant 0 : index
        %get3A_852 = tpu.vector_load %arg6[%get3A_849, %get3A_850, %get3A_851] {strides = array<i32>} : memref<2x1600x32xf32, #tpu.memory_space<vmem>>, vector<1x1x16xf32>,
        %get3A_853 = vector.shape_cast %get3A_852 : vector<1x1x16xf32> to vector<16xf32>
        %add3A_854 = arith.addf %add3A_838, %get3A_853 : vector<16xf32>
        %get3A_855 = arith.constant 0 : i32
        %get3A_856 = arith.index_cast %get3A_855 : i32 to index
        %get3A_857 = arith.index_cast %add3A_847 : i32 to index
        %get3A_858 = arith.constant 16 : index
        %get3A_859 = tpu.vector_load %arg6[%get3A_856, %get3A_857, %get3A_858] {strides = array<i32>} : memref<2x1600x32xf32, #tpu.memory_space<vmem>>, vector<1x1x16xf32>,
        %get3A_860 = vector.shape_cast %get3A_859 : vector<1x1x16xf32> to vector<16xf32>
        %add3A_861 = arith.addf %add3A_845, %get3A_860 : vector<16xf32>
        %scan3A_862 = arith.constant 9 : i32
        %add3A_863 = arith.addi %mul3A_717, %scan3A_862 : i32
        %get3A_864 = arith.constant 0 : i32
        %get3A_865 = arith.index_cast %get3A_864 : i32 to index
        %get3A_866 = arith.index_cast %add3A_863 : i32 to index
        %get3A_867 = arith.constant 0 : index
        %get3A_868 = tpu.vector_load %arg6[%get3A_865, %get3A_866, %get3A_867] {strides = array<i32>} : memref<2x1600x32xf32, #tpu.memory_space<vmem>>, vector<1x1x16xf32>,
        %get3A_869 = vector.shape_cast %get3A_868 : vector<1x1x16xf32> to vector<16xf32>
        %add3A_870 = arith.addf %add3A_854, %get3A_869 : vector<16xf32>
        %get3A_871 = arith.constant 0 : i32
        %get3A_872 = arith.index_cast %get3A_871 : i32 to index
        %get3A_873 = arith.index_cast %add3A_863 : i32 to index
        %get3A_874 = arith.constant 16 : index
        %get3A_875 = tpu.vector_load %arg6[%get3A_872, %get3A_873, %get3A_874] {strides = array<i32>} : memref<2x1600x32xf32, #tpu.memory_space<vmem>>, vector<1x1x16xf32>,
        %get3A_876 = vector.shape_cast %get3A_875 : vector<1x1x16xf32> to vector<16xf32>
        %add3A_877 = arith.addf %add3A_861, %get3A_876 : vector<16xf32>
        %scan3A_878 = arith.constant 10 : i32
        %add3A_879 = arith.addi %mul3A_717, %scan3A_878 : i32
        %get3A_880 = arith.constant 0 : i32
        %get3A_881 = arith.index_cast %get3A_880 : i32 to index
        %get3A_882 = arith.index_cast %add3A_879 : i32 to index
        %get3A_883 = arith.constant 0 : index
        %get3A_884 = tpu.vector_load %arg6[%get3A_881, %get3A_882, %get3A_883] {strides = array<i32>} : memref<2x1600x32xf32, #tpu.memory_space<vmem>>, vector<1x1x16xf32>,
        %get3A_885 = vector.shape_cast %get3A_884 : vector<1x1x16xf32> to vector<16xf32>
        %add3A_886 = arith.addf %add3A_870, %get3A_885 : vector<16xf32>
        %get3A_887 = arith.constant 0 : i32
        %get3A_888 = arith.index_cast %get3A_887 : i32 to index
        %get3A_889 = arith.index_cast %add3A_879 : i32 to index
        %get3A_890 = arith.constant 16 : index
        %get3A_891 = tpu.vector_load %arg6[%get3A_888, %get3A_889, %get3A_890] {strides = array<i32>} : memref<2x1600x32xf32, #tpu.memory_space<vmem>>, vector<1x1x16xf32>,
        %get3A_892 = vector.shape_cast %get3A_891 : vector<1x1x16xf32> to vector<16xf32>
        %add3A_893 = arith.addf %add3A_877, %get3A_892 : vector<16xf32>
        %scan3A_894 = arith.constant 11 : i32
        %add3A_895 = arith.addi %mul3A_717, %scan3A_894 : i32
        %get3A_896 = arith.constant 0 : i32
        %get3A_897 = arith.index_cast %get3A_896 : i32 to index
        %get3A_898 = arith.index_cast %add3A_895 : i32 to index
        %get3A_899 = arith.constant 0 : index
        %get3A_900 = tpu.vector_load %arg6[%get3A_897, %get3A_898, %get3A_899] {strides = array<i32>} : memref<2x1600x32xf32, #tpu.memory_space<vmem>>, vector<1x1x16xf32>,
        %get3A_901 = vector.shape_cast %get3A_900 : vector<1x1x16xf32> to vector<16xf32>
        %add3A_902 = arith.addf %add3A_886, %get3A_901 : vector<16xf32>
        %get3A_903 = arith.constant 0 : i32
        %get3A_904 = arith.index_cast %get3A_903 : i32 to index
        %get3A_905 = arith.index_cast %add3A_895 : i32 to index
        %get3A_906 = arith.constant 16 : index
        %get3A_907 = tpu.vector_load %arg6[%get3A_904, %get3A_905, %get3A_906] {strides = array<i32>} : memref<2x1600x32xf32, #tpu.memory_space<vmem>>, vector<1x1x16xf32>,
        %get3A_908 = vector.shape_cast %get3A_907 : vector<1x1x16xf32> to vector<16xf32>
        %add3A_909 = arith.addf %add3A_893, %get3A_908 : vector<16xf32>
        %scan3A_910 = arith.constant 12 : i32
        %add3A_911 = arith.addi %mul3A_717, %scan3A_910 : i32
        %get3A_912 = arith.constant 0 : i32
        %get3A_913 = arith.index_cast %get3A_912 : i32 to index
        %get3A_914 = arith.index_cast %add3A_911 : i32 to index
        %get3A_915 = arith.constant 0 : index
        %get3A_916 = tpu.vector_load %arg6[%get3A_913, %get3A_914, %get3A_915] {strides = array<i32>} : memref<2x1600x32xf32, #tpu.memory_space<vmem>>, vector<1x1x16xf32>,
        %get3A_917 = vector.shape_cast %get3A_916 : vector<1x1x16xf32> to vector<16xf32>
        %add3A_918 = arith.addf %add3A_902, %get3A_917 : vector<16xf32>
        %get3A_919 = arith.constant 0 : i32
        %get3A_920 = arith.index_cast %get3A_919 : i32 to index
        %get3A_921 = arith.index_cast %add3A_911 : i32 to index
        %get3A_922 = arith.constant 16 : index
        %get3A_923 = tpu.vector_load %arg6[%get3A_920, %get3A_921, %get3A_922] {strides = array<i32>} : memref<2x1600x32xf32, #tpu.memory_space<vmem>>, vector<1x1x16xf32>,
        %get3A_924 = vector.shape_cast %get3A_923 : vector<1x1x16xf32> to vector<16xf32>
        %add3A_925 = arith.addf %add3A_909, %get3A_924 : vector<16xf32>
        %scan3A_926 = arith.constant 13 : i32
        %add3A_927 = arith.addi %mul3A_717, %scan3A_926 : i32
        %get3A_928 = arith.constant 0 : i32
        %get3A_929 = arith.index_cast %get3A_928 : i32 to index
        %get3A_930 = arith.index_cast %add3A_927 : i32 to index
        %get3A_931 = arith.constant 0 : index
        %get3A_932 = tpu.vector_load %arg6[%get3A_929, %get3A_930, %get3A_931] {strides = array<i32>} : memref<2x1600x32xf32, #tpu.memory_space<vmem>>, vector<1x1x16xf32>,
        %get3A_933 = vector.shape_cast %get3A_932 : vector<1x1x16xf32> to vector<16xf32>
        %add3A_934 = arith.addf %add3A_918, %get3A_933 : vector<16xf32>
        %get3A_935 = arith.constant 0 : i32
        %get3A_936 = arith.index_cast %get3A_935 : i32 to index
        %get3A_937 = arith.index_cast %add3A_927 : i32 to index
        %get3A_938 = arith.constant 16 : index
        %get3A_939 = tpu.vector_load %arg6[%get3A_936, %get3A_937, %get3A_938] {strides = array<i32>} : memref<2x1600x32xf32, #tpu.memory_space<vmem>>, vector<1x1x16xf32>,
        %get3A_940 = vector.shape_cast %get3A_939 : vector<1x1x16xf32> to vector<16xf32>
        %add3A_941 = arith.addf %add3A_925, %get3A_940 : vector<16xf32>
        %scan3A_942 = arith.constant 14 : i32
        %add3A_943 = arith.addi %mul3A_717, %scan3A_942 : i32
        %get3A_944 = arith.constant 0 : i32
        %get3A_945 = arith.index_cast %get3A_944 : i32 to index
        %get3A_946 = arith.index_cast %add3A_943 : i32 to index
        %get3A_947 = arith.constant 0 : index
        %get3A_948 = tpu.vector_load %arg6[%get3A_945, %get3A_946, %get3A_947] {strides = array<i32>} : memref<2x1600x32xf32, #tpu.memory_space<vmem>>, vector<1x1x16xf32>,
        %get3A_949 = vector.shape_cast %get3A_948 : vector<1x1x16xf32> to vector<16xf32>
        %add3A_950 = arith.addf %add3A_934, %get3A_949 : vector<16xf32>
        %get3A_951 = arith.constant 0 : i32
        %get3A_952 = arith.index_cast %get3A_951 : i32 to index
        %get3A_953 = arith.index_cast %add3A_943 : i32 to index
        %get3A_954 = arith.constant 16 : index
        %get3A_955 = tpu.vector_load %arg6[%get3A_952, %get3A_953, %get3A_954] {strides = array<i32>} : memref<2x1600x32xf32, #tpu.memory_space<vmem>>, vector<1x1x16xf32>,
        %get3A_956 = vector.shape_cast %get3A_955 : vector<1x1x16xf32> to vector<16xf32>
        %add3A_957 = arith.addf %add3A_941, %get3A_956 : vector<16xf32>
        %scan3A_958 = arith.constant 15 : i32
        %add3A_959 = arith.addi %mul3A_717, %scan3A_958 : i32
        %get3A_960 = arith.constant 0 : i32
        %get3A_961 = arith.index_cast %get3A_960 : i32 to index
        %get3A_962 = arith.index_cast %add3A_959 : i32 to index
        %get3A_963 = arith.constant 0 : index
        %get3A_964 = tpu.vector_load %arg6[%get3A_961, %get3A_962, %get3A_963] {strides = array<i32>} : memref<2x1600x32xf32, #tpu.memory_space<vmem>>, vector<1x1x16xf32>,
        %get3A_965 = vector.shape_cast %get3A_964 : vector<1x1x16xf32> to vector<16xf32>
        %add3A_966 = arith.addf %add3A_950, %get3A_965 : vector<16xf32>
        %get3A_967 = arith.constant 0 : i32
        %get3A_968 = arith.index_cast %get3A_967 : i32 to index
        %get3A_969 = arith.index_cast %add3A_959 : i32 to index
        %get3A_970 = arith.constant 16 : index
        %get3A_971 = tpu.vector_load %arg6[%get3A_968, %get3A_969, %get3A_970] {strides = array<i32>} : memref<2x1600x32xf32, #tpu.memory_space<vmem>>, vector<1x1x16xf32>,
        %get3A_972 = vector.shape_cast %get3A_971 : vector<1x1x16xf32> to vector<16xf32>
        %add3A_973 = arith.addf %add3A_957, %get3A_972 : vector<16xf32>
        %scan3A_974 = arith.constant 16 : i32
        %add3A_975 = arith.addi %mul3A_717, %scan3A_974 : i32
        %get3A_976 = arith.constant 0 : i32
        %get3A_977 = arith.index_cast %get3A_976 : i32 to index
        %get3A_978 = arith.index_cast %add3A_975 : i32 to index
        %get3A_979 = arith.constant 0 : index
        %get3A_980 = tpu.vector_load %arg6[%get3A_977, %get3A_978, %get3A_979] {strides = array<i32>} : memref<2x1600x32xf32, #tpu.memory_space<vmem>>, vector<1x1x16xf32>,
        %get3A_981 = vector.shape_cast %get3A_980 : vector<1x1x16xf32> to vector<16xf32>
        %add3A_982 = arith.addf %add3A_966, %get3A_981 : vector<16xf32>
        %get3A_983 = arith.constant 0 : i32
        %get3A_984 = arith.index_cast %get3A_983 : i32 to index
        %get3A_985 = arith.index_cast %add3A_975 : i32 to index
        %get3A_986 = arith.constant 16 : index
        %get3A_987 = tpu.vector_load %arg6[%get3A_984, %get3A_985, %get3A_986] {strides = array<i32>} : memref<2x1600x32xf32, #tpu.memory_space<vmem>>, vector<1x1x16xf32>,
        %get3A_988 = vector.shape_cast %get3A_987 : vector<1x1x16xf32> to vector<16xf32>
        %add3A_989 = arith.addf %add3A_973, %get3A_988 : vector<16xf32>
        %scan3A_990 = arith.constant 17 : i32
        %add3A_991 = arith.addi %mul3A_717, %scan3A_990 : i32
        %get3A_992 = arith.constant 0 : i32
        %get3A_993 = arith.index_cast %get3A_992 : i32 to index
        %get3A_994 = arith.index_cast %add3A_991 : i32 to index
        %get3A_995 = arith.constant 0 : index
        %get3A_996 = tpu.vector_load %arg6[%get3A_993, %get3A_994, %get3A_995] {strides = array<i32>} : memref<2x1600x32xf32, #tpu.memory_space<vmem>>, vector<1x1x16xf32>,
        %get3A_997 = vector.shape_cast %get3A_996 : vector<1x1x16xf32> to vector<16xf32>
        %add3A_998 = arith.addf %add3A_982, %get3A_997 : vector<16xf32>
        %get3A_999 = arith.constant 0 : i32
        %get3A_1000 = arith.index_cast %get3A_999 : i32 to index
        %get3A_1001 = arith.index_cast %add3A_991 : i32 to index
        %get3A_1002 = arith.constant 16 : index
        %get3A_1003 = tpu.vector_load %arg6[%get3A_1000, %get3A_1001, %get3A_1002] {strides = array<i32>} : memref<2x1600x32xf32, #tpu.memory_space<vmem>>, vector<1x1x16xf32>,
        %get3A_1004 = vector.shape_cast %get3A_1003 : vector<1x1x16xf32> to vector<16xf32>
        %add3A_1005 = arith.addf %add3A_989, %get3A_1004 : vector<16xf32>
        %scan3A_1006 = arith.constant 18 : i32
        %add3A_1007 = arith.addi %mul3A_717, %scan3A_1006 : i32
        %get3A_1008 = arith.constant 0 : i32
        %get3A_1009 = arith.index_cast %get3A_1008 : i32 to index
        %get3A_1010 = arith.index_cast %add3A_1007 : i32 to index
        %get3A_1011 = arith.constant 0 : index
        %get3A_1012 = tpu.vector_load %arg6[%get3A_1009, %get3A_1010, %get3A_1011] {strides = array<i32>} : memref<2x1600x32xf32, #tpu.memory_space<vmem>>, vector<1x1x16xf32>,
        %get3A_1013 = vector.shape_cast %get3A_1012 : vector<1x1x16xf32> to vector<16xf32>
        %add3A_1014 = arith.addf %add3A_998, %get3A_1013 : vector<16xf32>
        %get3A_1015 = arith.constant 0 : i32
        %get3A_1016 = arith.index_cast %get3A_1015 : i32 to index
        %get3A_1017 = arith.index_cast %add3A_1007 : i32 to index
        %get3A_1018 = arith.constant 16 : index
        %get3A_1019 = tpu.vector_load %arg6[%get3A_1016, %get3A_1017, %get3A_1018] {strides = array<i32>} : memref<2x1600x32xf32, #tpu.memory_space<vmem>>, vector<1x1x16xf32>,
        %get3A_1020 = vector.shape_cast %get3A_1019 : vector<1x1x16xf32> to vector<16xf32>
        %add3A_1021 = arith.addf %add3A_1005, %get3A_1020 : vector<16xf32>
        %scan3A_1022 = arith.constant 19 : i32
        %add3A_1023 = arith.addi %mul3A_717, %scan3A_1022 : i32
        %get3A_1024 = arith.constant 0 : i32
        %get3A_1025 = arith.index_cast %get3A_1024 : i32 to index
        %get3A_1026 = arith.index_cast %add3A_1023 : i32 to index
        %get3A_1027 = arith.constant 0 : index
        %get3A_1028 = tpu.vector_load %arg6[%get3A_1025, %get3A_1026, %get3A_1027] {strides = array<i32>} : memref<2x1600x32xf32, #tpu.memory_space<vmem>>, vector<1x1x16xf32>,
        %get3A_1029 = vector.shape_cast %get3A_1028 : vector<1x1x16xf32> to vector<16xf32>
        %add3A_1030 = arith.addf %add3A_1014, %get3A_1029 : vector<16xf32>
        %get3A_1031 = arith.constant 0 : i32
        %get3A_1032 = arith.index_cast %get3A_1031 : i32 to index
        %get3A_1033 = arith.index_cast %add3A_1023 : i32 to index
        %get3A_1034 = arith.constant 16 : index
        %get3A_1035 = tpu.vector_load %arg6[%get3A_1032, %get3A_1033, %get3A_1034] {strides = array<i32>} : memref<2x1600x32xf32, #tpu.memory_space<vmem>>, vector<1x1x16xf32>,
        %get3A_1036 = vector.shape_cast %get3A_1035 : vector<1x1x16xf32> to vector<16xf32>
        %add3A_1037 = arith.addf %add3A_1021, %get3A_1036 : vector<16xf32>
        %scan3A_1038 = arith.constant 20 : i32
        %add3A_1039 = arith.addi %mul3A_717, %scan3A_1038 : i32
        %get3A_1040 = arith.constant 0 : i32
        %get3A_1041 = arith.index_cast %get3A_1040 : i32 to index
        %get3A_1042 = arith.index_cast %add3A_1039 : i32 to index
        %get3A_1043 = arith.constant 0 : index
        %get3A_1044 = tpu.vector_load %arg6[%get3A_1041, %get3A_1042, %get3A_1043] {strides = array<i32>} : memref<2x1600x32xf32, #tpu.memory_space<vmem>>, vector<1x1x16xf32>,
        %get3A_1045 = vector.shape_cast %get3A_1044 : vector<1x1x16xf32> to vector<16xf32>
        %add3A_1046 = arith.addf %add3A_1030, %get3A_1045 : vector<16xf32>
        %get3A_1047 = arith.constant 0 : i32
        %get3A_1048 = arith.index_cast %get3A_1047 : i32 to index
        %get3A_1049 = arith.index_cast %add3A_1039 : i32 to index
        %get3A_1050 = arith.constant 16 : index
        %get3A_1051 = tpu.vector_load %arg6[%get3A_1048, %get3A_1049, %get3A_1050] {strides = array<i32>} : memref<2x1600x32xf32, #tpu.memory_space<vmem>>, vector<1x1x16xf32>,
        %get3A_1052 = vector.shape_cast %get3A_1051 : vector<1x1x16xf32> to vector<16xf32>
        %add3A_1053 = arith.addf %add3A_1037, %get3A_1052 : vector<16xf32>
        %scan3A_1054 = arith.constant 21 : i32
        %add3A_1055 = arith.addi %mul3A_717, %scan3A_1054 : i32
        %get3A_1056 = arith.constant 0 : i32
        %get3A_1057 = arith.index_cast %get3A_1056 : i32 to index
        %get3A_1058 = arith.index_cast %add3A_1055 : i32 to index
        %get3A_1059 = arith.constant 0 : index
        %get3A_1060 = tpu.vector_load %arg6[%get3A_1057, %get3A_1058, %get3A_1059] {strides = array<i32>} : memref<2x1600x32xf32, #tpu.memory_space<vmem>>, vector<1x1x16xf32>,
        %get3A_1061 = vector.shape_cast %get3A_1060 : vector<1x1x16xf32> to vector<16xf32>
        %add3A_1062 = arith.addf %add3A_1046, %get3A_1061 : vector<16xf32>
        %get3A_1063 = arith.constant 0 : i32
        %get3A_1064 = arith.index_cast %get3A_1063 : i32 to index
        %get3A_1065 = arith.index_cast %add3A_1055 : i32 to index
        %get3A_1066 = arith.constant 16 : index
        %get3A_1067 = tpu.vector_load %arg6[%get3A_1064, %get3A_1065, %get3A_1066] {strides = array<i32>} : memref<2x1600x32xf32, #tpu.memory_space<vmem>>, vector<1x1x16xf32>,
        %get3A_1068 = vector.shape_cast %get3A_1067 : vector<1x1x16xf32> to vector<16xf32>
        %add3A_1069 = arith.addf %add3A_1053, %get3A_1068 : vector<16xf32>
        %scan3A_1070 = arith.constant 22 : i32
        %add3A_1071 = arith.addi %mul3A_717, %scan3A_1070 : i32
        %get3A_1072 = arith.constant 0 : i32
        %get3A_1073 = arith.index_cast %get3A_1072 : i32 to index
        %get3A_1074 = arith.index_cast %add3A_1071 : i32 to index
        %get3A_1075 = arith.constant 0 : index
        %get3A_1076 = tpu.vector_load %arg6[%get3A_1073, %get3A_1074, %get3A_1075] {strides = array<i32>} : memref<2x1600x32xf32, #tpu.memory_space<vmem>>, vector<1x1x16xf32>,
        %get3A_1077 = vector.shape_cast %get3A_1076 : vector<1x1x16xf32> to vector<16xf32>
        %add3A_1078 = arith.addf %add3A_1062, %get3A_1077 : vector<16xf32>
        %get3A_1079 = arith.constant 0 : i32
        %get3A_1080 = arith.index_cast %get3A_1079 : i32 to index
        %get3A_1081 = arith.index_cast %add3A_1071 : i32 to index
        %get3A_1082 = arith.constant 16 : index
        %get3A_1083 = tpu.vector_load %arg6[%get3A_1080, %get3A_1081, %get3A_1082] {strides = array<i32>} : memref<2x1600x32xf32, #tpu.memory_space<vmem>>, vector<1x1x16xf32>,
        %get3A_1084 = vector.shape_cast %get3A_1083 : vector<1x1x16xf32> to vector<16xf32>
        %add3A_1085 = arith.addf %add3A_1069, %get3A_1084 : vector<16xf32>
        %scan3A_1086 = arith.constant 23 : i32
        %add3A_1087 = arith.addi %mul3A_717, %scan3A_1086 : i32
        %get3A_1088 = arith.constant 0 : i32
        %get3A_1089 = arith.index_cast %get3A_1088 : i32 to index
        %get3A_1090 = arith.index_cast %add3A_1087 : i32 to index
        %get3A_1091 = arith.constant 0 : index
        %get3A_1092 = tpu.vector_load %arg6[%get3A_1089, %get3A_1090, %get3A_1091] {strides = array<i32>} : memref<2x1600x32xf32, #tpu.memory_space<vmem>>, vector<1x1x16xf32>,
        %get3A_1093 = vector.shape_cast %get3A_1092 : vector<1x1x16xf32> to vector<16xf32>
        %add3A_1094 = arith.addf %add3A_1078, %get3A_1093 : vector<16xf32>
        %get3A_1095 = arith.constant 0 : i32
        %get3A_1096 = arith.index_cast %get3A_1095 : i32 to index
        %get3A_1097 = arith.index_cast %add3A_1087 : i32 to index
        %get3A_1098 = arith.constant 16 : index
        %get3A_1099 = tpu.vector_load %arg6[%get3A_1096, %get3A_1097, %get3A_1098] {strides = array<i32>} : memref<2x1600x32xf32, #tpu.memory_space<vmem>>, vector<1x1x16xf32>,
        %get3A_1100 = vector.shape_cast %get3A_1099 : vector<1x1x16xf32> to vector<16xf32>
        %add3A_1101 = arith.addf %add3A_1085, %get3A_1100 : vector<16xf32>
        %scan3A_1102 = arith.constant 24 : i32
        %add3A_1103 = arith.addi %mul3A_717, %scan3A_1102 : i32
        %get3A_1104 = arith.constant 0 : i32
        %get3A_1105 = arith.index_cast %get3A_1104 : i32 to index
        %get3A_1106 = arith.index_cast %add3A_1103 : i32 to index
        %get3A_1107 = arith.constant 0 : index
        %get3A_1108 = tpu.vector_load %arg6[%get3A_1105, %get3A_1106, %get3A_1107] {strides = array<i32>} : memref<2x1600x32xf32, #tpu.memory_space<vmem>>, vector<1x1x16xf32>,
        %get3A_1109 = vector.shape_cast %get3A_1108 : vector<1x1x16xf32> to vector<16xf32>
        %add3A_1110 = arith.addf %add3A_1094, %get3A_1109 : vector<16xf32>
        %get3A_1111 = arith.constant 0 : i32
        %get3A_1112 = arith.index_cast %get3A_1111 : i32 to index
        %get3A_1113 = arith.index_cast %add3A_1103 : i32 to index
        %get3A_1114 = arith.constant 16 : index
        %get3A_1115 = tpu.vector_load %arg6[%get3A_1112, %get3A_1113, %get3A_1114] {strides = array<i32>} : memref<2x1600x32xf32, #tpu.memory_space<vmem>>, vector<1x1x16xf32>,
        %get3A_1116 = vector.shape_cast %get3A_1115 : vector<1x1x16xf32> to vector<16xf32>
        %add3A_1117 = arith.addf %add3A_1101, %get3A_1116 : vector<16xf32>
        %scan3A_1118 = arith.constant 25 : i32
        %add3A_1119 = arith.addi %mul3A_717, %scan3A_1118 : i32
        %get3A_1120 = arith.constant 0 : i32
        %get3A_1121 = arith.index_cast %get3A_1120 : i32 to index
        %get3A_1122 = arith.index_cast %add3A_1119 : i32 to index
        %get3A_1123 = arith.constant 0 : index
        %get3A_1124 = tpu.vector_load %arg6[%get3A_1121, %get3A_1122, %get3A_1123] {strides = array<i32>} : memref<2x1600x32xf32, #tpu.memory_space<vmem>>, vector<1x1x16xf32>,
        %get3A_1125 = vector.shape_cast %get3A_1124 : vector<1x1x16xf32> to vector<16xf32>
        %add3A_1126 = arith.addf %add3A_1110, %get3A_1125 : vector<16xf32>
        %get3A_1127 = arith.constant 0 : i32
        %get3A_1128 = arith.index_cast %get3A_1127 : i32 to index
        %get3A_1129 = arith.index_cast %add3A_1119 : i32 to index
        %get3A_1130 = arith.constant 16 : index
        %get3A_1131 = tpu.vector_load %arg6[%get3A_1128, %get3A_1129, %get3A_1130] {strides = array<i32>} : memref<2x1600x32xf32, #tpu.memory_space<vmem>>, vector<1x1x16xf32>,
        %get3A_1132 = vector.shape_cast %get3A_1131 : vector<1x1x16xf32> to vector<16xf32>
        %add3A_1133 = arith.addf %add3A_1117, %get3A_1132 : vector<16xf32>
        %scan3A_1134 = arith.constant 26 : i32
        %add3A_1135 = arith.addi %mul3A_717, %scan3A_1134 : i32
        %get3A_1136 = arith.constant 0 : i32
        %get3A_1137 = arith.index_cast %get3A_1136 : i32 to index
        %get3A_1138 = arith.index_cast %add3A_1135 : i32 to index
        %get3A_1139 = arith.constant 0 : index
        %get3A_1140 = tpu.vector_load %arg6[%get3A_1137, %get3A_1138, %get3A_1139] {strides = array<i32>} : memref<2x1600x32xf32, #tpu.memory_space<vmem>>, vector<1x1x16xf32>,
        %get3A_1141 = vector.shape_cast %get3A_1140 : vector<1x1x16xf32> to vector<16xf32>
        %add3A_1142 = arith.addf %add3A_1126, %get3A_1141 : vector<16xf32>
        %get3A_1143 = arith.constant 0 : i32
        %get3A_1144 = arith.index_cast %get3A_1143 : i32 to index
        %get3A_1145 = arith.index_cast %add3A_1135 : i32 to index
        %get3A_1146 = arith.constant 16 : index
        %get3A_1147 = tpu.vector_load %arg6[%get3A_1144, %get3A_1145, %get3A_1146] {strides = array<i32>} : memref<2x1600x32xf32, #tpu.memory_space<vmem>>, vector<1x1x16xf32>,
        %get3A_1148 = vector.shape_cast %get3A_1147 : vector<1x1x16xf32> to vector<16xf32>
        %add3A_1149 = arith.addf %add3A_1133, %get3A_1148 : vector<16xf32>
        %scan3A_1150 = arith.constant 27 : i32
        %add3A_1151 = arith.addi %mul3A_717, %scan3A_1150 : i32
        %get3A_1152 = arith.constant 0 : i32
        %get3A_1153 = arith.index_cast %get3A_1152 : i32 to index
        %get3A_1154 = arith.index_cast %add3A_1151 : i32 to index
        %get3A_1155 = arith.constant 0 : index
        %get3A_1156 = tpu.vector_load %arg6[%get3A_1153, %get3A_1154, %get3A_1155] {strides = array<i32>} : memref<2x1600x32xf32, #tpu.memory_space<vmem>>, vector<1x1x16xf32>,
        %get3A_1157 = vector.shape_cast %get3A_1156 : vector<1x1x16xf32> to vector<16xf32>
        %add3A_1158 = arith.addf %add3A_1142, %get3A_1157 : vector<16xf32>
        %get3A_1159 = arith.constant 0 : i32
        %get3A_1160 = arith.index_cast %get3A_1159 : i32 to index
        %get3A_1161 = arith.index_cast %add3A_1151 : i32 to index
        %get3A_1162 = arith.constant 16 : index
        %get3A_1163 = tpu.vector_load %arg6[%get3A_1160, %get3A_1161, %get3A_1162] {strides = array<i32>} : memref<2x1600x32xf32, #tpu.memory_space<vmem>>, vector<1x1x16xf32>,
        %get3A_1164 = vector.shape_cast %get3A_1163 : vector<1x1x16xf32> to vector<16xf32>
        %add3A_1165 = arith.addf %add3A_1149, %get3A_1164 : vector<16xf32>
        %scan3A_1166 = arith.constant 28 : i32
        %add3A_1167 = arith.addi %mul3A_717, %scan3A_1166 : i32
        %get3A_1168 = arith.constant 0 : i32
        %get3A_1169 = arith.index_cast %get3A_1168 : i32 to index
        %get3A_1170 = arith.index_cast %add3A_1167 : i32 to index
        %get3A_1171 = arith.constant 0 : index
        %get3A_1172 = tpu.vector_load %arg6[%get3A_1169, %get3A_1170, %get3A_1171] {strides = array<i32>} : memref<2x1600x32xf32, #tpu.memory_space<vmem>>, vector<1x1x16xf32>,
        %get3A_1173 = vector.shape_cast %get3A_1172 : vector<1x1x16xf32> to vector<16xf32>
        %add3A_1174 = arith.addf %add3A_1158, %get3A_1173 : vector<16xf32>
        %get3A_1175 = arith.constant 0 : i32
        %get3A_1176 = arith.index_cast %get3A_1175 : i32 to index
        %get3A_1177 = arith.index_cast %add3A_1167 : i32 to index
        %get3A_1178 = arith.constant 16 : index
        %get3A_1179 = tpu.vector_load %arg6[%get3A_1176, %get3A_1177, %get3A_1178] {strides = array<i32>} : memref<2x1600x32xf32, #tpu.memory_space<vmem>>, vector<1x1x16xf32>,
        %get3A_1180 = vector.shape_cast %get3A_1179 : vector<1x1x16xf32> to vector<16xf32>
        %add3A_1181 = arith.addf %add3A_1165, %get3A_1180 : vector<16xf32>
        %scan3A_1182 = arith.constant 29 : i32
        %add3A_1183 = arith.addi %mul3A_717, %scan3A_1182 : i32
        %get3A_1184 = arith.constant 0 : i32
        %get3A_1185 = arith.index_cast %get3A_1184 : i32 to index
        %get3A_1186 = arith.index_cast %add3A_1183 : i32 to index
        %get3A_1187 = arith.constant 0 : index
        %get3A_1188 = tpu.vector_load %arg6[%get3A_1185, %get3A_1186, %get3A_1187] {strides = array<i32>} : memref<2x1600x32xf32, #tpu.memory_space<vmem>>, vector<1x1x16xf32>,
        %get3A_1189 = vector.shape_cast %get3A_1188 : vector<1x1x16xf32> to vector<16xf32>
        %add3A_1190 = arith.addf %add3A_1174, %get3A_1189 : vector<16xf32>
        %get3A_1191 = arith.constant 0 : i32
        %get3A_1192 = arith.index_cast %get3A_1191 : i32 to index
        %get3A_1193 = arith.index_cast %add3A_1183 : i32 to index
        %get3A_1194 = arith.constant 16 : index
        %get3A_1195 = tpu.vector_load %arg6[%get3A_1192, %get3A_1193, %get3A_1194] {strides = array<i32>} : memref<2x1600x32xf32, #tpu.memory_space<vmem>>, vector<1x1x16xf32>,
        %get3A_1196 = vector.shape_cast %get3A_1195 : vector<1x1x16xf32> to vector<16xf32>
        %add3A_1197 = arith.addf %add3A_1181, %get3A_1196 : vector<16xf32>
        %scan3A_1198 = arith.constant 30 : i32
        %add3A_1199 = arith.addi %mul3A_717, %scan3A_1198 : i32
        %get3A_1200 = arith.constant 0 : i32
        %get3A_1201 = arith.index_cast %get3A_1200 : i32 to index
        %get3A_1202 = arith.index_cast %add3A_1199 : i32 to index
        %get3A_1203 = arith.constant 0 : index
        %get3A_1204 = tpu.vector_load %arg6[%get3A_1201, %get3A_1202, %get3A_1203] {strides = array<i32>} : memref<2x1600x32xf32, #tpu.memory_space<vmem>>, vector<1x1x16xf32>,
        %get3A_1205 = vector.shape_cast %get3A_1204 : vector<1x1x16xf32> to vector<16xf32>
        %add3A_1206 = arith.addf %add3A_1190, %get3A_1205 : vector<16xf32>
        %get3A_1207 = arith.constant 0 : i32
        %get3A_1208 = arith.index_cast %get3A_1207 : i32 to index
        %get3A_1209 = arith.index_cast %add3A_1199 : i32 to index
        %get3A_1210 = arith.constant 16 : index
        %get3A_1211 = tpu.vector_load %arg6[%get3A_1208, %get3A_1209, %get3A_1210] {strides = array<i32>} : memref<2x1600x32xf32, #tpu.memory_space<vmem>>, vector<1x1x16xf32>,
        %get3A_1212 = vector.shape_cast %get3A_1211 : vector<1x1x16xf32> to vector<16xf32>
        %add3A_1213 = arith.addf %add3A_1197, %get3A_1212 : vector<16xf32>
        %scan3A_1214 = arith.constant 31 : i32
        %add3A_1215 = arith.addi %mul3A_717, %scan3A_1214 : i32
        %get3A_1216 = arith.constant 0 : i32
        %get3A_1217 = arith.index_cast %get3A_1216 : i32 to index
        %get3A_1218 = arith.index_cast %add3A_1215 : i32 to index
        %get3A_1219 = arith.constant 0 : index
        %get3A_1220 = tpu.vector_load %arg6[%get3A_1217, %get3A_1218, %get3A_1219] {strides = array<i32>} : memref<2x1600x32xf32, #tpu.memory_space<vmem>>, vector<1x1x16xf32>,
        %get3A_1221 = vector.shape_cast %get3A_1220 : vector<1x1x16xf32> to vector<16xf32>
        %add3A_1222 = arith.addf %add3A_1206, %get3A_1221 : vector<16xf32>
        %get3A_1223 = arith.constant 0 : i32
        %get3A_1224 = arith.index_cast %get3A_1223 : i32 to index
        %get3A_1225 = arith.index_cast %add3A_1215 : i32 to index
        %get3A_1226 = arith.constant 16 : index
        %get3A_1227 = tpu.vector_load %arg6[%get3A_1224, %get3A_1225, %get3A_1226] {strides = array<i32>} : memref<2x1600x32xf32, #tpu.memory_space<vmem>>, vector<1x1x16xf32>,
        %get3A_1228 = vector.shape_cast %get3A_1227 : vector<1x1x16xf32> to vector<16xf32>
        %add3A_1229 = arith.addf %add3A_1213, %get3A_1228 : vector<16xf32>
        %scan3A_1230 = arith.constant 32 : i32
        %add3A_1231 = arith.addi %mul3A_717, %scan3A_1230 : i32
        %get3A_1232 = arith.constant 0 : i32
        %get3A_1233 = arith.index_cast %get3A_1232 : i32 to index
        %get3A_1234 = arith.index_cast %add3A_1231 : i32 to index
        %get3A_1235 = arith.constant 0 : index
        %get3A_1236 = tpu.vector_load %arg6[%get3A_1233, %get3A_1234, %get3A_1235] {strides = array<i32>} : memref<2x1600x32xf32, #tpu.memory_space<vmem>>, vector<1x1x16xf32>,
        %get3A_1237 = vector.shape_cast %get3A_1236 : vector<1x1x16xf32> to vector<16xf32>
        %add3A_1238 = arith.addf %add3A_1222, %get3A_1237 : vector<16xf32>
        %get3A_1239 = arith.constant 0 : i32
        %get3A_1240 = arith.index_cast %get3A_1239 : i32 to index
        %get3A_1241 = arith.index_cast %add3A_1231 : i32 to index
        %get3A_1242 = arith.constant 16 : index
        %get3A_1243 = tpu.vector_load %arg6[%get3A_1240, %get3A_1241, %get3A_1242] {strides = array<i32>} : memref<2x1600x32xf32, #tpu.memory_space<vmem>>, vector<1x1x16xf32>,
        %get3A_1244 = vector.shape_cast %get3A_1243 : vector<1x1x16xf32> to vector<16xf32>
        %add3A_1245 = arith.addf %add3A_1229, %get3A_1244 : vector<16xf32>
        %scan3A_1246 = arith.constant 33 : i32
        %add3A_1247 = arith.addi %mul3A_717, %scan3A_1246 : i32
        %get3A_1248 = arith.constant 0 : i32
        %get3A_1249 = arith.index_cast %get3A_1248 : i32 to index
        %get3A_1250 = arith.index_cast %add3A_1247 : i32 to index
        %get3A_1251 = arith.constant 0 : index
        %get3A_1252 = tpu.vector_load %arg6[%get3A_1249, %get3A_1250, %get3A_1251] {strides = array<i32>} : memref<2x1600x32xf32, #tpu.memory_space<vmem>>, vector<1x1x16xf32>,
        %get3A_1253 = vector.shape_cast %get3A_1252 : vector<1x1x16xf32> to vector<16xf32>
        %add3A_1254 = arith.addf %add3A_1238, %get3A_1253 : vector<16xf32>
        %get3A_1255 = arith.constant 0 : i32
        %get3A_1256 = arith.index_cast %get3A_1255 : i32 to index
        %get3A_1257 = arith.index_cast %add3A_1247 : i32 to index
        %get3A_1258 = arith.constant 16 : index
        %get3A_1259 = tpu.vector_load %arg6[%get3A_1256, %get3A_1257, %get3A_1258] {strides = array<i32>} : memref<2x1600x32xf32, #tpu.memory_space<vmem>>, vector<1x1x16xf32>,
        %get3A_1260 = vector.shape_cast %get3A_1259 : vector<1x1x16xf32> to vector<16xf32>
        %add3A_1261 = arith.addf %add3A_1245, %get3A_1260 : vector<16xf32>
        %scan3A_1262 = arith.constant 34 : i32
        %add3A_1263 = arith.addi %mul3A_717, %scan3A_1262 : i32
        %get3A_1264 = arith.constant 0 : i32
        %get3A_1265 = arith.index_cast %get3A_1264 : i32 to index
        %get3A_1266 = arith.index_cast %add3A_1263 : i32 to index
        %get3A_1267 = arith.constant 0 : index
        %get3A_1268 = tpu.vector_load %arg6[%get3A_1265, %get3A_1266, %get3A_1267] {strides = array<i32>} : memref<2x1600x32xf32, #tpu.memory_space<vmem>>, vector<1x1x16xf32>,
        %get3A_1269 = vector.shape_cast %get3A_1268 : vector<1x1x16xf32> to vector<16xf32>
        %add3A_1270 = arith.addf %add3A_1254, %get3A_1269 : vector<16xf32>
        %get3A_1271 = arith.constant 0 : i32
        %get3A_1272 = arith.index_cast %get3A_1271 : i32 to index
        %get3A_1273 = arith.index_cast %add3A_1263 : i32 to index
        %get3A_1274 = arith.constant 16 : index
        %get3A_1275 = tpu.vector_load %arg6[%get3A_1272, %get3A_1273, %get3A_1274] {strides = array<i32>} : memref<2x1600x32xf32, #tpu.memory_space<vmem>>, vector<1x1x16xf32>,
        %get3A_1276 = vector.shape_cast %get3A_1275 : vector<1x1x16xf32> to vector<16xf32>
        %add3A_1277 = arith.addf %add3A_1261, %get3A_1276 : vector<16xf32>
        %scan3A_1278 = arith.constant 35 : i32
        %add3A_1279 = arith.addi %mul3A_717, %scan3A_1278 : i32
        %get3A_1280 = arith.constant 0 : i32
        %get3A_1281 = arith.index_cast %get3A_1280 : i32 to index
        %get3A_1282 = arith.index_cast %add3A_1279 : i32 to index
        %get3A_1283 = arith.constant 0 : index
        %get3A_1284 = tpu.vector_load %arg6[%get3A_1281, %get3A_1282, %get3A_1283] {strides = array<i32>} : memref<2x1600x32xf32, #tpu.memory_space<vmem>>, vector<1x1x16xf32>,
        %get3A_1285 = vector.shape_cast %get3A_1284 : vector<1x1x16xf32> to vector<16xf32>
        %add3A_1286 = arith.addf %add3A_1270, %get3A_1285 : vector<16xf32>
        %get3A_1287 = arith.constant 0 : i32
        %get3A_1288 = arith.index_cast %get3A_1287 : i32 to index
        %get3A_1289 = arith.index_cast %add3A_1279 : i32 to index
        %get3A_1290 = arith.constant 16 : index
        %get3A_1291 = tpu.vector_load %arg6[%get3A_1288, %get3A_1289, %get3A_1290] {strides = array<i32>} : memref<2x1600x32xf32, #tpu.memory_space<vmem>>, vector<1x1x16xf32>,
        %get3A_1292 = vector.shape_cast %get3A_1291 : vector<1x1x16xf32> to vector<16xf32>
        %add3A_1293 = arith.addf %add3A_1277, %get3A_1292 : vector<16xf32>
        %scan3A_1294 = arith.constant 36 : i32
        %add3A_1295 = arith.addi %mul3A_717, %scan3A_1294 : i32
        %get3A_1296 = arith.constant 0 : i32
        %get3A_1297 = arith.index_cast %get3A_1296 : i32 to index
        %get3A_1298 = arith.index_cast %add3A_1295 : i32 to index
        %get3A_1299 = arith.constant 0 : index
        %get3A_1300 = tpu.vector_load %arg6[%get3A_1297, %get3A_1298, %get3A_1299] {strides = array<i32>} : memref<2x1600x32xf32, #tpu.memory_space<vmem>>, vector<1x1x16xf32>,
        %get3A_1301 = vector.shape_cast %get3A_1300 : vector<1x1x16xf32> to vector<16xf32>
        %add3A_1302 = arith.addf %add3A_1286, %get3A_1301 : vector<16xf32>
        %get3A_1303 = arith.constant 0 : i32
        %get3A_1304 = arith.index_cast %get3A_1303 : i32 to index
        %get3A_1305 = arith.index_cast %add3A_1295 : i32 to index
        %get3A_1306 = arith.constant 16 : index
        %get3A_1307 = tpu.vector_load %arg6[%get3A_1304, %get3A_1305, %get3A_1306] {strides = array<i32>} : memref<2x1600x32xf32, #tpu.memory_space<vmem>>, vector<1x1x16xf32>,
        %get3A_1308 = vector.shape_cast %get3A_1307 : vector<1x1x16xf32> to vector<16xf32>
        %add3A_1309 = arith.addf %add3A_1293, %get3A_1308 : vector<16xf32>
        %scan3A_1310 = arith.constant 37 : i32
        %add3A_1311 = arith.addi %mul3A_717, %scan3A_1310 : i32
        %get3A_1312 = arith.constant 0 : i32
        %get3A_1313 = arith.index_cast %get3A_1312 : i32 to index
        %get3A_1314 = arith.index_cast %add3A_1311 : i32 to index
        %get3A_1315 = arith.constant 0 : index
        %get3A_1316 = tpu.vector_load %arg6[%get3A_1313, %get3A_1314, %get3A_1315] {strides = array<i32>} : memref<2x1600x32xf32, #tpu.memory_space<vmem>>, vector<1x1x16xf32>,
        %get3A_1317 = vector.shape_cast %get3A_1316 : vector<1x1x16xf32> to vector<16xf32>
        %add3A_1318 = arith.addf %add3A_1302, %get3A_1317 : vector<16xf32>
        %get3A_1319 = arith.constant 0 : i32
        %get3A_1320 = arith.index_cast %get3A_1319 : i32 to index
        %get3A_1321 = arith.index_cast %add3A_1311 : i32 to index
        %get3A_1322 = arith.constant 16 : index
        %get3A_1323 = tpu.vector_load %arg6[%get3A_1320, %get3A_1321, %get3A_1322] {strides = array<i32>} : memref<2x1600x32xf32, #tpu.memory_space<vmem>>, vector<1x1x16xf32>,
        %get3A_1324 = vector.shape_cast %get3A_1323 : vector<1x1x16xf32> to vector<16xf32>
        %add3A_1325 = arith.addf %add3A_1309, %get3A_1324 : vector<16xf32>
        %scan3A_1326 = arith.constant 38 : i32
        %add3A_1327 = arith.addi %mul3A_717, %scan3A_1326 : i32
        %get3A_1328 = arith.constant 0 : i32
        %get3A_1329 = arith.index_cast %get3A_1328 : i32 to index
        %get3A_1330 = arith.index_cast %add3A_1327 : i32 to index
        %get3A_1331 = arith.constant 0 : index
        %get3A_1332 = tpu.vector_load %arg6[%get3A_1329, %get3A_1330, %get3A_1331] {strides = array<i32>} : memref<2x1600x32xf32, #tpu.memory_space<vmem>>, vector<1x1x16xf32>,
        %get3A_1333 = vector.shape_cast %get3A_1332 : vector<1x1x16xf32> to vector<16xf32>
        %add3A_1334 = arith.addf %add3A_1318, %get3A_1333 : vector<16xf32>
        %get3A_1335 = arith.constant 0 : i32
        %get3A_1336 = arith.index_cast %get3A_1335 : i32 to index
        %get3A_1337 = arith.index_cast %add3A_1327 : i32 to index
        %get3A_1338 = arith.constant 16 : index
        %get3A_1339 = tpu.vector_load %arg6[%get3A_1336, %get3A_1337, %get3A_1338] {strides = array<i32>} : memref<2x1600x32xf32, #tpu.memory_space<vmem>>, vector<1x1x16xf32>,
        %get3A_1340 = vector.shape_cast %get3A_1339 : vector<1x1x16xf32> to vector<16xf32>
        %add3A_1341 = arith.addf %add3A_1325, %get3A_1340 : vector<16xf32>
        %scan3A_1342 = arith.constant 39 : i32
        %add3A_1343 = arith.addi %mul3A_717, %scan3A_1342 : i32
        %get3A_1344 = arith.constant 0 : i32
        %get3A_1345 = arith.index_cast %get3A_1344 : i32 to index
        %get3A_1346 = arith.index_cast %add3A_1343 : i32 to index
        %get3A_1347 = arith.constant 0 : index
        %get3A_1348 = tpu.vector_load %arg6[%get3A_1345, %get3A_1346, %get3A_1347] {strides = array<i32>} : memref<2x1600x32xf32, #tpu.memory_space<vmem>>, vector<1x1x16xf32>,
        %get3A_1349 = vector.shape_cast %get3A_1348 : vector<1x1x16xf32> to vector<16xf32>
        %add3A_1350 = arith.addf %add3A_1334, %get3A_1349 : vector<16xf32>
        %get3A_1351 = arith.constant 0 : i32
        %get3A_1352 = arith.index_cast %get3A_1351 : i32 to index
        %get3A_1353 = arith.index_cast %add3A_1343 : i32 to index
        %get3A_1354 = arith.constant 16 : index
        %get3A_1355 = tpu.vector_load %arg6[%get3A_1352, %get3A_1353, %get3A_1354] {strides = array<i32>} : memref<2x1600x32xf32, #tpu.memory_space<vmem>>, vector<1x1x16xf32>,
        %get3A_1356 = vector.shape_cast %get3A_1355 : vector<1x1x16xf32> to vector<16xf32>
        %add3A_1357 = arith.addf %add3A_1341, %get3A_1356 : vector<16xf32>
        %scan3A_1358 = arith.constant 40 : i32
        %add3A_1359 = arith.addi %mul3A_717, %scan3A_1358 : i32
        %get3A_1360 = arith.constant 0 : i32
        %get3A_1361 = arith.index_cast %get3A_1360 : i32 to index
        %get3A_1362 = arith.index_cast %add3A_1359 : i32 to index
        %get3A_1363 = arith.constant 0 : index
        %get3A_1364 = tpu.vector_load %arg6[%get3A_1361, %get3A_1362, %get3A_1363] {strides = array<i32>} : memref<2x1600x32xf32, #tpu.memory_space<vmem>>, vector<1x1x16xf32>,
        %get3A_1365 = vector.shape_cast %get3A_1364 : vector<1x1x16xf32> to vector<16xf32>
        %add3A_1366 = arith.addf %add3A_1350, %get3A_1365 : vector<16xf32>
        %get3A_1367 = arith.constant 0 : i32
        %get3A_1368 = arith.index_cast %get3A_1367 : i32 to index
        %get3A_1369 = arith.index_cast %add3A_1359 : i32 to index
        %get3A_1370 = arith.constant 16 : index
        %get3A_1371 = tpu.vector_load %arg6[%get3A_1368, %get3A_1369, %get3A_1370] {strides = array<i32>} : memref<2x1600x32xf32, #tpu.memory_space<vmem>>, vector<1x1x16xf32>,
        %get3A_1372 = vector.shape_cast %get3A_1371 : vector<1x1x16xf32> to vector<16xf32>
        %add3A_1373 = arith.addf %add3A_1357, %get3A_1372 : vector<16xf32>
        %scan3A_1374 = arith.constant 41 : i32
        %add3A_1375 = arith.addi %mul3A_717, %scan3A_1374 : i32
        %get3A_1376 = arith.constant 0 : i32
        %get3A_1377 = arith.index_cast %get3A_1376 : i32 to index
        %get3A_1378 = arith.index_cast %add3A_1375 : i32 to index
        %get3A_1379 = arith.constant 0 : index
        %get3A_1380 = tpu.vector_load %arg6[%get3A_1377, %get3A_1378, %get3A_1379] {strides = array<i32>} : memref<2x1600x32xf32, #tpu.memory_space<vmem>>, vector<1x1x16xf32>,
        %get3A_1381 = vector.shape_cast %get3A_1380 : vector<1x1x16xf32> to vector<16xf32>
        %add3A_1382 = arith.addf %add3A_1366, %get3A_1381 : vector<16xf32>
        %get3A_1383 = arith.constant 0 : i32
        %get3A_1384 = arith.index_cast %get3A_1383 : i32 to index
        %get3A_1385 = arith.index_cast %add3A_1375 : i32 to index
        %get3A_1386 = arith.constant 16 : index
        %get3A_1387 = tpu.vector_load %arg6[%get3A_1384, %get3A_1385, %get3A_1386] {strides = array<i32>} : memref<2x1600x32xf32, #tpu.memory_space<vmem>>, vector<1x1x16xf32>,
        %get3A_1388 = vector.shape_cast %get3A_1387 : vector<1x1x16xf32> to vector<16xf32>
        %add3A_1389 = arith.addf %add3A_1373, %get3A_1388 : vector<16xf32>
        %scan3A_1390 = arith.constant 42 : i32
        %add3A_1391 = arith.addi %mul3A_717, %scan3A_1390 : i32
        %get3A_1392 = arith.constant 0 : i32
        %get3A_1393 = arith.index_cast %get3A_1392 : i32 to index
        %get3A_1394 = arith.index_cast %add3A_1391 : i32 to index
        %get3A_1395 = arith.constant 0 : index
        %get3A_1396 = tpu.vector_load %arg6[%get3A_1393, %get3A_1394, %get3A_1395] {strides = array<i32>} : memref<2x1600x32xf32, #tpu.memory_space<vmem>>, vector<1x1x16xf32>,
        %get3A_1397 = vector.shape_cast %get3A_1396 : vector<1x1x16xf32> to vector<16xf32>
        %add3A_1398 = arith.addf %add3A_1382, %get3A_1397 : vector<16xf32>
        %get3A_1399 = arith.constant 0 : i32
        %get3A_1400 = arith.index_cast %get3A_1399 : i32 to index
        %get3A_1401 = arith.index_cast %add3A_1391 : i32 to index
        %get3A_1402 = arith.constant 16 : index
        %get3A_1403 = tpu.vector_load %arg6[%get3A_1400, %get3A_1401, %get3A_1402] {strides = array<i32>} : memref<2x1600x32xf32, #tpu.memory_space<vmem>>, vector<1x1x16xf32>,
        %get3A_1404 = vector.shape_cast %get3A_1403 : vector<1x1x16xf32> to vector<16xf32>
        %add3A_1405 = arith.addf %add3A_1389, %get3A_1404 : vector<16xf32>
        %scan3A_1406 = arith.constant 43 : i32
        %add3A_1407 = arith.addi %mul3A_717, %scan3A_1406 : i32
        %get3A_1408 = arith.constant 0 : i32
        %get3A_1409 = arith.index_cast %get3A_1408 : i32 to index
        %get3A_1410 = arith.index_cast %add3A_1407 : i32 to index
        %get3A_1411 = arith.constant 0 : index
        %get3A_1412 = tpu.vector_load %arg6[%get3A_1409, %get3A_1410, %get3A_1411] {strides = array<i32>} : memref<2x1600x32xf32, #tpu.memory_space<vmem>>, vector<1x1x16xf32>,
        %get3A_1413 = vector.shape_cast %get3A_1412 : vector<1x1x16xf32> to vector<16xf32>
        %add3A_1414 = arith.addf %add3A_1398, %get3A_1413 : vector<16xf32>
        %get3A_1415 = arith.constant 0 : i32
        %get3A_1416 = arith.index_cast %get3A_1415 : i32 to index
        %get3A_1417 = arith.index_cast %add3A_1407 : i32 to index
        %get3A_1418 = arith.constant 16 : index
        %get3A_1419 = tpu.vector_load %arg6[%get3A_1416, %get3A_1417, %get3A_1418] {strides = array<i32>} : memref<2x1600x32xf32, #tpu.memory_space<vmem>>, vector<1x1x16xf32>,
        %get3A_1420 = vector.shape_cast %get3A_1419 : vector<1x1x16xf32> to vector<16xf32>
        %add3A_1421 = arith.addf %add3A_1405, %get3A_1420 : vector<16xf32>
        %scan3A_1422 = arith.constant 44 : i32
        %add3A_1423 = arith.addi %mul3A_717, %scan3A_1422 : i32
        %get3A_1424 = arith.constant 0 : i32
        %get3A_1425 = arith.index_cast %get3A_1424 : i32 to index
        %get3A_1426 = arith.index_cast %add3A_1423 : i32 to index
        %get3A_1427 = arith.constant 0 : index
        %get3A_1428 = tpu.vector_load %arg6[%get3A_1425, %get3A_1426, %get3A_1427] {strides = array<i32>} : memref<2x1600x32xf32, #tpu.memory_space<vmem>>, vector<1x1x16xf32>,
        %get3A_1429 = vector.shape_cast %get3A_1428 : vector<1x1x16xf32> to vector<16xf32>
        %add3A_1430 = arith.addf %add3A_1414, %get3A_1429 : vector<16xf32>
        %get3A_1431 = arith.constant 0 : i32
        %get3A_1432 = arith.index_cast %get3A_1431 : i32 to index
        %get3A_1433 = arith.index_cast %add3A_1423 : i32 to index
        %get3A_1434 = arith.constant 16 : index
        %get3A_1435 = tpu.vector_load %arg6[%get3A_1432, %get3A_1433, %get3A_1434] {strides = array<i32>} : memref<2x1600x32xf32, #tpu.memory_space<vmem>>, vector<1x1x16xf32>,
        %get3A_1436 = vector.shape_cast %get3A_1435 : vector<1x1x16xf32> to vector<16xf32>
        %add3A_1437 = arith.addf %add3A_1421, %get3A_1436 : vector<16xf32>
        %scan3A_1438 = arith.constant 45 : i32
        %add3A_1439 = arith.addi %mul3A_717, %scan3A_1438 : i32
        %get3A_1440 = arith.constant 0 : i32
        %get3A_1441 = arith.index_cast %get3A_1440 : i32 to index
        %get3A_1442 = arith.index_cast %add3A_1439 : i32 to index
        %get3A_1443 = arith.constant 0 : index
        %get3A_1444 = tpu.vector_load %arg6[%get3A_1441, %get3A_1442, %get3A_1443] {strides = array<i32>} : memref<2x1600x32xf32, #tpu.memory_space<vmem>>, vector<1x1x16xf32>,
        %get3A_1445 = vector.shape_cast %get3A_1444 : vector<1x1x16xf32> to vector<16xf32>
        %add3A_1446 = arith.addf %add3A_1430, %get3A_1445 : vector<16xf32>
        %get3A_1447 = arith.constant 0 : i32
        %get3A_1448 = arith.index_cast %get3A_1447 : i32 to index
        %get3A_1449 = arith.index_cast %add3A_1439 : i32 to index
        %get3A_1450 = arith.constant 16 : index
        %get3A_1451 = tpu.vector_load %arg6[%get3A_1448, %get3A_1449, %get3A_1450] {strides = array<i32>} : memref<2x1600x32xf32, #tpu.memory_space<vmem>>, vector<1x1x16xf32>,
        %get3A_1452 = vector.shape_cast %get3A_1451 : vector<1x1x16xf32> to vector<16xf32>
        %add3A_1453 = arith.addf %add3A_1437, %get3A_1452 : vector<16xf32>
        %scan3A_1454 = arith.constant 46 : i32
        %add3A_1455 = arith.addi %mul3A_717, %scan3A_1454 : i32
        %get3A_1456 = arith.constant 0 : i32
        %get3A_1457 = arith.index_cast %get3A_1456 : i32 to index
        %get3A_1458 = arith.index_cast %add3A_1455 : i32 to index
        %get3A_1459 = arith.constant 0 : index
        %get3A_1460 = tpu.vector_load %arg6[%get3A_1457, %get3A_1458, %get3A_1459] {strides = array<i32>} : memref<2x1600x32xf32, #tpu.memory_space<vmem>>, vector<1x1x16xf32>,
        %get3A_1461 = vector.shape_cast %get3A_1460 : vector<1x1x16xf32> to vector<16xf32>
        %add3A_1462 = arith.addf %add3A_1446, %get3A_1461 : vector<16xf32>
        %get3A_1463 = arith.constant 0 : i32
        %get3A_1464 = arith.index_cast %get3A_1463 : i32 to index
        %get3A_1465 = arith.index_cast %add3A_1455 : i32 to index
        %get3A_1466 = arith.constant 16 : index
        %get3A_1467 = tpu.vector_load %arg6[%get3A_1464, %get3A_1465, %get3A_1466] {strides = array<i32>} : memref<2x1600x32xf32, #tpu.memory_space<vmem>>, vector<1x1x16xf32>,
        %get3A_1468 = vector.shape_cast %get3A_1467 : vector<1x1x16xf32> to vector<16xf32>
        %add3A_1469 = arith.addf %add3A_1453, %get3A_1468 : vector<16xf32>
        %scan3A_1470 = arith.constant 47 : i32
        %add3A_1471 = arith.addi %mul3A_717, %scan3A_1470 : i32
        %get3A_1472 = arith.constant 0 : i32
        %get3A_1473 = arith.index_cast %get3A_1472 : i32 to index
        %get3A_1474 = arith.index_cast %add3A_1471 : i32 to index
        %get3A_1475 = arith.constant 0 : index
        %get3A_1476 = tpu.vector_load %arg6[%get3A_1473, %get3A_1474, %get3A_1475] {strides = array<i32>} : memref<2x1600x32xf32, #tpu.memory_space<vmem>>, vector<1x1x16xf32>,
        %get3A_1477 = vector.shape_cast %get3A_1476 : vector<1x1x16xf32> to vector<16xf32>
        %add3A_1478 = arith.addf %add3A_1462, %get3A_1477 : vector<16xf32>
        %get3A_1479 = arith.constant 0 : i32
        %get3A_1480 = arith.index_cast %get3A_1479 : i32 to index
        %get3A_1481 = arith.index_cast %add3A_1471 : i32 to index
        %get3A_1482 = arith.constant 16 : index
        %get3A_1483 = tpu.vector_load %arg6[%get3A_1480, %get3A_1481, %get3A_1482] {strides = array<i32>} : memref<2x1600x32xf32, #tpu.memory_space<vmem>>, vector<1x1x16xf32>,
        %get3A_1484 = vector.shape_cast %get3A_1483 : vector<1x1x16xf32> to vector<16xf32>
        %add3A_1485 = arith.addf %add3A_1469, %get3A_1484 : vector<16xf32>
        %scan3A_1486 = arith.constant 48 : i32
        %add3A_1487 = arith.addi %mul3A_717, %scan3A_1486 : i32
        %get3A_1488 = arith.constant 0 : i32
        %get3A_1489 = arith.index_cast %get3A_1488 : i32 to index
        %get3A_1490 = arith.index_cast %add3A_1487 : i32 to index
        %get3A_1491 = arith.constant 0 : index
        %get3A_1492 = tpu.vector_load %arg6[%get3A_1489, %get3A_1490, %get3A_1491] {strides = array<i32>} : memref<2x1600x32xf32, #tpu.memory_space<vmem>>, vector<1x1x16xf32>,
        %get3A_1493 = vector.shape_cast %get3A_1492 : vector<1x1x16xf32> to vector<16xf32>
        %add3A_1494 = arith.addf %add3A_1478, %get3A_1493 : vector<16xf32>
        %get3A_1495 = arith.constant 0 : i32
        %get3A_1496 = arith.index_cast %get3A_1495 : i32 to index
        %get3A_1497 = arith.index_cast %add3A_1487 : i32 to index
        %get3A_1498 = arith.constant 16 : index
        %get3A_1499 = tpu.vector_load %arg6[%get3A_1496, %get3A_1497, %get3A_1498] {strides = array<i32>} : memref<2x1600x32xf32, #tpu.memory_space<vmem>>, vector<1x1x16xf32>,
        %get3A_1500 = vector.shape_cast %get3A_1499 : vector<1x1x16xf32> to vector<16xf32>
        %add3A_1501 = arith.addf %add3A_1485, %get3A_1500 : vector<16xf32>
        %scan3A_1502 = arith.constant 49 : i32
        %add3A_1503 = arith.addi %mul3A_717, %scan3A_1502 : i32
        %get3A_1504 = arith.constant 0 : i32
        %get3A_1505 = arith.index_cast %get3A_1504 : i32 to index
        %get3A_1506 = arith.index_cast %add3A_1503 : i32 to index
        %get3A_1507 = arith.constant 0 : index
        %get3A_1508 = tpu.vector_load %arg6[%get3A_1505, %get3A_1506, %get3A_1507] {strides = array<i32>} : memref<2x1600x32xf32, #tpu.memory_space<vmem>>, vector<1x1x16xf32>,
        %get3A_1509 = vector.shape_cast %get3A_1508 : vector<1x1x16xf32> to vector<16xf32>
        %add3A_1510 = arith.addf %add3A_1494, %get3A_1509 : vector<16xf32>
        %get3A_1511 = arith.constant 0 : i32
        %get3A_1512 = arith.index_cast %get3A_1511 : i32 to index
        %get3A_1513 = arith.index_cast %add3A_1503 : i32 to index
        %get3A_1514 = arith.constant 16 : index
        %get3A_1515 = tpu.vector_load %arg6[%get3A_1512, %get3A_1513, %get3A_1514] {strides = array<i32>} : memref<2x1600x32xf32, #tpu.memory_space<vmem>>, vector<1x1x16xf32>,
        %get3A_1516 = vector.shape_cast %get3A_1515 : vector<1x1x16xf32> to vector<16xf32>
        %add3A_1517 = arith.addf %add3A_1501, %get3A_1516 : vector<16xf32>
        %scan3A_1518 = arith.constant 50 : i32
        %swap3A = arith.constant 0 : i32
        %swap3A_1519 = arith.index_cast %swap3A : i32 to index
        %swap3A_1520 = arith.index_cast %scan3A_715 : i32 to index
        %swap3A_1521 = arith.constant 0 : index
        %swap3A_1522 = tpu.vector_load %arg7[%swap3A_1519, %swap3A_1520, %swap3A_1521] {strides = array<i32>} : memref<2x32x32xf32, #tpu.memory_space<vmem>>, vector<1x1x16xf32>,
        %swap3A_1523 = vector.shape_cast %swap3A_1522 : vector<1x1x16xf32> to vector<16xf32>
        %swap3A_1524 = vector.shape_cast %add3A_1510 : vector<16xf32> to vector<1x1x16xf32>
        tpu.vector_store %arg7[%swap3A_1519, %swap3A_1520, %swap3A_1521], %swap3A_1524 {strides = array<i32>} : memref<2x32x32xf32, #tpu.memory_space<vmem>>, vector<1x1x16xf32>,
        %swap3A_1525 = arith.constant 0 : i32
        %swap3A_1526 = arith.index_cast %swap3A_1525 : i32 to index
        %swap3A_1527 = arith.index_cast %scan3A_715 : i32 to index
        %swap3A_1528 = arith.constant 16 : index
        %swap3A_1529 = tpu.vector_load %arg7[%swap3A_1526, %swap3A_1527, %swap3A_1528] {strides = array<i32>} : memref<2x32x32xf32, #tpu.memory_space<vmem>>, vector<1x1x16xf32>,
        %swap3A_1530 = vector.shape_cast %swap3A_1529 : vector<1x1x16xf32> to vector<16xf32>
        %swap3A_1531 = vector.shape_cast %add3A_1517 : vector<16xf32> to vector<1x1x16xf32>
        tpu.vector_store %arg7[%swap3A_1526, %swap3A_1527, %swap3A_1528], %swap3A_1531 {strides = array<i32>} : memref<2x32x32xf32, #tpu.memory_space<vmem>>, vector<1x1x16xf32>,
      }
      %scan3A_677 = arith.constant 32 : i32
      %mul3A_678 = arith.constant 512 : i32
      %mul3A_679 = arith.muli %add3A, %mul3A_678 : i32
      %mul3A_680 = arith.constant 32 : i32
      %mul3A_681 = arith.muli %mul3A_331, %mul3A_680 : i32
      %add3A_682 = arith.addi %mul3A_679, %mul3A_681 : i32
      %run_scoped3A_683 = arith.constant 0 : i32
      "tpu.region"() ({
        %run_scoped3A_715 = tpu.sem_alloc : memref<!tpu.dma_semaphore, #tpu.memory_space<semaphore_mem>>
        %dma_start3A_716 = arith.constant 0 : i32
        %dma_start3A_717 = arith.constant 0 : i32
        %dma_start3A_718 = tpu.memref_slice %arg7[%run_scoped3A_683, %dma_start3A_716, %dma_start3A_717] : memref<2x32x32xf32, #tpu.memory_space<vmem>> -> memref<1x32x32xf32, #tpu.memory_space<vmem>>
        %dma_start3A_719 = tpu.memref_squeeze %dma_start3A_718 : memref<1x32x32xf32, #tpu.memory_space<vmem>> -> memref<32x32xf32, #tpu.memory_space<vmem>>
        %dma_start3A_720 = arith.constant 0 : i32
        %dma_start3A_721 = tpu.memref_slice %arg4[%add3A_682, %dma_start3A_720] : memref<16384x32xf32, #tpu.memory_space<hbm>> -> memref<32x32xf32, #tpu.memory_space<hbm>>
        %dma_start3A_722 = arith.constant 0 : i32
        %dma_start3A_723 = tpu.memref_slice %arg4[%add3A_682, %dma_start3A_722] : memref<16384x32xf32, #tpu.memory_space<hbm>> -> memref<32x32xf32, #tpu.memory_space<hbm>>
        %dma_start3A_724 = arith.constant 0 : i32
        %dma_start3A_725 = arith.constant 0 : i32
        %dma_start3A_726 = tpu.memref_slice %arg7[%run_scoped3A_683, %dma_start3A_724, %dma_start3A_725] : memref<2x32x32xf32, #tpu.memory_space<vmem>> -> memref<1x32x32xf32, #tpu.memory_space<vmem>>
        %dma_start3A_727 = tpu.memref_squeeze %dma_start3A_726 : memref<1x32x32xf32, #tpu.memory_space<vmem>> -> memref<32x32xf32, #tpu.memory_space<vmem>>
        tpu.enqueue_dma source(%dma_start3A_727 : memref<32x32xf32, #tpu.memory_space<vmem>>) target(%dma_start3A_723 : memref<32x32xf32, #tpu.memory_space<hbm>>) target_semaphore(%run_scoped3A_715 : memref<!tpu.dma_semaphore, #tpu.memory_space<semaphore_mem>>)
        %dma_wait3A_728 = arith.constant 0 : i32
        %dma_wait3A_729 = arith.constant 0 : i32
        %dma_wait3A_730 = tpu.memref_slice %arg7[%run_scoped3A_683, %dma_wait3A_728, %dma_wait3A_729] : memref<2x32x32xf32, #tpu.memory_space<vmem>> -> memref<1x32x32xf32, #tpu.memory_space<vmem>>
        %dma_wait3A_731 = tpu.memref_squeeze %dma_wait3A_730 : memref<1x32x32xf32, #tpu.memory_space<vmem>> -> memref<32x32xf32, #tpu.memory_space<vmem>>
        %dma_wait3A_732 = arith.constant 0 : i32
        %dma_wait3A_733 = tpu.memref_slice %arg4[%add3A_682, %dma_wait3A_732] : memref<16384x32xf32, #tpu.memory_space<hbm>> -> memref<32x32xf32, #tpu.memory_space<hbm>>
        %dma_wait3A_734 = arith.constant 0 : i32
        %dma_wait3A_735 = tpu.memref_slice %arg4[%add3A_682, %dma_wait3A_734] : memref<16384x32xf32, #tpu.memory_space<hbm>> -> memref<32x32xf32, #tpu.memory_space<hbm>>
        %dma_wait3A_736 = arith.constant 0 : i32
        %dma_wait3A_737 = arith.constant 0 : i32
        %dma_wait3A_738 = tpu.memref_slice %arg7[%run_scoped3A_683, %dma_wait3A_736, %dma_wait3A_737] : memref<2x32x32xf32, #tpu.memory_space<vmem>> -> memref<1x32x32xf32, #tpu.memory_space<vmem>>
        %dma_wait3A_739 = tpu.memref_squeeze %dma_wait3A_738 : memref<1x32x32xf32, #tpu.memory_space<vmem>> -> memref<32x32xf32, #tpu.memory_space<vmem>>
        tpu.wait_dma2 semaphore(%run_scoped3A_715 : memref<!tpu.dma_semaphore, #tpu.memory_space<semaphore_mem>>) src(%dma_wait3A_739 : memref<32x32xf32, #tpu.memory_space<vmem>>) dst(%dma_wait3A_735 : memref<32x32xf32, #tpu.memory_space<hbm>>)
        tpu.yield
      }) : () -> ()
      %add3A_684 = arith.constant 1 : i32
      %add3A_685 = arith.addi %add3A_333, %add3A_684 : i32
      %lt3A = arith.constant 16 : i32
      %lt3A_686 = arith.cmpi slt, %add3A_685, %lt3A : i32
      %convert_element_type3A = arith.extui %lt3A_686 : i1 to i32
      %cond3A = arith.constant 0 : i32
      %cond3A_687 = arith.cmpi ne, %convert_element_type3A, %cond3A : i32
      scf.if %cond3A_687 {
        %add3A_715 = arith.constant 1 : i32
        %add3A_716 = arith.addi %add3A_333, %add3A_715 : i32
        %mul3A_717 = arith.constant 16 : i32
        %mul3A_718 = arith.muli %add3A, %mul3A_717 : i32
        %add3A_719 = arith.addi %mul3A_718, %add3A_716 : i32
        %run_scoped3A_720 = arith.constant 0 : i32
        "tpu.region"() ({
          %run_scoped3A_1041 = tpu.sem_alloc : memref<!tpu.dma_semaphore, #tpu.memory_space<semaphore_mem>>
          %dma_start3A_1042 = arith.constant 0 : i32
          %dma_start3A_1043 = arith.constant 0 : i32
          %dma_start3A_1044 = tpu.memref_slice %arg5[%run_scoped3A_720, %dma_start3A_1042, %dma_start3A_1043] : memref<2x16x100xi32, #tpu.memory_space<vmem>> -> memref<1x16x100xi32, #tpu.memory_space<vmem>>
          %dma_start3A_1045 = tpu.memref_squeeze %dma_start3A_1044 : memref<1x16x100xi32, #tpu.memory_space<vmem>> -> memref<16x100xi32, #tpu.memory_space<vmem>>
          %dma_start3A_1046 = arith.constant 0 : i32
          %dma_start3A_1047 = arith.constant 0 : i32
          %dma_start3A_1048 = tpu.memref_slice %arg2[%add3A_719, %dma_start3A_1046, %dma_start3A_1047] : memref<512x16x100xi32, #tpu.memory_space<hbm>> -> memref<1x16x100xi32, #tpu.memory_space<hbm>>
          %dma_start3A_1049 = tpu.memref_squeeze %dma_start3A_1048 : memref<1x16x100xi32, #tpu.memory_space<hbm>> -> memref<16x100xi32, #tpu.memory_space<hbm>>
          %dma_start3A_1050 = arith.constant 0 : i32
          %dma_start3A_1051 = arith.constant 0 : i32
          %dma_start3A_1052 = tpu.memref_slice %arg5[%run_scoped3A_720, %dma_start3A_1050, %dma_start3A_1051] : memref<2x16x100xi32, #tpu.memory_space<vmem>> -> memref<1x16x100xi32, #tpu.memory_space<vmem>>
          %dma_start3A_1053 = tpu.memref_squeeze %dma_start3A_1052 : memref<1x16x100xi32, #tpu.memory_space<vmem>> -> memref<16x100xi32, #tpu.memory_space<vmem>>
          %dma_start3A_1054 = arith.constant 0 : i32
          %dma_start3A_1055 = arith.constant 0 : i32
          %dma_start3A_1056 = tpu.memref_slice %arg2[%add3A_719, %dma_start3A_1054, %dma_start3A_1055] : memref<512x16x100xi32, #tpu.memory_space<hbm>> -> memref<1x16x100xi32, #tpu.memory_space<hbm>>
          %dma_start3A_1057 = tpu.memref_squeeze %dma_start3A_1056 : memref<1x16x100xi32, #tpu.memory_space<hbm>> -> memref<16x100xi32, #tpu.memory_space<hbm>>
          tpu.enqueue_dma source(%dma_start3A_1057 : memref<16x100xi32, #tpu.memory_space<hbm>>) target(%dma_start3A_1053 : memref<16x100xi32, #tpu.memory_space<vmem>>) target_semaphore(%run_scoped3A_1041 : memref<!tpu.dma_semaphore, #tpu.memory_space<semaphore_mem>>)
          %dma_wait3A_1058 = arith.constant 0 : i32
          %dma_wait3A_1059 = arith.constant 0 : i32
          %dma_wait3A_1060 = tpu.memref_slice %arg5[%run_scoped3A_720, %dma_wait3A_1058, %dma_wait3A_1059] : memref<2x16x100xi32, #tpu.memory_space<vmem>> -> memref<1x16x100xi32, #tpu.memory_space<vmem>>
          %dma_wait3A_1061 = tpu.memref_squeeze %dma_wait3A_1060 : memref<1x16x100xi32, #tpu.memory_space<vmem>> -> memref<16x100xi32, #tpu.memory_space<vmem>>
          %dma_wait3A_1062 = arith.constant 0 : i32
          %dma_wait3A_1063 = arith.constant 0 : i32
          %dma_wait3A_1064 = tpu.memref_slice %arg2[%add3A_719, %dma_wait3A_1062, %dma_wait3A_1063] : memref<512x16x100xi32, #tpu.memory_space<hbm>> -> memref<1x16x100xi32, #tpu.memory_space<hbm>>
          %dma_wait3A_1065 = tpu.memref_squeeze %dma_wait3A_1064 : memref<1x16x100xi32, #tpu.memory_space<hbm>> -> memref<16x100xi32, #tpu.memory_space<hbm>>
          %dma_wait3A_1066 = arith.constant 0 : i32
          %dma_wait3A_1067 = arith.constant 0 : i32
          %dma_wait3A_1068 = tpu.memref_slice %arg5[%run_scoped3A_720, %dma_wait3A_1066, %dma_wait3A_1067] : memref<2x16x100xi32, #tpu.memory_space<vmem>> -> memref<1x16x100xi32, #tpu.memory_space<vmem>>
          %dma_wait3A_1069 = tpu.memref_squeeze %dma_wait3A_1068 : memref<1x16x100xi32, #tpu.memory_space<vmem>> -> memref<16x100xi32, #tpu.memory_space<vmem>>
          %dma_wait3A_1070 = arith.constant 0 : i32
          %dma_wait3A_1071 = arith.constant 0 : i32
          %dma_wait3A_1072 = tpu.memref_slice %arg2[%add3A_719, %dma_wait3A_1070, %dma_wait3A_1071] : memref<512x16x100xi32, #tpu.memory_space<hbm>> -> memref<1x16x100xi32, #tpu.memory_space<hbm>>
          %dma_wait3A_1073 = tpu.memref_squeeze %dma_wait3A_1072 : memref<1x16x100xi32, #tpu.memory_space<hbm>> -> memref<16x100xi32, #tpu.memory_space<hbm>>
          tpu.wait_dma2 semaphore(%run_scoped3A_1041 : memref<!tpu.dma_semaphore, #tpu.memory_space<semaphore_mem>>) src(%dma_wait3A_1073 : memref<16x100xi32, #tpu.memory_space<hbm>>) dst(%dma_wait3A_1069 : memref<16x100xi32, #tpu.memory_space<vmem>>)
          tpu.yield
        }) : () -> ()
        %dma_start3A_721 = arith.constant 0 : i32
        %dma_start3A_722 = arith.constant 0 : i32
        %dma_start3A_723 = arith.constant 0 : i32
        %dma_start3A_724 = arith.constant 0 : i32
        %dma_start3A_725 = arith.constant 0 : i32
        %dma_start3A_726 = tpu.memref_slice %arg6[%dma_start3A_723, %dma_start3A_724, %dma_start3A_725] : memref<2x1600x32xf32, #tpu.memory_space<vmem>> -> memref<1x1600x32xf32, #tpu.memory_space<vmem>>
        %dma_start3A_727 = tpu.memref_squeeze %dma_start3A_726 : memref<1x1600x32xf32, #tpu.memory_space<vmem>> -> memref<1600x32xf32, #tpu.memory_space<vmem>>
        %dma_start3A_728 = arith.constant 0 : i32
        %dma_start3A_729 = arith.constant 0 : i32
        %dma_start3A_730 = tpu.memref_slice %dma_start3A_727[%dma_start3A_728, %dma_start3A_729] : memref<1600x32xf32, #tpu.memory_space<vmem>> -> memref<100x32xf32, #tpu.memory_space<vmem>>
        %dma_start3A_731 = arith.constant 0 : i32
        %dma_start3A_732 = arith.constant 0 : i32
        %dma_start3A_733 = tpu.memref_slice %arg5[%dma_start3A_721, %dma_start3A_731, %dma_start3A_732] : memref<2x16x100xi32, #tpu.memory_space<vmem>> -> memref<1x16x100xi32, #tpu.memory_space<vmem>>
        %dma_start3A_734 = tpu.memref_squeeze %dma_start3A_733 : memref<1x16x100xi32, #tpu.memory_space<vmem>> -> memref<16x100xi32, #tpu.memory_space<vmem>>
        %dma_start3A_735 = arith.constant 0 : i32
        %dma_start3A_736 = tpu.memref_slice %dma_start3A_734[%dma_start3A_722, %dma_start3A_735] : memref<16x100xi32, #tpu.memory_space<vmem>> -> memref<1x100xi32, #tpu.memory_space<vmem>>
        %dma_start3A_737 = tpu.memref_squeeze %dma_start3A_736 : memref<1x100xi32, #tpu.memory_space<vmem>> -> memref<100xi32, #tpu.memory_space<vmem>>
        %dma_start3A_738 = arith.constant 0 : i32
        %dma_start3A_739 = arith.constant 0 : i32
        %dma_start3A_740 = tpu.memref_slice %arg3[%dma_start3A_738, %dma_start3A_739] : memref<1000000x32xf32, #tpu.memory_space<hbm>> -> memref<1000000x32xf32, #tpu.memory_space<hbm>>
        tpu.enqueue_indirect_dma source(%dma_start3A_740 : memref<1000000x32xf32, #tpu.memory_space<hbm>>) target(%dma_start3A_730 : memref<100x32xf32, #tpu.memory_space<vmem>>) offsets(%dma_start3A_737 : memref<100xi32, #tpu.memory_space<vmem>>) semaphore(%arg8 : memref<!tpu.dma_semaphore, #tpu.memory_space<semaphore_mem>>)
        %dma_start3A_741 = arith.constant 0 : i32
        %dma_start3A_742 = arith.constant 1 : i32
        %dma_start3A_743 = arith.constant 0 : i32
        %dma_start3A_744 = arith.constant 0 : i32
        %dma_start3A_745 = arith.constant 0 : i32
        %dma_start3A_746 = tpu.memref_slice %arg6[%dma_start3A_743, %dma_start3A_744, %dma_start3A_745] : memref<2x1600x32xf32, #tpu.memory_space<vmem>> -> memref<1x1600x32xf32, #tpu.memory_space<vmem>>
        %dma_start3A_747 = tpu.memref_squeeze %dma_start3A_746 : memref<1x1600x32xf32, #tpu.memory_space<vmem>> -> memref<1600x32xf32, #tpu.memory_space<vmem>>
        %dma_start3A_748 = arith.constant 100 : i32
        %dma_start3A_749 = arith.constant 0 : i32
        %dma_start3A_750 = tpu.memref_slice %dma_start3A_747[%dma_start3A_748, %dma_start3A_749] : memref<1600x32xf32, #tpu.memory_space<vmem>> -> memref<100x32xf32, #tpu.memory_space<vmem>>
        %dma_start3A_751 = arith.constant 0 : i32
        %dma_start3A_752 = arith.constant 0 : i32
        %dma_start3A_753 = tpu.memref_slice %arg5[%dma_start3A_741, %dma_start3A_751, %dma_start3A_752] : memref<2x16x100xi32, #tpu.memory_space<vmem>> -> memref<1x16x100xi32, #tpu.memory_space<vmem>>
        %dma_start3A_754 = tpu.memref_squeeze %dma_start3A_753 : memref<1x16x100xi32, #tpu.memory_space<vmem>> -> memref<16x100xi32, #tpu.memory_space<vmem>>
        %dma_start3A_755 = arith.constant 0 : i32
        %dma_start3A_756 = tpu.memref_slice %dma_start3A_754[%dma_start3A_742, %dma_start3A_755] : memref<16x100xi32, #tpu.memory_space<vmem>> -> memref<1x100xi32, #tpu.memory_space<vmem>>
        %dma_start3A_757 = tpu.memref_squeeze %dma_start3A_756 : memref<1x100xi32, #tpu.memory_space<vmem>> -> memref<100xi32, #tpu.memory_space<vmem>>
        %dma_start3A_758 = arith.constant 0 : i32
        %dma_start3A_759 = arith.constant 0 : i32
        %dma_start3A_760 = tpu.memref_slice %arg3[%dma_start3A_758, %dma_start3A_759] : memref<1000000x32xf32, #tpu.memory_space<hbm>> -> memref<1000000x32xf32, #tpu.memory_space<hbm>>
        tpu.enqueue_indirect_dma source(%dma_start3A_760 : memref<1000000x32xf32, #tpu.memory_space<hbm>>) target(%dma_start3A_750 : memref<100x32xf32, #tpu.memory_space<vmem>>) offsets(%dma_start3A_757 : memref<100xi32, #tpu.memory_space<vmem>>) semaphore(%arg8 : memref<!tpu.dma_semaphore, #tpu.memory_space<semaphore_mem>>)
        %dma_start3A_761 = arith.constant 0 : i32
        %dma_start3A_762 = arith.constant 2 : i32
        %dma_start3A_763 = arith.constant 0 : i32
        %dma_start3A_764 = arith.constant 0 : i32
        %dma_start3A_765 = arith.constant 0 : i32
        %dma_start3A_766 = tpu.memref_slice %arg6[%dma_start3A_763, %dma_start3A_764, %dma_start3A_765] : memref<2x1600x32xf32, #tpu.memory_space<vmem>> -> memref<1x1600x32xf32, #tpu.memory_space<vmem>>
        %dma_start3A_767 = tpu.memref_squeeze %dma_start3A_766 : memref<1x1600x32xf32, #tpu.memory_space<vmem>> -> memref<1600x32xf32, #tpu.memory_space<vmem>>
        %dma_start3A_768 = arith.constant 200 : i32
        %dma_start3A_769 = arith.constant 0 : i32
        %dma_start3A_770 = tpu.memref_slice %dma_start3A_767[%dma_start3A_768, %dma_start3A_769] : memref<1600x32xf32, #tpu.memory_space<vmem>> -> memref<100x32xf32, #tpu.memory_space<vmem>>
        %dma_start3A_771 = arith.constant 0 : i32
        %dma_start3A_772 = arith.constant 0 : i32
        %dma_start3A_773 = tpu.memref_slice %arg5[%dma_start3A_761, %dma_start3A_771, %dma_start3A_772] : memref<2x16x100xi32, #tpu.memory_space<vmem>> -> memref<1x16x100xi32, #tpu.memory_space<vmem>>
        %dma_start3A_774 = tpu.memref_squeeze %dma_start3A_773 : memref<1x16x100xi32, #tpu.memory_space<vmem>> -> memref<16x100xi32, #tpu.memory_space<vmem>>
        %dma_start3A_775 = arith.constant 0 : i32
        %dma_start3A_776 = tpu.memref_slice %dma_start3A_774[%dma_start3A_762, %dma_start3A_775] : memref<16x100xi32, #tpu.memory_space<vmem>> -> memref<1x100xi32, #tpu.memory_space<vmem>>
        %dma_start3A_777 = tpu.memref_squeeze %dma_start3A_776 : memref<1x100xi32, #tpu.memory_space<vmem>> -> memref<100xi32, #tpu.memory_space<vmem>>
        %dma_start3A_778 = arith.constant 0 : i32
        %dma_start3A_779 = arith.constant 0 : i32
        %dma_start3A_780 = tpu.memref_slice %arg3[%dma_start3A_778, %dma_start3A_779] : memref<1000000x32xf32, #tpu.memory_space<hbm>> -> memref<1000000x32xf32, #tpu.memory_space<hbm>>
        tpu.enqueue_indirect_dma source(%dma_start3A_780 : memref<1000000x32xf32, #tpu.memory_space<hbm>>) target(%dma_start3A_770 : memref<100x32xf32, #tpu.memory_space<vmem>>) offsets(%dma_start3A_777 : memref<100xi32, #tpu.memory_space<vmem>>) semaphore(%arg8 : memref<!tpu.dma_semaphore, #tpu.memory_space<semaphore_mem>>)
        %dma_start3A_781 = arith.constant 0 : i32
        %dma_start3A_782 = arith.constant 3 : i32
        %dma_start3A_783 = arith.constant 0 : i32
        %dma_start3A_784 = arith.constant 0 : i32
        %dma_start3A_785 = arith.constant 0 : i32
        %dma_start3A_786 = tpu.memref_slice %arg6[%dma_start3A_783, %dma_start3A_784, %dma_start3A_785] : memref<2x1600x32xf32, #tpu.memory_space<vmem>> -> memref<1x1600x32xf32, #tpu.memory_space<vmem>>
        %dma_start3A_787 = tpu.memref_squeeze %dma_start3A_786 : memref<1x1600x32xf32, #tpu.memory_space<vmem>> -> memref<1600x32xf32, #tpu.memory_space<vmem>>
        %dma_start3A_788 = arith.constant 300 : i32
        %dma_start3A_789 = arith.constant 0 : i32
        %dma_start3A_790 = tpu.memref_slice %dma_start3A_787[%dma_start3A_788, %dma_start3A_789] : memref<1600x32xf32, #tpu.memory_space<vmem>> -> memref<100x32xf32, #tpu.memory_space<vmem>>
        %dma_start3A_791 = arith.constant 0 : i32
        %dma_start3A_792 = arith.constant 0 : i32
        %dma_start3A_793 = tpu.memref_slice %arg5[%dma_start3A_781, %dma_start3A_791, %dma_start3A_792] : memref<2x16x100xi32, #tpu.memory_space<vmem>> -> memref<1x16x100xi32, #tpu.memory_space<vmem>>
        %dma_start3A_794 = tpu.memref_squeeze %dma_start3A_793 : memref<1x16x100xi32, #tpu.memory_space<vmem>> -> memref<16x100xi32, #tpu.memory_space<vmem>>
        %dma_start3A_795 = arith.constant 0 : i32
        %dma_start3A_796 = tpu.memref_slice %dma_start3A_794[%dma_start3A_782, %dma_start3A_795] : memref<16x100xi32, #tpu.memory_space<vmem>> -> memref<1x100xi32, #tpu.memory_space<vmem>>
        %dma_start3A_797 = tpu.memref_squeeze %dma_start3A_796 : memref<1x100xi32, #tpu.memory_space<vmem>> -> memref<100xi32, #tpu.memory_space<vmem>>
        %dma_start3A_798 = arith.constant 0 : i32
        %dma_start3A_799 = arith.constant 0 : i32
        %dma_start3A_800 = tpu.memref_slice %arg3[%dma_start3A_798, %dma_start3A_799] : memref<1000000x32xf32, #tpu.memory_space<hbm>> -> memref<1000000x32xf32, #tpu.memory_space<hbm>>
        tpu.enqueue_indirect_dma source(%dma_start3A_800 : memref<1000000x32xf32, #tpu.memory_space<hbm>>) target(%dma_start3A_790 : memref<100x32xf32, #tpu.memory_space<vmem>>) offsets(%dma_start3A_797 : memref<100xi32, #tpu.memory_space<vmem>>) semaphore(%arg8 : memref<!tpu.dma_semaphore, #tpu.memory_space<semaphore_mem>>)
        %dma_start3A_801 = arith.constant 0 : i32
        %dma_start3A_802 = arith.constant 4 : i32
        %dma_start3A_803 = arith.constant 0 : i32
        %dma_start3A_804 = arith.constant 0 : i32
        %dma_start3A_805 = arith.constant 0 : i32
        %dma_start3A_806 = tpu.memref_slice %arg6[%dma_start3A_803, %dma_start3A_804, %dma_start3A_805] : memref<2x1600x32xf32, #tpu.memory_space<vmem>> -> memref<1x1600x32xf32, #tpu.memory_space<vmem>>
        %dma_start3A_807 = tpu.memref_squeeze %dma_start3A_806 : memref<1x1600x32xf32, #tpu.memory_space<vmem>> -> memref<1600x32xf32, #tpu.memory_space<vmem>>
        %dma_start3A_808 = arith.constant 400 : i32
        %dma_start3A_809 = arith.constant 0 : i32
        %dma_start3A_810 = tpu.memref_slice %dma_start3A_807[%dma_start3A_808, %dma_start3A_809] : memref<1600x32xf32, #tpu.memory_space<vmem>> -> memref<100x32xf32, #tpu.memory_space<vmem>>
        %dma_start3A_811 = arith.constant 0 : i32
        %dma_start3A_812 = arith.constant 0 : i32
        %dma_start3A_813 = tpu.memref_slice %arg5[%dma_start3A_801, %dma_start3A_811, %dma_start3A_812] : memref<2x16x100xi32, #tpu.memory_space<vmem>> -> memref<1x16x100xi32, #tpu.memory_space<vmem>>
        %dma_start3A_814 = tpu.memref_squeeze %dma_start3A_813 : memref<1x16x100xi32, #tpu.memory_space<vmem>> -> memref<16x100xi32, #tpu.memory_space<vmem>>
        %dma_start3A_815 = arith.constant 0 : i32
        %dma_start3A_816 = tpu.memref_slice %dma_start3A_814[%dma_start3A_802, %dma_start3A_815] : memref<16x100xi32, #tpu.memory_space<vmem>> -> memref<1x100xi32, #tpu.memory_space<vmem>>
        %dma_start3A_817 = tpu.memref_squeeze %dma_start3A_816 : memref<1x100xi32, #tpu.memory_space<vmem>> -> memref<100xi32, #tpu.memory_space<vmem>>
        %dma_start3A_818 = arith.constant 0 : i32
        %dma_start3A_819 = arith.constant 0 : i32
        %dma_start3A_820 = tpu.memref_slice %arg3[%dma_start3A_818, %dma_start3A_819] : memref<1000000x32xf32, #tpu.memory_space<hbm>> -> memref<1000000x32xf32, #tpu.memory_space<hbm>>
        tpu.enqueue_indirect_dma source(%dma_start3A_820 : memref<1000000x32xf32, #tpu.memory_space<hbm>>) target(%dma_start3A_810 : memref<100x32xf32, #tpu.memory_space<vmem>>) offsets(%dma_start3A_817 : memref<100xi32, #tpu.memory_space<vmem>>) semaphore(%arg8 : memref<!tpu.dma_semaphore, #tpu.memory_space<semaphore_mem>>)
        %dma_start3A_821 = arith.constant 0 : i32
        %dma_start3A_822 = arith.constant 5 : i32
        %dma_start3A_823 = arith.constant 0 : i32
        %dma_start3A_824 = arith.constant 0 : i32
        %dma_start3A_825 = arith.constant 0 : i32
        %dma_start3A_826 = tpu.memref_slice %arg6[%dma_start3A_823, %dma_start3A_824, %dma_start3A_825] : memref<2x1600x32xf32, #tpu.memory_space<vmem>> -> memref<1x1600x32xf32, #tpu.memory_space<vmem>>
        %dma_start3A_827 = tpu.memref_squeeze %dma_start3A_826 : memref<1x1600x32xf32, #tpu.memory_space<vmem>> -> memref<1600x32xf32, #tpu.memory_space<vmem>>
        %dma_start3A_828 = arith.constant 500 : i32
        %dma_start3A_829 = arith.constant 0 : i32
        %dma_start3A_830 = tpu.memref_slice %dma_start3A_827[%dma_start3A_828, %dma_start3A_829] : memref<1600x32xf32, #tpu.memory_space<vmem>> -> memref<100x32xf32, #tpu.memory_space<vmem>>
        %dma_start3A_831 = arith.constant 0 : i32
        %dma_start3A_832 = arith.constant 0 : i32
        %dma_start3A_833 = tpu.memref_slice %arg5[%dma_start3A_821, %dma_start3A_831, %dma_start3A_832] : memref<2x16x100xi32, #tpu.memory_space<vmem>> -> memref<1x16x100xi32, #tpu.memory_space<vmem>>
        %dma_start3A_834 = tpu.memref_squeeze %dma_start3A_833 : memref<1x16x100xi32, #tpu.memory_space<vmem>> -> memref<16x100xi32, #tpu.memory_space<vmem>>
        %dma_start3A_835 = arith.constant 0 : i32
        %dma_start3A_836 = tpu.memref_slice %dma_start3A_834[%dma_start3A_822, %dma_start3A_835] : memref<16x100xi32, #tpu.memory_space<vmem>> -> memref<1x100xi32, #tpu.memory_space<vmem>>
        %dma_start3A_837 = tpu.memref_squeeze %dma_start3A_836 : memref<1x100xi32, #tpu.memory_space<vmem>> -> memref<100xi32, #tpu.memory_space<vmem>>
        %dma_start3A_838 = arith.constant 0 : i32
        %dma_start3A_839 = arith.constant 0 : i32
        %dma_start3A_840 = tpu.memref_slice %arg3[%dma_start3A_838, %dma_start3A_839] : memref<1000000x32xf32, #tpu.memory_space<hbm>> -> memref<1000000x32xf32, #tpu.memory_space<hbm>>
        tpu.enqueue_indirect_dma source(%dma_start3A_840 : memref<1000000x32xf32, #tpu.memory_space<hbm>>) target(%dma_start3A_830 : memref<100x32xf32, #tpu.memory_space<vmem>>) offsets(%dma_start3A_837 : memref<100xi32, #tpu.memory_space<vmem>>) semaphore(%arg8 : memref<!tpu.dma_semaphore, #tpu.memory_space<semaphore_mem>>)
        %dma_start3A_841 = arith.constant 0 : i32
        %dma_start3A_842 = arith.constant 6 : i32
        %dma_start3A_843 = arith.constant 0 : i32
        %dma_start3A_844 = arith.constant 0 : i32
        %dma_start3A_845 = arith.constant 0 : i32
        %dma_start3A_846 = tpu.memref_slice %arg6[%dma_start3A_843, %dma_start3A_844, %dma_start3A_845] : memref<2x1600x32xf32, #tpu.memory_space<vmem>> -> memref<1x1600x32xf32, #tpu.memory_space<vmem>>
        %dma_start3A_847 = tpu.memref_squeeze %dma_start3A_846 : memref<1x1600x32xf32, #tpu.memory_space<vmem>> -> memref<1600x32xf32, #tpu.memory_space<vmem>>
        %dma_start3A_848 = arith.constant 600 : i32
        %dma_start3A_849 = arith.constant 0 : i32
        %dma_start3A_850 = tpu.memref_slice %dma_start3A_847[%dma_start3A_848, %dma_start3A_849] : memref<1600x32xf32, #tpu.memory_space<vmem>> -> memref<100x32xf32, #tpu.memory_space<vmem>>
        %dma_start3A_851 = arith.constant 0 : i32
        %dma_start3A_852 = arith.constant 0 : i32
        %dma_start3A_853 = tpu.memref_slice %arg5[%dma_start3A_841, %dma_start3A_851, %dma_start3A_852] : memref<2x16x100xi32, #tpu.memory_space<vmem>> -> memref<1x16x100xi32, #tpu.memory_space<vmem>>
        %dma_start3A_854 = tpu.memref_squeeze %dma_start3A_853 : memref<1x16x100xi32, #tpu.memory_space<vmem>> -> memref<16x100xi32, #tpu.memory_space<vmem>>
        %dma_start3A_855 = arith.constant 0 : i32
        %dma_start3A_856 = tpu.memref_slice %dma_start3A_854[%dma_start3A_842, %dma_start3A_855] : memref<16x100xi32, #tpu.memory_space<vmem>> -> memref<1x100xi32, #tpu.memory_space<vmem>>
        %dma_start3A_857 = tpu.memref_squeeze %dma_start3A_856 : memref<1x100xi32, #tpu.memory_space<vmem>> -> memref<100xi32, #tpu.memory_space<vmem>>
        %dma_start3A_858 = arith.constant 0 : i32
        %dma_start3A_859 = arith.constant 0 : i32
        %dma_start3A_860 = tpu.memref_slice %arg3[%dma_start3A_858, %dma_start3A_859] : memref<1000000x32xf32, #tpu.memory_space<hbm>> -> memref<1000000x32xf32, #tpu.memory_space<hbm>>
        tpu.enqueue_indirect_dma source(%dma_start3A_860 : memref<1000000x32xf32, #tpu.memory_space<hbm>>) target(%dma_start3A_850 : memref<100x32xf32, #tpu.memory_space<vmem>>) offsets(%dma_start3A_857 : memref<100xi32, #tpu.memory_space<vmem>>) semaphore(%arg8 : memref<!tpu.dma_semaphore, #tpu.memory_space<semaphore_mem>>)
        %dma_start3A_861 = arith.constant 0 : i32
        %dma_start3A_862 = arith.constant 7 : i32
        %dma_start3A_863 = arith.constant 0 : i32
        %dma_start3A_864 = arith.constant 0 : i32
        %dma_start3A_865 = arith.constant 0 : i32
        %dma_start3A_866 = tpu.memref_slice %arg6[%dma_start3A_863, %dma_start3A_864, %dma_start3A_865] : memref<2x1600x32xf32, #tpu.memory_space<vmem>> -> memref<1x1600x32xf32, #tpu.memory_space<vmem>>
        %dma_start3A_867 = tpu.memref_squeeze %dma_start3A_866 : memref<1x1600x32xf32, #tpu.memory_space<vmem>> -> memref<1600x32xf32, #tpu.memory_space<vmem>>
        %dma_start3A_868 = arith.constant 700 : i32
        %dma_start3A_869 = arith.constant 0 : i32
        %dma_start3A_870 = tpu.memref_slice %dma_start3A_867[%dma_start3A_868, %dma_start3A_869] : memref<1600x32xf32, #tpu.memory_space<vmem>> -> memref<100x32xf32, #tpu.memory_space<vmem>>
        %dma_start3A_871 = arith.constant 0 : i32
        %dma_start3A_872 = arith.constant 0 : i32
        %dma_start3A_873 = tpu.memref_slice %arg5[%dma_start3A_861, %dma_start3A_871, %dma_start3A_872] : memref<2x16x100xi32, #tpu.memory_space<vmem>> -> memref<1x16x100xi32, #tpu.memory_space<vmem>>
        %dma_start3A_874 = tpu.memref_squeeze %dma_start3A_873 : memref<1x16x100xi32, #tpu.memory_space<vmem>> -> memref<16x100xi32, #tpu.memory_space<vmem>>
        %dma_start3A_875 = arith.constant 0 : i32
        %dma_start3A_876 = tpu.memref_slice %dma_start3A_874[%dma_start3A_862, %dma_start3A_875] : memref<16x100xi32, #tpu.memory_space<vmem>> -> memref<1x100xi32, #tpu.memory_space<vmem>>
        %dma_start3A_877 = tpu.memref_squeeze %dma_start3A_876 : memref<1x100xi32, #tpu.memory_space<vmem>> -> memref<100xi32, #tpu.memory_space<vmem>>
        %dma_start3A_878 = arith.constant 0 : i32
        %dma_start3A_879 = arith.constant 0 : i32
        %dma_start3A_880 = tpu.memref_slice %arg3[%dma_start3A_878, %dma_start3A_879] : memref<1000000x32xf32, #tpu.memory_space<hbm>> -> memref<1000000x32xf32, #tpu.memory_space<hbm>>
        tpu.enqueue_indirect_dma source(%dma_start3A_880 : memref<1000000x32xf32, #tpu.memory_space<hbm>>) target(%dma_start3A_870 : memref<100x32xf32, #tpu.memory_space<vmem>>) offsets(%dma_start3A_877 : memref<100xi32, #tpu.memory_space<vmem>>) semaphore(%arg8 : memref<!tpu.dma_semaphore, #tpu.memory_space<semaphore_mem>>)
        %dma_start3A_881 = arith.constant 0 : i32
        %dma_start3A_882 = arith.constant 8 : i32
        %dma_start3A_883 = arith.constant 0 : i32
        %dma_start3A_884 = arith.constant 0 : i32
        %dma_start3A_885 = arith.constant 0 : i32
        %dma_start3A_886 = tpu.memref_slice %arg6[%dma_start3A_883, %dma_start3A_884, %dma_start3A_885] : memref<2x1600x32xf32, #tpu.memory_space<vmem>> -> memref<1x1600x32xf32, #tpu.memory_space<vmem>>
        %dma_start3A_887 = tpu.memref_squeeze %dma_start3A_886 : memref<1x1600x32xf32, #tpu.memory_space<vmem>> -> memref<1600x32xf32, #tpu.memory_space<vmem>>
        %dma_start3A_888 = arith.constant 800 : i32
        %dma_start3A_889 = arith.constant 0 : i32
        %dma_start3A_890 = tpu.memref_slice %dma_start3A_887[%dma_start3A_888, %dma_start3A_889] : memref<1600x32xf32, #tpu.memory_space<vmem>> -> memref<100x32xf32, #tpu.memory_space<vmem>>
        %dma_start3A_891 = arith.constant 0 : i32
        %dma_start3A_892 = arith.constant 0 : i32
        %dma_start3A_893 = tpu.memref_slice %arg5[%dma_start3A_881, %dma_start3A_891, %dma_start3A_892] : memref<2x16x100xi32, #tpu.memory_space<vmem>> -> memref<1x16x100xi32, #tpu.memory_space<vmem>>
        %dma_start3A_894 = tpu.memref_squeeze %dma_start3A_893 : memref<1x16x100xi32, #tpu.memory_space<vmem>> -> memref<16x100xi32, #tpu.memory_space<vmem>>
        %dma_start3A_895 = arith.constant 0 : i32
        %dma_start3A_896 = tpu.memref_slice %dma_start3A_894[%dma_start3A_882, %dma_start3A_895] : memref<16x100xi32, #tpu.memory_space<vmem>> -> memref<1x100xi32, #tpu.memory_space<vmem>>
        %dma_start3A_897 = tpu.memref_squeeze %dma_start3A_896 : memref<1x100xi32, #tpu.memory_space<vmem>> -> memref<100xi32, #tpu.memory_space<vmem>>
        %dma_start3A_898 = arith.constant 0 : i32
        %dma_start3A_899 = arith.constant 0 : i32
        %dma_start3A_900 = tpu.memref_slice %arg3[%dma_start3A_898, %dma_start3A_899] : memref<1000000x32xf32, #tpu.memory_space<hbm>> -> memref<1000000x32xf32, #tpu.memory_space<hbm>>
        tpu.enqueue_indirect_dma source(%dma_start3A_900 : memref<1000000x32xf32, #tpu.memory_space<hbm>>) target(%dma_start3A_890 : memref<100x32xf32, #tpu.memory_space<vmem>>) offsets(%dma_start3A_897 : memref<100xi32, #tpu.memory_space<vmem>>) semaphore(%arg8 : memref<!tpu.dma_semaphore, #tpu.memory_space<semaphore_mem>>)
        %dma_start3A_901 = arith.constant 0 : i32
        %dma_start3A_902 = arith.constant 9 : i32
        %dma_start3A_903 = arith.constant 0 : i32
        %dma_start3A_904 = arith.constant 0 : i32
        %dma_start3A_905 = arith.constant 0 : i32
        %dma_start3A_906 = tpu.memref_slice %arg6[%dma_start3A_903, %dma_start3A_904, %dma_start3A_905] : memref<2x1600x32xf32, #tpu.memory_space<vmem>> -> memref<1x1600x32xf32, #tpu.memory_space<vmem>>
        %dma_start3A_907 = tpu.memref_squeeze %dma_start3A_906 : memref<1x1600x32xf32, #tpu.memory_space<vmem>> -> memref<1600x32xf32, #tpu.memory_space<vmem>>
        %dma_start3A_908 = arith.constant 900 : i32
        %dma_start3A_909 = arith.constant 0 : i32
        %dma_start3A_910 = tpu.memref_slice %dma_start3A_907[%dma_start3A_908, %dma_start3A_909] : memref<1600x32xf32, #tpu.memory_space<vmem>> -> memref<100x32xf32, #tpu.memory_space<vmem>>
        %dma_start3A_911 = arith.constant 0 : i32
        %dma_start3A_912 = arith.constant 0 : i32
        %dma_start3A_913 = tpu.memref_slice %arg5[%dma_start3A_901, %dma_start3A_911, %dma_start3A_912] : memref<2x16x100xi32, #tpu.memory_space<vmem>> -> memref<1x16x100xi32, #tpu.memory_space<vmem>>
        %dma_start3A_914 = tpu.memref_squeeze %dma_start3A_913 : memref<1x16x100xi32, #tpu.memory_space<vmem>> -> memref<16x100xi32, #tpu.memory_space<vmem>>
        %dma_start3A_915 = arith.constant 0 : i32
        %dma_start3A_916 = tpu.memref_slice %dma_start3A_914[%dma_start3A_902, %dma_start3A_915] : memref<16x100xi32, #tpu.memory_space<vmem>> -> memref<1x100xi32, #tpu.memory_space<vmem>>
        %dma_start3A_917 = tpu.memref_squeeze %dma_start3A_916 : memref<1x100xi32, #tpu.memory_space<vmem>> -> memref<100xi32, #tpu.memory_space<vmem>>
        %dma_start3A_918 = arith.constant 0 : i32
        %dma_start3A_919 = arith.constant 0 : i32
        %dma_start3A_920 = tpu.memref_slice %arg3[%dma_start3A_918, %dma_start3A_919] : memref<1000000x32xf32, #tpu.memory_space<hbm>> -> memref<1000000x32xf32, #tpu.memory_space<hbm>>
        tpu.enqueue_indirect_dma source(%dma_start3A_920 : memref<1000000x32xf32, #tpu.memory_space<hbm>>) target(%dma_start3A_910 : memref<100x32xf32, #tpu.memory_space<vmem>>) offsets(%dma_start3A_917 : memref<100xi32, #tpu.memory_space<vmem>>) semaphore(%arg8 : memref<!tpu.dma_semaphore, #tpu.memory_space<semaphore_mem>>)
        %dma_start3A_921 = arith.constant 0 : i32
        %dma_start3A_922 = arith.constant 10 : i32
        %dma_start3A_923 = arith.constant 0 : i32
        %dma_start3A_924 = arith.constant 0 : i32
        %dma_start3A_925 = arith.constant 0 : i32
        %dma_start3A_926 = tpu.memref_slice %arg6[%dma_start3A_923, %dma_start3A_924, %dma_start3A_925] : memref<2x1600x32xf32, #tpu.memory_space<vmem>> -> memref<1x1600x32xf32, #tpu.memory_space<vmem>>
        %dma_start3A_927 = tpu.memref_squeeze %dma_start3A_926 : memref<1x1600x32xf32, #tpu.memory_space<vmem>> -> memref<1600x32xf32, #tpu.memory_space<vmem>>
        %dma_start3A_928 = arith.constant 1000 : i32
        %dma_start3A_929 = arith.constant 0 : i32
        %dma_start3A_930 = tpu.memref_slice %dma_start3A_927[%dma_start3A_928, %dma_start3A_929] : memref<1600x32xf32, #tpu.memory_space<vmem>> -> memref<100x32xf32, #tpu.memory_space<vmem>>
        %dma_start3A_931 = arith.constant 0 : i32
        %dma_start3A_932 = arith.constant 0 : i32
        %dma_start3A_933 = tpu.memref_slice %arg5[%dma_start3A_921, %dma_start3A_931, %dma_start3A_932] : memref<2x16x100xi32, #tpu.memory_space<vmem>> -> memref<1x16x100xi32, #tpu.memory_space<vmem>>
        %dma_start3A_934 = tpu.memref_squeeze %dma_start3A_933 : memref<1x16x100xi32, #tpu.memory_space<vmem>> -> memref<16x100xi32, #tpu.memory_space<vmem>>
        %dma_start3A_935 = arith.constant 0 : i32
        %dma_start3A_936 = tpu.memref_slice %dma_start3A_934[%dma_start3A_922, %dma_start3A_935] : memref<16x100xi32, #tpu.memory_space<vmem>> -> memref<1x100xi32, #tpu.memory_space<vmem>>
        %dma_start3A_937 = tpu.memref_squeeze %dma_start3A_936 : memref<1x100xi32, #tpu.memory_space<vmem>> -> memref<100xi32, #tpu.memory_space<vmem>>
        %dma_start3A_938 = arith.constant 0 : i32
        %dma_start3A_939 = arith.constant 0 : i32
        %dma_start3A_940 = tpu.memref_slice %arg3[%dma_start3A_938, %dma_start3A_939] : memref<1000000x32xf32, #tpu.memory_space<hbm>> -> memref<1000000x32xf32, #tpu.memory_space<hbm>>
        tpu.enqueue_indirect_dma source(%dma_start3A_940 : memref<1000000x32xf32, #tpu.memory_space<hbm>>) target(%dma_start3A_930 : memref<100x32xf32, #tpu.memory_space<vmem>>) offsets(%dma_start3A_937 : memref<100xi32, #tpu.memory_space<vmem>>) semaphore(%arg8 : memref<!tpu.dma_semaphore, #tpu.memory_space<semaphore_mem>>)
        %dma_start3A_941 = arith.constant 0 : i32
        %dma_start3A_942 = arith.constant 11 : i32
        %dma_start3A_943 = arith.constant 0 : i32
        %dma_start3A_944 = arith.constant 0 : i32
        %dma_start3A_945 = arith.constant 0 : i32
        %dma_start3A_946 = tpu.memref_slice %arg6[%dma_start3A_943, %dma_start3A_944, %dma_start3A_945] : memref<2x1600x32xf32, #tpu.memory_space<vmem>> -> memref<1x1600x32xf32, #tpu.memory_space<vmem>>
        %dma_start3A_947 = tpu.memref_squeeze %dma_start3A_946 : memref<1x1600x32xf32, #tpu.memory_space<vmem>> -> memref<1600x32xf32, #tpu.memory_space<vmem>>
        %dma_start3A_948 = arith.constant 1100 : i32
        %dma_start3A_949 = arith.constant 0 : i32
        %dma_start3A_950 = tpu.memref_slice %dma_start3A_947[%dma_start3A_948, %dma_start3A_949] : memref<1600x32xf32, #tpu.memory_space<vmem>> -> memref<100x32xf32, #tpu.memory_space<vmem>>
        %dma_start3A_951 = arith.constant 0 : i32
        %dma_start3A_952 = arith.constant 0 : i32
        %dma_start3A_953 = tpu.memref_slice %arg5[%dma_start3A_941, %dma_start3A_951, %dma_start3A_952] : memref<2x16x100xi32, #tpu.memory_space<vmem>> -> memref<1x16x100xi32, #tpu.memory_space<vmem>>
        %dma_start3A_954 = tpu.memref_squeeze %dma_start3A_953 : memref<1x16x100xi32, #tpu.memory_space<vmem>> -> memref<16x100xi32, #tpu.memory_space<vmem>>
        %dma_start3A_955 = arith.constant 0 : i32
        %dma_start3A_956 = tpu.memref_slice %dma_start3A_954[%dma_start3A_942, %dma_start3A_955] : memref<16x100xi32, #tpu.memory_space<vmem>> -> memref<1x100xi32, #tpu.memory_space<vmem>>
        %dma_start3A_957 = tpu.memref_squeeze %dma_start3A_956 : memref<1x100xi32, #tpu.memory_space<vmem>> -> memref<100xi32, #tpu.memory_space<vmem>>
        %dma_start3A_958 = arith.constant 0 : i32
        %dma_start3A_959 = arith.constant 0 : i32
        %dma_start3A_960 = tpu.memref_slice %arg3[%dma_start3A_958, %dma_start3A_959] : memref<1000000x32xf32, #tpu.memory_space<hbm>> -> memref<1000000x32xf32, #tpu.memory_space<hbm>>
        tpu.enqueue_indirect_dma source(%dma_start3A_960 : memref<1000000x32xf32, #tpu.memory_space<hbm>>) target(%dma_start3A_950 : memref<100x32xf32, #tpu.memory_space<vmem>>) offsets(%dma_start3A_957 : memref<100xi32, #tpu.memory_space<vmem>>) semaphore(%arg8 : memref<!tpu.dma_semaphore, #tpu.memory_space<semaphore_mem>>)
        %dma_start3A_961 = arith.constant 0 : i32
        %dma_start3A_962 = arith.constant 12 : i32
        %dma_start3A_963 = arith.constant 0 : i32
        %dma_start3A_964 = arith.constant 0 : i32
        %dma_start3A_965 = arith.constant 0 : i32
        %dma_start3A_966 = tpu.memref_slice %arg6[%dma_start3A_963, %dma_start3A_964, %dma_start3A_965] : memref<2x1600x32xf32, #tpu.memory_space<vmem>> -> memref<1x1600x32xf32, #tpu.memory_space<vmem>>
        %dma_start3A_967 = tpu.memref_squeeze %dma_start3A_966 : memref<1x1600x32xf32, #tpu.memory_space<vmem>> -> memref<1600x32xf32, #tpu.memory_space<vmem>>
        %dma_start3A_968 = arith.constant 1200 : i32
        %dma_start3A_969 = arith.constant 0 : i32
        %dma_start3A_970 = tpu.memref_slice %dma_start3A_967[%dma_start3A_968, %dma_start3A_969] : memref<1600x32xf32, #tpu.memory_space<vmem>> -> memref<100x32xf32, #tpu.memory_space<vmem>>
        %dma_start3A_971 = arith.constant 0 : i32
        %dma_start3A_972 = arith.constant 0 : i32
        %dma_start3A_973 = tpu.memref_slice %arg5[%dma_start3A_961, %dma_start3A_971, %dma_start3A_972] : memref<2x16x100xi32, #tpu.memory_space<vmem>> -> memref<1x16x100xi32, #tpu.memory_space<vmem>>
        %dma_start3A_974 = tpu.memref_squeeze %dma_start3A_973 : memref<1x16x100xi32, #tpu.memory_space<vmem>> -> memref<16x100xi32, #tpu.memory_space<vmem>>
        %dma_start3A_975 = arith.constant 0 : i32
        %dma_start3A_976 = tpu.memref_slice %dma_start3A_974[%dma_start3A_962, %dma_start3A_975] : memref<16x100xi32, #tpu.memory_space<vmem>> -> memref<1x100xi32, #tpu.memory_space<vmem>>
        %dma_start3A_977 = tpu.memref_squeeze %dma_start3A_976 : memref<1x100xi32, #tpu.memory_space<vmem>> -> memref<100xi32, #tpu.memory_space<vmem>>
        %dma_start3A_978 = arith.constant 0 : i32
        %dma_start3A_979 = arith.constant 0 : i32
        %dma_start3A_980 = tpu.memref_slice %arg3[%dma_start3A_978, %dma_start3A_979] : memref<1000000x32xf32, #tpu.memory_space<hbm>> -> memref<1000000x32xf32, #tpu.memory_space<hbm>>
        tpu.enqueue_indirect_dma source(%dma_start3A_980 : memref<1000000x32xf32, #tpu.memory_space<hbm>>) target(%dma_start3A_970 : memref<100x32xf32, #tpu.memory_space<vmem>>) offsets(%dma_start3A_977 : memref<100xi32, #tpu.memory_space<vmem>>) semaphore(%arg8 : memref<!tpu.dma_semaphore, #tpu.memory_space<semaphore_mem>>)
        %dma_start3A_981 = arith.constant 0 : i32
        %dma_start3A_982 = arith.constant 13 : i32
        %dma_start3A_983 = arith.constant 0 : i32
        %dma_start3A_984 = arith.constant 0 : i32
        %dma_start3A_985 = arith.constant 0 : i32
        %dma_start3A_986 = tpu.memref_slice %arg6[%dma_start3A_983, %dma_start3A_984, %dma_start3A_985] : memref<2x1600x32xf32, #tpu.memory_space<vmem>> -> memref<1x1600x32xf32, #tpu.memory_space<vmem>>
        %dma_start3A_987 = tpu.memref_squeeze %dma_start3A_986 : memref<1x1600x32xf32, #tpu.memory_space<vmem>> -> memref<1600x32xf32, #tpu.memory_space<vmem>>
        %dma_start3A_988 = arith.constant 1300 : i32
        %dma_start3A_989 = arith.constant 0 : i32
        %dma_start3A_990 = tpu.memref_slice %dma_start3A_987[%dma_start3A_988, %dma_start3A_989] : memref<1600x32xf32, #tpu.memory_space<vmem>> -> memref<100x32xf32, #tpu.memory_space<vmem>>
        %dma_start3A_991 = arith.constant 0 : i32
        %dma_start3A_992 = arith.constant 0 : i32
        %dma_start3A_993 = tpu.memref_slice %arg5[%dma_start3A_981, %dma_start3A_991, %dma_start3A_992] : memref<2x16x100xi32, #tpu.memory_space<vmem>> -> memref<1x16x100xi32, #tpu.memory_space<vmem>>
        %dma_start3A_994 = tpu.memref_squeeze %dma_start3A_993 : memref<1x16x100xi32, #tpu.memory_space<vmem>> -> memref<16x100xi32, #tpu.memory_space<vmem>>
        %dma_start3A_995 = arith.constant 0 : i32
        %dma_start3A_996 = tpu.memref_slice %dma_start3A_994[%dma_start3A_982, %dma_start3A_995] : memref<16x100xi32, #tpu.memory_space<vmem>> -> memref<1x100xi32, #tpu.memory_space<vmem>>
        %dma_start3A_997 = tpu.memref_squeeze %dma_start3A_996 : memref<1x100xi32, #tpu.memory_space<vmem>> -> memref<100xi32, #tpu.memory_space<vmem>>
        %dma_start3A_998 = arith.constant 0 : i32
        %dma_start3A_999 = arith.constant 0 : i32
        %dma_start3A_1000 = tpu.memref_slice %arg3[%dma_start3A_998, %dma_start3A_999] : memref<1000000x32xf32, #tpu.memory_space<hbm>> -> memref<1000000x32xf32, #tpu.memory_space<hbm>>
        tpu.enqueue_indirect_dma source(%dma_start3A_1000 : memref<1000000x32xf32, #tpu.memory_space<hbm>>) target(%dma_start3A_990 : memref<100x32xf32, #tpu.memory_space<vmem>>) offsets(%dma_start3A_997 : memref<100xi32, #tpu.memory_space<vmem>>) semaphore(%arg8 : memref<!tpu.dma_semaphore, #tpu.memory_space<semaphore_mem>>)
        %dma_start3A_1001 = arith.constant 0 : i32
        %dma_start3A_1002 = arith.constant 14 : i32
        %dma_start3A_1003 = arith.constant 0 : i32
        %dma_start3A_1004 = arith.constant 0 : i32
        %dma_start3A_1005 = arith.constant 0 : i32
        %dma_start3A_1006 = tpu.memref_slice %arg6[%dma_start3A_1003, %dma_start3A_1004, %dma_start3A_1005] : memref<2x1600x32xf32, #tpu.memory_space<vmem>> -> memref<1x1600x32xf32, #tpu.memory_space<vmem>>
        %dma_start3A_1007 = tpu.memref_squeeze %dma_start3A_1006 : memref<1x1600x32xf32, #tpu.memory_space<vmem>> -> memref<1600x32xf32, #tpu.memory_space<vmem>>
        %dma_start3A_1008 = arith.constant 1400 : i32
        %dma_start3A_1009 = arith.constant 0 : i32
        %dma_start3A_1010 = tpu.memref_slice %dma_start3A_1007[%dma_start3A_1008, %dma_start3A_1009] : memref<1600x32xf32, #tpu.memory_space<vmem>> -> memref<100x32xf32, #tpu.memory_space<vmem>>
        %dma_start3A_1011 = arith.constant 0 : i32
        %dma_start3A_1012 = arith.constant 0 : i32
        %dma_start3A_1013 = tpu.memref_slice %arg5[%dma_start3A_1001, %dma_start3A_1011, %dma_start3A_1012] : memref<2x16x100xi32, #tpu.memory_space<vmem>> -> memref<1x16x100xi32, #tpu.memory_space<vmem>>
        %dma_start3A_1014 = tpu.memref_squeeze %dma_start3A_1013 : memref<1x16x100xi32, #tpu.memory_space<vmem>> -> memref<16x100xi32, #tpu.memory_space<vmem>>
        %dma_start3A_1015 = arith.constant 0 : i32
        %dma_start3A_1016 = tpu.memref_slice %dma_start3A_1014[%dma_start3A_1002, %dma_start3A_1015] : memref<16x100xi32, #tpu.memory_space<vmem>> -> memref<1x100xi32, #tpu.memory_space<vmem>>
        %dma_start3A_1017 = tpu.memref_squeeze %dma_start3A_1016 : memref<1x100xi32, #tpu.memory_space<vmem>> -> memref<100xi32, #tpu.memory_space<vmem>>
        %dma_start3A_1018 = arith.constant 0 : i32
        %dma_start3A_1019 = arith.constant 0 : i32
        %dma_start3A_1020 = tpu.memref_slice %arg3[%dma_start3A_1018, %dma_start3A_1019] : memref<1000000x32xf32, #tpu.memory_space<hbm>> -> memref<1000000x32xf32, #tpu.memory_space<hbm>>
        tpu.enqueue_indirect_dma source(%dma_start3A_1020 : memref<1000000x32xf32, #tpu.memory_space<hbm>>) target(%dma_start3A_1010 : memref<100x32xf32, #tpu.memory_space<vmem>>) offsets(%dma_start3A_1017 : memref<100xi32, #tpu.memory_space<vmem>>) semaphore(%arg8 : memref<!tpu.dma_semaphore, #tpu.memory_space<semaphore_mem>>)
        %dma_start3A_1021 = arith.constant 0 : i32
        %dma_start3A_1022 = arith.constant 15 : i32
        %dma_start3A_1023 = arith.constant 0 : i32
        %dma_start3A_1024 = arith.constant 0 : i32
        %dma_start3A_1025 = arith.constant 0 : i32
        %dma_start3A_1026 = tpu.memref_slice %arg6[%dma_start3A_1023, %dma_start3A_1024, %dma_start3A_1025] : memref<2x1600x32xf32, #tpu.memory_space<vmem>> -> memref<1x1600x32xf32, #tpu.memory_space<vmem>>
        %dma_start3A_1027 = tpu.memref_squeeze %dma_start3A_1026 : memref<1x1600x32xf32, #tpu.memory_space<vmem>> -> memref<1600x32xf32, #tpu.memory_space<vmem>>
        %dma_start3A_1028 = arith.constant 1500 : i32
        %dma_start3A_1029 = arith.constant 0 : i32
        %dma_start3A_1030 = tpu.memref_slice %dma_start3A_1027[%dma_start3A_1028, %dma_start3A_1029] : memref<1600x32xf32, #tpu.memory_space<vmem>> -> memref<100x32xf32, #tpu.memory_space<vmem>>
        %dma_start3A_1031 = arith.constant 0 : i32
        %dma_start3A_1032 = arith.constant 0 : i32
        %dma_start3A_1033 = tpu.memref_slice %arg5[%dma_start3A_1021, %dma_start3A_1031, %dma_start3A_1032] : memref<2x16x100xi32, #tpu.memory_space<vmem>> -> memref<1x16x100xi32, #tpu.memory_space<vmem>>
        %dma_start3A_1034 = tpu.memref_squeeze %dma_start3A_1033 : memref<1x16x100xi32, #tpu.memory_space<vmem>> -> memref<16x100xi32, #tpu.memory_space<vmem>>
        %dma_start3A_1035 = arith.constant 0 : i32
        %dma_start3A_1036 = tpu.memref_slice %dma_start3A_1034[%dma_start3A_1022, %dma_start3A_1035] : memref<16x100xi32, #tpu.memory_space<vmem>> -> memref<1x100xi32, #tpu.memory_space<vmem>>
        %dma_start3A_1037 = tpu.memref_squeeze %dma_start3A_1036 : memref<1x100xi32, #tpu.memory_space<vmem>> -> memref<100xi32, #tpu.memory_space<vmem>>
        %dma_start3A_1038 = arith.constant 0 : i32
        %dma_start3A_1039 = arith.constant 0 : i32
        %dma_start3A_1040 = tpu.memref_slice %arg3[%dma_start3A_1038, %dma_start3A_1039] : memref<1000000x32xf32, #tpu.memory_space<hbm>> -> memref<1000000x32xf32, #tpu.memory_space<hbm>>
        tpu.enqueue_indirect_dma source(%dma_start3A_1040 : memref<1000000x32xf32, #tpu.memory_space<hbm>>) target(%dma_start3A_1030 : memref<100x32xf32, #tpu.memory_space<vmem>>) offsets(%dma_start3A_1037 : memref<100xi32, #tpu.memory_space<vmem>>) semaphore(%arg8 : memref<!tpu.dma_semaphore, #tpu.memory_space<semaphore_mem>>)
      } else {
      }
      %dma_wait3A_688 = arith.constant 1 : i32
      %dma_wait3A_689 = arith.constant 0 : i32
      %dma_wait3A_690 = arith.constant 0 : i32
      %dma_wait3A_691 = tpu.memref_slice %arg6[%dma_wait3A_688, %dma_wait3A_689, %dma_wait3A_690] : memref<2x1600x32xf32, #tpu.memory_space<vmem>> -> memref<1x1600x32xf32, #tpu.memory_space<vmem>>
      %dma_wait3A_692 = tpu.memref_squeeze %dma_wait3A_691 : memref<1x1600x32xf32, #tpu.memory_space<vmem>> -> memref<1600x32xf32, #tpu.memory_space<vmem>>
      %dma_wait3A_693 = arith.constant 0 : i32
      %dma_wait3A_694 = arith.constant 0 : i32
      %dma_wait3A_695 = tpu.memref_slice %arg3[%dma_wait3A_693, %dma_wait3A_694] : memref<1000000x32xf32, #tpu.memory_space<hbm>> -> memref<1600x32xf32, #tpu.memory_space<hbm>>
      %dma_wait3A_696 = arith.constant 0 : i32
      %dma_wait3A_697 = arith.constant 0 : i32
      %dma_wait3A_698 = tpu.memref_slice %arg6[%dma_wait3A_688, %dma_wait3A_696, %dma_wait3A_697] : memref<2x1600x32xf32, #tpu.memory_space<vmem>> -> memref<1x1600x32xf32, #tpu.memory_space<vmem>>
      %dma_wait3A_699 = tpu.memref_squeeze %dma_wait3A_698 : memref<1x1600x32xf32, #tpu.memory_space<vmem>> -> memref<1600x32xf32, #tpu.memory_space<vmem>>
      %dma_wait3A_700 = arith.constant 0 : i32
      %dma_wait3A_701 = arith.constant 0 : i32
      %dma_wait3A_702 = tpu.memref_slice %arg3[%dma_wait3A_700, %dma_wait3A_701] : memref<1000000x32xf32, #tpu.memory_space<hbm>> -> memref<1600x32xf32, #tpu.memory_space<hbm>>
      tpu.wait_dma2 semaphore(%arg9 : memref<!tpu.dma_semaphore, #tpu.memory_space<semaphore_mem>>) src(%dma_wait3A_702 : memref<1600x32xf32, #tpu.memory_space<hbm>>) dst(%dma_wait3A_699 : memref<1600x32xf32, #tpu.memory_space<vmem>>)
      %scan3A_703 = arith.constant 0 : i32
      %scan3A_704 = arith.constant 0 : i32
      %scan3A_705 = arith.constant 32 : i32
      %scan3A_706 = arith.addi %scan3A_704, %scan3A_705 : i32
      %scan3A_707 = arith.constant 1 : i32
      scf.for %scan3A_715 = %scan3A_704 to %scan3A_706 step %scan3A_707  : i32 {
        %mul3A_716 = arith.constant 50 : i32
        %mul3A_717 = arith.muli %scan3A_715, %mul3A_716 : i32
        %broadcast_in_dim3A = arith.constant 0.000000e+00 : f32
        %broadcast_in_dim3A_718 = vector.broadcast %broadcast_in_dim3A : f32 to vector<16xf32>
        %scan3A_719 = arith.constant 0 : i32
        %add3A_720 = arith.addi %mul3A_717, %scan3A_719 : i32
        %get3A = arith.constant 1 : i32
        %get3A_721 = arith.index_cast %get3A : i32 to index
        %get3A_722 = arith.index_cast %add3A_720 : i32 to index
        %get3A_723 = arith.constant 0 : index
        %get3A_724 = tpu.vector_load %arg6[%get3A_721, %get3A_722, %get3A_723] {strides = array<i32>} : memref<2x1600x32xf32, #tpu.memory_space<vmem>>, vector<1x1x16xf32>,
        %get3A_725 = vector.shape_cast %get3A_724 : vector<1x1x16xf32> to vector<16xf32>
        %add3A_726 = arith.addf %broadcast_in_dim3A_718, %get3A_725 : vector<16xf32>
        %get3A_727 = arith.constant 1 : i32
        %get3A_728 = arith.index_cast %get3A_727 : i32 to index
        %get3A_729 = arith.index_cast %add3A_720 : i32 to index
        %get3A_730 = arith.constant 16 : index
        %get3A_731 = tpu.vector_load %arg6[%get3A_728, %get3A_729, %get3A_730] {strides = array<i32>} : memref<2x1600x32xf32, #tpu.memory_space<vmem>>, vector<1x1x16xf32>,
        %get3A_732 = vector.shape_cast %get3A_731 : vector<1x1x16xf32> to vector<16xf32>
        %add3A_733 = arith.addf %broadcast_in_dim3A_718, %get3A_732 : vector<16xf32>
        %scan3A_734 = arith.constant 1 : i32
        %add3A_735 = arith.addi %mul3A_717, %scan3A_734 : i32
        %get3A_736 = arith.constant 1 : i32
        %get3A_737 = arith.index_cast %get3A_736 : i32 to index
        %get3A_738 = arith.index_cast %add3A_735 : i32 to index
        %get3A_739 = arith.constant 0 : index
        %get3A_740 = tpu.vector_load %arg6[%get3A_737, %get3A_738, %get3A_739] {strides = array<i32>} : memref<2x1600x32xf32, #tpu.memory_space<vmem>>, vector<1x1x16xf32>,
        %get3A_741 = vector.shape_cast %get3A_740 : vector<1x1x16xf32> to vector<16xf32>
        %add3A_742 = arith.addf %add3A_726, %get3A_741 : vector<16xf32>
        %get3A_743 = arith.constant 1 : i32
        %get3A_744 = arith.index_cast %get3A_743 : i32 to index
        %get3A_745 = arith.index_cast %add3A_735 : i32 to index
        %get3A_746 = arith.constant 16 : index
        %get3A_747 = tpu.vector_load %arg6[%get3A_744, %get3A_745, %get3A_746] {strides = array<i32>} : memref<2x1600x32xf32, #tpu.memory_space<vmem>>, vector<1x1x16xf32>,
        %get3A_748 = vector.shape_cast %get3A_747 : vector<1x1x16xf32> to vector<16xf32>
        %add3A_749 = arith.addf %add3A_733, %get3A_748 : vector<16xf32>
        %scan3A_750 = arith.constant 2 : i32
        %add3A_751 = arith.addi %mul3A_717, %scan3A_750 : i32
        %get3A_752 = arith.constant 1 : i32
        %get3A_753 = arith.index_cast %get3A_752 : i32 to index
        %get3A_754 = arith.index_cast %add3A_751 : i32 to index
        %get3A_755 = arith.constant 0 : index
        %get3A_756 = tpu.vector_load %arg6[%get3A_753, %get3A_754, %get3A_755] {strides = array<i32>} : memref<2x1600x32xf32, #tpu.memory_space<vmem>>, vector<1x1x16xf32>,
        %get3A_757 = vector.shape_cast %get3A_756 : vector<1x1x16xf32> to vector<16xf32>
        %add3A_758 = arith.addf %add3A_742, %get3A_757 : vector<16xf32>
        %get3A_759 = arith.constant 1 : i32
        %get3A_760 = arith.index_cast %get3A_759 : i32 to index
        %get3A_761 = arith.index_cast %add3A_751 : i32 to index
        %get3A_762 = arith.constant 16 : index
        %get3A_763 = tpu.vector_load %arg6[%get3A_760, %get3A_761, %get3A_762] {strides = array<i32>} : memref<2x1600x32xf32, #tpu.memory_space<vmem>>, vector<1x1x16xf32>,
        %get3A_764 = vector.shape_cast %get3A_763 : vector<1x1x16xf32> to vector<16xf32>
        %add3A_765 = arith.addf %add3A_749, %get3A_764 : vector<16xf32>
        %scan3A_766 = arith.constant 3 : i32
        %add3A_767 = arith.addi %mul3A_717, %scan3A_766 : i32
        %get3A_768 = arith.constant 1 : i32
        %get3A_769 = arith.index_cast %get3A_768 : i32 to index
        %get3A_770 = arith.index_cast %add3A_767 : i32 to index
        %get3A_771 = arith.constant 0 : index
        %get3A_772 = tpu.vector_load %arg6[%get3A_769, %get3A_770, %get3A_771] {strides = array<i32>} : memref<2x1600x32xf32, #tpu.memory_space<vmem>>, vector<1x1x16xf32>,
        %get3A_773 = vector.shape_cast %get3A_772 : vector<1x1x16xf32> to vector<16xf32>
        %add3A_774 = arith.addf %add3A_758, %get3A_773 : vector<16xf32>
        %get3A_775 = arith.constant 1 : i32
        %get3A_776 = arith.index_cast %get3A_775 : i32 to index
        %get3A_777 = arith.index_cast %add3A_767 : i32 to index
        %get3A_778 = arith.constant 16 : index
        %get3A_779 = tpu.vector_load %arg6[%get3A_776, %get3A_777, %get3A_778] {strides = array<i32>} : memref<2x1600x32xf32, #tpu.memory_space<vmem>>, vector<1x1x16xf32>,
        %get3A_780 = vector.shape_cast %get3A_779 : vector<1x1x16xf32> to vector<16xf32>
        %add3A_781 = arith.addf %add3A_765, %get3A_780 : vector<16xf32>
        %scan3A_782 = arith.constant 4 : i32
        %add3A_783 = arith.addi %mul3A_717, %scan3A_782 : i32
        %get3A_784 = arith.constant 1 : i32
        %get3A_785 = arith.index_cast %get3A_784 : i32 to index
        %get3A_786 = arith.index_cast %add3A_783 : i32 to index
        %get3A_787 = arith.constant 0 : index
        %get3A_788 = tpu.vector_load %arg6[%get3A_785, %get3A_786, %get3A_787] {strides = array<i32>} : memref<2x1600x32xf32, #tpu.memory_space<vmem>>, vector<1x1x16xf32>,
        %get3A_789 = vector.shape_cast %get3A_788 : vector<1x1x16xf32> to vector<16xf32>
        %add3A_790 = arith.addf %add3A_774, %get3A_789 : vector<16xf32>
        %get3A_791 = arith.constant 1 : i32
        %get3A_792 = arith.index_cast %get3A_791 : i32 to index
        %get3A_793 = arith.index_cast %add3A_783 : i32 to index
        %get3A_794 = arith.constant 16 : index
        %get3A_795 = tpu.vector_load %arg6[%get3A_792, %get3A_793, %get3A_794] {strides = array<i32>} : memref<2x1600x32xf32, #tpu.memory_space<vmem>>, vector<1x1x16xf32>,
        %get3A_796 = vector.shape_cast %get3A_795 : vector<1x1x16xf32> to vector<16xf32>
        %add3A_797 = arith.addf %add3A_781, %get3A_796 : vector<16xf32>
        %scan3A_798 = arith.constant 5 : i32
        %add3A_799 = arith.addi %mul3A_717, %scan3A_798 : i32
        %get3A_800 = arith.constant 1 : i32
        %get3A_801 = arith.index_cast %get3A_800 : i32 to index
        %get3A_802 = arith.index_cast %add3A_799 : i32 to index
        %get3A_803 = arith.constant 0 : index
        %get3A_804 = tpu.vector_load %arg6[%get3A_801, %get3A_802, %get3A_803] {strides = array<i32>} : memref<2x1600x32xf32, #tpu.memory_space<vmem>>, vector<1x1x16xf32>,
        %get3A_805 = vector.shape_cast %get3A_804 : vector<1x1x16xf32> to vector<16xf32>
        %add3A_806 = arith.addf %add3A_790, %get3A_805 : vector<16xf32>
        %get3A_807 = arith.constant 1 : i32
        %get3A_808 = arith.index_cast %get3A_807 : i32 to index
        %get3A_809 = arith.index_cast %add3A_799 : i32 to index
        %get3A_810 = arith.constant 16 : index
        %get3A_811 = tpu.vector_load %arg6[%get3A_808, %get3A_809, %get3A_810] {strides = array<i32>} : memref<2x1600x32xf32, #tpu.memory_space<vmem>>, vector<1x1x16xf32>,
        %get3A_812 = vector.shape_cast %get3A_811 : vector<1x1x16xf32> to vector<16xf32>
        %add3A_813 = arith.addf %add3A_797, %get3A_812 : vector<16xf32>
        %scan3A_814 = arith.constant 6 : i32
        %add3A_815 = arith.addi %mul3A_717, %scan3A_814 : i32
        %get3A_816 = arith.constant 1 : i32
        %get3A_817 = arith.index_cast %get3A_816 : i32 to index
        %get3A_818 = arith.index_cast %add3A_815 : i32 to index
        %get3A_819 = arith.constant 0 : index
        %get3A_820 = tpu.vector_load %arg6[%get3A_817, %get3A_818, %get3A_819] {strides = array<i32>} : memref<2x1600x32xf32, #tpu.memory_space<vmem>>, vector<1x1x16xf32>,
        %get3A_821 = vector.shape_cast %get3A_820 : vector<1x1x16xf32> to vector<16xf32>
        %add3A_822 = arith.addf %add3A_806, %get3A_821 : vector<16xf32>
        %get3A_823 = arith.constant 1 : i32
        %get3A_824 = arith.index_cast %get3A_823 : i32 to index
        %get3A_825 = arith.index_cast %add3A_815 : i32 to index
        %get3A_826 = arith.constant 16 : index
        %get3A_827 = tpu.vector_load %arg6[%get3A_824, %get3A_825, %get3A_826] {strides = array<i32>} : memref<2x1600x32xf32, #tpu.memory_space<vmem>>, vector<1x1x16xf32>,
        %get3A_828 = vector.shape_cast %get3A_827 : vector<1x1x16xf32> to vector<16xf32>
        %add3A_829 = arith.addf %add3A_813, %get3A_828 : vector<16xf32>
        %scan3A_830 = arith.constant 7 : i32
        %add3A_831 = arith.addi %mul3A_717, %scan3A_830 : i32
        %get3A_832 = arith.constant 1 : i32
        %get3A_833 = arith.index_cast %get3A_832 : i32 to index
        %get3A_834 = arith.index_cast %add3A_831 : i32 to index
        %get3A_835 = arith.constant 0 : index
        %get3A_836 = tpu.vector_load %arg6[%get3A_833, %get3A_834, %get3A_835] {strides = array<i32>} : memref<2x1600x32xf32, #tpu.memory_space<vmem>>, vector<1x1x16xf32>,
        %get3A_837 = vector.shape_cast %get3A_836 : vector<1x1x16xf32> to vector<16xf32>
        %add3A_838 = arith.addf %add3A_822, %get3A_837 : vector<16xf32>
        %get3A_839 = arith.constant 1 : i32
        %get3A_840 = arith.index_cast %get3A_839 : i32 to index
        %get3A_841 = arith.index_cast %add3A_831 : i32 to index
        %get3A_842 = arith.constant 16 : index
        %get3A_843 = tpu.vector_load %arg6[%get3A_840, %get3A_841, %get3A_842] {strides = array<i32>} : memref<2x1600x32xf32, #tpu.memory_space<vmem>>, vector<1x1x16xf32>,
        %get3A_844 = vector.shape_cast %get3A_843 : vector<1x1x16xf32> to vector<16xf32>
        %add3A_845 = arith.addf %add3A_829, %get3A_844 : vector<16xf32>
        %scan3A_846 = arith.constant 8 : i32
        %add3A_847 = arith.addi %mul3A_717, %scan3A_846 : i32
        %get3A_848 = arith.constant 1 : i32
        %get3A_849 = arith.index_cast %get3A_848 : i32 to index
        %get3A_850 = arith.index_cast %add3A_847 : i32 to index
        %get3A_851 = arith.constant 0 : index
        %get3A_852 = tpu.vector_load %arg6[%get3A_849, %get3A_850, %get3A_851] {strides = array<i32>} : memref<2x1600x32xf32, #tpu.memory_space<vmem>>, vector<1x1x16xf32>,
        %get3A_853 = vector.shape_cast %get3A_852 : vector<1x1x16xf32> to vector<16xf32>
        %add3A_854 = arith.addf %add3A_838, %get3A_853 : vector<16xf32>
        %get3A_855 = arith.constant 1 : i32
        %get3A_856 = arith.index_cast %get3A_855 : i32 to index
        %get3A_857 = arith.index_cast %add3A_847 : i32 to index
        %get3A_858 = arith.constant 16 : index
        %get3A_859 = tpu.vector_load %arg6[%get3A_856, %get3A_857, %get3A_858] {strides = array<i32>} : memref<2x1600x32xf32, #tpu.memory_space<vmem>>, vector<1x1x16xf32>,
        %get3A_860 = vector.shape_cast %get3A_859 : vector<1x1x16xf32> to vector<16xf32>
        %add3A_861 = arith.addf %add3A_845, %get3A_860 : vector<16xf32>
        %scan3A_862 = arith.constant 9 : i32
        %add3A_863 = arith.addi %mul3A_717, %scan3A_862 : i32
        %get3A_864 = arith.constant 1 : i32
        %get3A_865 = arith.index_cast %get3A_864 : i32 to index
        %get3A_866 = arith.index_cast %add3A_863 : i32 to index
        %get3A_867 = arith.constant 0 : index
        %get3A_868 = tpu.vector_load %arg6[%get3A_865, %get3A_866, %get3A_867] {strides = array<i32>} : memref<2x1600x32xf32, #tpu.memory_space<vmem>>, vector<1x1x16xf32>,
        %get3A_869 = vector.shape_cast %get3A_868 : vector<1x1x16xf32> to vector<16xf32>
        %add3A_870 = arith.addf %add3A_854, %get3A_869 : vector<16xf32>
        %get3A_871 = arith.constant 1 : i32
        %get3A_872 = arith.index_cast %get3A_871 : i32 to index
        %get3A_873 = arith.index_cast %add3A_863 : i32 to index
        %get3A_874 = arith.constant 16 : index
        %get3A_875 = tpu.vector_load %arg6[%get3A_872, %get3A_873, %get3A_874] {strides = array<i32>} : memref<2x1600x32xf32, #tpu.memory_space<vmem>>, vector<1x1x16xf32>,
        %get3A_876 = vector.shape_cast %get3A_875 : vector<1x1x16xf32> to vector<16xf32>
        %add3A_877 = arith.addf %add3A_861, %get3A_876 : vector<16xf32>
        %scan3A_878 = arith.constant 10 : i32
        %add3A_879 = arith.addi %mul3A_717, %scan3A_878 : i32
        %get3A_880 = arith.constant 1 : i32
        %get3A_881 = arith.index_cast %get3A_880 : i32 to index
        %get3A_882 = arith.index_cast %add3A_879 : i32 to index
        %get3A_883 = arith.constant 0 : index
        %get3A_884 = tpu.vector_load %arg6[%get3A_881, %get3A_882, %get3A_883] {strides = array<i32>} : memref<2x1600x32xf32, #tpu.memory_space<vmem>>, vector<1x1x16xf32>,
        %get3A_885 = vector.shape_cast %get3A_884 : vector<1x1x16xf32> to vector<16xf32>
        %add3A_886 = arith.addf %add3A_870, %get3A_885 : vector<16xf32>
        %get3A_887 = arith.constant 1 : i32
        %get3A_888 = arith.index_cast %get3A_887 : i32 to index
        %get3A_889 = arith.index_cast %add3A_879 : i32 to index
        %get3A_890 = arith.constant 16 : index
        %get3A_891 = tpu.vector_load %arg6[%get3A_888, %get3A_889, %get3A_890] {strides = array<i32>} : memref<2x1600x32xf32, #tpu.memory_space<vmem>>, vector<1x1x16xf32>,
        %get3A_892 = vector.shape_cast %get3A_891 : vector<1x1x16xf32> to vector<16xf32>
        %add3A_893 = arith.addf %add3A_877, %get3A_892 : vector<16xf32>
        %scan3A_894 = arith.constant 11 : i32
        %add3A_895 = arith.addi %mul3A_717, %scan3A_894 : i32
        %get3A_896 = arith.constant 1 : i32
        %get3A_897 = arith.index_cast %get3A_896 : i32 to index
        %get3A_898 = arith.index_cast %add3A_895 : i32 to index
        %get3A_899 = arith.constant 0 : index
        %get3A_900 = tpu.vector_load %arg6[%get3A_897, %get3A_898, %get3A_899] {strides = array<i32>} : memref<2x1600x32xf32, #tpu.memory_space<vmem>>, vector<1x1x16xf32>,
        %get3A_901 = vector.shape_cast %get3A_900 : vector<1x1x16xf32> to vector<16xf32>
        %add3A_902 = arith.addf %add3A_886, %get3A_901 : vector<16xf32>
        %get3A_903 = arith.constant 1 : i32
        %get3A_904 = arith.index_cast %get3A_903 : i32 to index
        %get3A_905 = arith.index_cast %add3A_895 : i32 to index
        %get3A_906 = arith.constant 16 : index
        %get3A_907 = tpu.vector_load %arg6[%get3A_904, %get3A_905, %get3A_906] {strides = array<i32>} : memref<2x1600x32xf32, #tpu.memory_space<vmem>>, vector<1x1x16xf32>,
        %get3A_908 = vector.shape_cast %get3A_907 : vector<1x1x16xf32> to vector<16xf32>
        %add3A_909 = arith.addf %add3A_893, %get3A_908 : vector<16xf32>
        %scan3A_910 = arith.constant 12 : i32
        %add3A_911 = arith.addi %mul3A_717, %scan3A_910 : i32
        %get3A_912 = arith.constant 1 : i32
        %get3A_913 = arith.index_cast %get3A_912 : i32 to index
        %get3A_914 = arith.index_cast %add3A_911 : i32 to index
        %get3A_915 = arith.constant 0 : index
        %get3A_916 = tpu.vector_load %arg6[%get3A_913, %get3A_914, %get3A_915] {strides = array<i32>} : memref<2x1600x32xf32, #tpu.memory_space<vmem>>, vector<1x1x16xf32>,
        %get3A_917 = vector.shape_cast %get3A_916 : vector<1x1x16xf32> to vector<16xf32>
        %add3A_918 = arith.addf %add3A_902, %get3A_917 : vector<16xf32>
        %get3A_919 = arith.constant 1 : i32
        %get3A_920 = arith.index_cast %get3A_919 : i32 to index
        %get3A_921 = arith.index_cast %add3A_911 : i32 to index
        %get3A_922 = arith.constant 16 : index
        %get3A_923 = tpu.vector_load %arg6[%get3A_920, %get3A_921, %get3A_922] {strides = array<i32>} : memref<2x1600x32xf32, #tpu.memory_space<vmem>>, vector<1x1x16xf32>,
        %get3A_924 = vector.shape_cast %get3A_923 : vector<1x1x16xf32> to vector<16xf32>
        %add3A_925 = arith.addf %add3A_909, %get3A_924 : vector<16xf32>
        %scan3A_926 = arith.constant 13 : i32
        %add3A_927 = arith.addi %mul3A_717, %scan3A_926 : i32
        %get3A_928 = arith.constant 1 : i32
        %get3A_929 = arith.index_cast %get3A_928 : i32 to index
        %get3A_930 = arith.index_cast %add3A_927 : i32 to index
        %get3A_931 = arith.constant 0 : index
        %get3A_932 = tpu.vector_load %arg6[%get3A_929, %get3A_930, %get3A_931] {strides = array<i32>} : memref<2x1600x32xf32, #tpu.memory_space<vmem>>, vector<1x1x16xf32>,
        %get3A_933 = vector.shape_cast %get3A_932 : vector<1x1x16xf32> to vector<16xf32>
        %add3A_934 = arith.addf %add3A_918, %get3A_933 : vector<16xf32>
        %get3A_935 = arith.constant 1 : i32
        %get3A_936 = arith.index_cast %get3A_935 : i32 to index
        %get3A_937 = arith.index_cast %add3A_927 : i32 to index
        %get3A_938 = arith.constant 16 : index
        %get3A_939 = tpu.vector_load %arg6[%get3A_936, %get3A_937, %get3A_938] {strides = array<i32>} : memref<2x1600x32xf32, #tpu.memory_space<vmem>>, vector<1x1x16xf32>,
        %get3A_940 = vector.shape_cast %get3A_939 : vector<1x1x16xf32> to vector<16xf32>
        %add3A_941 = arith.addf %add3A_925, %get3A_940 : vector<16xf32>
        %scan3A_942 = arith.constant 14 : i32
        %add3A_943 = arith.addi %mul3A_717, %scan3A_942 : i32
        %get3A_944 = arith.constant 1 : i32
        %get3A_945 = arith.index_cast %get3A_944 : i32 to index
        %get3A_946 = arith.index_cast %add3A_943 : i32 to index
        %get3A_947 = arith.constant 0 : index
        %get3A_948 = tpu.vector_load %arg6[%get3A_945, %get3A_946, %get3A_947] {strides = array<i32>} : memref<2x1600x32xf32, #tpu.memory_space<vmem>>, vector<1x1x16xf32>,
        %get3A_949 = vector.shape_cast %get3A_948 : vector<1x1x16xf32> to vector<16xf32>
        %add3A_950 = arith.addf %add3A_934, %get3A_949 : vector<16xf32>
        %get3A_951 = arith.constant 1 : i32
        %get3A_952 = arith.index_cast %get3A_951 : i32 to index
        %get3A_953 = arith.index_cast %add3A_943 : i32 to index
        %get3A_954 = arith.constant 16 : index
        %get3A_955 = tpu.vector_load %arg6[%get3A_952, %get3A_953, %get3A_954] {strides = array<i32>} : memref<2x1600x32xf32, #tpu.memory_space<vmem>>, vector<1x1x16xf32>,
        %get3A_956 = vector.shape_cast %get3A_955 : vector<1x1x16xf32> to vector<16xf32>
        %add3A_957 = arith.addf %add3A_941, %get3A_956 : vector<16xf32>
        %scan3A_958 = arith.constant 15 : i32
        %add3A_959 = arith.addi %mul3A_717, %scan3A_958 : i32
        %get3A_960 = arith.constant 1 : i32
        %get3A_961 = arith.index_cast %get3A_960 : i32 to index
        %get3A_962 = arith.index_cast %add3A_959 : i32 to index
        %get3A_963 = arith.constant 0 : index
        %get3A_964 = tpu.vector_load %arg6[%get3A_961, %get3A_962, %get3A_963] {strides = array<i32>} : memref<2x1600x32xf32, #tpu.memory_space<vmem>>, vector<1x1x16xf32>,
        %get3A_965 = vector.shape_cast %get3A_964 : vector<1x1x16xf32> to vector<16xf32>
        %add3A_966 = arith.addf %add3A_950, %get3A_965 : vector<16xf32>
        %get3A_967 = arith.constant 1 : i32
        %get3A_968 = arith.index_cast %get3A_967 : i32 to index
        %get3A_969 = arith.index_cast %add3A_959 : i32 to index
        %get3A_970 = arith.constant 16 : index
        %get3A_971 = tpu.vector_load %arg6[%get3A_968, %get3A_969, %get3A_970] {strides = array<i32>} : memref<2x1600x32xf32, #tpu.memory_space<vmem>>, vector<1x1x16xf32>,
        %get3A_972 = vector.shape_cast %get3A_971 : vector<1x1x16xf32> to vector<16xf32>
        %add3A_973 = arith.addf %add3A_957, %get3A_972 : vector<16xf32>
        %scan3A_974 = arith.constant 16 : i32
        %add3A_975 = arith.addi %mul3A_717, %scan3A_974 : i32
        %get3A_976 = arith.constant 1 : i32
        %get3A_977 = arith.index_cast %get3A_976 : i32 to index
        %get3A_978 = arith.index_cast %add3A_975 : i32 to index
        %get3A_979 = arith.constant 0 : index
        %get3A_980 = tpu.vector_load %arg6[%get3A_977, %get3A_978, %get3A_979] {strides = array<i32>} : memref<2x1600x32xf32, #tpu.memory_space<vmem>>, vector<1x1x16xf32>,
        %get3A_981 = vector.shape_cast %get3A_980 : vector<1x1x16xf32> to vector<16xf32>
        %add3A_982 = arith.addf %add3A_966, %get3A_981 : vector<16xf32>
        %get3A_983 = arith.constant 1 : i32
        %get3A_984 = arith.index_cast %get3A_983 : i32 to index
        %get3A_985 = arith.index_cast %add3A_975 : i32 to index
        %get3A_986 = arith.constant 16 : index
        %get3A_987 = tpu.vector_load %arg6[%get3A_984, %get3A_985, %get3A_986] {strides = array<i32>} : memref<2x1600x32xf32, #tpu.memory_space<vmem>>, vector<1x1x16xf32>,
        %get3A_988 = vector.shape_cast %get3A_987 : vector<1x1x16xf32> to vector<16xf32>
        %add3A_989 = arith.addf %add3A_973, %get3A_988 : vector<16xf32>
        %scan3A_990 = arith.constant 17 : i32
        %add3A_991 = arith.addi %mul3A_717, %scan3A_990 : i32
        %get3A_992 = arith.constant 1 : i32
        %get3A_993 = arith.index_cast %get3A_992 : i32 to index
        %get3A_994 = arith.index_cast %add3A_991 : i32 to index
        %get3A_995 = arith.constant 0 : index
        %get3A_996 = tpu.vector_load %arg6[%get3A_993, %get3A_994, %get3A_995] {strides = array<i32>} : memref<2x1600x32xf32, #tpu.memory_space<vmem>>, vector<1x1x16xf32>,
        %get3A_997 = vector.shape_cast %get3A_996 : vector<1x1x16xf32> to vector<16xf32>
        %add3A_998 = arith.addf %add3A_982, %get3A_997 : vector<16xf32>
        %get3A_999 = arith.constant 1 : i32
        %get3A_1000 = arith.index_cast %get3A_999 : i32 to index
        %get3A_1001 = arith.index_cast %add3A_991 : i32 to index
        %get3A_1002 = arith.constant 16 : index
        %get3A_1003 = tpu.vector_load %arg6[%get3A_1000, %get3A_1001, %get3A_1002] {strides = array<i32>} : memref<2x1600x32xf32, #tpu.memory_space<vmem>>, vector<1x1x16xf32>,
        %get3A_1004 = vector.shape_cast %get3A_1003 : vector<1x1x16xf32> to vector<16xf32>
        %add3A_1005 = arith.addf %add3A_989, %get3A_1004 : vector<16xf32>
        %scan3A_1006 = arith.constant 18 : i32
        %add3A_1007 = arith.addi %mul3A_717, %scan3A_1006 : i32
        %get3A_1008 = arith.constant 1 : i32
        %get3A_1009 = arith.index_cast %get3A_1008 : i32 to index
        %get3A_1010 = arith.index_cast %add3A_1007 : i32 to index
        %get3A_1011 = arith.constant 0 : index
        %get3A_1012 = tpu.vector_load %arg6[%get3A_1009, %get3A_1010, %get3A_1011] {strides = array<i32>} : memref<2x1600x32xf32, #tpu.memory_space<vmem>>, vector<1x1x16xf32>,
        %get3A_1013 = vector.shape_cast %get3A_1012 : vector<1x1x16xf32> to vector<16xf32>
        %add3A_1014 = arith.addf %add3A_998, %get3A_1013 : vector<16xf32>
        %get3A_1015 = arith.constant 1 : i32
        %get3A_1016 = arith.index_cast %get3A_1015 : i32 to index
        %get3A_1017 = arith.index_cast %add3A_1007 : i32 to index
        %get3A_1018 = arith.constant 16 : index
        %get3A_1019 = tpu.vector_load %arg6[%get3A_1016, %get3A_1017, %get3A_1018] {strides = array<i32>} : memref<2x1600x32xf32, #tpu.memory_space<vmem>>, vector<1x1x16xf32>,
        %get3A_1020 = vector.shape_cast %get3A_1019 : vector<1x1x16xf32> to vector<16xf32>
        %add3A_1021 = arith.addf %add3A_1005, %get3A_1020 : vector<16xf32>
        %scan3A_1022 = arith.constant 19 : i32
        %add3A_1023 = arith.addi %mul3A_717, %scan3A_1022 : i32
        %get3A_1024 = arith.constant 1 : i32
        %get3A_1025 = arith.index_cast %get3A_1024 : i32 to index
        %get3A_1026 = arith.index_cast %add3A_1023 : i32 to index
        %get3A_1027 = arith.constant 0 : index
        %get3A_1028 = tpu.vector_load %arg6[%get3A_1025, %get3A_1026, %get3A_1027] {strides = array<i32>} : memref<2x1600x32xf32, #tpu.memory_space<vmem>>, vector<1x1x16xf32>,
        %get3A_1029 = vector.shape_cast %get3A_1028 : vector<1x1x16xf32> to vector<16xf32>
        %add3A_1030 = arith.addf %add3A_1014, %get3A_1029 : vector<16xf32>
        %get3A_1031 = arith.constant 1 : i32
        %get3A_1032 = arith.index_cast %get3A_1031 : i32 to index
        %get3A_1033 = arith.index_cast %add3A_1023 : i32 to index
        %get3A_1034 = arith.constant 16 : index
        %get3A_1035 = tpu.vector_load %arg6[%get3A_1032, %get3A_1033, %get3A_1034] {strides = array<i32>} : memref<2x1600x32xf32, #tpu.memory_space<vmem>>, vector<1x1x16xf32>,
        %get3A_1036 = vector.shape_cast %get3A_1035 : vector<1x1x16xf32> to vector<16xf32>
        %add3A_1037 = arith.addf %add3A_1021, %get3A_1036 : vector<16xf32>
        %scan3A_1038 = arith.constant 20 : i32
        %add3A_1039 = arith.addi %mul3A_717, %scan3A_1038 : i32
        %get3A_1040 = arith.constant 1 : i32
        %get3A_1041 = arith.index_cast %get3A_1040 : i32 to index
        %get3A_1042 = arith.index_cast %add3A_1039 : i32 to index
        %get3A_1043 = arith.constant 0 : index
        %get3A_1044 = tpu.vector_load %arg6[%get3A_1041, %get3A_1042, %get3A_1043] {strides = array<i32>} : memref<2x1600x32xf32, #tpu.memory_space<vmem>>, vector<1x1x16xf32>,
        %get3A_1045 = vector.shape_cast %get3A_1044 : vector<1x1x16xf32> to vector<16xf32>
        %add3A_1046 = arith.addf %add3A_1030, %get3A_1045 : vector<16xf32>
        %get3A_1047 = arith.constant 1 : i32
        %get3A_1048 = arith.index_cast %get3A_1047 : i32 to index
        %get3A_1049 = arith.index_cast %add3A_1039 : i32 to index
        %get3A_1050 = arith.constant 16 : index
        %get3A_1051 = tpu.vector_load %arg6[%get3A_1048, %get3A_1049, %get3A_1050] {strides = array<i32>} : memref<2x1600x32xf32, #tpu.memory_space<vmem>>, vector<1x1x16xf32>,
        %get3A_1052 = vector.shape_cast %get3A_1051 : vector<1x1x16xf32> to vector<16xf32>
        %add3A_1053 = arith.addf %add3A_1037, %get3A_1052 : vector<16xf32>
        %scan3A_1054 = arith.constant 21 : i32
        %add3A_1055 = arith.addi %mul3A_717, %scan3A_1054 : i32
        %get3A_1056 = arith.constant 1 : i32
        %get3A_1057 = arith.index_cast %get3A_1056 : i32 to index
        %get3A_1058 = arith.index_cast %add3A_1055 : i32 to index
        %get3A_1059 = arith.constant 0 : index
        %get3A_1060 = tpu.vector_load %arg6[%get3A_1057, %get3A_1058, %get3A_1059] {strides = array<i32>} : memref<2x1600x32xf32, #tpu.memory_space<vmem>>, vector<1x1x16xf32>,
        %get3A_1061 = vector.shape_cast %get3A_1060 : vector<1x1x16xf32> to vector<16xf32>
        %add3A_1062 = arith.addf %add3A_1046, %get3A_1061 : vector<16xf32>
        %get3A_1063 = arith.constant 1 : i32
        %get3A_1064 = arith.index_cast %get3A_1063 : i32 to index
        %get3A_1065 = arith.index_cast %add3A_1055 : i32 to index
        %get3A_1066 = arith.constant 16 : index
        %get3A_1067 = tpu.vector_load %arg6[%get3A_1064, %get3A_1065, %get3A_1066] {strides = array<i32>} : memref<2x1600x32xf32, #tpu.memory_space<vmem>>, vector<1x1x16xf32>,
        %get3A_1068 = vector.shape_cast %get3A_1067 : vector<1x1x16xf32> to vector<16xf32>
        %add3A_1069 = arith.addf %add3A_1053, %get3A_1068 : vector<16xf32>
        %scan3A_1070 = arith.constant 22 : i32
        %add3A_1071 = arith.addi %mul3A_717, %scan3A_1070 : i32
        %get3A_1072 = arith.constant 1 : i32
        %get3A_1073 = arith.index_cast %get3A_1072 : i32 to index
        %get3A_1074 = arith.index_cast %add3A_1071 : i32 to index
        %get3A_1075 = arith.constant 0 : index
        %get3A_1076 = tpu.vector_load %arg6[%get3A_1073, %get3A_1074, %get3A_1075] {strides = array<i32>} : memref<2x1600x32xf32, #tpu.memory_space<vmem>>, vector<1x1x16xf32>,
        %get3A_1077 = vector.shape_cast %get3A_1076 : vector<1x1x16xf32> to vector<16xf32>
        %add3A_1078 = arith.addf %add3A_1062, %get3A_1077 : vector<16xf32>
        %get3A_1079 = arith.constant 1 : i32
        %get3A_1080 = arith.index_cast %get3A_1079 : i32 to index
        %get3A_1081 = arith.index_cast %add3A_1071 : i32 to index
        %get3A_1082 = arith.constant 16 : index
        %get3A_1083 = tpu.vector_load %arg6[%get3A_1080, %get3A_1081, %get3A_1082] {strides = array<i32>} : memref<2x1600x32xf32, #tpu.memory_space<vmem>>, vector<1x1x16xf32>,
        %get3A_1084 = vector.shape_cast %get3A_1083 : vector<1x1x16xf32> to vector<16xf32>
        %add3A_1085 = arith.addf %add3A_1069, %get3A_1084 : vector<16xf32>
        %scan3A_1086 = arith.constant 23 : i32
        %add3A_1087 = arith.addi %mul3A_717, %scan3A_1086 : i32
        %get3A_1088 = arith.constant 1 : i32
        %get3A_1089 = arith.index_cast %get3A_1088 : i32 to index
        %get3A_1090 = arith.index_cast %add3A_1087 : i32 to index
        %get3A_1091 = arith.constant 0 : index
        %get3A_1092 = tpu.vector_load %arg6[%get3A_1089, %get3A_1090, %get3A_1091] {strides = array<i32>} : memref<2x1600x32xf32, #tpu.memory_space<vmem>>, vector<1x1x16xf32>,
        %get3A_1093 = vector.shape_cast %get3A_1092 : vector<1x1x16xf32> to vector<16xf32>
        %add3A_1094 = arith.addf %add3A_1078, %get3A_1093 : vector<16xf32>
        %get3A_1095 = arith.constant 1 : i32
        %get3A_1096 = arith.index_cast %get3A_1095 : i32 to index
        %get3A_1097 = arith.index_cast %add3A_1087 : i32 to index
        %get3A_1098 = arith.constant 16 : index
        %get3A_1099 = tpu.vector_load %arg6[%get3A_1096, %get3A_1097, %get3A_1098] {strides = array<i32>} : memref<2x1600x32xf32, #tpu.memory_space<vmem>>, vector<1x1x16xf32>,
        %get3A_1100 = vector.shape_cast %get3A_1099 : vector<1x1x16xf32> to vector<16xf32>
        %add3A_1101 = arith.addf %add3A_1085, %get3A_1100 : vector<16xf32>
        %scan3A_1102 = arith.constant 24 : i32
        %add3A_1103 = arith.addi %mul3A_717, %scan3A_1102 : i32
        %get3A_1104 = arith.constant 1 : i32
        %get3A_1105 = arith.index_cast %get3A_1104 : i32 to index
        %get3A_1106 = arith.index_cast %add3A_1103 : i32 to index
        %get3A_1107 = arith.constant 0 : index
        %get3A_1108 = tpu.vector_load %arg6[%get3A_1105, %get3A_1106, %get3A_1107] {strides = array<i32>} : memref<2x1600x32xf32, #tpu.memory_space<vmem>>, vector<1x1x16xf32>,
        %get3A_1109 = vector.shape_cast %get3A_1108 : vector<1x1x16xf32> to vector<16xf32>
        %add3A_1110 = arith.addf %add3A_1094, %get3A_1109 : vector<16xf32>
        %get3A_1111 = arith.constant 1 : i32
        %get3A_1112 = arith.index_cast %get3A_1111 : i32 to index
        %get3A_1113 = arith.index_cast %add3A_1103 : i32 to index
        %get3A_1114 = arith.constant 16 : index
        %get3A_1115 = tpu.vector_load %arg6[%get3A_1112, %get3A_1113, %get3A_1114] {strides = array<i32>} : memref<2x1600x32xf32, #tpu.memory_space<vmem>>, vector<1x1x16xf32>,
        %get3A_1116 = vector.shape_cast %get3A_1115 : vector<1x1x16xf32> to vector<16xf32>
        %add3A_1117 = arith.addf %add3A_1101, %get3A_1116 : vector<16xf32>
        %scan3A_1118 = arith.constant 25 : i32
        %add3A_1119 = arith.addi %mul3A_717, %scan3A_1118 : i32
        %get3A_1120 = arith.constant 1 : i32
        %get3A_1121 = arith.index_cast %get3A_1120 : i32 to index
        %get3A_1122 = arith.index_cast %add3A_1119 : i32 to index
        %get3A_1123 = arith.constant 0 : index
        %get3A_1124 = tpu.vector_load %arg6[%get3A_1121, %get3A_1122, %get3A_1123] {strides = array<i32>} : memref<2x1600x32xf32, #tpu.memory_space<vmem>>, vector<1x1x16xf32>,
        %get3A_1125 = vector.shape_cast %get3A_1124 : vector<1x1x16xf32> to vector<16xf32>
        %add3A_1126 = arith.addf %add3A_1110, %get3A_1125 : vector<16xf32>
        %get3A_1127 = arith.constant 1 : i32
        %get3A_1128 = arith.index_cast %get3A_1127 : i32 to index
        %get3A_1129 = arith.index_cast %add3A_1119 : i32 to index
        %get3A_1130 = arith.constant 16 : index
        %get3A_1131 = tpu.vector_load %arg6[%get3A_1128, %get3A_1129, %get3A_1130] {strides = array<i32>} : memref<2x1600x32xf32, #tpu.memory_space<vmem>>, vector<1x1x16xf32>,
        %get3A_1132 = vector.shape_cast %get3A_1131 : vector<1x1x16xf32> to vector<16xf32>
        %add3A_1133 = arith.addf %add3A_1117, %get3A_1132 : vector<16xf32>
        %scan3A_1134 = arith.constant 26 : i32
        %add3A_1135 = arith.addi %mul3A_717, %scan3A_1134 : i32
        %get3A_1136 = arith.constant 1 : i32
        %get3A_1137 = arith.index_cast %get3A_1136 : i32 to index
        %get3A_1138 = arith.index_cast %add3A_1135 : i32 to index
        %get3A_1139 = arith.constant 0 : index
        %get3A_1140 = tpu.vector_load %arg6[%get3A_1137, %get3A_1138, %get3A_1139] {strides = array<i32>} : memref<2x1600x32xf32, #tpu.memory_space<vmem>>, vector<1x1x16xf32>,
        %get3A_1141 = vector.shape_cast %get3A_1140 : vector<1x1x16xf32> to vector<16xf32>
        %add3A_1142 = arith.addf %add3A_1126, %get3A_1141 : vector<16xf32>
        %get3A_1143 = arith.constant 1 : i32
        %get3A_1144 = arith.index_cast %get3A_1143 : i32 to index
        %get3A_1145 = arith.index_cast %add3A_1135 : i32 to index
        %get3A_1146 = arith.constant 16 : index
        %get3A_1147 = tpu.vector_load %arg6[%get3A_1144, %get3A_1145, %get3A_1146] {strides = array<i32>} : memref<2x1600x32xf32, #tpu.memory_space<vmem>>, vector<1x1x16xf32>,
        %get3A_1148 = vector.shape_cast %get3A_1147 : vector<1x1x16xf32> to vector<16xf32>
        %add3A_1149 = arith.addf %add3A_1133, %get3A_1148 : vector<16xf32>
        %scan3A_1150 = arith.constant 27 : i32
        %add3A_1151 = arith.addi %mul3A_717, %scan3A_1150 : i32
        %get3A_1152 = arith.constant 1 : i32
        %get3A_1153 = arith.index_cast %get3A_1152 : i32 to index
        %get3A_1154 = arith.index_cast %add3A_1151 : i32 to index
        %get3A_1155 = arith.constant 0 : index
        %get3A_1156 = tpu.vector_load %arg6[%get3A_1153, %get3A_1154, %get3A_1155] {strides = array<i32>} : memref<2x1600x32xf32, #tpu.memory_space<vmem>>, vector<1x1x16xf32>,
        %get3A_1157 = vector.shape_cast %get3A_1156 : vector<1x1x16xf32> to vector<16xf32>
        %add3A_1158 = arith.addf %add3A_1142, %get3A_1157 : vector<16xf32>
        %get3A_1159 = arith.constant 1 : i32
        %get3A_1160 = arith.index_cast %get3A_1159 : i32 to index
        %get3A_1161 = arith.index_cast %add3A_1151 : i32 to index
        %get3A_1162 = arith.constant 16 : index
        %get3A_1163 = tpu.vector_load %arg6[%get3A_1160, %get3A_1161, %get3A_1162] {strides = array<i32>} : memref<2x1600x32xf32, #tpu.memory_space<vmem>>, vector<1x1x16xf32>,
        %get3A_1164 = vector.shape_cast %get3A_1163 : vector<1x1x16xf32> to vector<16xf32>
        %add3A_1165 = arith.addf %add3A_1149, %get3A_1164 : vector<16xf32>
        %scan3A_1166 = arith.constant 28 : i32
        %add3A_1167 = arith.addi %mul3A_717, %scan3A_1166 : i32
        %get3A_1168 = arith.constant 1 : i32
        %get3A_1169 = arith.index_cast %get3A_1168 : i32 to index
        %get3A_1170 = arith.index_cast %add3A_1167 : i32 to index
        %get3A_1171 = arith.constant 0 : index
        %get3A_1172 = tpu.vector_load %arg6[%get3A_1169, %get3A_1170, %get3A_1171] {strides = array<i32>} : memref<2x1600x32xf32, #tpu.memory_space<vmem>>, vector<1x1x16xf32>,
        %get3A_1173 = vector.shape_cast %get3A_1172 : vector<1x1x16xf32> to vector<16xf32>
        %add3A_1174 = arith.addf %add3A_1158, %get3A_1173 : vector<16xf32>
        %get3A_1175 = arith.constant 1 : i32
        %get3A_1176 = arith.index_cast %get3A_1175 : i32 to index
        %get3A_1177 = arith.index_cast %add3A_1167 : i32 to index
        %get3A_1178 = arith.constant 16 : index
        %get3A_1179 = tpu.vector_load %arg6[%get3A_1176, %get3A_1177, %get3A_1178] {strides = array<i32>} : memref<2x1600x32xf32, #tpu.memory_space<vmem>>, vector<1x1x16xf32>,
        %get3A_1180 = vector.shape_cast %get3A_1179 : vector<1x1x16xf32> to vector<16xf32>
        %add3A_1181 = arith.addf %add3A_1165, %get3A_1180 : vector<16xf32>
        %scan3A_1182 = arith.constant 29 : i32
        %add3A_1183 = arith.addi %mul3A_717, %scan3A_1182 : i32
        %get3A_1184 = arith.constant 1 : i32
        %get3A_1185 = arith.index_cast %get3A_1184 : i32 to index
        %get3A_1186 = arith.index_cast %add3A_1183 : i32 to index
        %get3A_1187 = arith.constant 0 : index
        %get3A_1188 = tpu.vector_load %arg6[%get3A_1185, %get3A_1186, %get3A_1187] {strides = array<i32>} : memref<2x1600x32xf32, #tpu.memory_space<vmem>>, vector<1x1x16xf32>,
        %get3A_1189 = vector.shape_cast %get3A_1188 : vector<1x1x16xf32> to vector<16xf32>
        %add3A_1190 = arith.addf %add3A_1174, %get3A_1189 : vector<16xf32>
        %get3A_1191 = arith.constant 1 : i32
        %get3A_1192 = arith.index_cast %get3A_1191 : i32 to index
        %get3A_1193 = arith.index_cast %add3A_1183 : i32 to index
        %get3A_1194 = arith.constant 16 : index
        %get3A_1195 = tpu.vector_load %arg6[%get3A_1192, %get3A_1193, %get3A_1194] {strides = array<i32>} : memref<2x1600x32xf32, #tpu.memory_space<vmem>>, vector<1x1x16xf32>,
        %get3A_1196 = vector.shape_cast %get3A_1195 : vector<1x1x16xf32> to vector<16xf32>
        %add3A_1197 = arith.addf %add3A_1181, %get3A_1196 : vector<16xf32>
        %scan3A_1198 = arith.constant 30 : i32
        %add3A_1199 = arith.addi %mul3A_717, %scan3A_1198 : i32
        %get3A_1200 = arith.constant 1 : i32
        %get3A_1201 = arith.index_cast %get3A_1200 : i32 to index
        %get3A_1202 = arith.index_cast %add3A_1199 : i32 to index
        %get3A_1203 = arith.constant 0 : index
        %get3A_1204 = tpu.vector_load %arg6[%get3A_1201, %get3A_1202, %get3A_1203] {strides = array<i32>} : memref<2x1600x32xf32, #tpu.memory_space<vmem>>, vector<1x1x16xf32>,
        %get3A_1205 = vector.shape_cast %get3A_1204 : vector<1x1x16xf32> to vector<16xf32>
        %add3A_1206 = arith.addf %add3A_1190, %get3A_1205 : vector<16xf32>
        %get3A_1207 = arith.constant 1 : i32
        %get3A_1208 = arith.index_cast %get3A_1207 : i32 to index
        %get3A_1209 = arith.index_cast %add3A_1199 : i32 to index
        %get3A_1210 = arith.constant 16 : index
        %get3A_1211 = tpu.vector_load %arg6[%get3A_1208, %get3A_1209, %get3A_1210] {strides = array<i32>} : memref<2x1600x32xf32, #tpu.memory_space<vmem>>, vector<1x1x16xf32>,
        %get3A_1212 = vector.shape_cast %get3A_1211 : vector<1x1x16xf32> to vector<16xf32>
        %add3A_1213 = arith.addf %add3A_1197, %get3A_1212 : vector<16xf32>
        %scan3A_1214 = arith.constant 31 : i32
        %add3A_1215 = arith.addi %mul3A_717, %scan3A_1214 : i32
        %get3A_1216 = arith.constant 1 : i32
        %get3A_1217 = arith.index_cast %get3A_1216 : i32 to index
        %get3A_1218 = arith.index_cast %add3A_1215 : i32 to index
        %get3A_1219 = arith.constant 0 : index
        %get3A_1220 = tpu.vector_load %arg6[%get3A_1217, %get3A_1218, %get3A_1219] {strides = array<i32>} : memref<2x1600x32xf32, #tpu.memory_space<vmem>>, vector<1x1x16xf32>,
        %get3A_1221 = vector.shape_cast %get3A_1220 : vector<1x1x16xf32> to vector<16xf32>
        %add3A_1222 = arith.addf %add3A_1206, %get3A_1221 : vector<16xf32>
        %get3A_1223 = arith.constant 1 : i32
        %get3A_1224 = arith.index_cast %get3A_1223 : i32 to index
        %get3A_1225 = arith.index_cast %add3A_1215 : i32 to index
        %get3A_1226 = arith.constant 16 : index
        %get3A_1227 = tpu.vector_load %arg6[%get3A_1224, %get3A_1225, %get3A_1226] {strides = array<i32>} : memref<2x1600x32xf32, #tpu.memory_space<vmem>>, vector<1x1x16xf32>,
        %get3A_1228 = vector.shape_cast %get3A_1227 : vector<1x1x16xf32> to vector<16xf32>
        %add3A_1229 = arith.addf %add3A_1213, %get3A_1228 : vector<16xf32>
        %scan3A_1230 = arith.constant 32 : i32
        %add3A_1231 = arith.addi %mul3A_717, %scan3A_1230 : i32
        %get3A_1232 = arith.constant 1 : i32
        %get3A_1233 = arith.index_cast %get3A_1232 : i32 to index
        %get3A_1234 = arith.index_cast %add3A_1231 : i32 to index
        %get3A_1235 = arith.constant 0 : index
        %get3A_1236 = tpu.vector_load %arg6[%get3A_1233, %get3A_1234, %get3A_1235] {strides = array<i32>} : memref<2x1600x32xf32, #tpu.memory_space<vmem>>, vector<1x1x16xf32>,
        %get3A_1237 = vector.shape_cast %get3A_1236 : vector<1x1x16xf32> to vector<16xf32>
        %add3A_1238 = arith.addf %add3A_1222, %get3A_1237 : vector<16xf32>
        %get3A_1239 = arith.constant 1 : i32
        %get3A_1240 = arith.index_cast %get3A_1239 : i32 to index
        %get3A_1241 = arith.index_cast %add3A_1231 : i32 to index
        %get3A_1242 = arith.constant 16 : index
        %get3A_1243 = tpu.vector_load %arg6[%get3A_1240, %get3A_1241, %get3A_1242] {strides = array<i32>} : memref<2x1600x32xf32, #tpu.memory_space<vmem>>, vector<1x1x16xf32>,
        %get3A_1244 = vector.shape_cast %get3A_1243 : vector<1x1x16xf32> to vector<16xf32>
        %add3A_1245 = arith.addf %add3A_1229, %get3A_1244 : vector<16xf32>
        %scan3A_1246 = arith.constant 33 : i32
        %add3A_1247 = arith.addi %mul3A_717, %scan3A_1246 : i32
        %get3A_1248 = arith.constant 1 : i32
        %get3A_1249 = arith.index_cast %get3A_1248 : i32 to index
        %get3A_1250 = arith.index_cast %add3A_1247 : i32 to index
        %get3A_1251 = arith.constant 0 : index
        %get3A_1252 = tpu.vector_load %arg6[%get3A_1249, %get3A_1250, %get3A_1251] {strides = array<i32>} : memref<2x1600x32xf32, #tpu.memory_space<vmem>>, vector<1x1x16xf32>,
        %get3A_1253 = vector.shape_cast %get3A_1252 : vector<1x1x16xf32> to vector<16xf32>
        %add3A_1254 = arith.addf %add3A_1238, %get3A_1253 : vector<16xf32>
        %get3A_1255 = arith.constant 1 : i32
        %get3A_1256 = arith.index_cast %get3A_1255 : i32 to index
        %get3A_1257 = arith.index_cast %add3A_1247 : i32 to index
        %get3A_1258 = arith.constant 16 : index
        %get3A_1259 = tpu.vector_load %arg6[%get3A_1256, %get3A_1257, %get3A_1258] {strides = array<i32>} : memref<2x1600x32xf32, #tpu.memory_space<vmem>>, vector<1x1x16xf32>,
        %get3A_1260 = vector.shape_cast %get3A_1259 : vector<1x1x16xf32> to vector<16xf32>
        %add3A_1261 = arith.addf %add3A_1245, %get3A_1260 : vector<16xf32>
        %scan3A_1262 = arith.constant 34 : i32
        %add3A_1263 = arith.addi %mul3A_717, %scan3A_1262 : i32
        %get3A_1264 = arith.constant 1 : i32
        %get3A_1265 = arith.index_cast %get3A_1264 : i32 to index
        %get3A_1266 = arith.index_cast %add3A_1263 : i32 to index
        %get3A_1267 = arith.constant 0 : index
        %get3A_1268 = tpu.vector_load %arg6[%get3A_1265, %get3A_1266, %get3A_1267] {strides = array<i32>} : memref<2x1600x32xf32, #tpu.memory_space<vmem>>, vector<1x1x16xf32>,
        %get3A_1269 = vector.shape_cast %get3A_1268 : vector<1x1x16xf32> to vector<16xf32>
        %add3A_1270 = arith.addf %add3A_1254, %get3A_1269 : vector<16xf32>
        %get3A_1271 = arith.constant 1 : i32
        %get3A_1272 = arith.index_cast %get3A_1271 : i32 to index
        %get3A_1273 = arith.index_cast %add3A_1263 : i32 to index
        %get3A_1274 = arith.constant 16 : index
        %get3A_1275 = tpu.vector_load %arg6[%get3A_1272, %get3A_1273, %get3A_1274] {strides = array<i32>} : memref<2x1600x32xf32, #tpu.memory_space<vmem>>, vector<1x1x16xf32>,
        %get3A_1276 = vector.shape_cast %get3A_1275 : vector<1x1x16xf32> to vector<16xf32>
        %add3A_1277 = arith.addf %add3A_1261, %get3A_1276 : vector<16xf32>
        %scan3A_1278 = arith.constant 35 : i32
        %add3A_1279 = arith.addi %mul3A_717, %scan3A_1278 : i32
        %get3A_1280 = arith.constant 1 : i32
        %get3A_1281 = arith.index_cast %get3A_1280 : i32 to index
        %get3A_1282 = arith.index_cast %add3A_1279 : i32 to index
        %get3A_1283 = arith.constant 0 : index
        %get3A_1284 = tpu.vector_load %arg6[%get3A_1281, %get3A_1282, %get3A_1283] {strides = array<i32>} : memref<2x1600x32xf32, #tpu.memory_space<vmem>>, vector<1x1x16xf32>,
        %get3A_1285 = vector.shape_cast %get3A_1284 : vector<1x1x16xf32> to vector<16xf32>
        %add3A_1286 = arith.addf %add3A_1270, %get3A_1285 : vector<16xf32>
        %get3A_1287 = arith.constant 1 : i32
        %get3A_1288 = arith.index_cast %get3A_1287 : i32 to index
        %get3A_1289 = arith.index_cast %add3A_1279 : i32 to index
        %get3A_1290 = arith.constant 16 : index
        %get3A_1291 = tpu.vector_load %arg6[%get3A_1288, %get3A_1289, %get3A_1290] {strides = array<i32>} : memref<2x1600x32xf32, #tpu.memory_space<vmem>>, vector<1x1x16xf32>,
        %get3A_1292 = vector.shape_cast %get3A_1291 : vector<1x1x16xf32> to vector<16xf32>
        %add3A_1293 = arith.addf %add3A_1277, %get3A_1292 : vector<16xf32>
        %scan3A_1294 = arith.constant 36 : i32
        %add3A_1295 = arith.addi %mul3A_717, %scan3A_1294 : i32
        %get3A_1296 = arith.constant 1 : i32
        %get3A_1297 = arith.index_cast %get3A_1296 : i32 to index
        %get3A_1298 = arith.index_cast %add3A_1295 : i32 to index
        %get3A_1299 = arith.constant 0 : index
        %get3A_1300 = tpu.vector_load %arg6[%get3A_1297, %get3A_1298, %get3A_1299] {strides = array<i32>} : memref<2x1600x32xf32, #tpu.memory_space<vmem>>, vector<1x1x16xf32>,
        %get3A_1301 = vector.shape_cast %get3A_1300 : vector<1x1x16xf32> to vector<16xf32>
        %add3A_1302 = arith.addf %add3A_1286, %get3A_1301 : vector<16xf32>
        %get3A_1303 = arith.constant 1 : i32
        %get3A_1304 = arith.index_cast %get3A_1303 : i32 to index
        %get3A_1305 = arith.index_cast %add3A_1295 : i32 to index
        %get3A_1306 = arith.constant 16 : index
        %get3A_1307 = tpu.vector_load %arg6[%get3A_1304, %get3A_1305, %get3A_1306] {strides = array<i32>} : memref<2x1600x32xf32, #tpu.memory_space<vmem>>, vector<1x1x16xf32>,
        %get3A_1308 = vector.shape_cast %get3A_1307 : vector<1x1x16xf32> to vector<16xf32>
        %add3A_1309 = arith.addf %add3A_1293, %get3A_1308 : vector<16xf32>
        %scan3A_1310 = arith.constant 37 : i32
        %add3A_1311 = arith.addi %mul3A_717, %scan3A_1310 : i32
        %get3A_1312 = arith.constant 1 : i32
        %get3A_1313 = arith.index_cast %get3A_1312 : i32 to index
        %get3A_1314 = arith.index_cast %add3A_1311 : i32 to index
        %get3A_1315 = arith.constant 0 : index
        %get3A_1316 = tpu.vector_load %arg6[%get3A_1313, %get3A_1314, %get3A_1315] {strides = array<i32>} : memref<2x1600x32xf32, #tpu.memory_space<vmem>>, vector<1x1x16xf32>,
        %get3A_1317 = vector.shape_cast %get3A_1316 : vector<1x1x16xf32> to vector<16xf32>
        %add3A_1318 = arith.addf %add3A_1302, %get3A_1317 : vector<16xf32>
        %get3A_1319 = arith.constant 1 : i32
        %get3A_1320 = arith.index_cast %get3A_1319 : i32 to index
        %get3A_1321 = arith.index_cast %add3A_1311 : i32 to index
        %get3A_1322 = arith.constant 16 : index
        %get3A_1323 = tpu.vector_load %arg6[%get3A_1320, %get3A_1321, %get3A_1322] {strides = array<i32>} : memref<2x1600x32xf32, #tpu.memory_space<vmem>>, vector<1x1x16xf32>,
        %get3A_1324 = vector.shape_cast %get3A_1323 : vector<1x1x16xf32> to vector<16xf32>
        %add3A_1325 = arith.addf %add3A_1309, %get3A_1324 : vector<16xf32>
        %scan3A_1326 = arith.constant 38 : i32
        %add3A_1327 = arith.addi %mul3A_717, %scan3A_1326 : i32
        %get3A_1328 = arith.constant 1 : i32
        %get3A_1329 = arith.index_cast %get3A_1328 : i32 to index
        %get3A_1330 = arith.index_cast %add3A_1327 : i32 to index
        %get3A_1331 = arith.constant 0 : index
        %get3A_1332 = tpu.vector_load %arg6[%get3A_1329, %get3A_1330, %get3A_1331] {strides = array<i32>} : memref<2x1600x32xf32, #tpu.memory_space<vmem>>, vector<1x1x16xf32>,
        %get3A_1333 = vector.shape_cast %get3A_1332 : vector<1x1x16xf32> to vector<16xf32>
        %add3A_1334 = arith.addf %add3A_1318, %get3A_1333 : vector<16xf32>
        %get3A_1335 = arith.constant 1 : i32
        %get3A_1336 = arith.index_cast %get3A_1335 : i32 to index
        %get3A_1337 = arith.index_cast %add3A_1327 : i32 to index
        %get3A_1338 = arith.constant 16 : index
        %get3A_1339 = tpu.vector_load %arg6[%get3A_1336, %get3A_1337, %get3A_1338] {strides = array<i32>} : memref<2x1600x32xf32, #tpu.memory_space<vmem>>, vector<1x1x16xf32>,
        %get3A_1340 = vector.shape_cast %get3A_1339 : vector<1x1x16xf32> to vector<16xf32>
        %add3A_1341 = arith.addf %add3A_1325, %get3A_1340 : vector<16xf32>
        %scan3A_1342 = arith.constant 39 : i32
        %add3A_1343 = arith.addi %mul3A_717, %scan3A_1342 : i32
        %get3A_1344 = arith.constant 1 : i32
        %get3A_1345 = arith.index_cast %get3A_1344 : i32 to index
        %get3A_1346 = arith.index_cast %add3A_1343 : i32 to index
        %get3A_1347 = arith.constant 0 : index
        %get3A_1348 = tpu.vector_load %arg6[%get3A_1345, %get3A_1346, %get3A_1347] {strides = array<i32>} : memref<2x1600x32xf32, #tpu.memory_space<vmem>>, vector<1x1x16xf32>,
        %get3A_1349 = vector.shape_cast %get3A_1348 : vector<1x1x16xf32> to vector<16xf32>
        %add3A_1350 = arith.addf %add3A_1334, %get3A_1349 : vector<16xf32>
        %get3A_1351 = arith.constant 1 : i32
        %get3A_1352 = arith.index_cast %get3A_1351 : i32 to index
        %get3A_1353 = arith.index_cast %add3A_1343 : i32 to index
        %get3A_1354 = arith.constant 16 : index
        %get3A_1355 = tpu.vector_load %arg6[%get3A_1352, %get3A_1353, %get3A_1354] {strides = array<i32>} : memref<2x1600x32xf32, #tpu.memory_space<vmem>>, vector<1x1x16xf32>,
        %get3A_1356 = vector.shape_cast %get3A_1355 : vector<1x1x16xf32> to vector<16xf32>
        %add3A_1357 = arith.addf %add3A_1341, %get3A_1356 : vector<16xf32>
        %scan3A_1358 = arith.constant 40 : i32
        %add3A_1359 = arith.addi %mul3A_717, %scan3A_1358 : i32
        %get3A_1360 = arith.constant 1 : i32
        %get3A_1361 = arith.index_cast %get3A_1360 : i32 to index
        %get3A_1362 = arith.index_cast %add3A_1359 : i32 to index
        %get3A_1363 = arith.constant 0 : index
        %get3A_1364 = tpu.vector_load %arg6[%get3A_1361, %get3A_1362, %get3A_1363] {strides = array<i32>} : memref<2x1600x32xf32, #tpu.memory_space<vmem>>, vector<1x1x16xf32>,
        %get3A_1365 = vector.shape_cast %get3A_1364 : vector<1x1x16xf32> to vector<16xf32>
        %add3A_1366 = arith.addf %add3A_1350, %get3A_1365 : vector<16xf32>
        %get3A_1367 = arith.constant 1 : i32
        %get3A_1368 = arith.index_cast %get3A_1367 : i32 to index
        %get3A_1369 = arith.index_cast %add3A_1359 : i32 to index
        %get3A_1370 = arith.constant 16 : index
        %get3A_1371 = tpu.vector_load %arg6[%get3A_1368, %get3A_1369, %get3A_1370] {strides = array<i32>} : memref<2x1600x32xf32, #tpu.memory_space<vmem>>, vector<1x1x16xf32>,
        %get3A_1372 = vector.shape_cast %get3A_1371 : vector<1x1x16xf32> to vector<16xf32>
        %add3A_1373 = arith.addf %add3A_1357, %get3A_1372 : vector<16xf32>
        %scan3A_1374 = arith.constant 41 : i32
        %add3A_1375 = arith.addi %mul3A_717, %scan3A_1374 : i32
        %get3A_1376 = arith.constant 1 : i32
        %get3A_1377 = arith.index_cast %get3A_1376 : i32 to index
        %get3A_1378 = arith.index_cast %add3A_1375 : i32 to index
        %get3A_1379 = arith.constant 0 : index
        %get3A_1380 = tpu.vector_load %arg6[%get3A_1377, %get3A_1378, %get3A_1379] {strides = array<i32>} : memref<2x1600x32xf32, #tpu.memory_space<vmem>>, vector<1x1x16xf32>,
        %get3A_1381 = vector.shape_cast %get3A_1380 : vector<1x1x16xf32> to vector<16xf32>
        %add3A_1382 = arith.addf %add3A_1366, %get3A_1381 : vector<16xf32>
        %get3A_1383 = arith.constant 1 : i32
        %get3A_1384 = arith.index_cast %get3A_1383 : i32 to index
        %get3A_1385 = arith.index_cast %add3A_1375 : i32 to index
        %get3A_1386 = arith.constant 16 : index
        %get3A_1387 = tpu.vector_load %arg6[%get3A_1384, %get3A_1385, %get3A_1386] {strides = array<i32>} : memref<2x1600x32xf32, #tpu.memory_space<vmem>>, vector<1x1x16xf32>,
        %get3A_1388 = vector.shape_cast %get3A_1387 : vector<1x1x16xf32> to vector<16xf32>
        %add3A_1389 = arith.addf %add3A_1373, %get3A_1388 : vector<16xf32>
        %scan3A_1390 = arith.constant 42 : i32
        %add3A_1391 = arith.addi %mul3A_717, %scan3A_1390 : i32
        %get3A_1392 = arith.constant 1 : i32
        %get3A_1393 = arith.index_cast %get3A_1392 : i32 to index
        %get3A_1394 = arith.index_cast %add3A_1391 : i32 to index
        %get3A_1395 = arith.constant 0 : index
        %get3A_1396 = tpu.vector_load %arg6[%get3A_1393, %get3A_1394, %get3A_1395] {strides = array<i32>} : memref<2x1600x32xf32, #tpu.memory_space<vmem>>, vector<1x1x16xf32>,
        %get3A_1397 = vector.shape_cast %get3A_1396 : vector<1x1x16xf32> to vector<16xf32>
        %add3A_1398 = arith.addf %add3A_1382, %get3A_1397 : vector<16xf32>
        %get3A_1399 = arith.constant 1 : i32
        %get3A_1400 = arith.index_cast %get3A_1399 : i32 to index
        %get3A_1401 = arith.index_cast %add3A_1391 : i32 to index
        %get3A_1402 = arith.constant 16 : index
        %get3A_1403 = tpu.vector_load %arg6[%get3A_1400, %get3A_1401, %get3A_1402] {strides = array<i32>} : memref<2x1600x32xf32, #tpu.memory_space<vmem>>, vector<1x1x16xf32>,
        %get3A_1404 = vector.shape_cast %get3A_1403 : vector<1x1x16xf32> to vector<16xf32>
        %add3A_1405 = arith.addf %add3A_1389, %get3A_1404 : vector<16xf32>
        %scan3A_1406 = arith.constant 43 : i32
        %add3A_1407 = arith.addi %mul3A_717, %scan3A_1406 : i32
        %get3A_1408 = arith.constant 1 : i32
        %get3A_1409 = arith.index_cast %get3A_1408 : i32 to index
        %get3A_1410 = arith.index_cast %add3A_1407 : i32 to index
        %get3A_1411 = arith.constant 0 : index
        %get3A_1412 = tpu.vector_load %arg6[%get3A_1409, %get3A_1410, %get3A_1411] {strides = array<i32>} : memref<2x1600x32xf32, #tpu.memory_space<vmem>>, vector<1x1x16xf32>,
        %get3A_1413 = vector.shape_cast %get3A_1412 : vector<1x1x16xf32> to vector<16xf32>
        %add3A_1414 = arith.addf %add3A_1398, %get3A_1413 : vector<16xf32>
        %get3A_1415 = arith.constant 1 : i32
        %get3A_1416 = arith.index_cast %get3A_1415 : i32 to index
        %get3A_1417 = arith.index_cast %add3A_1407 : i32 to index
        %get3A_1418 = arith.constant 16 : index
        %get3A_1419 = tpu.vector_load %arg6[%get3A_1416, %get3A_1417, %get3A_1418] {strides = array<i32>} : memref<2x1600x32xf32, #tpu.memory_space<vmem>>, vector<1x1x16xf32>,
        %get3A_1420 = vector.shape_cast %get3A_1419 : vector<1x1x16xf32> to vector<16xf32>
        %add3A_1421 = arith.addf %add3A_1405, %get3A_1420 : vector<16xf32>
        %scan3A_1422 = arith.constant 44 : i32
        %add3A_1423 = arith.addi %mul3A_717, %scan3A_1422 : i32
        %get3A_1424 = arith.constant 1 : i32
        %get3A_1425 = arith.index_cast %get3A_1424 : i32 to index
        %get3A_1426 = arith.index_cast %add3A_1423 : i32 to index
        %get3A_1427 = arith.constant 0 : index
        %get3A_1428 = tpu.vector_load %arg6[%get3A_1425, %get3A_1426, %get3A_1427] {strides = array<i32>} : memref<2x1600x32xf32, #tpu.memory_space<vmem>>, vector<1x1x16xf32>,
        %get3A_1429 = vector.shape_cast %get3A_1428 : vector<1x1x16xf32> to vector<16xf32>
        %add3A_1430 = arith.addf %add3A_1414, %get3A_1429 : vector<16xf32>
        %get3A_1431 = arith.constant 1 : i32
        %get3A_1432 = arith.index_cast %get3A_1431 : i32 to index
        %get3A_1433 = arith.index_cast %add3A_1423 : i32 to index
        %get3A_1434 = arith.constant 16 : index
        %get3A_1435 = tpu.vector_load %arg6[%get3A_1432, %get3A_1433, %get3A_1434] {strides = array<i32>} : memref<2x1600x32xf32, #tpu.memory_space<vmem>>, vector<1x1x16xf32>,
        %get3A_1436 = vector.shape_cast %get3A_1435 : vector<1x1x16xf32> to vector<16xf32>
        %add3A_1437 = arith.addf %add3A_1421, %get3A_1436 : vector<16xf32>
        %scan3A_1438 = arith.constant 45 : i32
        %add3A_1439 = arith.addi %mul3A_717, %scan3A_1438 : i32
        %get3A_1440 = arith.constant 1 : i32
        %get3A_1441 = arith.index_cast %get3A_1440 : i32 to index
        %get3A_1442 = arith.index_cast %add3A_1439 : i32 to index
        %get3A_1443 = arith.constant 0 : index
        %get3A_1444 = tpu.vector_load %arg6[%get3A_1441, %get3A_1442, %get3A_1443] {strides = array<i32>} : memref<2x1600x32xf32, #tpu.memory_space<vmem>>, vector<1x1x16xf32>,
        %get3A_1445 = vector.shape_cast %get3A_1444 : vector<1x1x16xf32> to vector<16xf32>
        %add3A_1446 = arith.addf %add3A_1430, %get3A_1445 : vector<16xf32>
        %get3A_1447 = arith.constant 1 : i32
        %get3A_1448 = arith.index_cast %get3A_1447 : i32 to index
        %get3A_1449 = arith.index_cast %add3A_1439 : i32 to index
        %get3A_1450 = arith.constant 16 : index
        %get3A_1451 = tpu.vector_load %arg6[%get3A_1448, %get3A_1449, %get3A_1450] {strides = array<i32>} : memref<2x1600x32xf32, #tpu.memory_space<vmem>>, vector<1x1x16xf32>,
        %get3A_1452 = vector.shape_cast %get3A_1451 : vector<1x1x16xf32> to vector<16xf32>
        %add3A_1453 = arith.addf %add3A_1437, %get3A_1452 : vector<16xf32>
        %scan3A_1454 = arith.constant 46 : i32
        %add3A_1455 = arith.addi %mul3A_717, %scan3A_1454 : i32
        %get3A_1456 = arith.constant 1 : i32
        %get3A_1457 = arith.index_cast %get3A_1456 : i32 to index
        %get3A_1458 = arith.index_cast %add3A_1455 : i32 to index
        %get3A_1459 = arith.constant 0 : index
        %get3A_1460 = tpu.vector_load %arg6[%get3A_1457, %get3A_1458, %get3A_1459] {strides = array<i32>} : memref<2x1600x32xf32, #tpu.memory_space<vmem>>, vector<1x1x16xf32>,
        %get3A_1461 = vector.shape_cast %get3A_1460 : vector<1x1x16xf32> to vector<16xf32>
        %add3A_1462 = arith.addf %add3A_1446, %get3A_1461 : vector<16xf32>
        %get3A_1463 = arith.constant 1 : i32
        %get3A_1464 = arith.index_cast %get3A_1463 : i32 to index
        %get3A_1465 = arith.index_cast %add3A_1455 : i32 to index
        %get3A_1466 = arith.constant 16 : index
        %get3A_1467 = tpu.vector_load %arg6[%get3A_1464, %get3A_1465, %get3A_1466] {strides = array<i32>} : memref<2x1600x32xf32, #tpu.memory_space<vmem>>, vector<1x1x16xf32>,
        %get3A_1468 = vector.shape_cast %get3A_1467 : vector<1x1x16xf32> to vector<16xf32>
        %add3A_1469 = arith.addf %add3A_1453, %get3A_1468 : vector<16xf32>
        %scan3A_1470 = arith.constant 47 : i32
        %add3A_1471 = arith.addi %mul3A_717, %scan3A_1470 : i32
        %get3A_1472 = arith.constant 1 : i32
        %get3A_1473 = arith.index_cast %get3A_1472 : i32 to index
        %get3A_1474 = arith.index_cast %add3A_1471 : i32 to index
        %get3A_1475 = arith.constant 0 : index
        %get3A_1476 = tpu.vector_load %arg6[%get3A_1473, %get3A_1474, %get3A_1475] {strides = array<i32>} : memref<2x1600x32xf32, #tpu.memory_space<vmem>>, vector<1x1x16xf32>,
        %get3A_1477 = vector.shape_cast %get3A_1476 : vector<1x1x16xf32> to vector<16xf32>
        %add3A_1478 = arith.addf %add3A_1462, %get3A_1477 : vector<16xf32>
        %get3A_1479 = arith.constant 1 : i32
        %get3A_1480 = arith.index_cast %get3A_1479 : i32 to index
        %get3A_1481 = arith.index_cast %add3A_1471 : i32 to index
        %get3A_1482 = arith.constant 16 : index
        %get3A_1483 = tpu.vector_load %arg6[%get3A_1480, %get3A_1481, %get3A_1482] {strides = array<i32>} : memref<2x1600x32xf32, #tpu.memory_space<vmem>>, vector<1x1x16xf32>,
        %get3A_1484 = vector.shape_cast %get3A_1483 : vector<1x1x16xf32> to vector<16xf32>
        %add3A_1485 = arith.addf %add3A_1469, %get3A_1484 : vector<16xf32>
        %scan3A_1486 = arith.constant 48 : i32
        %add3A_1487 = arith.addi %mul3A_717, %scan3A_1486 : i32
        %get3A_1488 = arith.constant 1 : i32
        %get3A_1489 = arith.index_cast %get3A_1488 : i32 to index
        %get3A_1490 = arith.index_cast %add3A_1487 : i32 to index
        %get3A_1491 = arith.constant 0 : index
        %get3A_1492 = tpu.vector_load %arg6[%get3A_1489, %get3A_1490, %get3A_1491] {strides = array<i32>} : memref<2x1600x32xf32, #tpu.memory_space<vmem>>, vector<1x1x16xf32>,
        %get3A_1493 = vector.shape_cast %get3A_1492 : vector<1x1x16xf32> to vector<16xf32>
        %add3A_1494 = arith.addf %add3A_1478, %get3A_1493 : vector<16xf32>
        %get3A_1495 = arith.constant 1 : i32
        %get3A_1496 = arith.index_cast %get3A_1495 : i32 to index
        %get3A_1497 = arith.index_cast %add3A_1487 : i32 to index
        %get3A_1498 = arith.constant 16 : index
        %get3A_1499 = tpu.vector_load %arg6[%get3A_1496, %get3A_1497, %get3A_1498] {strides = array<i32>} : memref<2x1600x32xf32, #tpu.memory_space<vmem>>, vector<1x1x16xf32>,
        %get3A_1500 = vector.shape_cast %get3A_1499 : vector<1x1x16xf32> to vector<16xf32>
        %add3A_1501 = arith.addf %add3A_1485, %get3A_1500 : vector<16xf32>
        %scan3A_1502 = arith.constant 49 : i32
        %add3A_1503 = arith.addi %mul3A_717, %scan3A_1502 : i32
        %get3A_1504 = arith.constant 1 : i32
        %get3A_1505 = arith.index_cast %get3A_1504 : i32 to index
        %get3A_1506 = arith.index_cast %add3A_1503 : i32 to index
        %get3A_1507 = arith.constant 0 : index
        %get3A_1508 = tpu.vector_load %arg6[%get3A_1505, %get3A_1506, %get3A_1507] {strides = array<i32>} : memref<2x1600x32xf32, #tpu.memory_space<vmem>>, vector<1x1x16xf32>,
        %get3A_1509 = vector.shape_cast %get3A_1508 : vector<1x1x16xf32> to vector<16xf32>
        %add3A_1510 = arith.addf %add3A_1494, %get3A_1509 : vector<16xf32>
        %get3A_1511 = arith.constant 1 : i32
        %get3A_1512 = arith.index_cast %get3A_1511 : i32 to index
        %get3A_1513 = arith.index_cast %add3A_1503 : i32 to index
        %get3A_1514 = arith.constant 16 : index
        %get3A_1515 = tpu.vector_load %arg6[%get3A_1512, %get3A_1513, %get3A_1514] {strides = array<i32>} : memref<2x1600x32xf32, #tpu.memory_space<vmem>>, vector<1x1x16xf32>,
        %get3A_1516 = vector.shape_cast %get3A_1515 : vector<1x1x16xf32> to vector<16xf32>
        %add3A_1517 = arith.addf %add3A_1501, %get3A_1516 : vector<16xf32>
        %scan3A_1518 = arith.constant 50 : i32
        %swap3A = arith.constant 1 : i32
        %swap3A_1519 = arith.index_cast %swap3A : i32 to index
        %swap3A_1520 = arith.index_cast %scan3A_715 : i32 to index
        %swap3A_1521 = arith.constant 0 : index
        %swap3A_1522 = tpu.vector_load %arg7[%swap3A_1519, %swap3A_1520, %swap3A_1521] {strides = array<i32>} : memref<2x32x32xf32, #tpu.memory_space<vmem>>, vector<1x1x16xf32>,
        %swap3A_1523 = vector.shape_cast %swap3A_1522 : vector<1x1x16xf32> to vector<16xf32>
        %swap3A_1524 = vector.shape_cast %add3A_1510 : vector<16xf32> to vector<1x1x16xf32>
        tpu.vector_store %arg7[%swap3A_1519, %swap3A_1520, %swap3A_1521], %swap3A_1524 {strides = array<i32>} : memref<2x32x32xf32, #tpu.memory_space<vmem>>, vector<1x1x16xf32>,
        %swap3A_1525 = arith.constant 1 : i32
        %swap3A_1526 = arith.index_cast %swap3A_1525 : i32 to index
        %swap3A_1527 = arith.index_cast %scan3A_715 : i32 to index
        %swap3A_1528 = arith.constant 16 : index
        %swap3A_1529 = tpu.vector_load %arg7[%swap3A_1526, %swap3A_1527, %swap3A_1528] {strides = array<i32>} : memref<2x32x32xf32, #tpu.memory_space<vmem>>, vector<1x1x16xf32>,
        %swap3A_1530 = vector.shape_cast %swap3A_1529 : vector<1x1x16xf32> to vector<16xf32>
        %swap3A_1531 = vector.shape_cast %add3A_1517 : vector<16xf32> to vector<1x1x16xf32>
        tpu.vector_store %arg7[%swap3A_1526, %swap3A_1527, %swap3A_1528], %swap3A_1531 {strides = array<i32>} : memref<2x32x32xf32, #tpu.memory_space<vmem>>, vector<1x1x16xf32>,
      }
      %scan3A_708 = arith.constant 32 : i32
      %mul3A_709 = arith.constant 512 : i32
      %mul3A_710 = arith.muli %add3A, %mul3A_709 : i32
      %mul3A_711 = arith.constant 32 : i32
      %mul3A_712 = arith.muli %add3A_333, %mul3A_711 : i32
      %add3A_713 = arith.addi %mul3A_710, %mul3A_712 : i32
      %run_scoped3A_714 = arith.constant 1 : i32
      "tpu.region"() ({
        %run_scoped3A_715 = tpu.sem_alloc : memref<!tpu.dma_semaphore, #tpu.memory_space<semaphore_mem>>
        %dma_start3A_716 = arith.constant 0 : i32
        %dma_start3A_717 = arith.constant 0 : i32
        %dma_start3A_718 = tpu.memref_slice %arg7[%run_scoped3A_714, %dma_start3A_716, %dma_start3A_717] : memref<2x32x32xf32, #tpu.memory_space<vmem>> -> memref<1x32x32xf32, #tpu.memory_space<vmem>>
        %dma_start3A_719 = tpu.memref_squeeze %dma_start3A_718 : memref<1x32x32xf32, #tpu.memory_space<vmem>> -> memref<32x32xf32, #tpu.memory_space<vmem>>
        %dma_start3A_720 = arith.constant 0 : i32
        %dma_start3A_721 = tpu.memref_slice %arg4[%add3A_713, %dma_start3A_720] : memref<16384x32xf32, #tpu.memory_space<hbm>> -> memref<32x32xf32, #tpu.memory_space<hbm>>
        %dma_start3A_722 = arith.constant 0 : i32
        %dma_start3A_723 = tpu.memref_slice %arg4[%add3A_713, %dma_start3A_722] : memref<16384x32xf32, #tpu.memory_space<hbm>> -> memref<32x32xf32, #tpu.memory_space<hbm>>
        %dma_start3A_724 = arith.constant 0 : i32
        %dma_start3A_725 = arith.constant 0 : i32
        %dma_start3A_726 = tpu.memref_slice %arg7[%run_scoped3A_714, %dma_start3A_724, %dma_start3A_725] : memref<2x32x32xf32, #tpu.memory_space<vmem>> -> memref<1x32x32xf32, #tpu.memory_space<vmem>>
        %dma_start3A_727 = tpu.memref_squeeze %dma_start3A_726 : memref<1x32x32xf32, #tpu.memory_space<vmem>> -> memref<32x32xf32, #tpu.memory_space<vmem>>
        tpu.enqueue_dma source(%dma_start3A_727 : memref<32x32xf32, #tpu.memory_space<vmem>>) target(%dma_start3A_723 : memref<32x32xf32, #tpu.memory_space<hbm>>) target_semaphore(%run_scoped3A_715 : memref<!tpu.dma_semaphore, #tpu.memory_space<semaphore_mem>>)
        %dma_wait3A_728 = arith.constant 0 : i32
        %dma_wait3A_729 = arith.constant 0 : i32
        %dma_wait3A_730 = tpu.memref_slice %arg7[%run_scoped3A_714, %dma_wait3A_728, %dma_wait3A_729] : memref<2x32x32xf32, #tpu.memory_space<vmem>> -> memref<1x32x32xf32, #tpu.memory_space<vmem>>
        %dma_wait3A_731 = tpu.memref_squeeze %dma_wait3A_730 : memref<1x32x32xf32, #tpu.memory_space<vmem>> -> memref<32x32xf32, #tpu.memory_space<vmem>>
        %dma_wait3A_732 = arith.constant 0 : i32
        %dma_wait3A_733 = tpu.memref_slice %arg4[%add3A_713, %dma_wait3A_732] : memref<16384x32xf32, #tpu.memory_space<hbm>> -> memref<32x32xf32, #tpu.memory_space<hbm>>
        %dma_wait3A_734 = arith.constant 0 : i32
        %dma_wait3A_735 = tpu.memref_slice %arg4[%add3A_713, %dma_wait3A_734] : memref<16384x32xf32, #tpu.memory_space<hbm>> -> memref<32x32xf32, #tpu.memory_space<hbm>>
        %dma_wait3A_736 = arith.constant 0 : i32
        %dma_wait3A_737 = arith.constant 0 : i32
        %dma_wait3A_738 = tpu.memref_slice %arg7[%run_scoped3A_714, %dma_wait3A_736, %dma_wait3A_737] : memref<2x32x32xf32, #tpu.memory_space<vmem>> -> memref<1x32x32xf32, #tpu.memory_space<vmem>>
        %dma_wait3A_739 = tpu.memref_squeeze %dma_wait3A_738 : memref<1x32x32xf32, #tpu.memory_space<vmem>> -> memref<32x32xf32, #tpu.memory_space<vmem>>
        tpu.wait_dma2 semaphore(%run_scoped3A_715 : memref<!tpu.dma_semaphore, #tpu.memory_space<semaphore_mem>>) src(%dma_wait3A_739 : memref<32x32xf32, #tpu.memory_space<vmem>>) dst(%dma_wait3A_735 : memref<32x32xf32, #tpu.memory_space<hbm>>)
        tpu.yield
      }) : () -> ()
    }
    %scan3A_328 = arith.constant 8 : i32
    return
  }
}

</mosaic_0001>

<sc_bundles>
// kernel: _run.3.cloned.1.call-start
scs
__scs_entry_jumppad:
0x0: {  	(pc) =	sbr.rel $0x88, $3  }
0x1: {  	(tag) =	ssettag $0x0;
	lr =	simm.s32 $0x1  }
0x2: {  	[smem:$0x3F9F] =	sst lr;
	_ =	strace $0xD0000000  }
0x3: {  	_ = 	snop  }
0x4: {  	_ = 	snop  }
0x5: {  	_ = 	snop  }
0x6: {  	_ = 	snop  }
0x7: {  	_ = 	snop  }
__scs_overlays_trampoline_lowered:
0x8: {  	[smem:$0x3FAE] =	sst s0  }
0x9: {  	[smem:$0x3FAF] =	sst s1  }
0xa: {  	[smem:$0x3FB0] =	sst s2  }
0xb: {  	[smem:$0x3FB1] =	sst s3  }
0xc: {  	[smem:$0x3FB2] =	sst s4  }
0xd: {  	[smem:$0x3FB3] =	sst s5  }
0xe: {  	[smem:$0x3FB4] =	sst s6  }
0xf: {  	[smem:$0x3FB5] =	sst s7  }
0x10: {  	[smem:$0x3FB6] =	sst s8  }
0x11: {  	[smem:$0x3FB7] =	sst s9;
	s0 =	simm.s32 @!p0 $0x0  }
0x12: {  	s1 =	sld [smem:$0x3F9D];
	s0 =	simm.s32 @p0 $0x1  }
0x13: {  	[smem:$0x3FB8] =	sst s0;
	s0 =	simm.s32 @!p1 $0x0  }
0x14: {  	s2 =	sld [smem:$0x3F9C];
	s0 =	simm.s32 @p1 $0x1  }
0x15: {  	[smem:$0x3FB9] =	sst s0;
	s0 =	simm.s32 @!p2 $0x0  }
0x16: {  	s3 =	sld [smem:$0x3FDB];
	s0 =	simm.s32 @p2 $0x1  }
0x17: {  	s4 =	simm.s32 $0x1BF5;
	[smem:$0x3FBB] =	sst s0  }
0x18: {  	s0 =	sld [smem:$0x3F9E];
	_ =	swait.ge [sflag:s4], $0x0  }
0x19: {  	s7 =	sld [smem:$0x3F9F]  }
0x1a: {  	s8 =	sadd.s32 $0xFFFFE003, lr  }
0x1b: {  	s9 =	sadd.s32 $0xFFFFFEF7, lr;
	s5 =	simm.s32 $0xFFFFFFFF;
	p2 =	slt.u32 s8, $0xFFFFF086  }
0x1c: {  	p1 =	slt.u32 s9, $0xF7A;
	s5 =	simm.s32 @!p2 $0x0  }
0x1d: {  	s5 =	simm.s32 @p1 $0x1;
	p0 =	seq.s32 s7, s2  }
0x1e: {  	s7 =	smul.u32 @!p0 $0xF7A, s2;
	p2 =	seq.s32 @!p0 s5, $0x0  }
0x1f: {  	s9 =	smul.u32 $0xF7A, s1;
	s8 =	simm.s32 @!p0 $0x1BF5;
	p2 =	por !p2, p0  }
0x20: {  	[sflag:s8] =	ssyncset.s32 @!p0 $0xFFFFF086;
	s6 =	sadd.s32 @!p0 s3, s7;
	s7 =	simm.s32 @!p0 $0x108  }
0x21: {  	s3 =	sadd.s32 s3, s9;
	s6 =	sadd.s32 @!p0 $0x88, s6;
	s7 =	simm.s32 @p2 $0x1082  }
0x22: {  	[simem:s7], [sflag:s8] =	dma.local @!p0 [hbm:s6], $0xF7A  }
0x23: {  	s9 =	sor.u32 $0xD0000000, s2;
	s6 =	simm.s32 $0x108;
	_ =	swait.ge @!p0 [sflag:s8], $0x0  }
0x24: {  	s3 =	sadd.s32 $0x88, s3;
	s6 =	simm.s32 @!p1 $0x1082;
	[sflag:s4] =	ssyncset.s32 $0xFFFFF086  }
0x25: {  	[simem:s6], [sflag:s4] =	dma.local [hbm:s3], $0xF7A  }
0x26: {  	[smem:$0x3F9F] =	sst s1;
	(tag) =	ssettag s2;
	_ =	strace s9  }
0x27: {  	s1 =	sld [smem:$0x3FAF]  }
0x28: {  	s2 =	sld [smem:$0x3FB0]  }
0x29: {  	s4 =	sld [smem:$0x3FB2]  }
0x2a: {  	p0 =	seq.s32 s5, $0x0;
	s5 =	sld [smem:$0x3FB3]  }
0x2b: {  	s6 =	sld [smem:$0x3FB4]  }
0x2c: {  	s7 =	sld [smem:$0x3FB5]  }
0x2d: {  	s3 =	simm.s32 $0x108;
	s8 =	sld [smem:$0x3FB6]  }
0x2e: {  	s3 =	simm.s32 @!p0 $0x1082;
	s9 =	sld [smem:$0x3FB7]  }
0x2f: {  	lr =	sadd.s32 s0, s3;
	s0 =	sld [smem:$0x3FAE]  }
0x30: {  	s3 =	sld [smem:$0x3FB1]  }
0x31: {  	[smem:$0x3FBA] =	sst s10  }
0x32: {  	s10 =	sld [smem:$0x3FB8];
	_ =	sdelay $0x3  }
0x33: {  	p0 =	seq.s32 s10, $0x1;
	s10 =	sld [smem:$0x3FBA];
	_ =	sdelay $0x3  }
0x34: {  	[smem:$0x3FBA] =	sst s10  }
0x35: {  	s10 =	sld [smem:$0x3FB9];
	_ =	sdelay $0x3  }
0x36: {  	p1 =	seq.s32 s10, $0x1;
	s10 =	sld [smem:$0x3FBA];
	_ =	sdelay $0x3  }
0x37: {  	[smem:$0x3FBA] =	sst s10  }
0x38: {  	s10 =	sld [smem:$0x3FBB]  }
0x39: {  	_ = 	snop;
	(pc) =	sbr.ind lr, $3  }
0x3a: {  	_ = 	snop  }
0x3b: {  	_ = 	snop  }
0x3c: {  	p2 =	seq.s32 s10, $0x1;
	s10 =	sld [smem:$0x3FBA]  }
0x3d: {  	_ =	shalt  }
0x3e: {  	_ =	shalt  }
0x3f: {  	_ =	shalt  }
0x40: {  	_ =	shalt  }
0x41: {  	_ =	shalt  }
0x42: {  	_ =	shalt  }
0x43: {  	_ =	shalt  }
0x44: {  	_ =	shalt  }
0x45: {  	_ =	shalt  }
0x46: {  	_ =	shalt  }
0x47: {  	_ =	shalt  }
0x48: {  	_ =	shalt  }
0x49: {  	_ =	shalt  }
0x4a: {  	_ =	shalt  }
0x4b: {  	_ =	shalt  }
0x4c: {  	_ =	shalt  }
0x4d: {  	_ =	shalt  }
0x4e: {  	_ =	shalt  }
0x4f: {  	_ =	shalt  }
0x50: {  	_ =	shalt  }
0x51: {  	_ =	shalt  }
0x52: {  	_ =	shalt  }
0x53: {  	_ =	shalt  }
0x54: {  	_ =	shalt  }
0x55: {  	_ =	shalt  }
0x56: {  	_ =	shalt  }
0x57: {  	_ =	shalt  }
0x58: {  	_ =	shalt  }
0x59: {  	_ =	shalt  }
0x5a: {  	_ =	shalt  }
0x5b: {  	_ =	shalt  }
0x5c: {  	_ =	shalt  }
0x5d: {  	_ =	shalt  }
0x5e: {  	_ =	shalt  }
0x5f: {  	_ =	shalt  }
0x60: {  	_ =	shalt  }
0x61: {  	_ =	shalt  }
0x62: {  	_ =	shalt  }
0x63: {  	_ =	shalt  }
0x64: {  	_ =	shalt  }
0x65: {  	_ =	shalt  }
0x66: {  	_ =	shalt  }
0x67: {  	_ =	shalt  }
0x68: {  	_ =	shalt  }
0x69: {  	_ =	shalt  }
0x6a: {  	_ =	shalt  }
0x6b: {  	_ =	shalt  }
0x6c: {  	_ =	shalt  }
0x6d: {  	_ =	shalt  }
0x6e: {  	_ =	shalt  }
0x6f: {  	_ =	shalt  }
0x70: {  	_ =	shalt  }
0x71: {  	_ =	shalt  }
0x72: {  	_ =	shalt  }
0x73: {  	_ =	shalt  }
0x74: {  	_ =	shalt  }
0x75: {  	_ =	shalt  }
0x76: {  	_ =	shalt  }
0x77: {  	_ =	shalt  }
0x78: {  	_ =	shalt  }
0x79: {  	_ =	shalt  }
0x7a: {  	_ =	shalt  }
0x7b: {  	_ =	shalt  }
0x7c: {  	_ =	shalt  }
0x7d: {  	_ =	shalt  }
0x7e: {  	_ =	shalt  }
0x7f: {  	_ =	shalt  }
0x80: {  	_ =	shalt  }
0x81: {  	_ =	shalt  }
0x82: {  	_ =	shalt  }
0x83: {  	_ =	shalt  }
0x84: {  	_ =	shalt  }
0x85: {  	_ =	shalt  }
0x86: {  	_ =	shalt  }
0x87: {  	_ =	shalt  }
.Lfunc_end0:
.L_simem_size_0:
called_computation_lowered:
.L_overlay_start_0:
0x88: {  	s2 =	sld [smem:$0x3FD9]  }
0x89: {  	s3 =	sld [smem:$0x3FFE];
	_ =	sdelay $0x1  }
0x8a: {  	s1 =	srdreg.scid  }
0x8b: {  	s0 =	sand.u32 $0x1, s1  }
0x8c: {  	s17 =	sshll.u32 s0, $0xA;
	s2 =	sadd.s32 s3, s2  }
0x8d: {  	s2 =	sadd.s32 s2, s17  }
0x8e: {  	[smem:$0x3FC6] =	sst s2  }
0x8f: {  	_ = 	snop  }
0x90: {  	s2 =	sld [smem:$0x3FD0];
	(tm) =	ssettm $0x1  }
0x91: {  	s18 =	sld [smem:$0x3FFB];
	_ =	sdelay $0x3  }
0x92: {  	_ =	strace s18  }
0x93: {  	s3 =	sld [smem:$0x3FFC];
	_ =	sdelay $0x3  }
0x94: {  	_ =	strace s3  }
0x95: {  	s3 =	sld [smem:$0x3FFD];
	_ =	sdelay $0x3  }
0x96: {  	_ =	strace s3  }
0x97: {  	_ =	strace $0x8FFFFFFF  }
0x98: {  	s19 =	sld [smem:$0x3FDB];
	_ =	sdelay $0x1  }
0x99: {  	s4 =	simm.s32 $_scs_section_size  }
0x9a: {  	s5 =	simm.s32 $_size__tile_overlayer_lowered;
	s6 =	simm.s32 $_tile_overlayer_lowered  }
0x9b: {  	s22 =	simm.s32 $0x1BFF;
	s21 =	sshll.u32 s6, $0x1;
	s3 =	sadd.s32 s4, s19  }
0x9c: {  	s7 =	simm.s32 $0x0;
	s20 =	sshll.u32 s5, $0x1;
	s5 =	sadd.s32 s21, s3  }
0x9d: {  	[timem:s7], [sflag:s22] =	dma.local [hbm:s5], s20  }
0x9e: {  	_ =	swait.ge [sflag:s22], s20  }
0x9f: {  	s4 =	ssub.s32 $0x0, s20;
	[sflag:s22] =	ssyncset.done $0x0  }
0xa0: {  	[sflag:s22] =	ssyncadd.s32 s4;
	_ =	sdelay $0x1  }
0xa1: {  	s23 =	simm.s32 $0x1B8B  }
0xa2: {  	_ =	swait.ge [sflag:s23], $0x1  }
0xa3: {  	[sflag:s23] =	ssyncset.done $0x0  }
0xa4: {  	s25 =	simm.s32 $0x1B8E;
	s24 =	sld [smem:$0x3FFE];
	[sflag:s23] =	ssyncadd.s32 $0xFFFFFFFF  }
0xa5: {  	s26 =	simm.s32 $execute0_lowered;
	[smem:$0x3FD2] =	sst s25  }
0xa6: {  	s5 =	sshll.u32 s26, $0x1;
	_ =	strace $0x80000046;
	[dreg:$0x1] =	wrdreg $0xFFFFFFFF  }
0xa7: {  	s28 =	simm.s32 $_size_execute0_lowered;
	s3 =	sadd.s32 s3, s5;
	[dreg:$0x0] =	wrdreg $0x0  }
0xa8: {  	s5 =	sshll.u32 s28, $0x1;
	[dreg:$0x2] =	wrdreg s3  }
0xa9: {  	[dreg:$0x3] =	wrdreg s5  }
0xaa: {  	[dreg:$0x4] =	wrdreg $0xC0  }
0xab: {  	_ =	task [dreg:s7], $0x5FFFF  }
0xac: {  	[dreg:$0x1] =	wrdreg $0xFFFFFFFF  }
0xad: {  	[dreg:$0x0] =	wrdreg $0x60  }
0xae: {  	[dreg:$0x2] =	wrdreg s24  }
0xaf: {  	[dreg:$0x3] =	wrdreg s2  }
0xb0: {  	[dreg:$0x4] =	wrdreg $0x9  }
0xb1: {  	_ =	task.clear_ibuf [dreg:s7], $0x5FFFF;
	_ =	strace $0x90000046  }
0xb2: {  	s29 =	simm.s32 $0x9;
	_ =	strace $0x80000048  }
0xb3: {  	_ =	swait.ge [sflag:s29], $0x1  }
0xb4: {  	[sflag:s29] =	ssyncadd.s32 $0xFFFFFFFF  }
0xb5: {  	_ =	strace $0x90000048  }
0xb6: {  	_ =	sfence  }
0xb7: {  	s30 =	sld [smem:$0x0];
	_ =	sdelay $0x2  }
0xb8: {  	s31 =	sshll.u32 s1, $0xD;
	s1 =	sshrl.u32 s1, $0x2  }
0xb9: {  	s3 =	sand.u32 $0x4000, s31;
	s1 =	sadd.s32 s1, s30  }
0xba: {  	s0 =	sor.u32 s3, s0;
	s1 =	sshll.u32 s1, $0x11  }
0xbb: {  	s0 =	sor.u32 s1, s0  }
0xbc: {  	s0 =	sadd.s32 $0x8F2B, s0  }
0xbd: {  	[sflag:s0] =	ssyncadd.remote.s32 $0x1  }
0xbe: {  	_ =	sfence.sel $0xFFFF  }
0xbf: {  	[dreg:$0x0] =	wrdreg $0xFFFFFFFF;
	(pc) =	sbr.abs _section_cstart, $3  }
0xc0: {  	[dreg:$0x1] =	wrdreg $0xFFFFFFFF  }
0xc1: {  	_ =	task.clear_ibuf [dreg:s7], $0x2FFFF;
	_ =	strace $0x9FFFFFFF  }
0xc2: {  	(tm) =	ssettm $0x7FFFFFFF  }
0xc3: {  	_ =	shalt  }
tec
execute0_lowered:
.L_overlay_start_1:
0x0: {  	(tag) =	ssettag $0x1  }
0x1: {  	s0 =	rddreg [dreg:$0x0]  }
0x2: {  	s1 =	rddreg [dreg:$0x1]  }
0x3: {  	s2 =	simm.s32 $0x0;
	s3 =	srdreg.scid;
	s4 =	stileid.u32  }
0x4: {  	s10 =	simm.s32 $0x3;
	s11 =	simm.s32 $0x64;
	s22 =	simm.s32 $0x680  }
0x5: {  	s21 =	simm.s32 $0xA90;
	s9 =	simm.s32 $0xAF8;
	s23 =	simm.s32 $0x15E80  }
0x6: {  	s28 =	simm.s32 $0x17780;
	s29 =	simm.s32 $0xC30;
	s30 =	simm.s32 $0x18400  }
0x7: {  	s31 =	simm.s32 $0xC98;
	s12 =	simm.s32 $0x19D00;
	s13 =	simm.s32 $0x2  }
0x8: {  	s14 =	simm.s32 $0x1A100;
	s16 =	simm.s32 $0x0;
	[smem:$0x7FF] =	sst s2  }
0x9: {  	s3 =	sand.u32 $0x1, s3;
	s4 =	sshll.u32 s4, $0x1;
	_ =	strace $0x80000047  }
0xa: {  	s5 =	ssub.s32 $0x2, s3;
	s6 =	sor.u32 s3, s4;
	s3 =	sadd.s32 $0x600, s0  }
0xb: {  	s4 =	sadd.s32 $0xF42A00, s0;
	s7 =	sshrl.u32 s5, $0x1;
	s8 =	smul.u32 $0xD00, s6  }
0xc: {  	s25 =	sshll.u32 s6, $0xB;
	s24 =	ssub.s32 s5, s7;
	s5 =	sshll.u32 s6, $0x4  }
0xd: {  	s7 =	sadd.s32 s1, s25;
	s6 =	simm.s32 $0x15200;
	s25 =	simm.s32 $0x16B00  }
0xe: {  	s1 =	simm.s32 $0x1;
	s26 =	sadd.s32 s3, s8;
	s8 =	sor.u32 $0x2, s5  }
0xf: {  	s0 =	smax.u32 s24, $0x1;
	s24 =	simm.s32 $0xB60;
	[dreg:$0x3] =	wrdreg s26  }
0x10: {  	[dreg:$0x4] =	wrdreg s0;
	s26 =	simm.s32 $0xBC8;
	s0 =	simm.s32 $0x19080  }
.LBB2_1:
0x11: {  	[dreg:$0x5] =	wrdreg s16  }
0x12: {  	s15 =	rddreg [dreg:$0x3]  }
0x13: {  	[tilespmem:s2], [sflag:$0x3] =	stream.linear.gather [hbm4b:s15+s2], $0x680, $0x38;
	[tilespmem:$0x1A500] =	vst v63  }
0x14: {  	_ =	swait.ge [sflag:s10], $0x680  }
0x15: {  	[sflag:s10] =	ssyncset.done $0x0  }
0x16: {  	s18 =	simm.s32 $0xD00;
	[sflag:s10] =	ssyncadd.s32 $0xFFFFF980  }
0x17: {  	[tilespmem:s18], [sflag:$0x1] =	stream.indirect.gather [hbm4b:s4+s11], $0x20, s2, s11, $0xb8;
	[tilespmem:$0x1A500] =	vst v63  }
0x18: {  	s19 =	simm.s32 $0x68;
	s20 =	simm.s32 $0x1980  }
0x19: {  	[tilespmem:s20], [sflag:$0x1] =	stream.indirect.gather [hbm4b:s4+s11], $0x20, s19, s11, $0xb8;
	[tilespmem:$0x1A500] =	vst v63  }
0x1a: {  	s17 =	simm.s32 $0xD0;
	s18 =	simm.s32 $0x2600  }
0x1b: {  	[tilespmem:s18], [sflag:$0x1] =	stream.indirect.gather [hbm4b:s4+s11], $0x20, s17, s11, $0xb8;
	[tilespmem:$0x1A500] =	vst v63  }
0x1c: {  	s19 =	simm.s32 $0x138;
	s20 =	simm.s32 $0x3280  }
0x1d: {  	[tilespmem:s20], [sflag:$0x1] =	stream.indirect.gather [hbm4b:s4+s11], $0x20, s19, s11, $0xb8;
	[tilespmem:$0x1A500] =	vst v63  }
0x1e: {  	s17 =	simm.s32 $0x1A0;
	s18 =	simm.s32 $0x3F00  }
0x1f: {  	[tilespmem:s18], [sflag:$0x1] =	stream.indirect.gather [hbm4b:s4+s11], $0x20, s17, s11, $0xb8;
	[tilespmem:$0x1A500] =	vst v63  }
0x20: {  	s19 =	simm.s32 $0x208;
	s20 =	simm.s32 $0x4B80  }
0x21: {  	[tilespmem:s20], [sflag:$0x1] =	stream.indirect.gather [hbm4b:s4+s11], $0x20, s19, s11, $0xb8;
	[tilespmem:$0x1A500] =	vst v63  }
0x22: {  	s17 =	simm.s32 $0x270;
	s18 =	simm.s32 $0x5800  }
0x23: {  	[tilespmem:s18], [sflag:$0x1] =	stream.indirect.gather [hbm4b:s4+s11], $0x20, s17, s11, $0xb8;
	[tilespmem:$0x1A500] =	vst v63  }
0x24: {  	s19 =	simm.s32 $0x2D8;
	s20 =	simm.s32 $0x6480  }
0x25: {  	[tilespmem:s20], [sflag:$0x1] =	stream.indirect.gather [hbm4b:s4+s11], $0x20, s19, s11, $0xb8;
	[tilespmem:$0x1A500] =	vst v63  }
0x26: {  	s17 =	simm.s32 $0x340;
	s18 =	simm.s32 $0x7100  }
0x27: {  	[tilespmem:s18], [sflag:$0x1] =	stream.indirect.gather [hbm4b:s4+s11], $0x20, s17, s11, $0xb8;
	[tilespmem:$0x1A500] =	vst v63  }
0x28: {  	s19 =	simm.s32 $0x3A8;
	s20 =	simm.s32 $0x7D80  }
0x29: {  	[tilespmem:s20], [sflag:$0x1] =	stream.indirect.gather [hbm4b:s4+s11], $0x20, s19, s11, $0xb8;
	[tilespmem:$0x1A500] =	vst v63  }
0x2a: {  	s17 =	simm.s32 $0x410;
	s18 =	simm.s32 $0x8A00  }
0x2b: {  	[tilespmem:s18], [sflag:$0x1] =	stream.indirect.gather [hbm4b:s4+s11], $0x20, s17, s11, $0xb8;
	[tilespmem:$0x1A500] =	vst v63  }
0x2c: {  	s19 =	simm.s32 $0x478;
	s20 =	simm.s32 $0x9680  }
0x2d: {  	[tilespmem:s20], [sflag:$0x1] =	stream.indirect.gather [hbm4b:s4+s11], $0x20, s19, s11, $0xb8;
	[tilespmem:$0x1A500] =	vst v63  }
0x2e: {  	s17 =	simm.s32 $0x4E0;
	s18 =	simm.s32 $0xA300  }
0x2f: {  	[tilespmem:s18], [sflag:$0x1] =	stream.indirect.gather [hbm4b:s4+s11], $0x20, s17, s11, $0xb8;
	[tilespmem:$0x1A500] =	vst v63  }
0x30: {  	s19 =	simm.s32 $0x548;
	s20 =	simm.s32 $0xAF80  }
0x31: {  	[tilespmem:s20], [sflag:$0x1] =	stream.indirect.gather [hbm4b:s4+s11], $0x20, s19, s11, $0xb8;
	[tilespmem:$0x1A500] =	vst v63  }
0x32: {  	s17 =	simm.s32 $0x5B0;
	s18 =	simm.s32 $0xBC00  }
0x33: {  	[tilespmem:s18], [sflag:$0x1] =	stream.indirect.gather [hbm4b:s4+s11], $0x20, s17, s11, $0xb8;
	[tilespmem:$0x1A500] =	vst v63  }
0x34: {  	s15 =	simm.s32 $0x0;
	s19 =	simm.s32 $0x618;
	s20 =	simm.s32 $0xC880  }
0x35: {  	[tilespmem:s20], [sflag:$0x1] =	stream.indirect.gather [hbm4b:s4+s11], $0x20, s19, s11, $0xb8;
	[tilespmem:$0x1A500] =	vst v63  }
.LBB2_2:
0x36: {  	s16 =	sshllo.u32 s15, $0x1  }
0x37: {  	s17 =	sadd.s32 s5, s16  }
0x38: {  	s17 =	smul.u32 $0xD0, s17;
	_ =	sdelay $0x1  }
0x39: {  	s18 =	simm.s32 $0x0;
	s17 =	sadd.s32 s3, s17  }
0x3a: {  	[tilespmem:s22], [sflag:$0x3] =	stream.linear.gather [hbm4b:s17+s18], $0x680, $0x38;
	[tilespmem:$0x1A500] =	vst v63  }
0x3b: {  	_ =	swait.ge [sflag:s10], $0x680  }
0x3c: {  	[sflag:s10] =	ssyncset.done $0x0  }
0x3d: {  	s18 =	simm.s32 $0xD500;
	[sflag:s10] =	ssyncadd.s32 $0xFFFFF980  }
0x3e: {  	[tilespmem:s18], [sflag:$0x2] =	stream.indirect.gather [hbm4b:s4+s11], $0x20, s22, s11, $0xb8;
	[tilespmem:$0x1A500] =	vst v63  }
0x3f: {  	s19 =	simm.s32 $0x6E8;
	s20 =	simm.s32 $0xE180  }
0x40: {  	[tilespmem:s20], [sflag:$0x2] =	stream.indirect.gather [hbm4b:s4+s11], $0x20, s19, s11, $0xb8;
	[tilespmem:$0x1A500] =	vst v63  }
0x41: {  	s19 =	simm.s32 $0x750;
	s20 =	simm.s32 $0xEE00  }
0x42: {  	[tilespmem:s20], [sflag:$0x2] =	stream.indirect.gather [hbm4b:s4+s11], $0x20, s19, s11, $0xb8;
	[tilespmem:$0x1A500] =	vst v63  }
0x43: {  	s19 =	simm.s32 $0x7B8;
	s20 =	simm.s32 $0xFA80  }
0x44: {  	[tilespmem:s20], [sflag:$0x2] =	stream.indirect.gather [hbm4b:s4+s11], $0x20, s19, s11, $0xb8;
	[tilespmem:$0x1A500] =	vst v63  }
0x45: {  	s19 =	simm.s32 $0x820;
	s20 =	simm.s32 $0x10700  }
0x46: {  	[tilespmem:s20], [sflag:$0x2] =	stream.indirect.gather [hbm4b:s4+s11], $0x20, s19, s11, $0xb8;
	[tilespmem:$0x1A500] =	vst v63  }
0x47: {  	s19 =	simm.s32 $0x888;
	s20 =	simm.s32 $0x11380  }
0x48: {  	[tilespmem:s20], [sflag:$0x2] =	stream.indirect.gather [hbm4b:s4+s11], $0x20, s19, s11, $0xb8;
	[tilespmem:$0x1A500] =	vst v63  }
0x49: {  	s19 =	simm.s32 $0x8F0;
	s20 =	simm.s32 $0x12000  }
0x4a: {  	[tilespmem:s20], [sflag:$0x2] =	stream.indirect.gather [hbm4b:s4+s11], $0x20, s19, s11, $0xb8;
	[tilespmem:$0x1A500] =	vst v63  }
0x4b: {  	s19 =	simm.s32 $0x958;
	s20 =	simm.s32 $0x12C80  }
0x4c: {  	[tilespmem:s20], [sflag:$0x2] =	stream.indirect.gather [hbm4b:s4+s11], $0x20, s19, s11, $0xb8;
	[tilespmem:$0x1A500] =	vst v63  }
0x4d: {  	s19 =	simm.s32 $0x9C0;
	s20 =	simm.s32 $0x13900  }
0x4e: {  	[tilespmem:s20], [sflag:$0x2] =	stream.indirect.gather [hbm4b:s4+s11], $0x20, s19, s11, $0xb8;
	[tilespmem:$0x1A500] =	vst v63  }
0x4f: {  	s19 =	simm.s32 $0xA28;
	s20 =	simm.s32 $0x14580  }
0x50: {  	[tilespmem:s20], [sflag:$0x2] =	stream.indirect.gather [hbm4b:s4+s11], $0x20, s19, s11, $0xb8;
	[tilespmem:$0x1A500] =	vst v63  }
0x51: {  	_ = 	snop  }
0x52: {  	[tilespmem:s6], [sflag:$0x2] =	stream.indirect.gather [hbm4b:s4+s11], $0x20, s21, s11, $0xb8;
	[tilespmem:$0x1A500] =	vst v63  }
0x53: {  	_ = 	snop  }
0x54: {  	[tilespmem:s23], [sflag:$0x2] =	stream.indirect.gather [hbm4b:s4+s11], $0x20, s9, s11, $0xb8;
	[tilespmem:$0x1A500] =	vst v63  }
0x55: {  	_ = 	snop  }
0x56: {  	[tilespmem:s25], [sflag:$0x2] =	stream.indirect.gather [hbm4b:s4+s11], $0x20, s24, s11, $0xb8;
	[tilespmem:$0x1A500] =	vst v63  }
0x57: {  	_ = 	snop  }
0x58: {  	[tilespmem:s28], [sflag:$0x2] =	stream.indirect.gather [hbm4b:s4+s11], $0x20, s26, s11, $0xb8;
	[tilespmem:$0x1A500] =	vst v63  }
0x59: {  	_ = 	snop  }
0x5a: {  	[tilespmem:s30], [sflag:$0x2] =	stream.indirect.gather [hbm4b:s4+s11], $0x20, s29, s11, $0xb8;
	[tilespmem:$0x1A500] =	vst v63  }
0x5b: {  	_ = 	snop  }
0x5c: {  	[tilespmem:s0], [sflag:$0x2] =	stream.indirect.gather [hbm4b:s4+s11], $0x20, s31, s11, $0xb8;
	[tilespmem:$0x1A500] =	vst v63  }
0x5d: {  	_ =	swait.ge [sflag:s1], $0xC800  }
0x5e: {  	[sflag:s1] =	ssyncset.done $0x0  }
0x5f: {  	s17 =	simm.s32 $0x1020;
	[sflag:s1] =	ssyncadd.s32 $0xFFFF3800  }
0x60: {  	v0 =	vld [tilespmem:s17+$0xFFFFFCE0]  }
0x61: {  	v1 =	vld [tilespmem:s17+$0xFFFFFCF0]  }
0x62: {  	v2 =	vld [tilespmem:s17+$0xFFFFFD00]  }
0x63: {  	v3 =	vld [tilespmem:s17+$0xFFFFFD10]  }
0x64: {  	v4 =	vld [tilespmem:s17+$0xFFFFFD20]  }
0x65: {  	v5 =	vld [tilespmem:s17+$0xFFFFFD30];
	v0 =	vadd.f32 $0.0e+00, v0  }
0x66: {  	v6 =	vld [tilespmem:s17+$0xFFFFFD40]  }
0x67: {  	v7 =	vld [tilespmem:s17+$0xFFFFFD60];
	v1 =	vadd.f32 $0.0e+00, v1;
	v0 =	vadd.f32 v2, v0  }
0x68: {  	v2 =	vld [tilespmem:s17+$0xFFFFFD50]  }
0x69: {  	v59 =	vld [tilespmem:s17+$0xFFFFFD80];
	v1 =	vadd.f32 v3, v1;
	v0 =	vadd.f32 v4, v0  }
0x6a: {  	v3 =	vld [tilespmem:s17+$0xFFFFFD70]  }
0x6b: {  	v60 =	vld [tilespmem:s17+$0xFFFFFD90];
	v1 =	vadd.f32 v5, v1;
	v0 =	vadd.f32 v6, v0  }
0x6c: {  	v61 =	vld [tilespmem:s17+$0xFFFFFDA0]  }
0x6d: {  	v62 =	vld [tilespmem:s17+$0xFFFFFDC0];
	v1 =	vadd.f32 v2, v1;
	v0 =	vadd.f32 v7, v0  }
0x6e: {  	v2 =	vld [tilespmem:s17+$0xFFFFFDB0]  }
0x6f: {  	v63 =	vld [tilespmem:s17+$0xFFFFFDE0];
	v1 =	vadd.f32 v3, v1;
	v0 =	vadd.f32 v59, v0  }
0x70: {  	v3 =	vld [tilespmem:s17+$0xFFFFFDD0]  }
0x71: {  	v9 =	vld [tilespmem:s17+$0xFFFFFDF0];
	v1 =	vadd.f32 v60, v1;
	v0 =	vadd.f32 v61, v0  }
0x72: {  	v10 =	vld [tilespmem:s17+$0xFFFFFE00]  }
0x73: {  	v11 =	vld [tilespmem:s17+$0xFFFFFE20];
	v1 =	vadd.f32 v2, v1;
	v0 =	vadd.f32 v62, v0  }
0x74: {  	v2 =	vld [tilespmem:s17+$0xFFFFFE10]  }
0x75: {  	v12 =	vld [tilespmem:s17+$0xFFFFFE40];
	v1 =	vadd.f32 v3, v1;
	v0 =	vadd.f32 v63, v0  }
0x76: {  	v3 =	vld [tilespmem:s17+$0xFFFFFE30]  }
0x77: {  	v13 =	vld [tilespmem:s17+$0xFFFFFE50];
	v1 =	vadd.f32 v9, v1;
	v0 =	vadd.f32 v10, v0  }
0x78: {  	v14 =	vld [tilespmem:s17+$0xFFFFFE60]  }
0x79: {  	v15 =	vld [tilespmem:s17+$0xFFFFFE80];
	v1 =	vadd.f32 v2, v1;
	v0 =	vadd.f32 v11, v0  }
0x7a: {  	v2 =	vld [tilespmem:s17+$0xFFFFFE70]  }
0x7b: {  	v16 =	vld [tilespmem:s17+$0xFFFFFEA0];
	v1 =	vadd.f32 v3, v1;
	v0 =	vadd.f32 v12, v0  }
0x7c: {  	v3 =	vld [tilespmem:s17+$0xFFFFFE90]  }
0x7d: {  	v17 =	vld [tilespmem:s17+$0xFFFFFEB0];
	v1 =	vadd.f32 v13, v1;
	v0 =	vadd.f32 v14, v0  }
0x7e: {  	v18 =	vld [tilespmem:s17+$0xFFFFFEC0]  }
0x7f: {  	v19 =	vld [tilespmem:s17+$0xFFFFFEE0];
	v1 =	vadd.f32 v2, v1;
	v0 =	vadd.f32 v15, v0  }
0x80: {  	v2 =	vld [tilespmem:s17+$0xFFFFFED0]  }
0x81: {  	v20 =	vld [tilespmem:s17+$0xFFFFFF00];
	v1 =	vadd.f32 v3, v1;
	v0 =	vadd.f32 v16, v0  }
0x82: {  	v3 =	vld [tilespmem:s17+$0xFFFFFEF0]  }
0x83: {  	v21 =	vld [tilespmem:s17+$0xFFFFFF10];
	v1 =	vadd.f32 v17, v1;
	v0 =	vadd.f32 v18, v0  }
0x84: {  	v22 =	vld [tilespmem:s17+$0xFFFFFF20]  }
0x85: {  	v23 =	vld [tilespmem:s17+$0xFFFFFF40];
	v1 =	vadd.f32 v2, v1;
	v0 =	vadd.f32 v19, v0  }
0x86: {  	v2 =	vld [tilespmem:s17+$0xFFFFFF30]  }
0x87: {  	v24 =	vld [tilespmem:s17+$0xFFFFFF60];
	v1 =	vadd.f32 v3, v1;
	v0 =	vadd.f32 v20, v0  }
0x88: {  	v3 =	vld [tilespmem:s17+$0xFFFFFF50]  }
0x89: {  	v25 =	vld [tilespmem:s17+$0xFFFFFF70];
	v1 =	vadd.f32 v21, v1;
	v0 =	vadd.f32 v22, v0  }
0x8a: {  	v26 =	vld [tilespmem:s17+$0xFFFFFF80]  }
0x8b: {  	v27 =	vld [tilespmem:s17+$0xFFFFFFA0];
	v1 =	vadd.f32 v2, v1;
	v0 =	vadd.f32 v23, v0  }
0x8c: {  	v2 =	vld [tilespmem:s17+$0xFFFFFF90]  }
0x8d: {  	v28 =	vld [tilespmem:s17+$0xFFFFFFC0];
	v1 =	vadd.f32 v3, v1;
	v0 =	vadd.f32 v24, v0  }
0x8e: {  	v3 =	vld [tilespmem:s17+$0xFFFFFFB0]  }
0x8f: {  	v29 =	vld [tilespmem:s17+$0xFFFFFFD0];
	v1 =	vadd.f32 v25, v1;
	v0 =	vadd.f32 v26, v0  }
0x90: {  	v30 =	vld [tilespmem:s17+$0xFFFFFFE0]  }
0x91: {  	v31 =	vld [tilespmem:s17+$0x0];
	v1 =	vadd.f32 v2, v1;
	v0 =	vadd.f32 v27, v0  }
0x92: {  	v2 =	vld [tilespmem:s17+$0xFFFFFFF0]  }
0x93: {  	v32 =	vld [tilespmem:s17+$0x20];
	v1 =	vadd.f32 v3, v1;
	v0 =	vadd.f32 v28, v0  }
0x94: {  	v3 =	vld [tilespmem:s17+$0x10]  }
0x95: {  	v33 =	vld [tilespmem:s17+$0x30];
	v1 =	vadd.f32 v29, v1;
	v0 =	vadd.f32 v30, v0  }
0x96: {  	v34 =	vld [tilespmem:s17+$0x40]  }
0x97: {  	v35 =	vld [tilespmem:s17+$0x60];
	v1 =	vadd.f32 v2, v1;
	v0 =	vadd.f32 v31, v0  }
0x98: {  	v2 =	vld [tilespmem:s17+$0x50]  }
0x99: {  	v36 =	vld [tilespmem:s17+$0x80];
	v1 =	vadd.f32 v3, v1;
	v0 =	vadd.f32 v32, v0  }
0x9a: {  	v3 =	vld [tilespmem:s17+$0x70]  }
0x9b: {  	v37 =	vld [tilespmem:s17+$0x90];
	v1 =	vadd.f32 v33, v1;
	v0 =	vadd.f32 v34, v0  }
0x9c: {  	v38 =	vld [tilespmem:s17+$0xA0]  }
0x9d: {  	v39 =	vld [tilespmem:s17+$0xC0];
	v1 =	vadd.f32 v2, v1;
	v0 =	vadd.f32 v35, v0  }
0x9e: {  	v2 =	vld [tilespmem:s17+$0xB0]  }
0x9f: {  	v40 =	vld [tilespmem:s17+$0xE0];
	v1 =	vadd.f32 v3, v1;
	v0 =	vadd.f32 v36, v0  }
0xa0: {  	v3 =	vld [tilespmem:s17+$0xD0]  }
0xa1: {  	v41 =	vld [tilespmem:s17+$0xF0];
	v1 =	vadd.f32 v37, v1;
	v0 =	vadd.f32 v38, v0  }
0xa2: {  	v42 =	vld [tilespmem:s17+$0x100]  }
0xa3: {  	v43 =	vld [tilespmem:s17+$0x120];
	v1 =	vadd.f32 v2, v1;
	v0 =	vadd.f32 v39, v0  }
0xa4: {  	v2 =	vld [tilespmem:s17+$0x110]  }
0xa5: {  	v44 =	vld [tilespmem:s17+$0x140];
	v1 =	vadd.f32 v3, v1;
	v0 =	vadd.f32 v40, v0  }
0xa6: {  	v3 =	vld [tilespmem:s17+$0x130]  }
0xa7: {  	v45 =	vld [tilespmem:s17+$0x150];
	v1 =	vadd.f32 v41, v1;
	v0 =	vadd.f32 v42, v0  }
0xa8: {  	v46 =	vld [tilespmem:s17+$0x160]  }
0xa9: {  	v47 =	vld [tilespmem:s17+$0x180];
	v1 =	vadd.f32 v2, v1;
	v0 =	vadd.f32 v43, v0  }
0xaa: {  	v2 =	vld [tilespmem:s17+$0x170]  }
0xab: {  	v48 =	vld [tilespmem:s17+$0x1A0];
	v1 =	vadd.f32 v3, v1;
	v0 =	vadd.f32 v44, v0  }
0xac: {  	v3 =	vld [tilespmem:s17+$0x190]  }
0xad: {  	v49 =	vld [tilespmem:s17+$0x1B0];
	v1 =	vadd.f32 v45, v1;
	v0 =	vadd.f32 v46, v0  }
0xae: {  	v50 =	vld [tilespmem:s17+$0x1C0]  }
0xaf: {  	v51 =	vld [tilespmem:s17+$0x1E0];
	v1 =	vadd.f32 v2, v1;
	v0 =	vadd.f32 v47, v0  }
0xb0: {  	v2 =	vld [tilespmem:s17+$0x1D0]  }
0xb1: {  	v52 =	vld [tilespmem:s17+$0x200];
	v1 =	vadd.f32 v3, v1;
	v0 =	vadd.f32 v48, v0  }
0xb2: {  	v3 =	vld [tilespmem:s17+$0x1F0]  }
0xb3: {  	v53 =	vld [tilespmem:s17+$0x210];
	v1 =	vadd.f32 v49, v1;
	v0 =	vadd.f32 v50, v0  }
0xb4: {  	v54 =	vld [tilespmem:s17+$0x220]  }
0xb5: {  	v55 =	vld [tilespmem:s17+$0x240];
	v1 =	vadd.f32 v2, v1;
	v0 =	vadd.f32 v51, v0  }
0xb6: {  	v2 =	vld [tilespmem:s17+$0x230]  }
0xb7: {  	v56 =	vld [tilespmem:s17+$0x260];
	v1 =	vadd.f32 v3, v1;
	v0 =	vadd.f32 v52, v0  }
0xb8: {  	v3 =	vld [tilespmem:s17+$0x250]  }
0xb9: {  	v57 =	vld [tilespmem:s17+$0x270];
	v1 =	vadd.f32 v53, v1;
	v0 =	vadd.f32 v54, v0  }
0xba: {  	v58 =	vld [tilespmem:s17+$0x280]  }
0xbb: {  	v59 =	vld [tilespmem:s17+$0x2A0];
	v1 =	vadd.f32 v2, v1;
	v0 =	vadd.f32 v55, v0  }
0xbc: {  	v2 =	vld [tilespmem:s17+$0x290]  }
0xbd: {  	v60 =	vld [tilespmem:s17+$0x2C0];
	v1 =	vadd.f32 v3, v1;
	v0 =	vadd.f32 v56, v0  }
0xbe: {  	v3 =	vld [tilespmem:s17+$0x2B0]  }
0xbf: {  	v61 =	vld [tilespmem:s17+$0x2D0];
	v1 =	vadd.f32 v57, v1;
	v0 =	vadd.f32 v58, v0  }
0xc0: {  	v62 =	vld [tilespmem:s17+$0x2E0]  }
0xc1: {  	v63 =	vld [tilespmem:s17+$0x300];
	v1 =	vadd.f32 v2, v1;
	v0 =	vadd.f32 v59, v0  }
0xc2: {  	v2 =	vld [tilespmem:s17+$0x2F0]  }
0xc3: {  	v1 =	vadd.f32 v3, v1;
	v0 =	vadd.f32 v60, v0  }
0xc4: {  	v3 =	vld [tilespmem:s17+$0x310]  }
0xc5: {  	v1 =	vadd.f32 v61, v1;
	v0 =	vadd.f32 v62, v0;
	_ =	sdelay $0x1  }
0xc6: {  	v1 =	vadd.f32 v2, v1;
	v2 =	vadd.f32 v63, v0  }
0xc7: {  	s20 =	simm.s32 $0x0  }
0xc8: {  	s18 =	sshll.u32 s15, $0x1;
	s19 =	simm.s32 $0x80;
	v0 =	vadd.f32 v3, v1;
	[tilespmem:s20+$0x19D00] =	vst v2  }
.LBB2_3:
0xc9: {  	p0 =	sne.s32 s19, $0xF80  }
0xca: {  	[tilespmem:s20+$0x19D10] =	vst v0;
	s17 =	sadd.s32 $0x640, s17;
	s20 =	smov.u32 s19;
	s19 =	sadd.s32 $0x80, s19  }
0xcb: {  	v0 =	vld [tilespmem:s17+$0xFFFFFCE0]  }
0xcc: {  	v1 =	vld [tilespmem:s17+$0xFFFFFCF0]  }
0xcd: {  	v2 =	vld [tilespmem:s17+$0xFFFFFD00]  }
0xce: {  	v3 =	vld [tilespmem:s17+$0xFFFFFD10]  }
0xcf: {  	v4 =	vld [tilespmem:s17+$0xFFFFFD20]  }
0xd0: {  	v0 =	vadd.f32 $0.0e+00, v0;
	v5 =	vld [tilespmem:s17+$0xFFFFFD30]  }
0xd1: {  	v1 =	vadd.f32 $0.0e+00, v1;
	v6 =	vld [tilespmem:s17+$0xFFFFFD40]  }
0xd2: {  	v0 =	vadd.f32 v2, v0;
	v2 =	vld [tilespmem:s17+$0xFFFFFD50]  }
0xd3: {  	v1 =	vadd.f32 v3, v1;
	v3 =	vld [tilespmem:s17+$0xFFFFFD60]  }
0xd4: {  	v0 =	vadd.f32 v4, v0;
	v4 =	vld [tilespmem:s17+$0xFFFFFD70]  }
0xd5: {  	v1 =	vadd.f32 v5, v1;
	v5 =	vld [tilespmem:s17+$0xFFFFFD80]  }
0xd6: {  	v0 =	vadd.f32 v6, v0;
	v6 =	vld [tilespmem:s17+$0xFFFFFD90]  }
0xd7: {  	v1 =	vadd.f32 v2, v1;
	v2 =	vld [tilespmem:s17+$0xFFFFFDA0]  }
0xd8: {  	v0 =	vadd.f32 v3, v0;
	v3 =	vld [tilespmem:s17+$0xFFFFFDB0]  }
0xd9: {  	v1 =	vadd.f32 v4, v1;
	v4 =	vld [tilespmem:s17+$0xFFFFFDC0]  }
0xda: {  	v0 =	vadd.f32 v5, v0;
	v5 =	vld [tilespmem:s17+$0xFFFFFDD0]  }
0xdb: {  	v1 =	vadd.f32 v6, v1;
	v6 =	vld [tilespmem:s17+$0xFFFFFDE0]  }
0xdc: {  	v0 =	vadd.f32 v2, v0;
	v2 =	vld [tilespmem:s17+$0xFFFFFDF0]  }
0xdd: {  	v1 =	vadd.f32 v3, v1;
	v3 =	vld [tilespmem:s17+$0xFFFFFE00]  }
0xde: {  	v0 =	vadd.f32 v4, v0;
	v4 =	vld [tilespmem:s17+$0xFFFFFE10]  }
0xdf: {  	v1 =	vadd.f32 v5, v1;
	v5 =	vld [tilespmem:s17+$0xFFFFFE20]  }
0xe0: {  	v0 =	vadd.f32 v6, v0;
	v6 =	vld [tilespmem:s17+$0xFFFFFE30]  }
0xe1: {  	v1 =	vadd.f32 v2, v1;
	v2 =	vld [tilespmem:s17+$0xFFFFFE40]  }
0xe2: {  	v0 =	vadd.f32 v3, v0;
	v3 =	vld [tilespmem:s17+$0xFFFFFE50]  }
0xe3: {  	v1 =	vadd.f32 v4, v1;
	v4 =	vld [tilespmem:s17+$0xFFFFFE60]  }
0xe4: {  	v0 =	vadd.f32 v5, v0;
	v5 =	vld [tilespmem:s17+$0xFFFFFE70]  }
0xe5: {  	v1 =	vadd.f32 v6, v1;
	v6 =	vld [tilespmem:s17+$0xFFFFFE80]  }
0xe6: {  	v0 =	vadd.f32 v2, v0;
	v2 =	vld [tilespmem:s17+$0xFFFFFE90]  }
0xe7: {  	v1 =	vadd.f32 v3, v1;
	v3 =	vld [tilespmem:s17+$0xFFFFFEA0]  }
0xe8: {  	v0 =	vadd.f32 v4, v0;
	v4 =	vld [tilespmem:s17+$0xFFFFFEB0]  }
0xe9: {  	v1 =	vadd.f32 v5, v1;
	v5 =	vld [tilespmem:s17+$0xFFFFFEC0]  }
0xea: {  	v0 =	vadd.f32 v6, v0;
	v6 =	vld [tilespmem:s17+$0xFFFFFED0]  }
0xeb: {  	v1 =	vadd.f32 v2, v1;
	v2 =	vld [tilespmem:s17+$0xFFFFFEE0]  }
0xec: {  	v0 =	vadd.f32 v3, v0;
	v3 =	vld [tilespmem:s17+$0xFFFFFEF0]  }
0xed: {  	v1 =	vadd.f32 v4, v1;
	v4 =	vld [tilespmem:s17+$0xFFFFFF00]  }
0xee: {  	v0 =	vadd.f32 v5, v0;
	v5 =	vld [tilespmem:s17+$0xFFFFFF10]  }
0xef: {  	v1 =	vadd.f32 v6, v1;
	v6 =	vld [tilespmem:s17+$0xFFFFFF20]  }
0xf0: {  	v0 =	vadd.f32 v2, v0;
	v2 =	vld [tilespmem:s17+$0xFFFFFF30]  }
0xf1: {  	v1 =	vadd.f32 v3, v1;
	v3 =	vld [tilespmem:s17+$0xFFFFFF40]  }
0xf2: {  	v0 =	vadd.f32 v4, v0;
	v4 =	vld [tilespmem:s17+$0xFFFFFF50]  }
0xf3: {  	v1 =	vadd.f32 v5, v1;
	v5 =	vld [tilespmem:s17+$0xFFFFFF60]  }
0xf4: {  	v0 =	vadd.f32 v6, v0;
	v6 =	vld [tilespmem:s17+$0xFFFFFF70]  }
0xf5: {  	v1 =	vadd.f32 v2, v1;
	v2 =	vld [tilespmem:s17+$0xFFFFFF80]  }
0xf6: {  	v0 =	vadd.f32 v3, v0;
	v3 =	vld [tilespmem:s17+$0xFFFFFF90]  }
0xf7: {  	v1 =	vadd.f32 v4, v1;
	v4 =	vld [tilespmem:s17+$0xFFFFFFA0]  }
0xf8: {  	v0 =	vadd.f32 v5, v0;
	v5 =	vld [tilespmem:s17+$0xFFFFFFB0]  }
0xf9: {  	v1 =	vadd.f32 v6, v1;
	v6 =	vld [tilespmem:s17+$0xFFFFFFC0]  }
0xfa: {  	v0 =	vadd.f32 v2, v0;
	v2 =	vld [tilespmem:s17+$0xFFFFFFD0]  }
0xfb: {  	v1 =	vadd.f32 v3, v1;
	v3 =	vld [tilespmem:s17+$0xFFFFFFE0]  }
0xfc: {  	v0 =	vadd.f32 v4, v0;
	v4 =	vld [tilespmem:s17+$0xFFFFFFF0]  }
0xfd: {  	v1 =	vadd.f32 v5, v1;
	v5 =	vld [tilespmem:s17+$0x0]  }
0xfe: {  	v0 =	vadd.f32 v6, v0;
	v6 =	vld [tilespmem:s17+$0x10]  }
0xff: {  	v1 =	vadd.f32 v2, v1;
	v2 =	vld [tilespmem:s17+$0x20]  }
0x100: {  	v0 =	vadd.f32 v3, v0;
	v3 =	vld [tilespmem:s17+$0x30]  }
0x101: {  	v1 =	vadd.f32 v4, v1;
	v4 =	vld [tilespmem:s17+$0x40]  }
0x102: {  	v0 =	vadd.f32 v5, v0;
	v5 =	vld [tilespmem:s17+$0x50]  }
0x103: {  	v1 =	vadd.f32 v6, v1;
	v6 =	vld [tilespmem:s17+$0x60]  }
0x104: {  	v0 =	vadd.f32 v2, v0;
	v2 =	vld [tilespmem:s17+$0x70]  }
0x105: {  	v1 =	vadd.f32 v3, v1;
	v3 =	vld [tilespmem:s17+$0x80]  }
0x106: {  	v0 =	vadd.f32 v4, v0;
	v4 =	vld [tilespmem:s17+$0x90]  }
0x107: {  	v1 =	vadd.f32 v5, v1;
	v5 =	vld [tilespmem:s17+$0xA0]  }
0x108: {  	v0 =	vadd.f32 v6, v0;
	v6 =	vld [tilespmem:s17+$0xB0]  }
0x109: {  	v1 =	vadd.f32 v2, v1;
	v2 =	vld [tilespmem:s17+$0xC0]  }
0x10a: {  	v0 =	vadd.f32 v3, v0;
	v3 =	vld [tilespmem:s17+$0xD0]  }
0x10b: {  	v1 =	vadd.f32 v4, v1;
	v4 =	vld [tilespmem:s17+$0xE0]  }
0x10c: {  	v0 =	vadd.f32 v5, v0;
	v5 =	vld [tilespmem:s17+$0xF0]  }
0x10d: {  	v1 =	vadd.f32 v6, v1;
	v6 =	vld [tilespmem:s17+$0x100]  }
0x10e: {  	v0 =	vadd.f32 v2, v0;
	v2 =	vld [tilespmem:s17+$0x110]  }
0x10f: {  	v1 =	vadd.f32 v3, v1;
	v3 =	vld [tilespmem:s17+$0x120]  }
0x110: {  	v0 =	vadd.f32 v4, v0;
	v4 =	vld [tilespmem:s17+$0x130]  }
0x111: {  	v1 =	vadd.f32 v5, v1;
	v5 =	vld [tilespmem:s17+$0x140]  }
0x112: {  	v0 =	vadd.f32 v6, v0;
	v6 =	vld [tilespmem:s17+$0x150]  }
0x113: {  	v1 =	vadd.f32 v2, v1;
	v2 =	vld [tilespmem:s17+$0x160]  }
0x114: {  	v0 =	vadd.f32 v3, v0;
	v3 =	vld [tilespmem:s17+$0x170]  }
0x115: {  	v1 =	vadd.f32 v4, v1;
	v4 =	vld [tilespmem:s17+$0x180]  }
0x116: {  	v0 =	vadd.f32 v5, v0;
	v5 =	vld [tilespmem:s17+$0x190]  }
0x117: {  	v1 =	vadd.f32 v6, v1;
	v6 =	vld [tilespmem:s17+$0x1A0]  }
0x118: {  	v0 =	vadd.f32 v2, v0;
	v2 =	vld [tilespmem:s17+$0x1B0]  }
0x119: {  	v1 =	vadd.f32 v3, v1;
	v3 =	vld [tilespmem:s17+$0x1C0]  }
0x11a: {  	v0 =	vadd.f32 v4, v0;
	v4 =	vld [tilespmem:s17+$0x1D0]  }
0x11b: {  	v1 =	vadd.f32 v5, v1;
	v5 =	vld [tilespmem:s17+$0x1E0]  }
0x11c: {  	v0 =	vadd.f32 v6, v0;
	v6 =	vld [tilespmem:s17+$0x1F0]  }
0x11d: {  	v1 =	vadd.f32 v2, v1;
	v2 =	vld [tilespmem:s17+$0x200]  }
0x11e: {  	v0 =	vadd.f32 v3, v0;
	v3 =	vld [tilespmem:s17+$0x210]  }
0x11f: {  	v1 =	vadd.f32 v4, v1;
	v4 =	vld [tilespmem:s17+$0x220]  }
0x120: {  	v0 =	vadd.f32 v5, v0;
	v5 =	vld [tilespmem:s17+$0x230]  }
0x121: {  	v1 =	vadd.f32 v6, v1;
	v6 =	vld [tilespmem:s17+$0x240]  }
0x122: {  	v0 =	vadd.f32 v2, v0;
	v2 =	vld [tilespmem:s17+$0x250]  }
0x123: {  	v1 =	vadd.f32 v3, v1;
	v3 =	vld [tilespmem:s17+$0x260]  }
0x124: {  	v0 =	vadd.f32 v4, v0;
	v4 =	vld [tilespmem:s17+$0x270]  }
0x125: {  	v1 =	vadd.f32 v5, v1;
	v5 =	vld [tilespmem:s17+$0x280]  }
0x126: {  	v0 =	vadd.f32 v6, v0;
	v6 =	vld [tilespmem:s17+$0x290]  }
0x127: {  	v1 =	vadd.f32 v2, v1;
	v2 =	vld [tilespmem:s17+$0x2A0]  }
0x128: {  	v0 =	vadd.f32 v3, v0;
	v3 =	vld [tilespmem:s17+$0x2B0]  }
0x129: {  	v1 =	vadd.f32 v4, v1;
	v4 =	vld [tilespmem:s17+$0x2C0]  }
0x12a: {  	v0 =	vadd.f32 v5, v0;
	v5 =	vld [tilespmem:s17+$0x2D0]  }
0x12b: {  	v1 =	vadd.f32 v6, v1;
	v6 =	vld [tilespmem:s17+$0x2E0]  }
0x12c: {  	v0 =	vadd.f32 v2, v0;
	v2 =	vld [tilespmem:s17+$0x2F0]  }
0x12d: {  	v1 =	vadd.f32 v3, v1;
	v3 =	vld [tilespmem:s17+$0x300]  }
0x12e: {  	v0 =	vadd.f32 v4, v0;
	v4 =	vld [tilespmem:s17+$0x310]  }
0x12f: {  	v1 =	vadd.f32 v5, v1  }
.Ltmp0:
0x130: {  	v0 =	vadd.f32 v6, v0;
	(pc) =	sbr.rel @p0 .LBB2_3-.Ltmp0, $4  }
0x131: {  	v1 =	vadd.f32 v2, v1  }
0x132: {  	v2 =	vadd.f32 v3, v0  }
0x133: {  	s20 =	sshra.s32 s20, $0x2;
	v0 =	vadd.f32 v4, v1  }
0x134: {  	[tilespmem:s20+$0x19D00] =	vst v2  }
0x135: {  	s17 =	sshll.u32 s15, $0x8  }
0x136: {  	[tilespmem:s20+$0x19D10] =	vst v0;
	p0 =	seq.s32 s15, $0x7;
	s17 =	sadd.s32 s17, s7  }
0x137: {  	[hbm4b:s17+s2] =	stream.linear.scatter [tilespmem:s12], [sflag:$0x3], $0x400, $0x38;
	[tilespmem:$0x1A500] =	vst v63  }
0x138: {  	s17 =	sadd.s32 @!p0 s18, s8  }
0x139: {  	_ =	swait.ge [sflag:s10], $0x400;
	s17 =	smul.u32 @!p0 $0xD0, s17  }
0x13a: {  	[sflag:s10] =	ssyncset.done $0x0  }
0x13b: {  	s18 =	simm.s32 @!p0 $0x0;
	[sflag:s10] =	ssyncadd.s32 $0xFFFFFC00;
	s17 =	sadd.s32 @!p0 s3, s17  }
0x13c: {  	[tilespmem:s18], [sflag:$0x3] =	stream.linear.gather @!p0 [hbm4b:s17+s18], $0x680, $0x38;
	[tilespmem:$0x1A500] =	vst v63  }
0x13d: {  	s17 =	simm.s32 @!p0 $0x3  }
0x13e: {  	_ =	swait.ge @!p0 [sflag:s17], $0x680  }
0x13f: {  	[sflag:s17] =	ssyncset.done @!p0 $0x0  }
0x140: {  	s19 =	simm.s32 @!p0 $0xD00;
	[sflag:s17] =	ssyncadd.s32 @!p0 $0xFFFFF980;
	s17 =	simm.s32 @!p0 $0x64  }
0x141: {  	[tilespmem:s19], [sflag:$0x1] =	stream.indirect.gather @!p0 [hbm4b:s4+s17], $0x20, s18, s17, $0xb8;
	[tilespmem:$0x1A500] =	vst v63  }
0x142: {  	s18 =	simm.s32 @!p0 $0x68;
	s19 =	simm.s32 @!p0 $0x1980  }
0x143: {  	[tilespmem:s19], [sflag:$0x1] =	stream.indirect.gather @!p0 [hbm4b:s4+s17], $0x20, s18, s17, $0xb8;
	[tilespmem:$0x1A500] =	vst v63  }
0x144: {  	s18 =	simm.s32 @!p0 $0xD0;
	s19 =	simm.s32 @!p0 $0x2600  }
0x145: {  	[tilespmem:s19], [sflag:$0x1] =	stream.indirect.gather @!p0 [hbm4b:s4+s17], $0x20, s18, s17, $0xb8;
	[tilespmem:$0x1A500] =	vst v63  }
0x146: {  	s18 =	simm.s32 @!p0 $0x138;
	s19 =	simm.s32 @!p0 $0x3280  }
0x147: {  	[tilespmem:s19], [sflag:$0x1] =	stream.indirect.gather @!p0 [hbm4b:s4+s17], $0x20, s18, s17, $0xb8;
	[tilespmem:$0x1A500] =	vst v63  }
0x148: {  	s18 =	simm.s32 @!p0 $0x1A0;
	s19 =	simm.s32 @!p0 $0x3F00  }
0x149: {  	[tilespmem:s19], [sflag:$0x1] =	stream.indirect.gather @!p0 [hbm4b:s4+s17], $0x20, s18, s17, $0xb8;
	[tilespmem:$0x1A500] =	vst v63  }
0x14a: {  	s18 =	simm.s32 @!p0 $0x208;
	s19 =	simm.s32 @!p0 $0x4B80  }
0x14b: {  	[tilespmem:s19], [sflag:$0x1] =	stream.indirect.gather @!p0 [hbm4b:s4+s17], $0x20, s18, s17, $0xb8;
	[tilespmem:$0x1A500] =	vst v63  }
0x14c: {  	s18 =	simm.s32 @!p0 $0x270;
	s19 =	simm.s32 @!p0 $0x5800  }
0x14d: {  	[tilespmem:s19], [sflag:$0x1] =	stream.indirect.gather @!p0 [hbm4b:s4+s17], $0x20, s18, s17, $0xb8;
	[tilespmem:$0x1A500] =	vst v63  }
0x14e: {  	s18 =	simm.s32 @!p0 $0x2D8;
	s19 =	simm.s32 @!p0 $0x6480  }
0x14f: {  	[tilespmem:s19], [sflag:$0x1] =	stream.indirect.gather @!p0 [hbm4b:s4+s17], $0x20, s18, s17, $0xb8;
	[tilespmem:$0x1A500] =	vst v63  }
0x150: {  	s18 =	simm.s32 @!p0 $0x340;
	s19 =	simm.s32 @!p0 $0x7100  }
0x151: {  	[tilespmem:s19], [sflag:$0x1] =	stream.indirect.gather @!p0 [hbm4b:s4+s17], $0x20, s18, s17, $0xb8;
	[tilespmem:$0x1A500] =	vst v63  }
0x152: {  	s18 =	simm.s32 @!p0 $0x3A8;
	s19 =	simm.s32 @!p0 $0x7D80  }
0x153: {  	[tilespmem:s19], [sflag:$0x1] =	stream.indirect.gather @!p0 [hbm4b:s4+s17], $0x20, s18, s17, $0xb8;
	[tilespmem:$0x1A500] =	vst v63  }
0x154: {  	s18 =	simm.s32 @!p0 $0x410;
	s19 =	simm.s32 @!p0 $0x8A00  }
0x155: {  	[tilespmem:s19], [sflag:$0x1] =	stream.indirect.gather @!p0 [hbm4b:s4+s17], $0x20, s18, s17, $0xb8;
	[tilespmem:$0x1A500] =	vst v63  }
0x156: {  	s18 =	simm.s32 @!p0 $0x478;
	s19 =	simm.s32 @!p0 $0x9680  }
0x157: {  	[tilespmem:s19], [sflag:$0x1] =	stream.indirect.gather @!p0 [hbm4b:s4+s17], $0x20, s18, s17, $0xb8;
	[tilespmem:$0x1A500] =	vst v63  }
0x158: {  	s18 =	simm.s32 @!p0 $0x4E0;
	s19 =	simm.s32 @!p0 $0xA300  }
0x159: {  	[tilespmem:s19], [sflag:$0x1] =	stream.indirect.gather @!p0 [hbm4b:s4+s17], $0x20, s18, s17, $0xb8;
	[tilespmem:$0x1A500] =	vst v63  }
0x15a: {  	s18 =	simm.s32 @!p0 $0x548;
	s19 =	simm.s32 @!p0 $0xAF80  }
0x15b: {  	[tilespmem:s19], [sflag:$0x1] =	stream.indirect.gather @!p0 [hbm4b:s4+s17], $0x20, s18, s17, $0xb8;
	[tilespmem:$0x1A500] =	vst v63  }
0x15c: {  	s18 =	simm.s32 @!p0 $0x5B0;
	s19 =	simm.s32 @!p0 $0xBC00  }
0x15d: {  	[tilespmem:s19], [sflag:$0x1] =	stream.indirect.gather @!p0 [hbm4b:s4+s17], $0x20, s18, s17, $0xb8;
	[tilespmem:$0x1A500] =	vst v63  }
0x15e: {  	s18 =	simm.s32 @!p0 $0x618;
	s19 =	simm.s32 @!p0 $0xC880  }
0x15f: {  	[tilespmem:s19], [sflag:$0x1] =	stream.indirect.gather @!p0 [hbm4b:s4+s17], $0x20, s18, s17, $0xb8;
	[tilespmem:$0x1A500] =	vst v63  }
0x160: {  	_ =	swait.ge [sflag:s13], $0xC800  }
0x161: {  	[sflag:s13] =	ssyncset.done $0x0  }
0x162: {  	s20 =	simm.s32 $0x0;
	[sflag:s13] =	ssyncadd.s32 $0xFFFF3800  }
0x163: {  	v0 =	vld [tilespmem:s20+$0xD500]  }
0x164: {  	v1 =	vld [tilespmem:s20+$0xD510]  }
0x165: {  	v2 =	vld [tilespmem:s20+$0xD520]  }
0x166: {  	v3 =	vld [tilespmem:s20+$0xD530]  }
0x167: {  	v4 =	vld [tilespmem:s20+$0xD540]  }
0x168: {  	v5 =	vld [tilespmem:s20+$0xD550];
	v0 =	vadd.f32 $0.0e+00, v0  }
0x169: {  	v6 =	vld [tilespmem:s20+$0xD560]  }
0x16a: {  	v7 =	vld [tilespmem:s20+$0xD580];
	v1 =	vadd.f32 $0.0e+00, v1;
	v0 =	vadd.f32 v2, v0  }
0x16b: {  	v2 =	vld [tilespmem:s20+$0xD570]  }
0x16c: {  	v59 =	vld [tilespmem:s20+$0xD5A0];
	v1 =	vadd.f32 v3, v1;
	v0 =	vadd.f32 v4, v0  }
0x16d: {  	v3 =	vld [tilespmem:s20+$0xD590]  }
0x16e: {  	v60 =	vld [tilespmem:s20+$0xD5B0];
	v1 =	vadd.f32 v5, v1;
	v0 =	vadd.f32 v6, v0  }
0x16f: {  	v61 =	vld [tilespmem:s20+$0xD5C0]  }
0x170: {  	v62 =	vld [tilespmem:s20+$0xD5E0];
	v1 =	vadd.f32 v2, v1;
	v0 =	vadd.f32 v7, v0  }
0x171: {  	v2 =	vld [tilespmem:s20+$0xD5D0]  }
0x172: {  	v63 =	vld [tilespmem:s20+$0xD600];
	v1 =	vadd.f32 v3, v1;
	v0 =	vadd.f32 v59, v0  }
0x173: {  	v3 =	vld [tilespmem:s20+$0xD5F0]  }
0x174: {  	v9 =	vld [tilespmem:s20+$0xD610];
	v1 =	vadd.f32 v60, v1;
	v0 =	vadd.f32 v61, v0  }
0x175: {  	v10 =	vld [tilespmem:s20+$0xD620]  }
0x176: {  	v11 =	vld [tilespmem:s20+$0xD640];
	v1 =	vadd.f32 v2, v1;
	v0 =	vadd.f32 v62, v0  }
0x177: {  	v2 =	vld [tilespmem:s20+$0xD630]  }
0x178: {  	v12 =	vld [tilespmem:s20+$0xD660];
	v1 =	vadd.f32 v3, v1;
	v0 =	vadd.f32 v63, v0  }
0x179: {  	v3 =	vld [tilespmem:s20+$0xD650]  }
0x17a: {  	v13 =	vld [tilespmem:s20+$0xD670];
	v1 =	vadd.f32 v9, v1;
	v0 =	vadd.f32 v10, v0  }
0x17b: {  	v14 =	vld [tilespmem:s20+$0xD680]  }
0x17c: {  	v15 =	vld [tilespmem:s20+$0xD6A0];
	v1 =	vadd.f32 v2, v1;
	v0 =	vadd.f32 v11, v0  }
0x17d: {  	v2 =	vld [tilespmem:s20+$0xD690]  }
0x17e: {  	v16 =	vld [tilespmem:s20+$0xD6C0];
	v1 =	vadd.f32 v3, v1;
	v0 =	vadd.f32 v12, v0  }
0x17f: {  	v3 =	vld [tilespmem:s20+$0xD6B0]  }
0x180: {  	v17 =	vld [tilespmem:s20+$0xD6D0];
	v1 =	vadd.f32 v13, v1;
	v0 =	vadd.f32 v14, v0  }
0x181: {  	v18 =	vld [tilespmem:s20+$0xD6E0]  }
0x182: {  	v19 =	vld [tilespmem:s20+$0xD700];
	v1 =	vadd.f32 v2, v1;
	v0 =	vadd.f32 v15, v0  }
0x183: {  	v2 =	vld [tilespmem:s20+$0xD6F0]  }
0x184: {  	v20 =	vld [tilespmem:s20+$0xD720];
	v1 =	vadd.f32 v3, v1;
	v0 =	vadd.f32 v16, v0  }
0x185: {  	v3 =	vld [tilespmem:s20+$0xD710]  }
0x186: {  	v21 =	vld [tilespmem:s20+$0xD730];
	v1 =	vadd.f32 v17, v1;
	v0 =	vadd.f32 v18, v0  }
0x187: {  	v22 =	vld [tilespmem:s20+$0xD740]  }
0x188: {  	v23 =	vld [tilespmem:s20+$0xD760];
	v1 =	vadd.f32 v2, v1;
	v0 =	vadd.f32 v19, v0  }
0x189: {  	v2 =	vld [tilespmem:s20+$0xD750]  }
0x18a: {  	v24 =	vld [tilespmem:s20+$0xD780];
	v1 =	vadd.f32 v3, v1;
	v0 =	vadd.f32 v20, v0  }
0x18b: {  	v3 =	vld [tilespmem:s20+$0xD770]  }
0x18c: {  	v25 =	vld [tilespmem:s20+$0xD790];
	v1 =	vadd.f32 v21, v1;
	v0 =	vadd.f32 v22, v0  }
0x18d: {  	v26 =	vld [tilespmem:s20+$0xD7A0]  }
0x18e: {  	v27 =	vld [tilespmem:s20+$0xD7C0];
	v1 =	vadd.f32 v2, v1;
	v0 =	vadd.f32 v23, v0  }
0x18f: {  	v2 =	vld [tilespmem:s20+$0xD7B0]  }
0x190: {  	v28 =	vld [tilespmem:s20+$0xD7E0];
	v1 =	vadd.f32 v3, v1;
	v0 =	vadd.f32 v24, v0  }
0x191: {  	v3 =	vld [tilespmem:s20+$0xD7D0]  }
0x192: {  	v29 =	vld [tilespmem:s20+$0xD7F0];
	v1 =	vadd.f32 v25, v1;
	v0 =	vadd.f32 v26, v0  }
0x193: {  	v30 =	vld [tilespmem:s20+$0xD800]  }
0x194: {  	v31 =	vld [tilespmem:s20+$0xD820];
	v1 =	vadd.f32 v2, v1;
	v0 =	vadd.f32 v27, v0  }
0x195: {  	v2 =	vld [tilespmem:s20+$0xD810]  }
0x196: {  	v32 =	vld [tilespmem:s20+$0xD840];
	v1 =	vadd.f32 v3, v1;
	v0 =	vadd.f32 v28, v0  }
0x197: {  	v3 =	vld [tilespmem:s20+$0xD830]  }
0x198: {  	v33 =	vld [tilespmem:s20+$0xD850];
	v1 =	vadd.f32 v29, v1;
	v0 =	vadd.f32 v30, v0  }
0x199: {  	v34 =	vld [tilespmem:s20+$0xD860]  }
0x19a: {  	v35 =	vld [tilespmem:s20+$0xD880];
	v1 =	vadd.f32 v2, v1;
	v0 =	vadd.f32 v31, v0  }
0x19b: {  	v2 =	vld [tilespmem:s20+$0xD870]  }
0x19c: {  	v36 =	vld [tilespmem:s20+$0xD8A0];
	v1 =	vadd.f32 v3, v1;
	v0 =	vadd.f32 v32, v0  }
0x19d: {  	v3 =	vld [tilespmem:s20+$0xD890]  }
0x19e: {  	v37 =	vld [tilespmem:s20+$0xD8B0];
	v1 =	vadd.f32 v33, v1;
	v0 =	vadd.f32 v34, v0  }
0x19f: {  	v38 =	vld [tilespmem:s20+$0xD8C0]  }
0x1a0: {  	v39 =	vld [tilespmem:s20+$0xD8E0];
	v1 =	vadd.f32 v2, v1;
	v0 =	vadd.f32 v35, v0  }
0x1a1: {  	v2 =	vld [tilespmem:s20+$0xD8D0]  }
0x1a2: {  	v40 =	vld [tilespmem:s20+$0xD900];
	v1 =	vadd.f32 v3, v1;
	v0 =	vadd.f32 v36, v0  }
0x1a3: {  	v3 =	vld [tilespmem:s20+$0xD8F0]  }
0x1a4: {  	v41 =	vld [tilespmem:s20+$0xD910];
	v1 =	vadd.f32 v37, v1;
	v0 =	vadd.f32 v38, v0  }
0x1a5: {  	v42 =	vld [tilespmem:s20+$0xD920]  }
0x1a6: {  	v43 =	vld [tilespmem:s20+$0xD940];
	v1 =	vadd.f32 v2, v1;
	v0 =	vadd.f32 v39, v0  }
0x1a7: {  	v2 =	vld [tilespmem:s20+$0xD930]  }
0x1a8: {  	v44 =	vld [tilespmem:s20+$0xD960];
	v1 =	vadd.f32 v3, v1;
	v0 =	vadd.f32 v40, v0  }
0x1a9: {  	v3 =	vld [tilespmem:s20+$0xD950]  }
0x1aa: {  	v45 =	vld [tilespmem:s20+$0xD970];
	v1 =	vadd.f32 v41, v1;
	v0 =	vadd.f32 v42, v0  }
0x1ab: {  	v46 =	vld [tilespmem:s20+$0xD980]  }
0x1ac: {  	v47 =	vld [tilespmem:s20+$0xD9A0];
	v1 =	vadd.f32 v2, v1;
	v0 =	vadd.f32 v43, v0  }
0x1ad: {  	v2 =	vld [tilespmem:s20+$0xD990]  }
0x1ae: {  	v48 =	vld [tilespmem:s20+$0xD9C0];
	v1 =	vadd.f32 v3, v1;
	v0 =	vadd.f32 v44, v0  }
0x1af: {  	v3 =	vld [tilespmem:s20+$0xD9B0]  }
0x1b0: {  	v49 =	vld [tilespmem:s20+$0xD9D0];
	v1 =	vadd.f32 v45, v1;
	v0 =	vadd.f32 v46, v0  }
0x1b1: {  	v50 =	vld [tilespmem:s20+$0xD9E0]  }
0x1b2: {  	v51 =	vld [tilespmem:s20+$0xDA00];
	v1 =	vadd.f32 v2, v1;
	v0 =	vadd.f32 v47, v0  }
0x1b3: {  	v2 =	vld [tilespmem:s20+$0xD9F0]  }
0x1b4: {  	v52 =	vld [tilespmem:s20+$0xDA20];
	v1 =	vadd.f32 v3, v1;
	v0 =	vadd.f32 v48, v0  }
0x1b5: {  	v3 =	vld [tilespmem:s20+$0xDA10]  }
0x1b6: {  	v53 =	vld [tilespmem:s20+$0xDA30];
	v1 =	vadd.f32 v49, v1;
	v0 =	vadd.f32 v50, v0  }
0x1b7: {  	v54 =	vld [tilespmem:s20+$0xDA40]  }
0x1b8: {  	v55 =	vld [tilespmem:s20+$0xDA60];
	v1 =	vadd.f32 v2, v1;
	v0 =	vadd.f32 v51, v0  }
0x1b9: {  	v2 =	vld [tilespmem:s20+$0xDA50]  }
0x1ba: {  	v56 =	vld [tilespmem:s20+$0xDA80];
	v1 =	vadd.f32 v3, v1;
	v0 =	vadd.f32 v52, v0  }
0x1bb: {  	v3 =	vld [tilespmem:s20+$0xDA70]  }
0x1bc: {  	v57 =	vld [tilespmem:s20+$0xDA90];
	v1 =	vadd.f32 v53, v1;
	v0 =	vadd.f32 v54, v0  }
0x1bd: {  	v58 =	vld [tilespmem:s20+$0xDAA0]  }
0x1be: {  	v59 =	vld [tilespmem:s20+$0xDAC0];
	v1 =	vadd.f32 v2, v1;
	v0 =	vadd.f32 v55, v0  }
0x1bf: {  	v2 =	vld [tilespmem:s20+$0xDAB0]  }
0x1c0: {  	v60 =	vld [tilespmem:s20+$0xDAE0];
	v1 =	vadd.f32 v3, v1;
	v0 =	vadd.f32 v56, v0  }
0x1c1: {  	v3 =	vld [tilespmem:s20+$0xDAD0]  }
0x1c2: {  	v61 =	vld [tilespmem:s20+$0xDAF0];
	v1 =	vadd.f32 v57, v1;
	v0 =	vadd.f32 v58, v0  }
0x1c3: {  	v62 =	vld [tilespmem:s20+$0xDB00]  }
0x1c4: {  	v63 =	vld [tilespmem:s20+$0xDB20];
	v1 =	vadd.f32 v2, v1;
	v0 =	vadd.f32 v59, v0  }
0x1c5: {  	v2 =	vld [tilespmem:s20+$0xDB10]  }
0x1c6: {  	v1 =	vadd.f32 v3, v1;
	v0 =	vadd.f32 v60, v0  }
0x1c7: {  	v3 =	vld [tilespmem:s20+$0xDB30]  }
0x1c8: {  	v1 =	vadd.f32 v61, v1;
	v0 =	vadd.f32 v62, v0;
	_ =	sdelay $0x1  }
0x1c9: {  	v1 =	vadd.f32 v2, v1;
	v2 =	vadd.f32 v63, v0  }
0x1ca: {  	s17 =	simm.s32 $0x1A110  }
0x1cb: {  	s20 =	simm.s32 $0x1900;
	v0 =	vadd.f32 v3, v1;
	[tilespmem:s17+$0xFFFFFFF0] =	vst v2  }
.LBB2_5:
0x1cc: {  	s18 =	smov.u32 s20  }
0x1cd: {  	s19 =	sshra.s32 s20, $0x2;
	[tilespmem:s17+$0x0] =	vst v0;
	s17 =	sadd.s32 $0x20, s17;
	s18 =	sadd.s32 $0x1900, s20  }
0x1ce: {  	p0 =	sne.s32 s20, $0x30700;
	v0 =	vld [tilespmem:s19+$0xD500]  }
0x1cf: {  	v1 =	vld [tilespmem:s19+$0xD510]  }
0x1d0: {  	v2 =	vld [tilespmem:s19+$0xD520]  }
0x1d1: {  	v3 =	vld [tilespmem:s19+$0xD530]  }
0x1d2: {  	v4 =	vld [tilespmem:s19+$0xD540]  }
0x1d3: {  	v0 =	vadd.f32 $0.0e+00, v0;
	v5 =	vld [tilespmem:s19+$0xD550]  }
0x1d4: {  	v1 =	vadd.f32 $0.0e+00, v1;
	v6 =	vld [tilespmem:s19+$0xD560]  }
0x1d5: {  	v0 =	vadd.f32 v2, v0;
	v2 =	vld [tilespmem:s19+$0xD570]  }
0x1d6: {  	v1 =	vadd.f32 v3, v1;
	v3 =	vld [tilespmem:s19+$0xD580]  }
0x1d7: {  	v0 =	vadd.f32 v4, v0;
	v4 =	vld [tilespmem:s19+$0xD590]  }
0x1d8: {  	v1 =	vadd.f32 v5, v1;
	v5 =	vld [tilespmem:s19+$0xD5A0]  }
0x1d9: {  	v0 =	vadd.f32 v6, v0;
	v6 =	vld [tilespmem:s19+$0xD5B0]  }
0x1da: {  	v1 =	vadd.f32 v2, v1;
	v2 =	vld [tilespmem:s19+$0xD5C0]  }
0x1db: {  	v0 =	vadd.f32 v3, v0;
	v3 =	vld [tilespmem:s19+$0xD5D0]  }
0x1dc: {  	v1 =	vadd.f32 v4, v1;
	v4 =	vld [tilespmem:s19+$0xD5E0]  }
0x1dd: {  	v0 =	vadd.f32 v5, v0;
	v5 =	vld [tilespmem:s19+$0xD5F0]  }
0x1de: {  	v1 =	vadd.f32 v6, v1;
	v6 =	vld [tilespmem:s19+$0xD600]  }
0x1df: {  	v0 =	vadd.f32 v2, v0;
	v2 =	vld [tilespmem:s19+$0xD610]  }
0x1e0: {  	v1 =	vadd.f32 v3, v1;
	v3 =	vld [tilespmem:s19+$0xD620]  }
0x1e1: {  	v0 =	vadd.f32 v4, v0;
	v4 =	vld [tilespmem:s19+$0xD630]  }
0x1e2: {  	v1 =	vadd.f32 v5, v1;
	v5 =	vld [tilespmem:s19+$0xD640]  }
0x1e3: {  	v0 =	vadd.f32 v6, v0;
	v6 =	vld [tilespmem:s19+$0xD650]  }
0x1e4: {  	v1 =	vadd.f32 v2, v1;
	v2 =	vld [tilespmem:s19+$0xD660]  }
0x1e5: {  	v0 =	vadd.f32 v3, v0;
	v3 =	vld [tilespmem:s19+$0xD670]  }
0x1e6: {  	v1 =	vadd.f32 v4, v1;
	v4 =	vld [tilespmem:s19+$0xD680]  }
0x1e7: {  	v0 =	vadd.f32 v5, v0;
	v5 =	vld [tilespmem:s19+$0xD690]  }
0x1e8: {  	v1 =	vadd.f32 v6, v1;
	v6 =	vld [tilespmem:s19+$0xD6A0]  }
0x1e9: {  	v0 =	vadd.f32 v2, v0;
	v2 =	vld [tilespmem:s19+$0xD6B0]  }
0x1ea: {  	v1 =	vadd.f32 v3, v1;
	v3 =	vld [tilespmem:s19+$0xD6C0]  }
0x1eb: {  	v0 =	vadd.f32 v4, v0;
	v4 =	vld [tilespmem:s19+$0xD6D0]  }
0x1ec: {  	v1 =	vadd.f32 v5, v1;
	v5 =	vld [tilespmem:s19+$0xD6E0]  }
0x1ed: {  	v0 =	vadd.f32 v6, v0;
	v6 =	vld [tilespmem:s19+$0xD6F0]  }
0x1ee: {  	v1 =	vadd.f32 v2, v1;
	v2 =	vld [tilespmem:s19+$0xD700]  }
0x1ef: {  	v0 =	vadd.f32 v3, v0;
	v3 =	vld [tilespmem:s19+$0xD710]  }
0x1f0: {  	v1 =	vadd.f32 v4, v1;
	v4 =	vld [tilespmem:s19+$0xD720]  }
0x1f1: {  	v0 =	vadd.f32 v5, v0;
	v5 =	vld [tilespmem:s19+$0xD730]  }
0x1f2: {  	v1 =	vadd.f32 v6, v1;
	v6 =	vld [tilespmem:s19+$0xD740]  }
0x1f3: {  	v0 =	vadd.f32 v2, v0;
	v2 =	vld [tilespmem:s19+$0xD750]  }
0x1f4: {  	v1 =	vadd.f32 v3, v1;
	v3 =	vld [tilespmem:s19+$0xD760]  }
0x1f5: {  	v0 =	vadd.f32 v4, v0;
	v4 =	vld [tilespmem:s19+$0xD770]  }
0x1f6: {  	v1 =	vadd.f32 v5, v1;
	v5 =	vld [tilespmem:s19+$0xD780]  }
0x1f7: {  	v0 =	vadd.f32 v6, v0;
	v6 =	vld [tilespmem:s19+$0xD790]  }
0x1f8: {  	v1 =	vadd.f32 v2, v1;
	v2 =	vld [tilespmem:s19+$0xD7A0]  }
0x1f9: {  	v0 =	vadd.f32 v3, v0;
	v3 =	vld [tilespmem:s19+$0xD7B0]  }
0x1fa: {  	v1 =	vadd.f32 v4, v1;
	v4 =	vld [tilespmem:s19+$0xD7C0]  }
0x1fb: {  	v0 =	vadd.f32 v5, v0;
	v5 =	vld [tilespmem:s19+$0xD7D0]  }
0x1fc: {  	v1 =	vadd.f32 v6, v1;
	v6 =	vld [tilespmem:s19+$0xD7E0]  }
0x1fd: {  	v0 =	vadd.f32 v2, v0;
	v2 =	vld [tilespmem:s19+$0xD7F0]  }
0x1fe: {  	v1 =	vadd.f32 v3, v1;
	v3 =	vld [tilespmem:s19+$0xD800]  }
0x1ff: {  	v0 =	vadd.f32 v4, v0;
	v4 =	vld [tilespmem:s19+$0xD810]  }
0x200: {  	v1 =	vadd.f32 v5, v1;
	v5 =	vld [tilespmem:s19+$0xD820]  }
0x201: {  	v0 =	vadd.f32 v6, v0;
	v6 =	vld [tilespmem:s19+$0xD830]  }
0x202: {  	v1 =	vadd.f32 v2, v1;
	v2 =	vld [tilespmem:s19+$0xD840]  }
0x203: {  	v0 =	vadd.f32 v3, v0;
	v3 =	vld [tilespmem:s19+$0xD850]  }
0x204: {  	v1 =	vadd.f32 v4, v1;
	v4 =	vld [tilespmem:s19+$0xD860]  }
0x205: {  	v0 =	vadd.f32 v5, v0;
	v5 =	vld [tilespmem:s19+$0xD870]  }
0x206: {  	v1 =	vadd.f32 v6, v1;
	v6 =	vld [tilespmem:s19+$0xD880]  }
0x207: {  	v0 =	vadd.f32 v2, v0;
	v2 =	vld [tilespmem:s19+$0xD890]  }
0x208: {  	v1 =	vadd.f32 v3, v1;
	v3 =	vld [tilespmem:s19+$0xD8A0]  }
0x209: {  	v0 =	vadd.f32 v4, v0;
	v4 =	vld [tilespmem:s19+$0xD8B0]  }
0x20a: {  	v1 =	vadd.f32 v5, v1;
	v5 =	vld [tilespmem:s19+$0xD8C0]  }
0x20b: {  	v0 =	vadd.f32 v6, v0;
	v6 =	vld [tilespmem:s19+$0xD8D0]  }
0x20c: {  	v1 =	vadd.f32 v2, v1;
	v2 =	vld [tilespmem:s19+$0xD8E0]  }
0x20d: {  	v0 =	vadd.f32 v3, v0;
	v3 =	vld [tilespmem:s19+$0xD8F0]  }
0x20e: {  	v1 =	vadd.f32 v4, v1;
	v4 =	vld [tilespmem:s19+$0xD900]  }
0x20f: {  	v0 =	vadd.f32 v5, v0;
	v5 =	vld [tilespmem:s19+$0xD910]  }
0x210: {  	v1 =	vadd.f32 v6, v1;
	v6 =	vld [tilespmem:s19+$0xD920]  }
0x211: {  	v0 =	vadd.f32 v2, v0;
	v2 =	vld [tilespmem:s19+$0xD930]  }
0x212: {  	v1 =	vadd.f32 v3, v1;
	v3 =	vld [tilespmem:s19+$0xD940]  }
0x213: {  	v0 =	vadd.f32 v4, v0;
	v4 =	vld [tilespmem:s19+$0xD950]  }
0x214: {  	v1 =	vadd.f32 v5, v1;
	v5 =	vld [tilespmem:s19+$0xD960]  }
0x215: {  	v0 =	vadd.f32 v6, v0;
	v6 =	vld [tilespmem:s19+$0xD970]  }
0x216: {  	v1 =	vadd.f32 v2, v1;
	v2 =	vld [tilespmem:s19+$0xD980]  }
0x217: {  	v0 =	vadd.f32 v3, v0;
	v3 =	vld [tilespmem:s19+$0xD990]  }
0x218: {  	v1 =	vadd.f32 v4, v1;
	v4 =	vld [tilespmem:s19+$0xD9A0]  }
0x219: {  	v0 =	vadd.f32 v5, v0;
	v5 =	vld [tilespmem:s19+$0xD9B0]  }
0x21a: {  	v1 =	vadd.f32 v6, v1;
	v6 =	vld [tilespmem:s19+$0xD9C0]  }
0x21b: {  	v0 =	vadd.f32 v2, v0;
	v2 =	vld [tilespmem:s19+$0xD9D0]  }
0x21c: {  	v1 =	vadd.f32 v3, v1;
	v3 =	vld [tilespmem:s19+$0xD9E0]  }
0x21d: {  	v0 =	vadd.f32 v4, v0;
	v4 =	vld [tilespmem:s19+$0xD9F0]  }
0x21e: {  	v1 =	vadd.f32 v5, v1;
	v5 =	vld [tilespmem:s19+$0xDA00]  }
0x21f: {  	v0 =	vadd.f32 v6, v0;
	v6 =	vld [tilespmem:s19+$0xDA10]  }
0x220: {  	v1 =	vadd.f32 v2, v1;
	v2 =	vld [tilespmem:s19+$0xDA20]  }
0x221: {  	v0 =	vadd.f32 v3, v0;
	v3 =	vld [tilespmem:s19+$0xDA30]  }
0x222: {  	v1 =	vadd.f32 v4, v1;
	v4 =	vld [tilespmem:s19+$0xDA40]  }
0x223: {  	v0 =	vadd.f32 v5, v0;
	v5 =	vld [tilespmem:s19+$0xDA50]  }
0x224: {  	v1 =	vadd.f32 v6, v1;
	v6 =	vld [tilespmem:s19+$0xDA60]  }
0x225: {  	v0 =	vadd.f32 v2, v0;
	v2 =	vld [tilespmem:s19+$0xDA70]  }
0x226: {  	v1 =	vadd.f32 v3, v1;
	v3 =	vld [tilespmem:s19+$0xDA80]  }
0x227: {  	v0 =	vadd.f32 v4, v0;
	v4 =	vld [tilespmem:s19+$0xDA90]  }
0x228: {  	v1 =	vadd.f32 v5, v1;
	v5 =	vld [tilespmem:s19+$0xDAA0]  }
0x229: {  	v0 =	vadd.f32 v6, v0;
	v6 =	vld [tilespmem:s19+$0xDAB0]  }
0x22a: {  	v1 =	vadd.f32 v2, v1;
	v2 =	vld [tilespmem:s19+$0xDAC0]  }
0x22b: {  	v0 =	vadd.f32 v3, v0;
	v3 =	vld [tilespmem:s19+$0xDAD0]  }
0x22c: {  	v1 =	vadd.f32 v4, v1;
	v4 =	vld [tilespmem:s19+$0xDAE0]  }
0x22d: {  	v0 =	vadd.f32 v5, v0;
	v5 =	vld [tilespmem:s19+$0xDAF0]  }
0x22e: {  	v1 =	vadd.f32 v6, v1;
	v6 =	vld [tilespmem:s19+$0xDB00]  }
0x22f: {  	v0 =	vadd.f32 v2, v0;
	v2 =	vld [tilespmem:s19+$0xDB10]  }
0x230: {  	v1 =	vadd.f32 v3, v1;
	v3 =	vld [tilespmem:s19+$0xDB20]  }
0x231: {  	v0 =	vadd.f32 v4, v0;
	v4 =	vld [tilespmem:s19+$0xDB30]  }
0x232: {  	v1 =	vadd.f32 v5, v1  }
.Ltmp1:
0x233: {  	v0 =	vadd.f32 v6, v0;
	(pc) =	sbr.rel @p0 .LBB2_5-.Ltmp1, $4  }
0x234: {  	v1 =	vadd.f32 v2, v1  }
0x235: {  	v2 =	vadd.f32 v3, v0  }
0x236: {  	v0 =	vadd.f32 v4, v1  }
0x237: {  	s20 =	smov.u32 s18;
	[tilespmem:s17+$0xFFFFFFF0] =	vst v2  }
0x238: {  	s15 =	sadd.s32 $0x1, s15  }
0x239: {  	s16 =	sshll.u32 s16, $0x7;
	p0 =	sne.s32 s15, $0x8  }
.Ltmp2:
0x23a: {  	[tilespmem:s17+$0x0] =	vst v0;
	s16 =	sadd.s32 s16, s7;
	(pc) =	sbr.rel @p0 .LBB2_2-.Ltmp2, $4  }
0x23b: {  	[hbm4b:s16+s2] =	stream.linear.scatter [tilespmem:s14], [sflag:$0x3], $0x400, $0x38;
	[tilespmem:$0x1A500] =	vst v63  }
0x23c: {  	_ =	swait.ge [sflag:s10], $0x400  }
0x23d: {  	[sflag:s10] =	ssyncset.done $0x0  }
0x23e: {  	[sflag:s10] =	ssyncadd.s32 $0xFFFFFC00  }
0x23f: {  	s16 =	rddreg [dreg:$0x5]  }
0x240: {  	s15 =	rddreg [dreg:$0x4];
	s16 =	sadd.s32 $0x1, s16  }
0x241: {  	p0 =	sne.s32 s16, s15  }
.Ltmp3:
0x242: {  	_ = 	snop;
	(pc) =	sbr.rel @p0 .LBB2_1-.Ltmp3, $1  }
0x243: {  	_ =	sdelay $0x3  }
0x244: {  	_ =	sfence.sel $0x180000  }
0x245: {  	[bflag:$0x0] =	sbarrier.arrive $0xFFFF  }
0x246: {  	_ =	strace $0x90000047  }
0x247: {  	s0 =	stileid.u32;
	[bflag:$0x2] =	sbarrier.arrive $0xFFFF  }
0x248: {  	p0 =	sne.s32 s0, $0x0;
	s0 =	rddreg [dreg:$0x2]  }
0x249: {  	s0 =	sadd.s32 @!p0 $0x100000, s0  }
0x24a: {  	[sflag:s0] =	ssyncadd.tile.s32 @!p0 $0x1;
	_ =	shalt  }
.Lfunc_end2:
_tile_overlayer_lowered:
.L_overlay_start_2:
0x24b: {  	(tag) =	ssettag $0x2  }
0x24c: {  	s0 =	rddreg [dreg:$0x0];
	s2 =	stileid.u32  }
0x24d: {  	s1 =	rddreg [dreg:$0x1];
	p0 =	sne.s32 s2, $0x0  }
0x24e: {  	s3 =	rddreg [dreg:$0x2];
	[bflag:$0x3] =	sbarrier.arrive $0xFFFF;
	s2 =	simm.s32 @!p0 $0x1C03  }
0x24f: {  	[timem:s3], [sflag:s2] =	dma.local @!p0 [hbm:s0], s1  }
0x250: {  	s0 =	simm.s32 @!p0 $0x3  }
0x251: {  	_ =	swait.ge @!p0 [sflag:s0], s1  }
0x252: {  	s1 =	ssub.s32 @!p0 $0x0, s1;
	[sflag:s0] =	ssyncset.done @!p0 $0x0  }
0x253: {  	[sflag:s0] =	ssyncadd.s32 @!p0 s1  }
0x254: {  	[bflag:$0x3] =	sbarrier.arrive $0xFFFF  }
0x255: {  	_ =	shalt  }

</sc_bundles>
